<compile_context>
chip_gen: v7x
topology: tpu7x:2x2x1
jax: 0.10.2.dev20260603
libtpu: 0.0.44.dev20260713+nightly
codegen_flags: <defaults>
</compile_context>

<pallas_src>
import jax
import jax.numpy as jnp
from jax import lax
from jax.experimental import pallas as pl
from jax.experimental.pallas import tpu as pltpu
from jax.experimental.pallas import tpu_sc as plsc

N = 10000
E = 320000
D = 128
EPS = 1e-5

NC = 2
NS = 16
NW = NC * NS
EPW = E // NW
EB = 80
NCHUNK = EPW // EB
RCH = N // EB
RNDS = -(-RCH // NS)

_MESH = plsc.VectorSubcoreMesh(
    core_axis_name="c", subcore_axis_name="s", num_cores=NC, num_subcores=NS
)


NSLOT = 3
PRO = 2
NRND = (NCHUNK - PRO) // 3


def _sc_agg_body(g_hbm, src_hbm, dst_hbm, out_hbm,
                 acc, idx_s, idx_d, bufs, semg, sems, semw):
  c = lax.axis_index("c")
  s = lax.axis_index("s")
  wid = s * NC + c

  base = pl.multiple_of(wid * EPW, EPW)

  def fire(i, sl):
    off = pl.multiple_of(i * EB, EB)
    pltpu.async_copy(g_hbm.at[idx_s.at[pl.ds(off, EB)]], bufs.at[sl],
                     semg.at[sl])

  def gdrain(i, sl):
    off = pl.multiple_of(i * EB, EB)
    pltpu.make_async_copy(g_hbm.at[idx_s.at[pl.ds(off, EB)]], bufs.at[sl],
                          semg.at[sl]).wait()

  def sfire(i, sl):
    off = pl.multiple_of(i * EB, EB)
    pltpu.async_copy(bufs.at[sl], acc.at[idx_d.at[pl.ds(off, EB)]],
                     sems.at[sl], add=True)

  def sdrain(i, sl):
    off = pl.multiple_of(i * EB, EB)
    pltpu.make_async_copy(bufs.at[sl], acc.at[idx_d.at[pl.ds(off, EB)]],
                          sems.at[sl]).wait()

  pltpu.sync_copy(src_hbm.at[pl.ds(base, EPW)], idx_s)
  pltpu.sync_copy(dst_hbm.at[pl.ds(base, EPW)], idx_d)

  fire(0, 0)
  fire(1, 1)

  for j in range(RNDS):
    k = s + NS * j

    @pl.when(k < RCH)
    def _():
      pltpu.async_copy(g_hbm.at[pl.ds(k * EB, EB)],
                       acc.at[pl.ds(k * EB, EB)], semw)

  for j in range(RNDS):
    k = s + NS * j

    @pl.when(k < RCH)
    def _():
      pltpu.make_async_copy(g_hbm.at[pl.ds(k * EB, EB)],
                            acc.at[pl.ds(k * EB, EB)], semw).wait()

  plsc.subcore_barrier()

  gdrain(0, 0)
  sfire(0, 0)
  fire(2, 2)
  gdrain(1, 1)
  sfire(1, 1)
  sdrain(0, 0)
  fire(3, 0)

  def rounds(rr, carry):
    i0 = 3 * rr + PRO
    for j in range(3):
      i = i0 + j
      sl = (PRO + j) % 3
      slp = (PRO + j - 1) % 3
      gdrain(i, sl)
      sfire(i, sl)
      sdrain(i - 1, slp)

      @pl.when(i + PRO < NCHUNK)
      def _():
        fire(i + PRO, slp)

    return carry

  lax.fori_loop(0, NRND, rounds, 0)
  sdrain(NCHUNK - 1, (NCHUNK - 1) % 3)
  plsc.subcore_barrier()

  for j in range(RNDS):
    k = s + NS * j

    @pl.when(k < RCH)
    def _():
      pltpu.async_copy(acc.at[pl.ds(k * EB, EB)],
                       out_hbm.at[c, pl.ds(k * EB, EB)], semw)

  for j in range(RNDS):
    k = s + NS * j

    @pl.when(k < RCH)
    def _():
      pltpu.make_async_copy(acc.at[pl.ds(k * EB, EB)],
                            out_hbm.at[c, pl.ds(k * EB, EB)], semw).wait()


_sc_agg = pl.kernel(
    _sc_agg_body,
    out_type=jax.ShapeDtypeStruct((NC, N, D), jnp.float32),
    mesh=_MESH,
    scratch_types=[
        pltpu.VMEM_SHARED((N, D), jnp.float32),
        pltpu.VMEM((EPW,), jnp.int32),
        pltpu.VMEM((EPW,), jnp.int32),
        pltpu.VMEM((NSLOT, EB, D), jnp.float32),
        pltpu.SemaphoreType.DMA((NSLOT,)),
        pltpu.SemaphoreType.DMA((NSLOT,)),
        pltpu.SemaphoreType.DMA,
    ],
    name="sc_gcn_aggregate",
)


DSLOT = 5


def _sc_deg_body(dst_hbm, out_hbm, acc, idx_d, ones_v, stage_v, semw, sems):
  c = lax.axis_index("c")
  s = lax.axis_index("s")
  wid = s * NC + c
  base = pl.multiple_of(wid * EPW, EPW)

  def sfire(i, sl):
    off = pl.multiple_of(i * EB, EB)
    pltpu.async_copy(ones_v, acc.at[idx_d.at[pl.ds(off, EB)]], sems.at[sl],
                     add=True)

  def sdrain(i, sl):
    off = pl.multiple_of(i * EB, EB)
    pltpu.make_async_copy(ones_v, acc.at[idx_d.at[pl.ds(off, EB)]],
                          sems.at[sl]).wait()

  for j in range(EB // 16):
    ones_v[pl.ds(j * 16, 16)] = jnp.ones((16,), jnp.float32)

  pltpu.sync_copy(dst_hbm.at[pl.ds(base, EPW)], idx_d)

  for j in range(RNDS):
    k = s + NS * j

    @pl.when(k < RCH)
    def _():
      pltpu.async_copy(ones_v, acc.at[pl.ds(k * EB, EB)], semw)

  for j in range(RNDS):
    k = s + NS * j

    @pl.when(k < RCH)
    def _():
      pltpu.make_async_copy(ones_v, acc.at[pl.ds(k * EB, EB)], semw).wait()

  plsc.subcore_barrier()

  def rounds(rr, carry):
    for j in range(DSLOT):
      i = DSLOT * rr + j

      @pl.when(rr > 0)
      def _():
        sdrain(i - DSLOT, j)

      sfire(i, j)
    return carry

  lax.fori_loop(0, NCHUNK // DSLOT, rounds, 0)
  for j in range(DSLOT):
    sdrain(NCHUNK - DSLOT + j, j)

  plsc.subcore_barrier()

  for j in range(RNDS):
    k = s + NS * j

    @pl.when(k < RCH)
    def _():
      pltpu.async_copy(acc.at[pl.ds(k * EB, EB)], stage_v.at[j], semw)

  for j in range(RNDS):
    k = s + NS * j

    @pl.when(k < RCH)
    def _():
      pltpu.make_async_copy(acc.at[pl.ds(k * EB, EB)], stage_v.at[j],
                            semw).wait()
      pltpu.async_copy(stage_v.at[j],
                       out_hbm.at[pl.ds(c * N + k * EB, EB)], semw)

  for j in range(RNDS):
    k = s + NS * j

    @pl.when(k < RCH)
    def _():
      pltpu.make_async_copy(stage_v.at[j],
                            out_hbm.at[pl.ds(c * N + k * EB, EB)], semw).wait()


_sc_deg = pl.kernel(
    _sc_deg_body,
    out_type=jax.ShapeDtypeStruct((NC * N,), jnp.float32),
    mesh=_MESH,
    scratch_types=[
        pltpu.VMEM_SHARED((N,), jnp.float32),
        pltpu.VMEM((EPW,), jnp.int32),
        pltpu.VMEM((EB,), jnp.float32),
        pltpu.VMEM((RNDS, EB), jnp.float32),
        pltpu.SemaphoreType.DMA,
        pltpu.SemaphoreType.DMA((DSLOT,)),
    ],
    name="sc_gcn_degree",
)


RBK = 2000
GRID = N // RBK


def _dis(pdegT):
  return lax.rsqrt(pdegT[:, 0:1] + pdegT[:, 1:2] - 1.0)


def _tc0_body(x_ref, w_ref, pdegT_ref, g_ref):
  dis = _dis(pdegT_ref[...])
  g_ref[...] = jnp.dot(x_ref[...], w_ref[...],
                       preferred_element_type=jnp.float32) * dis


def _tcA_body(p_ref, g_ref, pdegT_ref, w_ref, s_ref, t_ref, h_ref, gn_ref):
  dis = _dis(pdegT_ref[...])
  z = (p_ref[0] + p_ref[1] - g_ref[...]) * dis
  h = jnp.maximum(z * s_ref[...] + t_ref[...], 0.0)
  h_ref[...] = h
  gn_ref[...] = jnp.dot(h, w_ref[...],
                        preferred_element_type=jnp.float32) * dis


def _tcB_body(p_ref, g_ref, pdegT_ref, w_ref, s_ref, t_ref, res_ref, gn_ref):
  dis = _dis(pdegT_ref[...])
  z = (p_ref[0] + p_ref[1] - g_ref[...]) * dis
  h = jnp.maximum(z * s_ref[...] + t_ref[...], 0.0) + res_ref[...]
  gn_ref[...] = jnp.dot(h, w_ref[...],
                        preferred_element_type=jnp.float32) * dis


def _tcF_body(p_ref, g_ref, pdegT_ref, b_ref, o_ref):
  dis = _dis(pdegT_ref[...])
  o_ref[...] = (p_ref[0] + p_ref[1] - g_ref[...]) * dis + b_ref[...]


_row_spec = pl.BlockSpec((RBK, D), lambda i: (i, 0))
_p_spec = pl.BlockSpec((NC, RBK, D), lambda i: (0, i, 0))
_w_spec = pl.BlockSpec((D, D), lambda i: (0, 0))
_v_spec = pl.BlockSpec((1, D), lambda i: (0, 0))
_pdegT_spec = pl.BlockSpec((RBK, NC), lambda i: (i, 0))
_row_out = jax.ShapeDtypeStruct((N, D), jnp.float32)

_tc0 = pl.pallas_call(
    _tc0_body, grid=(GRID,),
    in_specs=[_row_spec, _w_spec, _pdegT_spec],
    out_specs=_row_spec, out_shape=_row_out)

_tcA = pl.pallas_call(
    _tcA_body, grid=(GRID,),
    in_specs=[_p_spec, _row_spec, _pdegT_spec, _w_spec, _v_spec, _v_spec],
    out_specs=(_row_spec, _row_spec), out_shape=(_row_out, _row_out))

_tcB = pl.pallas_call(
    _tcB_body, grid=(GRID,),
    in_specs=[_p_spec, _row_spec, _pdegT_spec, _w_spec, _v_spec, _v_spec,
              _row_spec],
    out_specs=_row_spec, out_shape=_row_out)

_tcF = pl.pallas_call(
    _tcF_body, grid=(GRID,),
    in_specs=[_p_spec, _row_spec, _pdegT_spec, _v_spec],
    out_specs=_row_spec, out_shape=_row_out)


def kernel(x, edge_index, W0, b0, W1, b1, W2, b2,
           bn0_g, bn0_b, bn0_m, bn0_v, bn1_g, bn1_b, bn1_m, bn1_v):
  src = edge_index[0].astype(jnp.int32)
  dst = edge_index[1].astype(jnp.int32)

  S0 = (bn0_g * lax.rsqrt(bn0_v + EPS)).reshape(1, D)
  T0 = ((b0 - bn0_m) * S0[0] + bn0_b).reshape(1, D)
  S1 = (bn1_g * lax.rsqrt(bn1_v + EPS)).reshape(1, D)
  T1 = ((b1 - bn1_m) * S1[0] + bn1_b).reshape(1, D)
  b2r = b2.reshape(1, D)

  pdegT = _sc_deg(dst).reshape(NC, N).T

  g0 = _tc0(x, W0, pdegT)
  p0 = _sc_agg(g0, src, dst)
  h0, g1 = _tcA(p0, g0, pdegT, W1, S0, T0)
  p1 = _sc_agg(g1, src, dst)
  g2 = _tcB(p1, g1, pdegT, W2, S1, T1, h0)
  p2 = _sc_agg(g2, src, dst)
  return _tcF(p2, g2, pdegT, b2r)

# --- scband reference (transcript-rebuilt; emitter-appended) ---
"""Pipeline reference for scband-res-gcn-43456479101294 (READ-ONLY COPY).

The authoritative reference and input builder live on the scoring server;
editing this copy changes nothing except your own understanding.
"""

import jax, jax.numpy as jnp
import numpy as np

N_NODES = 10000
N_EDGES = 320000
D_IN = 128
D_HID = 128
D_OUT = 128
EPS = 1e-5


def setup_inputs(seed: int = 0) -> dict:
    key = jax.random.key(seed)
    ks = jax.random.split(key, 16)
    inp = {}
    inp['x'] = jax.random.normal(ks[0], (N_NODES, D_IN), dtype=jnp.float32)
    inp['edge_index'] = jax.random.randint(ks[1], (2, N_EDGES), 0, N_NODES, dtype=jnp.int64)
    # GCNConv weights (PyG: lin has no bias, separate bias added after aggregation)
    inp['W0'] = jax.random.normal(ks[2], (D_IN, D_HID), dtype=jnp.float32) * (1.0 / np.sqrt(D_IN))
    inp['b0'] = jnp.zeros((D_HID,), dtype=jnp.float32)
    inp['W1'] = jax.random.normal(ks[3], (D_HID, D_HID), dtype=jnp.float32) * (1.0 / np.sqrt(D_HID))
    inp['b1'] = jnp.zeros((D_HID,), dtype=jnp.float32)
    inp['W2'] = jax.random.normal(ks[4], (D_HID, D_OUT), dtype=jnp.float32) * (1.0 / np.sqrt(D_HID))
    inp['b2'] = jnp.zeros((D_OUT,), dtype=jnp.float32)
    # BatchNorm1d params + running stats (eval mode)
    inp['bn0_g'] = jnp.ones((D_HID,), dtype=jnp.float32)
    inp['bn0_b'] = jnp.zeros((D_HID,), dtype=jnp.float32)
    inp['bn0_m'] = jnp.zeros((D_HID,), dtype=jnp.float32)
    inp['bn0_v'] = jnp.ones((D_HID,), dtype=jnp.float32)
    inp['bn1_g'] = jnp.ones((D_HID,), dtype=jnp.float32)
    inp['bn1_b'] = jnp.zeros((D_HID,), dtype=jnp.float32)
    inp['bn1_m'] = jnp.zeros((D_HID,), dtype=jnp.float32)
    inp['bn1_v'] = jnp.ones((D_HID,), dtype=jnp.float32)
    return inp


def _gcn_conv(x, src, dst, norm, W, b):
    # x: [N, d_in], src/dst: [E+N] (with self-loops), norm: [E+N]
    h = x @ W
    msg = jnp.take(h, src, axis=0) * norm[:, None]
    out = jnp.zeros((x.shape[0], h.shape[1]), dtype=h.dtype).at[dst].add(msg)
    return out + b


def _bn_eval(x, g, b, m, v):
    return (x - m) * jax.lax.rsqrt(v + EPS) * g + b


def reference(x, edge_index, W0, b0, W1, b1, W2, b2,
              bn0_g, bn0_b, bn0_m, bn0_v, bn1_g, bn1_b, bn1_m, bn1_v):
    N = x.shape[0]
    loop = jnp.arange(N, dtype=edge_index.dtype)
    src = jnp.concatenate([edge_index[0], loop])
    dst = jnp.concatenate([edge_index[1], loop])
    # symmetric GCN normalization with self-loops
    deg = jnp.zeros((N,), dtype=x.dtype).at[dst].add(1.0)
    dis = jnp.where(deg > 0, deg ** -0.5, 0.0)
    norm = jnp.take(dis, src) * jnp.take(dis, dst)
    # layer 0
    h = _gcn_conv(x, src, dst, norm, W0, b0)
    h = _bn_eval(h, bn0_g, bn0_b, bn0_m, bn0_v)
    h = jax.nn.relu(h)  # dropout is identity in eval mode
    # layer 1 (residual)
    h_res = h
    h = _gcn_conv(h, src, dst, norm, W1, b1)
    h = _bn_eval(h, bn1_g, bn1_b, bn1_m, bn1_v)
    h = jax.nn.relu(h)
    h = h + h_res
    # final layer
    out = _gcn_conv(h, src, dst, norm, W2, b2)
    return out

if __name__ == "__main__":
    import jax
    _d = setup_inputs()
    print(jax.jit(kernel)(*tuple(_d.values())))

</pallas_src>

<mosaic_0001>
#map = affine_map<(d0, d1) -> (0, 0)>
#map1 = affine_map<(d0, d1) -> (0)>
#map2 = affine_map<(d0, d1) -> (0, 0, 0)>
module attributes {stable_mosaic.version = 14 : i64} {
  func.func @sc_gcn_aggregate(%arg0: i32, %arg1: i32, %arg2: memref<10000x128xf32, #tpu.memory_space<hbm>>, %arg3: memref<320000xi32, #tpu.memory_space<hbm>>, %arg4: memref<320000xi32, #tpu.memory_space<hbm>>, %arg5: memref<2x10000x128xf32, #tpu.memory_space<hbm>>, %arg6: memref<10000x128xf32, #tpu.memory_space<vmem_shared>>, %arg7: memref<10000xi32, #tpu.memory_space<vmem>>, %arg8: memref<10000xi32, #tpu.memory_space<vmem>>, %arg9: memref<3x80x128xf32, #tpu.memory_space<vmem>>, %arg10: memref<3x!tpu.dma_semaphore, #tpu.memory_space<semaphore_mem>>, %arg11: memref<3x!tpu.dma_semaphore, #tpu.memory_space<semaphore_mem>>, %arg12: memref<!tpu.dma_semaphore, #tpu.memory_space<semaphore_mem>>) attributes {dimension_semantics = [#tpu.dimension_semantics<core_parallel>, #tpu.dimension_semantics<subcore_parallel>], iteration_bounds = array<i64: 2, 16>, scalar_prefetch = 0 : i64, scratch_operands = 7 : i64, tpu.core_type = #tpu.core_type<sc_vector_subcore>, window_params = [{transform_indices = #map}, {transform_indices = #map1}, {transform_indices = #map1}, {transform_indices = #map2}]} {
    %mul3A = arith.constant 2 : i32
    %mul3A_0 = arith.muli %arg1, %mul3A : i32
    %add3A = arith.addi %mul3A_0, %arg0 : i32
    %mul3A_1 = arith.constant 10000 : i32
    %mul3A_2 = arith.muli %add3A, %mul3A_1 : i32
    %multiple_of3A = tpu.assume_multiple %mul3A_2, 10000 : i32
    "tpu.region"() ({
      %run_scoped3A = tpu.sem_alloc : memref<!tpu.dma_semaphore, #tpu.memory_space<semaphore_mem>>
      %dma_start3A_368 = tpu.memref_slice %arg3[%multiple_of3A] : memref<320000xi32, #tpu.memory_space<hbm>> -> memref<10000xi32, #tpu.memory_space<hbm>>
      %dma_start3A_369 = tpu.memref_slice %arg3[%multiple_of3A] : memref<320000xi32, #tpu.memory_space<hbm>> -> memref<10000xi32, #tpu.memory_space<hbm>>
      tpu.enqueue_dma source(%dma_start3A_369 : memref<10000xi32, #tpu.memory_space<hbm>>) target(%arg7 : memref<10000xi32, #tpu.memory_space<vmem>>) target_semaphore(%run_scoped3A : memref<!tpu.dma_semaphore, #tpu.memory_space<semaphore_mem>>)
      %dma_wait3A_370 = tpu.memref_slice %arg3[%multiple_of3A] : memref<320000xi32, #tpu.memory_space<hbm>> -> memref<10000xi32, #tpu.memory_space<hbm>>
      %dma_wait3A_371 = tpu.memref_slice %arg3[%multiple_of3A] : memref<320000xi32, #tpu.memory_space<hbm>> -> memref<10000xi32, #tpu.memory_space<hbm>>
      tpu.wait_dma2 semaphore(%run_scoped3A : memref<!tpu.dma_semaphore, #tpu.memory_space<semaphore_mem>>) src(%dma_wait3A_371 : memref<10000xi32, #tpu.memory_space<hbm>>) dst(%arg7 : memref<10000xi32, #tpu.memory_space<vmem>>)
      tpu.yield
    }) : () -> ()
    "tpu.region"() ({
      %run_scoped3A = tpu.sem_alloc : memref<!tpu.dma_semaphore, #tpu.memory_space<semaphore_mem>>
      %dma_start3A_368 = tpu.memref_slice %arg4[%multiple_of3A] : memref<320000xi32, #tpu.memory_space<hbm>> -> memref<10000xi32, #tpu.memory_space<hbm>>
      %dma_start3A_369 = tpu.memref_slice %arg4[%multiple_of3A] : memref<320000xi32, #tpu.memory_space<hbm>> -> memref<10000xi32, #tpu.memory_space<hbm>>
      tpu.enqueue_dma source(%dma_start3A_369 : memref<10000xi32, #tpu.memory_space<hbm>>) target(%arg8 : memref<10000xi32, #tpu.memory_space<vmem>>) target_semaphore(%run_scoped3A : memref<!tpu.dma_semaphore, #tpu.memory_space<semaphore_mem>>)
      %dma_wait3A_370 = tpu.memref_slice %arg4[%multiple_of3A] : memref<320000xi32, #tpu.memory_space<hbm>> -> memref<10000xi32, #tpu.memory_space<hbm>>
      %dma_wait3A_371 = tpu.memref_slice %arg4[%multiple_of3A] : memref<320000xi32, #tpu.memory_space<hbm>> -> memref<10000xi32, #tpu.memory_space<hbm>>
      tpu.wait_dma2 semaphore(%run_scoped3A : memref<!tpu.dma_semaphore, #tpu.memory_space<semaphore_mem>>) src(%dma_wait3A_371 : memref<10000xi32, #tpu.memory_space<hbm>>) dst(%arg8 : memref<10000xi32, #tpu.memory_space<vmem>>)
      tpu.yield
    }) : () -> ()
    %multiple_of3A_3 = arith.constant 0 : i32
    %multiple_of3A_4 = tpu.assume_multiple %multiple_of3A_3, 80 : i32
    %dma_start3A = arith.constant 0 : i32
    %dma_start3A_5 = arith.constant 0 : i32
    %dma_start3A_6 = arith.constant 0 : i32
    %dma_start3A_7 = arith.constant 0 : i32
    %dma_start3A_8 = tpu.memref_slice %arg9[%dma_start3A, %dma_start3A_6, %dma_start3A_7] : memref<3x80x128xf32, #tpu.memory_space<vmem>> -> memref<1x80x128xf32, #tpu.memory_space<vmem>>
    %dma_start3A_9 = tpu.memref_squeeze %dma_start3A_8 : memref<1x80x128xf32, #tpu.memory_space<vmem>> -> memref<80x128xf32, #tpu.memory_space<vmem>>
    %dma_start3A_10 = tpu.memref_slice %arg7[%multiple_of3A_4] : memref<10000xi32, #tpu.memory_space<vmem>> -> memref<80xi32, #tpu.memory_space<vmem>>
    %dma_start3A_11 = arith.constant 0 : i32
    %dma_start3A_12 = arith.constant 0 : i32
    %dma_start3A_13 = tpu.memref_slice %arg2[%dma_start3A_11, %dma_start3A_12] : memref<10000x128xf32, #tpu.memory_space<hbm>> -> memref<10000x128xf32, #tpu.memory_space<hbm>>
    %dma_start3A_14 = tpu.memref_slice %arg10[%dma_start3A_5] : memref<3x!tpu.dma_semaphore, #tpu.memory_space<semaphore_mem>> -> memref<1x!tpu.dma_semaphore, #tpu.memory_space<semaphore_mem>>
    %dma_start3A_15 = tpu.memref_squeeze %dma_start3A_14 : memref<1x!tpu.dma_semaphore, #tpu.memory_space<semaphore_mem>> -> memref<!tpu.dma_semaphore, #tpu.memory_space<semaphore_mem>>
    tpu.enqueue_indirect_dma source(%dma_start3A_13 : memref<10000x128xf32, #tpu.memory_space<hbm>>) target(%dma_start3A_9 : memref<80x128xf32, #tpu.memory_space<vmem>>) offsets(%dma_start3A_10 : memref<80xi32, #tpu.memory_space<vmem>>) semaphore(%dma_start3A_15 : memref<!tpu.dma_semaphore, #tpu.memory_space<semaphore_mem>>)
    %multiple_of3A_16 = arith.constant 80 : i32
    %multiple_of3A_17 = tpu.assume_multiple %multiple_of3A_16, 80 : i32
    %dma_start3A_18 = arith.constant 1 : i32
    %dma_start3A_19 = arith.constant 1 : i32
    %dma_start3A_20 = arith.constant 0 : i32
    %dma_start3A_21 = arith.constant 0 : i32
    %dma_start3A_22 = tpu.memref_slice %arg9[%dma_start3A_18, %dma_start3A_20, %dma_start3A_21] : memref<3x80x128xf32, #tpu.memory_space<vmem>> -> memref<1x80x128xf32, #tpu.memory_space<vmem>>
    %dma_start3A_23 = tpu.memref_squeeze %dma_start3A_22 : memref<1x80x128xf32, #tpu.memory_space<vmem>> -> memref<80x128xf32, #tpu.memory_space<vmem>>
    %dma_start3A_24 = tpu.memref_slice %arg7[%multiple_of3A_17] : memref<10000xi32, #tpu.memory_space<vmem>> -> memref<80xi32, #tpu.memory_space<vmem>>
    %dma_start3A_25 = arith.constant 0 : i32
    %dma_start3A_26 = arith.constant 0 : i32
    %dma_start3A_27 = tpu.memref_slice %arg2[%dma_start3A_25, %dma_start3A_26] : memref<10000x128xf32, #tpu.memory_space<hbm>> -> memref<10000x128xf32, #tpu.memory_space<hbm>>
    %dma_start3A_28 = tpu.memref_slice %arg10[%dma_start3A_19] : memref<3x!tpu.dma_semaphore, #tpu.memory_space<semaphore_mem>> -> memref<1x!tpu.dma_semaphore, #tpu.memory_space<semaphore_mem>>
    %dma_start3A_29 = tpu.memref_squeeze %dma_start3A_28 : memref<1x!tpu.dma_semaphore, #tpu.memory_space<semaphore_mem>> -> memref<!tpu.dma_semaphore, #tpu.memory_space<semaphore_mem>>
    tpu.enqueue_indirect_dma source(%dma_start3A_27 : memref<10000x128xf32, #tpu.memory_space<hbm>>) target(%dma_start3A_23 : memref<80x128xf32, #tpu.memory_space<vmem>>) offsets(%dma_start3A_24 : memref<80xi32, #tpu.memory_space<vmem>>) semaphore(%dma_start3A_29 : memref<!tpu.dma_semaphore, #tpu.memory_space<semaphore_mem>>)
    %add3A_30 = arith.constant 0 : i32
    %add3A_31 = arith.addi %arg1, %add3A_30 : i32
    %lt3A = arith.constant 125 : i32
    %lt3A_32 = arith.cmpi slt, %add3A_31, %lt3A : i32
    %convert_element_type3A = arith.extui %lt3A_32 : i1 to i32
    %cond3A = arith.constant 0 : i32
    %cond3A_33 = arith.cmpi ne, %convert_element_type3A, %cond3A : i32
    scf.if %cond3A_33 {
      %mul3A_368 = arith.constant 80 : i32
      %mul3A_369 = arith.muli %add3A_31, %mul3A_368 : i32
      %mul3A_370 = arith.constant 80 : i32
      %mul3A_371 = arith.muli %add3A_31, %mul3A_370 : i32
      %dma_start3A_372 = arith.constant 0 : i32
      %dma_start3A_373 = tpu.memref_slice %arg6[%mul3A_371, %dma_start3A_372] : memref<10000x128xf32, #tpu.memory_space<vmem_shared>> -> memref<80x128xf32, #tpu.memory_space<vmem_shared>>
      %dma_start3A_374 = arith.constant 0 : i32
      %dma_start3A_375 = tpu.memref_slice %arg2[%mul3A_369, %dma_start3A_374] : memref<10000x128xf32, #tpu.memory_space<hbm>> -> memref<80x128xf32, #tpu.memory_space<hbm>>
      tpu.enqueue_dma source(%dma_start3A_375 : memref<80x128xf32, #tpu.memory_space<hbm>>) target(%dma_start3A_373 : memref<80x128xf32, #tpu.memory_space<vmem_shared>>) target_semaphore(%arg12 : memref<!tpu.dma_semaphore, #tpu.memory_space<semaphore_mem>>)
    } else {
    }
    %add3A_34 = arith.constant 16 : i32
    %add3A_35 = arith.addi %arg1, %add3A_34 : i32
    %lt3A_36 = arith.constant 125 : i32
    %lt3A_37 = arith.cmpi slt, %add3A_35, %lt3A_36 : i32
    %convert_element_type3A_38 = arith.extui %lt3A_37 : i1 to i32
    %cond3A_39 = arith.constant 0 : i32
    %cond3A_40 = arith.cmpi ne, %convert_element_type3A_38, %cond3A_39 : i32
    scf.if %cond3A_40 {
      %mul3A_368 = arith.constant 80 : i32
      %mul3A_369 = arith.muli %add3A_35, %mul3A_368 : i32
      %mul3A_370 = arith.constant 80 : i32
      %mul3A_371 = arith.muli %add3A_35, %mul3A_370 : i32
      %dma_start3A_372 = arith.constant 0 : i32
      %dma_start3A_373 = tpu.memref_slice %arg6[%mul3A_371, %dma_start3A_372] : memref<10000x128xf32, #tpu.memory_space<vmem_shared>> -> memref<80x128xf32, #tpu.memory_space<vmem_shared>>
      %dma_start3A_374 = arith.constant 0 : i32
      %dma_start3A_375 = tpu.memref_slice %arg2[%mul3A_369, %dma_start3A_374] : memref<10000x128xf32, #tpu.memory_space<hbm>> -> memref<80x128xf32, #tpu.memory_space<hbm>>
      tpu.enqueue_dma source(%dma_start3A_375 : memref<80x128xf32, #tpu.memory_space<hbm>>) target(%dma_start3A_373 : memref<80x128xf32, #tpu.memory_space<vmem_shared>>) target_semaphore(%arg12 : memref<!tpu.dma_semaphore, #tpu.memory_space<semaphore_mem>>)
    } else {
    }
    %add3A_41 = arith.constant 32 : i32
    %add3A_42 = arith.addi %arg1, %add3A_41 : i32
    %lt3A_43 = arith.constant 125 : i32
    %lt3A_44 = arith.cmpi slt, %add3A_42, %lt3A_43 : i32
    %convert_element_type3A_45 = arith.extui %lt3A_44 : i1 to i32
    %cond3A_46 = arith.constant 0 : i32
    %cond3A_47 = arith.cmpi ne, %convert_element_type3A_45, %cond3A_46 : i32
    scf.if %cond3A_47 {
      %mul3A_368 = arith.constant 80 : i32
      %mul3A_369 = arith.muli %add3A_42, %mul3A_368 : i32
      %mul3A_370 = arith.constant 80 : i32
      %mul3A_371 = arith.muli %add3A_42, %mul3A_370 : i32
      %dma_start3A_372 = arith.constant 0 : i32
      %dma_start3A_373 = tpu.memref_slice %arg6[%mul3A_371, %dma_start3A_372] : memref<10000x128xf32, #tpu.memory_space<vmem_shared>> -> memref<80x128xf32, #tpu.memory_space<vmem_shared>>
      %dma_start3A_374 = arith.constant 0 : i32
      %dma_start3A_375 = tpu.memref_slice %arg2[%mul3A_369, %dma_start3A_374] : memref<10000x128xf32, #tpu.memory_space<hbm>> -> memref<80x128xf32, #tpu.memory_space<hbm>>
      tpu.enqueue_dma source(%dma_start3A_375 : memref<80x128xf32, #tpu.memory_space<hbm>>) target(%dma_start3A_373 : memref<80x128xf32, #tpu.memory_space<vmem_shared>>) target_semaphore(%arg12 : memref<!tpu.dma_semaphore, #tpu.memory_space<semaphore_mem>>)
    } else {
    }
    %add3A_48 = arith.constant 48 : i32
    %add3A_49 = arith.addi %arg1, %add3A_48 : i32
    %lt3A_50 = arith.constant 125 : i32
    %lt3A_51 = arith.cmpi slt, %add3A_49, %lt3A_50 : i32
    %convert_element_type3A_52 = arith.extui %lt3A_51 : i1 to i32
    %cond3A_53 = arith.constant 0 : i32
    %cond3A_54 = arith.cmpi ne, %convert_element_type3A_52, %cond3A_53 : i32
    scf.if %cond3A_54 {
      %mul3A_368 = arith.constant 80 : i32
      %mul3A_369 = arith.muli %add3A_49, %mul3A_368 : i32
      %mul3A_370 = arith.constant 80 : i32
      %mul3A_371 = arith.muli %add3A_49, %mul3A_370 : i32
      %dma_start3A_372 = arith.constant 0 : i32
      %dma_start3A_373 = tpu.memref_slice %arg6[%mul3A_371, %dma_start3A_372] : memref<10000x128xf32, #tpu.memory_space<vmem_shared>> -> memref<80x128xf32, #tpu.memory_space<vmem_shared>>
      %dma_start3A_374 = arith.constant 0 : i32
      %dma_start3A_375 = tpu.memref_slice %arg2[%mul3A_369, %dma_start3A_374] : memref<10000x128xf32, #tpu.memory_space<hbm>> -> memref<80x128xf32, #tpu.memory_space<hbm>>
      tpu.enqueue_dma source(%dma_start3A_375 : memref<80x128xf32, #tpu.memory_space<hbm>>) target(%dma_start3A_373 : memref<80x128xf32, #tpu.memory_space<vmem_shared>>) target_semaphore(%arg12 : memref<!tpu.dma_semaphore, #tpu.memory_space<semaphore_mem>>)
    } else {
    }
    %add3A_55 = arith.constant 64 : i32
    %add3A_56 = arith.addi %arg1, %add3A_55 : i32
    %lt3A_57 = arith.constant 125 : i32
    %lt3A_58 = arith.cmpi slt, %add3A_56, %lt3A_57 : i32
    %convert_element_type3A_59 = arith.extui %lt3A_58 : i1 to i32
    %cond3A_60 = arith.constant 0 : i32
    %cond3A_61 = arith.cmpi ne, %convert_element_type3A_59, %cond3A_60 : i32
    scf.if %cond3A_61 {
      %mul3A_368 = arith.constant 80 : i32
      %mul3A_369 = arith.muli %add3A_56, %mul3A_368 : i32
      %mul3A_370 = arith.constant 80 : i32
      %mul3A_371 = arith.muli %add3A_56, %mul3A_370 : i32
      %dma_start3A_372 = arith.constant 0 : i32
      %dma_start3A_373 = tpu.memref_slice %arg6[%mul3A_371, %dma_start3A_372] : memref<10000x128xf32, #tpu.memory_space<vmem_shared>> -> memref<80x128xf32, #tpu.memory_space<vmem_shared>>
      %dma_start3A_374 = arith.constant 0 : i32
      %dma_start3A_375 = tpu.memref_slice %arg2[%mul3A_369, %dma_start3A_374] : memref<10000x128xf32, #tpu.memory_space<hbm>> -> memref<80x128xf32, #tpu.memory_space<hbm>>
      tpu.enqueue_dma source(%dma_start3A_375 : memref<80x128xf32, #tpu.memory_space<hbm>>) target(%dma_start3A_373 : memref<80x128xf32, #tpu.memory_space<vmem_shared>>) target_semaphore(%arg12 : memref<!tpu.dma_semaphore, #tpu.memory_space<semaphore_mem>>)
    } else {
    }
    %add3A_62 = arith.constant 80 : i32
    %add3A_63 = arith.addi %arg1, %add3A_62 : i32
    %lt3A_64 = arith.constant 125 : i32
    %lt3A_65 = arith.cmpi slt, %add3A_63, %lt3A_64 : i32
    %convert_element_type3A_66 = arith.extui %lt3A_65 : i1 to i32
    %cond3A_67 = arith.constant 0 : i32
    %cond3A_68 = arith.cmpi ne, %convert_element_type3A_66, %cond3A_67 : i32
    scf.if %cond3A_68 {
      %mul3A_368 = arith.constant 80 : i32
      %mul3A_369 = arith.muli %add3A_63, %mul3A_368 : i32
      %mul3A_370 = arith.constant 80 : i32
      %mul3A_371 = arith.muli %add3A_63, %mul3A_370 : i32
      %dma_start3A_372 = arith.constant 0 : i32
      %dma_start3A_373 = tpu.memref_slice %arg6[%mul3A_371, %dma_start3A_372] : memref<10000x128xf32, #tpu.memory_space<vmem_shared>> -> memref<80x128xf32, #tpu.memory_space<vmem_shared>>
      %dma_start3A_374 = arith.constant 0 : i32
      %dma_start3A_375 = tpu.memref_slice %arg2[%mul3A_369, %dma_start3A_374] : memref<10000x128xf32, #tpu.memory_space<hbm>> -> memref<80x128xf32, #tpu.memory_space<hbm>>
      tpu.enqueue_dma source(%dma_start3A_375 : memref<80x128xf32, #tpu.memory_space<hbm>>) target(%dma_start3A_373 : memref<80x128xf32, #tpu.memory_space<vmem_shared>>) target_semaphore(%arg12 : memref<!tpu.dma_semaphore, #tpu.memory_space<semaphore_mem>>)
    } else {
    }
    %add3A_69 = arith.constant 96 : i32
    %add3A_70 = arith.addi %arg1, %add3A_69 : i32
    %lt3A_71 = arith.constant 125 : i32
    %lt3A_72 = arith.cmpi slt, %add3A_70, %lt3A_71 : i32
    %convert_element_type3A_73 = arith.extui %lt3A_72 : i1 to i32
    %cond3A_74 = arith.constant 0 : i32
    %cond3A_75 = arith.cmpi ne, %convert_element_type3A_73, %cond3A_74 : i32
    scf.if %cond3A_75 {
      %mul3A_368 = arith.constant 80 : i32
      %mul3A_369 = arith.muli %add3A_70, %mul3A_368 : i32
      %mul3A_370 = arith.constant 80 : i32
      %mul3A_371 = arith.muli %add3A_70, %mul3A_370 : i32
      %dma_start3A_372 = arith.constant 0 : i32
      %dma_start3A_373 = tpu.memref_slice %arg6[%mul3A_371, %dma_start3A_372] : memref<10000x128xf32, #tpu.memory_space<vmem_shared>> -> memref<80x128xf32, #tpu.memory_space<vmem_shared>>
      %dma_start3A_374 = arith.constant 0 : i32
      %dma_start3A_375 = tpu.memref_slice %arg2[%mul3A_369, %dma_start3A_374] : memref<10000x128xf32, #tpu.memory_space<hbm>> -> memref<80x128xf32, #tpu.memory_space<hbm>>
      tpu.enqueue_dma source(%dma_start3A_375 : memref<80x128xf32, #tpu.memory_space<hbm>>) target(%dma_start3A_373 : memref<80x128xf32, #tpu.memory_space<vmem_shared>>) target_semaphore(%arg12 : memref<!tpu.dma_semaphore, #tpu.memory_space<semaphore_mem>>)
    } else {
    }
    %add3A_76 = arith.constant 112 : i32
    %add3A_77 = arith.addi %arg1, %add3A_76 : i32
    %lt3A_78 = arith.constant 125 : i32
    %lt3A_79 = arith.cmpi slt, %add3A_77, %lt3A_78 : i32
    %convert_element_type3A_80 = arith.extui %lt3A_79 : i1 to i32
    %cond3A_81 = arith.constant 0 : i32
    %cond3A_82 = arith.cmpi ne, %convert_element_type3A_80, %cond3A_81 : i32
    scf.if %cond3A_82 {
      %mul3A_368 = arith.constant 80 : i32
      %mul3A_369 = arith.muli %add3A_77, %mul3A_368 : i32
      %mul3A_370 = arith.constant 80 : i32
      %mul3A_371 = arith.muli %add3A_77, %mul3A_370 : i32
      %dma_start3A_372 = arith.constant 0 : i32
      %dma_start3A_373 = tpu.memref_slice %arg6[%mul3A_371, %dma_start3A_372] : memref<10000x128xf32, #tpu.memory_space<vmem_shared>> -> memref<80x128xf32, #tpu.memory_space<vmem_shared>>
      %dma_start3A_374 = arith.constant 0 : i32
      %dma_start3A_375 = tpu.memref_slice %arg2[%mul3A_369, %dma_start3A_374] : memref<10000x128xf32, #tpu.memory_space<hbm>> -> memref<80x128xf32, #tpu.memory_space<hbm>>
      tpu.enqueue_dma source(%dma_start3A_375 : memref<80x128xf32, #tpu.memory_space<hbm>>) target(%dma_start3A_373 : memref<80x128xf32, #tpu.memory_space<vmem_shared>>) target_semaphore(%arg12 : memref<!tpu.dma_semaphore, #tpu.memory_space<semaphore_mem>>)
    } else {
    }
    %add3A_83 = arith.constant 0 : i32
    %add3A_84 = arith.addi %arg1, %add3A_83 : i32
    %lt3A_85 = arith.constant 125 : i32
    %lt3A_86 = arith.cmpi slt, %add3A_84, %lt3A_85 : i32
    %convert_element_type3A_87 = arith.extui %lt3A_86 : i1 to i32
    %cond3A_88 = arith.constant 0 : i32
    %cond3A_89 = arith.cmpi ne, %convert_element_type3A_87, %cond3A_88 : i32
    scf.if %cond3A_89 {
      %mul3A_368 = arith.constant 80 : i32
      %mul3A_369 = arith.muli %add3A_84, %mul3A_368 : i32
      %mul3A_370 = arith.constant 80 : i32
      %mul3A_371 = arith.muli %add3A_84, %mul3A_370 : i32
      %dma_wait3A_372 = arith.constant 0 : i32
      %dma_wait3A_373 = tpu.memref_slice %arg6[%mul3A_371, %dma_wait3A_372] : memref<10000x128xf32, #tpu.memory_space<vmem_shared>> -> memref<80x128xf32, #tpu.memory_space<vmem_shared>>
      %dma_wait3A_374 = arith.constant 0 : i32
      %dma_wait3A_375 = tpu.memref_slice %arg2[%mul3A_369, %dma_wait3A_374] : memref<10000x128xf32, #tpu.memory_space<hbm>> -> memref<80x128xf32, #tpu.memory_space<hbm>>
      tpu.wait_dma2 semaphore(%arg12 : memref<!tpu.dma_semaphore, #tpu.memory_space<semaphore_mem>>) src(%dma_wait3A_375 : memref<80x128xf32, #tpu.memory_space<hbm>>) dst(%dma_wait3A_373 : memref<80x128xf32, #tpu.memory_space<vmem_shared>>)
    } else {
    }
    %add3A_90 = arith.constant 16 : i32
    %add3A_91 = arith.addi %arg1, %add3A_90 : i32
    %lt3A_92 = arith.constant 125 : i32
    %lt3A_93 = arith.cmpi slt, %add3A_91, %lt3A_92 : i32
    %convert_element_type3A_94 = arith.extui %lt3A_93 : i1 to i32
    %cond3A_95 = arith.constant 0 : i32
    %cond3A_96 = arith.cmpi ne, %convert_element_type3A_94, %cond3A_95 : i32
    scf.if %cond3A_96 {
      %mul3A_368 = arith.constant 80 : i32
      %mul3A_369 = arith.muli %add3A_91, %mul3A_368 : i32
      %mul3A_370 = arith.constant 80 : i32
      %mul3A_371 = arith.muli %add3A_91, %mul3A_370 : i32
      %dma_wait3A_372 = arith.constant 0 : i32
      %dma_wait3A_373 = tpu.memref_slice %arg6[%mul3A_371, %dma_wait3A_372] : memref<10000x128xf32, #tpu.memory_space<vmem_shared>> -> memref<80x128xf32, #tpu.memory_space<vmem_shared>>
      %dma_wait3A_374 = arith.constant 0 : i32
      %dma_wait3A_375 = tpu.memref_slice %arg2[%mul3A_369, %dma_wait3A_374] : memref<10000x128xf32, #tpu.memory_space<hbm>> -> memref<80x128xf32, #tpu.memory_space<hbm>>
      tpu.wait_dma2 semaphore(%arg12 : memref<!tpu.dma_semaphore, #tpu.memory_space<semaphore_mem>>) src(%dma_wait3A_375 : memref<80x128xf32, #tpu.memory_space<hbm>>) dst(%dma_wait3A_373 : memref<80x128xf32, #tpu.memory_space<vmem_shared>>)
    } else {
    }
    %add3A_97 = arith.constant 32 : i32
    %add3A_98 = arith.addi %arg1, %add3A_97 : i32
    %lt3A_99 = arith.constant 125 : i32
    %lt3A_100 = arith.cmpi slt, %add3A_98, %lt3A_99 : i32
    %convert_element_type3A_101 = arith.extui %lt3A_100 : i1 to i32
    %cond3A_102 = arith.constant 0 : i32
    %cond3A_103 = arith.cmpi ne, %convert_element_type3A_101, %cond3A_102 : i32
    scf.if %cond3A_103 {
      %mul3A_368 = arith.constant 80 : i32
      %mul3A_369 = arith.muli %add3A_98, %mul3A_368 : i32
      %mul3A_370 = arith.constant 80 : i32
      %mul3A_371 = arith.muli %add3A_98, %mul3A_370 : i32
      %dma_wait3A_372 = arith.constant 0 : i32
      %dma_wait3A_373 = tpu.memref_slice %arg6[%mul3A_371, %dma_wait3A_372] : memref<10000x128xf32, #tpu.memory_space<vmem_shared>> -> memref<80x128xf32, #tpu.memory_space<vmem_shared>>
      %dma_wait3A_374 = arith.constant 0 : i32
      %dma_wait3A_375 = tpu.memref_slice %arg2[%mul3A_369, %dma_wait3A_374] : memref<10000x128xf32, #tpu.memory_space<hbm>> -> memref<80x128xf32, #tpu.memory_space<hbm>>
      tpu.wait_dma2 semaphore(%arg12 : memref<!tpu.dma_semaphore, #tpu.memory_space<semaphore_mem>>) src(%dma_wait3A_375 : memref<80x128xf32, #tpu.memory_space<hbm>>) dst(%dma_wait3A_373 : memref<80x128xf32, #tpu.memory_space<vmem_shared>>)
    } else {
    }
    %add3A_104 = arith.constant 48 : i32
    %add3A_105 = arith.addi %arg1, %add3A_104 : i32
    %lt3A_106 = arith.constant 125 : i32
    %lt3A_107 = arith.cmpi slt, %add3A_105, %lt3A_106 : i32
    %convert_element_type3A_108 = arith.extui %lt3A_107 : i1 to i32
    %cond3A_109 = arith.constant 0 : i32
    %cond3A_110 = arith.cmpi ne, %convert_element_type3A_108, %cond3A_109 : i32
    scf.if %cond3A_110 {
      %mul3A_368 = arith.constant 80 : i32
      %mul3A_369 = arith.muli %add3A_105, %mul3A_368 : i32
      %mul3A_370 = arith.constant 80 : i32
      %mul3A_371 = arith.muli %add3A_105, %mul3A_370 : i32
      %dma_wait3A_372 = arith.constant 0 : i32
      %dma_wait3A_373 = tpu.memref_slice %arg6[%mul3A_371, %dma_wait3A_372] : memref<10000x128xf32, #tpu.memory_space<vmem_shared>> -> memref<80x128xf32, #tpu.memory_space<vmem_shared>>
      %dma_wait3A_374 = arith.constant 0 : i32
      %dma_wait3A_375 = tpu.memref_slice %arg2[%mul3A_369, %dma_wait3A_374] : memref<10000x128xf32, #tpu.memory_space<hbm>> -> memref<80x128xf32, #tpu.memory_space<hbm>>
      tpu.wait_dma2 semaphore(%arg12 : memref<!tpu.dma_semaphore, #tpu.memory_space<semaphore_mem>>) src(%dma_wait3A_375 : memref<80x128xf32, #tpu.memory_space<hbm>>) dst(%dma_wait3A_373 : memref<80x128xf32, #tpu.memory_space<vmem_shared>>)
    } else {
    }
    %add3A_111 = arith.constant 64 : i32
    %add3A_112 = arith.addi %arg1, %add3A_111 : i32
    %lt3A_113 = arith.constant 125 : i32
    %lt3A_114 = arith.cmpi slt, %add3A_112, %lt3A_113 : i32
    %convert_element_type3A_115 = arith.extui %lt3A_114 : i1 to i32
    %cond3A_116 = arith.constant 0 : i32
    %cond3A_117 = arith.cmpi ne, %convert_element_type3A_115, %cond3A_116 : i32
    scf.if %cond3A_117 {
      %mul3A_368 = arith.constant 80 : i32
      %mul3A_369 = arith.muli %add3A_112, %mul3A_368 : i32
      %mul3A_370 = arith.constant 80 : i32
      %mul3A_371 = arith.muli %add3A_112, %mul3A_370 : i32
      %dma_wait3A_372 = arith.constant 0 : i32
      %dma_wait3A_373 = tpu.memref_slice %arg6[%mul3A_371, %dma_wait3A_372] : memref<10000x128xf32, #tpu.memory_space<vmem_shared>> -> memref<80x128xf32, #tpu.memory_space<vmem_shared>>
      %dma_wait3A_374 = arith.constant 0 : i32
      %dma_wait3A_375 = tpu.memref_slice %arg2[%mul3A_369, %dma_wait3A_374] : memref<10000x128xf32, #tpu.memory_space<hbm>> -> memref<80x128xf32, #tpu.memory_space<hbm>>
      tpu.wait_dma2 semaphore(%arg12 : memref<!tpu.dma_semaphore, #tpu.memory_space<semaphore_mem>>) src(%dma_wait3A_375 : memref<80x128xf32, #tpu.memory_space<hbm>>) dst(%dma_wait3A_373 : memref<80x128xf32, #tpu.memory_space<vmem_shared>>)
    } else {
    }
    %add3A_118 = arith.constant 80 : i32
    %add3A_119 = arith.addi %arg1, %add3A_118 : i32
    %lt3A_120 = arith.constant 125 : i32
    %lt3A_121 = arith.cmpi slt, %add3A_119, %lt3A_120 : i32
    %convert_element_type3A_122 = arith.extui %lt3A_121 : i1 to i32
    %cond3A_123 = arith.constant 0 : i32
    %cond3A_124 = arith.cmpi ne, %convert_element_type3A_122, %cond3A_123 : i32
    scf.if %cond3A_124 {
      %mul3A_368 = arith.constant 80 : i32
      %mul3A_369 = arith.muli %add3A_119, %mul3A_368 : i32
      %mul3A_370 = arith.constant 80 : i32
      %mul3A_371 = arith.muli %add3A_119, %mul3A_370 : i32
      %dma_wait3A_372 = arith.constant 0 : i32
      %dma_wait3A_373 = tpu.memref_slice %arg6[%mul3A_371, %dma_wait3A_372] : memref<10000x128xf32, #tpu.memory_space<vmem_shared>> -> memref<80x128xf32, #tpu.memory_space<vmem_shared>>
      %dma_wait3A_374 = arith.constant 0 : i32
      %dma_wait3A_375 = tpu.memref_slice %arg2[%mul3A_369, %dma_wait3A_374] : memref<10000x128xf32, #tpu.memory_space<hbm>> -> memref<80x128xf32, #tpu.memory_space<hbm>>
      tpu.wait_dma2 semaphore(%arg12 : memref<!tpu.dma_semaphore, #tpu.memory_space<semaphore_mem>>) src(%dma_wait3A_375 : memref<80x128xf32, #tpu.memory_space<hbm>>) dst(%dma_wait3A_373 : memref<80x128xf32, #tpu.memory_space<vmem_shared>>)
    } else {
    }
    %add3A_125 = arith.constant 96 : i32
    %add3A_126 = arith.addi %arg1, %add3A_125 : i32
    %lt3A_127 = arith.constant 125 : i32
    %lt3A_128 = arith.cmpi slt, %add3A_126, %lt3A_127 : i32
    %convert_element_type3A_129 = arith.extui %lt3A_128 : i1 to i32
    %cond3A_130 = arith.constant 0 : i32
    %cond3A_131 = arith.cmpi ne, %convert_element_type3A_129, %cond3A_130 : i32
    scf.if %cond3A_131 {
      %mul3A_368 = arith.constant 80 : i32
      %mul3A_369 = arith.muli %add3A_126, %mul3A_368 : i32
      %mul3A_370 = arith.constant 80 : i32
      %mul3A_371 = arith.muli %add3A_126, %mul3A_370 : i32
      %dma_wait3A_372 = arith.constant 0 : i32
      %dma_wait3A_373 = tpu.memref_slice %arg6[%mul3A_371, %dma_wait3A_372] : memref<10000x128xf32, #tpu.memory_space<vmem_shared>> -> memref<80x128xf32, #tpu.memory_space<vmem_shared>>
      %dma_wait3A_374 = arith.constant 0 : i32
      %dma_wait3A_375 = tpu.memref_slice %arg2[%mul3A_369, %dma_wait3A_374] : memref<10000x128xf32, #tpu.memory_space<hbm>> -> memref<80x128xf32, #tpu.memory_space<hbm>>
      tpu.wait_dma2 semaphore(%arg12 : memref<!tpu.dma_semaphore, #tpu.memory_space<semaphore_mem>>) src(%dma_wait3A_375 : memref<80x128xf32, #tpu.memory_space<hbm>>) dst(%dma_wait3A_373 : memref<80x128xf32, #tpu.memory_space<vmem_shared>>)
    } else {
    }
    %add3A_132 = arith.constant 112 : i32
    %add3A_133 = arith.addi %arg1, %add3A_132 : i32
    %lt3A_134 = arith.constant 125 : i32
    %lt3A_135 = arith.cmpi slt, %add3A_133, %lt3A_134 : i32
    %convert_element_type3A_136 = arith.extui %lt3A_135 : i1 to i32
    %cond3A_137 = arith.constant 0 : i32
    %cond3A_138 = arith.cmpi ne, %convert_element_type3A_136, %cond3A_137 : i32
    scf.if %cond3A_138 {
      %mul3A_368 = arith.constant 80 : i32
      %mul3A_369 = arith.muli %add3A_133, %mul3A_368 : i32
      %mul3A_370 = arith.constant 80 : i32
      %mul3A_371 = arith.muli %add3A_133, %mul3A_370 : i32
      %dma_wait3A_372 = arith.constant 0 : i32
      %dma_wait3A_373 = tpu.memref_slice %arg6[%mul3A_371, %dma_wait3A_372] : memref<10000x128xf32, #tpu.memory_space<vmem_shared>> -> memref<80x128xf32, #tpu.memory_space<vmem_shared>>
      %dma_wait3A_374 = arith.constant 0 : i32
      %dma_wait3A_375 = tpu.memref_slice %arg2[%mul3A_369, %dma_wait3A_374] : memref<10000x128xf32, #tpu.memory_space<hbm>> -> memref<80x128xf32, #tpu.memory_space<hbm>>
      tpu.wait_dma2 semaphore(%arg12 : memref<!tpu.dma_semaphore, #tpu.memory_space<semaphore_mem>>) src(%dma_wait3A_375 : memref<80x128xf32, #tpu.memory_space<hbm>>) dst(%dma_wait3A_373 : memref<80x128xf32, #tpu.memory_space<vmem_shared>>)
    } else {
    }
    %barrier3A = arith.constant 0 : index
    tpu.barrier barrier_id(%barrier3A)
    %multiple_of3A_139 = arith.constant 0 : i32
    %multiple_of3A_140 = tpu.assume_multiple %multiple_of3A_139, 80 : i32
    %dma_wait3A = arith.constant 0 : i32
    %dma_wait3A_141 = arith.constant 0 : i32
    %dma_wait3A_142 = arith.constant 0 : i32
    %dma_wait3A_143 = arith.constant 0 : i32
    %dma_wait3A_144 = tpu.memref_slice %arg9[%dma_wait3A, %dma_wait3A_142, %dma_wait3A_143] : memref<3x80x128xf32, #tpu.memory_space<vmem>> -> memref<1x80x128xf32, #tpu.memory_space<vmem>>
    %dma_wait3A_145 = tpu.memref_squeeze %dma_wait3A_144 : memref<1x80x128xf32, #tpu.memory_space<vmem>> -> memref<80x128xf32, #tpu.memory_space<vmem>>
    %dma_wait3A_146 = tpu.memref_slice %arg7[%multiple_of3A_140] : memref<10000xi32, #tpu.memory_space<vmem>> -> memref<80xi32, #tpu.memory_space<vmem>>
    %dma_wait3A_147 = arith.constant 0 : i32
    %dma_wait3A_148 = arith.constant 0 : i32
    %dma_wait3A_149 = tpu.memref_slice %arg2[%dma_wait3A_147, %dma_wait3A_148] : memref<10000x128xf32, #tpu.memory_space<hbm>> -> memref<10000x128xf32, #tpu.memory_space<hbm>>
    %dma_wait3A_150 = tpu.memref_slice %arg10[%dma_wait3A_141] : memref<3x!tpu.dma_semaphore, #tpu.memory_space<semaphore_mem>> -> memref<1x!tpu.dma_semaphore, #tpu.memory_space<semaphore_mem>>
    %dma_wait3A_151 = tpu.memref_squeeze %dma_wait3A_150 : memref<1x!tpu.dma_semaphore, #tpu.memory_space<semaphore_mem>> -> memref<!tpu.dma_semaphore, #tpu.memory_space<semaphore_mem>>
    tpu.wait_indirect_dma semaphore(%dma_wait3A_151 : memref<!tpu.dma_semaphore, #tpu.memory_space<semaphore_mem>>) src(%dma_wait3A_149 : memref<10000x128xf32, #tpu.memory_space<hbm>>) dst(%dma_wait3A_145 : memref<80x128xf32, #tpu.memory_space<vmem>>)
    %multiple_of3A_152 = arith.constant 0 : i32
    %multiple_of3A_153 = tpu.assume_multiple %multiple_of3A_152, 80 : i32
    %dma_start3A_154 = arith.constant 0 : i32
    %dma_start3A_155 = arith.constant 0 : i32
    %dma_start3A_156 = arith.constant 0 : i32
    %dma_start3A_157 = arith.constant 0 : i32
    %dma_start3A_158 = tpu.memref_slice %arg9[%dma_start3A_154, %dma_start3A_156, %dma_start3A_157] : memref<3x80x128xf32, #tpu.memory_space<vmem>> -> memref<1x80x128xf32, #tpu.memory_space<vmem>>
    %dma_start3A_159 = tpu.memref_squeeze %dma_start3A_158 : memref<1x80x128xf32, #tpu.memory_space<vmem>> -> memref<80x128xf32, #tpu.memory_space<vmem>>
    %dma_start3A_160 = tpu.memref_slice %arg8[%multiple_of3A_153] : memref<10000xi32, #tpu.memory_space<vmem>> -> memref<80xi32, #tpu.memory_space<vmem>>
    %dma_start3A_161 = arith.constant 0 : i32
    %dma_start3A_162 = arith.constant 0 : i32
    %dma_start3A_163 = tpu.memref_slice %arg6[%dma_start3A_161, %dma_start3A_162] : memref<10000x128xf32, #tpu.memory_space<vmem_shared>> -> memref<10000x128xf32, #tpu.memory_space<vmem_shared>>
    %dma_start3A_164 = tpu.memref_slice %arg11[%dma_start3A_155] : memref<3x!tpu.dma_semaphore, #tpu.memory_space<semaphore_mem>> -> memref<1x!tpu.dma_semaphore, #tpu.memory_space<semaphore_mem>>
    %dma_start3A_165 = tpu.memref_squeeze %dma_start3A_164 : memref<1x!tpu.dma_semaphore, #tpu.memory_space<semaphore_mem>> -> memref<!tpu.dma_semaphore, #tpu.memory_space<semaphore_mem>>
    tpu.enqueue_indirect_dma source(%dma_start3A_159 : memref<80x128xf32, #tpu.memory_space<vmem>>) target(%dma_start3A_163 : memref<10000x128xf32, #tpu.memory_space<vmem_shared>>) offsets(%dma_start3A_160 : memref<80xi32, #tpu.memory_space<vmem>>) semaphore(%dma_start3A_165 : memref<!tpu.dma_semaphore, #tpu.memory_space<semaphore_mem>>) {add = true}
    %multiple_of3A_166 = arith.constant 160 : i32
    %multiple_of3A_167 = tpu.assume_multiple %multiple_of3A_166, 80 : i32
    %dma_start3A_168 = arith.constant 2 : i32
    %dma_start3A_169 = arith.constant 2 : i32
    %dma_start3A_170 = arith.constant 0 : i32
    %dma_start3A_171 = arith.constant 0 : i32
    %dma_start3A_172 = tpu.memref_slice %arg9[%dma_start3A_168, %dma_start3A_170, %dma_start3A_171] : memref<3x80x128xf32, #tpu.memory_space<vmem>> -> memref<1x80x128xf32, #tpu.memory_space<vmem>>
    %dma_start3A_173 = tpu.memref_squeeze %dma_start3A_172 : memref<1x80x128xf32, #tpu.memory_space<vmem>> -> memref<80x128xf32, #tpu.memory_space<vmem>>
    %dma_start3A_174 = tpu.memref_slice %arg7[%multiple_of3A_167] : memref<10000xi32, #tpu.memory_space<vmem>> -> memref<80xi32, #tpu.memory_space<vmem>>
    %dma_start3A_175 = arith.constant 0 : i32
    %dma_start3A_176 = arith.constant 0 : i32
    %dma_start3A_177 = tpu.memref_slice %arg2[%dma_start3A_175, %dma_start3A_176] : memref<10000x128xf32, #tpu.memory_space<hbm>> -> memref<10000x128xf32, #tpu.memory_space<hbm>>
    %dma_start3A_178 = tpu.memref_slice %arg10[%dma_start3A_169] : memref<3x!tpu.dma_semaphore, #tpu.memory_space<semaphore_mem>> -> memref<1x!tpu.dma_semaphore, #tpu.memory_space<semaphore_mem>>
    %dma_start3A_179 = tpu.memref_squeeze %dma_start3A_178 : memref<1x!tpu.dma_semaphore, #tpu.memory_space<semaphore_mem>> -> memref<!tpu.dma_semaphore, #tpu.memory_space<semaphore_mem>>
    tpu.enqueue_indirect_dma source(%dma_start3A_177 : memref<10000x128xf32, #tpu.memory_space<hbm>>) target(%dma_start3A_173 : memref<80x128xf32, #tpu.memory_space<vmem>>) offsets(%dma_start3A_174 : memref<80xi32, #tpu.memory_space<vmem>>) semaphore(%dma_start3A_179 : memref<!tpu.dma_semaphore, #tpu.memory_space<semaphore_mem>>)
    %multiple_of3A_180 = arith.constant 80 : i32
    %multiple_of3A_181 = tpu.assume_multiple %multiple_of3A_180, 80 : i32
    %dma_wait3A_182 = arith.constant 1 : i32
    %dma_wait3A_183 = arith.constant 1 : i32
    %dma_wait3A_184 = arith.constant 0 : i32
    %dma_wait3A_185 = arith.constant 0 : i32
    %dma_wait3A_186 = tpu.memref_slice %arg9[%dma_wait3A_182, %dma_wait3A_184, %dma_wait3A_185] : memref<3x80x128xf32, #tpu.memory_space<vmem>> -> memref<1x80x128xf32, #tpu.memory_space<vmem>>
    %dma_wait3A_187 = tpu.memref_squeeze %dma_wait3A_186 : memref<1x80x128xf32, #tpu.memory_space<vmem>> -> memref<80x128xf32, #tpu.memory_space<vmem>>
    %dma_wait3A_188 = tpu.memref_slice %arg7[%multiple_of3A_181] : memref<10000xi32, #tpu.memory_space<vmem>> -> memref<80xi32, #tpu.memory_space<vmem>>
    %dma_wait3A_189 = arith.constant 0 : i32
    %dma_wait3A_190 = arith.constant 0 : i32
    %dma_wait3A_191 = tpu.memref_slice %arg2[%dma_wait3A_189, %dma_wait3A_190] : memref<10000x128xf32, #tpu.memory_space<hbm>> -> memref<10000x128xf32, #tpu.memory_space<hbm>>
    %dma_wait3A_192 = tpu.memref_slice %arg10[%dma_wait3A_183] : memref<3x!tpu.dma_semaphore, #tpu.memory_space<semaphore_mem>> -> memref<1x!tpu.dma_semaphore, #tpu.memory_space<semaphore_mem>>
    %dma_wait3A_193 = tpu.memref_squeeze %dma_wait3A_192 : memref<1x!tpu.dma_semaphore, #tpu.memory_space<semaphore_mem>> -> memref<!tpu.dma_semaphore, #tpu.memory_space<semaphore_mem>>
    tpu.wait_indirect_dma semaphore(%dma_wait3A_193 : memref<!tpu.dma_semaphore, #tpu.memory_space<semaphore_mem>>) src(%dma_wait3A_191 : memref<10000x128xf32, #tpu.memory_space<hbm>>) dst(%dma_wait3A_187 : memref<80x128xf32, #tpu.memory_space<vmem>>)
    %multiple_of3A_194 = arith.constant 80 : i32
    %multiple_of3A_195 = tpu.assume_multiple %multiple_of3A_194, 80 : i32
    %dma_start3A_196 = arith.constant 1 : i32
    %dma_start3A_197 = arith.constant 1 : i32
    %dma_start3A_198 = arith.constant 0 : i32
    %dma_start3A_199 = arith.constant 0 : i32
    %dma_start3A_200 = tpu.memref_slice %arg9[%dma_start3A_196, %dma_start3A_198, %dma_start3A_199] : memref<3x80x128xf32, #tpu.memory_space<vmem>> -> memref<1x80x128xf32, #tpu.memory_space<vmem>>
    %dma_start3A_201 = tpu.memref_squeeze %dma_start3A_200 : memref<1x80x128xf32, #tpu.memory_space<vmem>> -> memref<80x128xf32, #tpu.memory_space<vmem>>
    %dma_start3A_202 = tpu.memref_slice %arg8[%multiple_of3A_195] : memref<10000xi32, #tpu.memory_space<vmem>> -> memref<80xi32, #tpu.memory_space<vmem>>
    %dma_start3A_203 = arith.constant 0 : i32
    %dma_start3A_204 = arith.constant 0 : i32
    %dma_start3A_205 = tpu.memref_slice %arg6[%dma_start3A_203, %dma_start3A_204] : memref<10000x128xf32, #tpu.memory_space<vmem_shared>> -> memref<10000x128xf32, #tpu.memory_space<vmem_shared>>
    %dma_start3A_206 = tpu.memref_slice %arg11[%dma_start3A_197] : memref<3x!tpu.dma_semaphore, #tpu.memory_space<semaphore_mem>> -> memref<1x!tpu.dma_semaphore, #tpu.memory_space<semaphore_mem>>
    %dma_start3A_207 = tpu.memref_squeeze %dma_start3A_206 : memref<1x!tpu.dma_semaphore, #tpu.memory_space<semaphore_mem>> -> memref<!tpu.dma_semaphore, #tpu.memory_space<semaphore_mem>>
    tpu.enqueue_indirect_dma source(%dma_start3A_201 : memref<80x128xf32, #tpu.memory_space<vmem>>) target(%dma_start3A_205 : memref<10000x128xf32, #tpu.memory_space<vmem_shared>>) offsets(%dma_start3A_202 : memref<80xi32, #tpu.memory_space<vmem>>) semaphore(%dma_start3A_207 : memref<!tpu.dma_semaphore, #tpu.memory_space<semaphore_mem>>) {add = true}
    %multiple_of3A_208 = arith.constant 0 : i32
    %multiple_of3A_209 = tpu.assume_multiple %multiple_of3A_208, 80 : i32
    %dma_wait3A_210 = arith.constant 0 : i32
    %dma_wait3A_211 = arith.constant 0 : i32
    %dma_wait3A_212 = arith.constant 0 : i32
    %dma_wait3A_213 = arith.constant 0 : i32
    %dma_wait3A_214 = tpu.memref_slice %arg9[%dma_wait3A_210, %dma_wait3A_212, %dma_wait3A_213] : memref<3x80x128xf32, #tpu.memory_space<vmem>> -> memref<1x80x128xf32, #tpu.memory_space<vmem>>
    %dma_wait3A_215 = tpu.memref_squeeze %dma_wait3A_214 : memref<1x80x128xf32, #tpu.memory_space<vmem>> -> memref<80x128xf32, #tpu.memory_space<vmem>>
    %dma_wait3A_216 = tpu.memref_slice %arg8[%multiple_of3A_209] : memref<10000xi32, #tpu.memory_space<vmem>> -> memref<80xi32, #tpu.memory_space<vmem>>
    %dma_wait3A_217 = arith.constant 0 : i32
    %dma_wait3A_218 = arith.constant 0 : i32
    %dma_wait3A_219 = tpu.memref_slice %arg6[%dma_wait3A_217, %dma_wait3A_218] : memref<10000x128xf32, #tpu.memory_space<vmem_shared>> -> memref<10000x128xf32, #tpu.memory_space<vmem_shared>>
    %dma_wait3A_220 = tpu.memref_slice %arg11[%dma_wait3A_211] : memref<3x!tpu.dma_semaphore, #tpu.memory_space<semaphore_mem>> -> memref<1x!tpu.dma_semaphore, #tpu.memory_space<semaphore_mem>>
    %dma_wait3A_221 = tpu.memref_squeeze %dma_wait3A_220 : memref<1x!tpu.dma_semaphore, #tpu.memory_space<semaphore_mem>> -> memref<!tpu.dma_semaphore, #tpu.memory_space<semaphore_mem>>
    tpu.wait_indirect_dma semaphore(%dma_wait3A_221 : memref<!tpu.dma_semaphore, #tpu.memory_space<semaphore_mem>>) src(%dma_wait3A_215 : memref<80x128xf32, #tpu.memory_space<vmem>>) dst(%dma_wait3A_219 : memref<10000x128xf32, #tpu.memory_space<vmem_shared>>)
    %multiple_of3A_222 = arith.constant 240 : i32
    %multiple_of3A_223 = tpu.assume_multiple %multiple_of3A_222, 80 : i32
    %dma_start3A_224 = arith.constant 0 : i32
    %dma_start3A_225 = arith.constant 0 : i32
    %dma_start3A_226 = arith.constant 0 : i32
    %dma_start3A_227 = arith.constant 0 : i32
    %dma_start3A_228 = tpu.memref_slice %arg9[%dma_start3A_224, %dma_start3A_226, %dma_start3A_227] : memref<3x80x128xf32, #tpu.memory_space<vmem>> -> memref<1x80x128xf32, #tpu.memory_space<vmem>>
    %dma_start3A_229 = tpu.memref_squeeze %dma_start3A_228 : memref<1x80x128xf32, #tpu.memory_space<vmem>> -> memref<80x128xf32, #tpu.memory_space<vmem>>
    %dma_start3A_230 = tpu.memref_slice %arg7[%multiple_of3A_223] : memref<10000xi32, #tpu.memory_space<vmem>> -> memref<80xi32, #tpu.memory_space<vmem>>
    %dma_start3A_231 = arith.constant 0 : i32
    %dma_start3A_232 = arith.constant 0 : i32
    %dma_start3A_233 = tpu.memref_slice %arg2[%dma_start3A_231, %dma_start3A_232] : memref<10000x128xf32, #tpu.memory_space<hbm>> -> memref<10000x128xf32, #tpu.memory_space<hbm>>
    %dma_start3A_234 = tpu.memref_slice %arg10[%dma_start3A_225] : memref<3x!tpu.dma_semaphore, #tpu.memory_space<semaphore_mem>> -> memref<1x!tpu.dma_semaphore, #tpu.memory_space<semaphore_mem>>
    %dma_start3A_235 = tpu.memref_squeeze %dma_start3A_234 : memref<1x!tpu.dma_semaphore, #tpu.memory_space<semaphore_mem>> -> memref<!tpu.dma_semaphore, #tpu.memory_space<semaphore_mem>>
    tpu.enqueue_indirect_dma source(%dma_start3A_233 : memref<10000x128xf32, #tpu.memory_space<hbm>>) target(%dma_start3A_229 : memref<80x128xf32, #tpu.memory_space<vmem>>) offsets(%dma_start3A_230 : memref<80xi32, #tpu.memory_space<vmem>>) semaphore(%dma_start3A_235 : memref<!tpu.dma_semaphore, #tpu.memory_space<semaphore_mem>>)
    %scan3A = arith.constant 0 : i32
    %scan3A_236 = arith.constant 0 : i32
    %scan3A_237 = arith.constant 41 : i32
    %scan3A_238 = arith.addi %scan3A_236, %scan3A_237 : i32
    %scan3A_239 = arith.constant 1 : i32
    scf.for %scan3A_368 = %scan3A_236 to %scan3A_238 step %scan3A_239  : i32 {
      %mul3A_369 = arith.constant 3 : i32
      %mul3A_370 = arith.muli %mul3A_369, %scan3A_368 : i32
      %add3A_371 = arith.constant 2 : i32
      %add3A_372 = arith.addi %mul3A_370, %add3A_371 : i32
      %add3A_373 = arith.constant 0 : i32
      %add3A_374 = arith.addi %add3A_372, %add3A_373 : i32
      %mul3A_375 = arith.constant 80 : i32
      %mul3A_376 = arith.muli %add3A_374, %mul3A_375 : i32
      %multiple_of3A_377 = tpu.assume_multiple %mul3A_376, 80 : i32
      %dma_wait3A_378 = arith.constant 2 : i32
      %dma_wait3A_379 = arith.constant 2 : i32
      %dma_wait3A_380 = arith.constant 0 : i32
      %dma_wait3A_381 = arith.constant 0 : i32
      %dma_wait3A_382 = tpu.memref_slice %arg9[%dma_wait3A_378, %dma_wait3A_380, %dma_wait3A_381] : memref<3x80x128xf32, #tpu.memory_space<vmem>> -> memref<1x80x128xf32, #tpu.memory_space<vmem>>
      %dma_wait3A_383 = tpu.memref_squeeze %dma_wait3A_382 : memref<1x80x128xf32, #tpu.memory_space<vmem>> -> memref<80x128xf32, #tpu.memory_space<vmem>>
      %dma_wait3A_384 = tpu.memref_slice %arg7[%multiple_of3A_377] : memref<10000xi32, #tpu.memory_space<vmem>> -> memref<80xi32, #tpu.memory_space<vmem>>
      %dma_wait3A_385 = arith.constant 0 : i32
      %dma_wait3A_386 = arith.constant 0 : i32
      %dma_wait3A_387 = tpu.memref_slice %arg2[%dma_wait3A_385, %dma_wait3A_386] : memref<10000x128xf32, #tpu.memory_space<hbm>> -> memref<10000x128xf32, #tpu.memory_space<hbm>>
      %dma_wait3A_388 = tpu.memref_slice %arg10[%dma_wait3A_379] : memref<3x!tpu.dma_semaphore, #tpu.memory_space<semaphore_mem>> -> memref<1x!tpu.dma_semaphore, #tpu.memory_space<semaphore_mem>>
      %dma_wait3A_389 = tpu.memref_squeeze %dma_wait3A_388 : memref<1x!tpu.dma_semaphore, #tpu.memory_space<semaphore_mem>> -> memref<!tpu.dma_semaphore, #tpu.memory_space<semaphore_mem>>
      tpu.wait_indirect_dma semaphore(%dma_wait3A_389 : memref<!tpu.dma_semaphore, #tpu.memory_space<semaphore_mem>>) src(%dma_wait3A_387 : memref<10000x128xf32, #tpu.memory_space<hbm>>) dst(%dma_wait3A_383 : memref<80x128xf32, #tpu.memory_space<vmem>>)
      %mul3A_390 = arith.constant 80 : i32
      %mul3A_391 = arith.muli %add3A_374, %mul3A_390 : i32
      %multiple_of3A_392 = tpu.assume_multiple %mul3A_391, 80 : i32
      %dma_start3A_393 = arith.constant 2 : i32
      %dma_start3A_394 = arith.constant 2 : i32
      %dma_start3A_395 = arith.constant 0 : i32
      %dma_start3A_396 = arith.constant 0 : i32
      %dma_start3A_397 = tpu.memref_slice %arg9[%dma_start3A_393, %dma_start3A_395, %dma_start3A_396] : memref<3x80x128xf32, #tpu.memory_space<vmem>> -> memref<1x80x128xf32, #tpu.memory_space<vmem>>
      %dma_start3A_398 = tpu.memref_squeeze %dma_start3A_397 : memref<1x80x128xf32, #tpu.memory_space<vmem>> -> memref<80x128xf32, #tpu.memory_space<vmem>>
      %dma_start3A_399 = tpu.memref_slice %arg8[%multiple_of3A_392] : memref<10000xi32, #tpu.memory_space<vmem>> -> memref<80xi32, #tpu.memory_space<vmem>>
      %dma_start3A_400 = arith.constant 0 : i32
      %dma_start3A_401 = arith.constant 0 : i32
      %dma_start3A_402 = tpu.memref_slice %arg6[%dma_start3A_400, %dma_start3A_401] : memref<10000x128xf32, #tpu.memory_space<vmem_shared>> -> memref<10000x128xf32, #tpu.memory_space<vmem_shared>>
      %dma_start3A_403 = tpu.memref_slice %arg11[%dma_start3A_394] : memref<3x!tpu.dma_semaphore, #tpu.memory_space<semaphore_mem>> -> memref<1x!tpu.dma_semaphore, #tpu.memory_space<semaphore_mem>>
      %dma_start3A_404 = tpu.memref_squeeze %dma_start3A_403 : memref<1x!tpu.dma_semaphore, #tpu.memory_space<semaphore_mem>> -> memref<!tpu.dma_semaphore, #tpu.memory_space<semaphore_mem>>
      tpu.enqueue_indirect_dma source(%dma_start3A_398 : memref<80x128xf32, #tpu.memory_space<vmem>>) target(%dma_start3A_402 : memref<10000x128xf32, #tpu.memory_space<vmem_shared>>) offsets(%dma_start3A_399 : memref<80xi32, #tpu.memory_space<vmem>>) semaphore(%dma_start3A_404 : memref<!tpu.dma_semaphore, #tpu.memory_space<semaphore_mem>>) {add = true}
      %sub3A = arith.constant 1 : i32
      %sub3A_405 = arith.subi %add3A_374, %sub3A : i32
      %mul3A_406 = arith.constant 80 : i32
      %mul3A_407 = arith.muli %sub3A_405, %mul3A_406 : i32
      %multiple_of3A_408 = tpu.assume_multiple %mul3A_407, 80 : i32
      %dma_wait3A_409 = arith.constant 1 : i32
      %dma_wait3A_410 = arith.constant 1 : i32
      %dma_wait3A_411 = arith.constant 0 : i32
      %dma_wait3A_412 = arith.constant 0 : i32
      %dma_wait3A_413 = tpu.memref_slice %arg9[%dma_wait3A_409, %dma_wait3A_411, %dma_wait3A_412] : memref<3x80x128xf32, #tpu.memory_space<vmem>> -> memref<1x80x128xf32, #tpu.memory_space<vmem>>
      %dma_wait3A_414 = tpu.memref_squeeze %dma_wait3A_413 : memref<1x80x128xf32, #tpu.memory_space<vmem>> -> memref<80x128xf32, #tpu.memory_space<vmem>>
      %dma_wait3A_415 = tpu.memref_slice %arg8[%multiple_of3A_408] : memref<10000xi32, #tpu.memory_space<vmem>> -> memref<80xi32, #tpu.memory_space<vmem>>
      %dma_wait3A_416 = arith.constant 0 : i32
      %dma_wait3A_417 = arith.constant 0 : i32
      %dma_wait3A_418 = tpu.memref_slice %arg6[%dma_wait3A_416, %dma_wait3A_417] : memref<10000x128xf32, #tpu.memory_space<vmem_shared>> -> memref<10000x128xf32, #tpu.memory_space<vmem_shared>>
      %dma_wait3A_419 = tpu.memref_slice %arg11[%dma_wait3A_410] : memref<3x!tpu.dma_semaphore, #tpu.memory_space<semaphore_mem>> -> memref<1x!tpu.dma_semaphore, #tpu.memory_space<semaphore_mem>>
      %dma_wait3A_420 = tpu.memref_squeeze %dma_wait3A_419 : memref<1x!tpu.dma_semaphore, #tpu.memory_space<semaphore_mem>> -> memref<!tpu.dma_semaphore, #tpu.memory_space<semaphore_mem>>
      tpu.wait_indirect_dma semaphore(%dma_wait3A_420 : memref<!tpu.dma_semaphore, #tpu.memory_space<semaphore_mem>>) src(%dma_wait3A_414 : memref<80x128xf32, #tpu.memory_space<vmem>>) dst(%dma_wait3A_418 : memref<10000x128xf32, #tpu.memory_space<vmem_shared>>)
      %add3A_421 = arith.constant 2 : i32
      %add3A_422 = arith.addi %add3A_374, %add3A_421 : i32
      %lt3A_423 = arith.constant 125 : i32
      %lt3A_424 = arith.cmpi slt, %add3A_422, %lt3A_423 : i32
      %convert_element_type3A_425 = arith.extui %lt3A_424 : i1 to i32
      %cond3A_426 = arith.constant 0 : i32
      %cond3A_427 = arith.cmpi ne, %convert_element_type3A_425, %cond3A_426 : i32
      scf.if %cond3A_427 {
        %add3A_540 = arith.constant 2 : i32
        %add3A_541 = arith.addi %add3A_374, %add3A_540 : i32
        %mul3A_542 = arith.constant 80 : i32
        %mul3A_543 = arith.muli %add3A_541, %mul3A_542 : i32
        %multiple_of3A_544 = tpu.assume_multiple %mul3A_543, 80 : i32
        %dma_start3A_545 = arith.constant 1 : i32
        %dma_start3A_546 = arith.constant 1 : i32
        %dma_start3A_547 = arith.constant 0 : i32
        %dma_start3A_548 = arith.constant 0 : i32
        %dma_start3A_549 = tpu.memref_slice %arg9[%dma_start3A_545, %dma_start3A_547, %dma_start3A_548] : memref<3x80x128xf32, #tpu.memory_space<vmem>> -> memref<1x80x128xf32, #tpu.memory_space<vmem>>
        %dma_start3A_550 = tpu.memref_squeeze %dma_start3A_549 : memref<1x80x128xf32, #tpu.memory_space<vmem>> -> memref<80x128xf32, #tpu.memory_space<vmem>>
        %dma_start3A_551 = tpu.memref_slice %arg7[%multiple_of3A_544] : memref<10000xi32, #tpu.memory_space<vmem>> -> memref<80xi32, #tpu.memory_space<vmem>>
        %dma_start3A_552 = arith.constant 0 : i32
        %dma_start3A_553 = arith.constant 0 : i32
        %dma_start3A_554 = tpu.memref_slice %arg2[%dma_start3A_552, %dma_start3A_553] : memref<10000x128xf32, #tpu.memory_space<hbm>> -> memref<10000x128xf32, #tpu.memory_space<hbm>>
        %dma_start3A_555 = tpu.memref_slice %arg10[%dma_start3A_546] : memref<3x!tpu.dma_semaphore, #tpu.memory_space<semaphore_mem>> -> memref<1x!tpu.dma_semaphore, #tpu.memory_space<semaphore_mem>>
        %dma_start3A_556 = tpu.memref_squeeze %dma_start3A_555 : memref<1x!tpu.dma_semaphore, #tpu.memory_space<semaphore_mem>> -> memref<!tpu.dma_semaphore, #tpu.memory_space<semaphore_mem>>
        tpu.enqueue_indirect_dma source(%dma_start3A_554 : memref<10000x128xf32, #tpu.memory_space<hbm>>) target(%dma_start3A_550 : memref<80x128xf32, #tpu.memory_space<vmem>>) offsets(%dma_start3A_551 : memref<80xi32, #tpu.memory_space<vmem>>) semaphore(%dma_start3A_556 : memref<!tpu.dma_semaphore, #tpu.memory_space<semaphore_mem>>)
      } else {
      }
      %add3A_428 = arith.constant 1 : i32
      %add3A_429 = arith.addi %add3A_372, %add3A_428 : i32
      %mul3A_430 = arith.constant 80 : i32
      %mul3A_431 = arith.muli %add3A_429, %mul3A_430 : i32
      %multiple_of3A_432 = tpu.assume_multiple %mul3A_431, 80 : i32
      %dma_wait3A_433 = arith.constant 0 : i32
      %dma_wait3A_434 = arith.constant 0 : i32
      %dma_wait3A_435 = arith.constant 0 : i32
      %dma_wait3A_436 = arith.constant 0 : i32
      %dma_wait3A_437 = tpu.memref_slice %arg9[%dma_wait3A_433, %dma_wait3A_435, %dma_wait3A_436] : memref<3x80x128xf32, #tpu.memory_space<vmem>> -> memref<1x80x128xf32, #tpu.memory_space<vmem>>
      %dma_wait3A_438 = tpu.memref_squeeze %dma_wait3A_437 : memref<1x80x128xf32, #tpu.memory_space<vmem>> -> memref<80x128xf32, #tpu.memory_space<vmem>>
      %dma_wait3A_439 = tpu.memref_slice %arg7[%multiple_of3A_432] : memref<10000xi32, #tpu.memory_space<vmem>> -> memref<80xi32, #tpu.memory_space<vmem>>
      %dma_wait3A_440 = arith.constant 0 : i32
      %dma_wait3A_441 = arith.constant 0 : i32
      %dma_wait3A_442 = tpu.memref_slice %arg2[%dma_wait3A_440, %dma_wait3A_441] : memref<10000x128xf32, #tpu.memory_space<hbm>> -> memref<10000x128xf32, #tpu.memory_space<hbm>>
      %dma_wait3A_443 = tpu.memref_slice %arg10[%dma_wait3A_434] : memref<3x!tpu.dma_semaphore, #tpu.memory_space<semaphore_mem>> -> memref<1x!tpu.dma_semaphore, #tpu.memory_space<semaphore_mem>>
      %dma_wait3A_444 = tpu.memref_squeeze %dma_wait3A_443 : memref<1x!tpu.dma_semaphore, #tpu.memory_space<semaphore_mem>> -> memref<!tpu.dma_semaphore, #tpu.memory_space<semaphore_mem>>
      tpu.wait_indirect_dma semaphore(%dma_wait3A_444 : memref<!tpu.dma_semaphore, #tpu.memory_space<semaphore_mem>>) src(%dma_wait3A_442 : memref<10000x128xf32, #tpu.memory_space<hbm>>) dst(%dma_wait3A_438 : memref<80x128xf32, #tpu.memory_space<vmem>>)
      %mul3A_445 = arith.constant 80 : i32
      %mul3A_446 = arith.muli %add3A_429, %mul3A_445 : i32
      %multiple_of3A_447 = tpu.assume_multiple %mul3A_446, 80 : i32
      %dma_start3A_448 = arith.constant 0 : i32
      %dma_start3A_449 = arith.constant 0 : i32
      %dma_start3A_450 = arith.constant 0 : i32
      %dma_start3A_451 = arith.constant 0 : i32
      %dma_start3A_452 = tpu.memref_slice %arg9[%dma_start3A_448, %dma_start3A_450, %dma_start3A_451] : memref<3x80x128xf32, #tpu.memory_space<vmem>> -> memref<1x80x128xf32, #tpu.memory_space<vmem>>
      %dma_start3A_453 = tpu.memref_squeeze %dma_start3A_452 : memref<1x80x128xf32, #tpu.memory_space<vmem>> -> memref<80x128xf32, #tpu.memory_space<vmem>>
      %dma_start3A_454 = tpu.memref_slice %arg8[%multiple_of3A_447] : memref<10000xi32, #tpu.memory_space<vmem>> -> memref<80xi32, #tpu.memory_space<vmem>>
      %dma_start3A_455 = arith.constant 0 : i32
      %dma_start3A_456 = arith.constant 0 : i32
      %dma_start3A_457 = tpu.memref_slice %arg6[%dma_start3A_455, %dma_start3A_456] : memref<10000x128xf32, #tpu.memory_space<vmem_shared>> -> memref<10000x128xf32, #tpu.memory_space<vmem_shared>>
      %dma_start3A_458 = tpu.memref_slice %arg11[%dma_start3A_449] : memref<3x!tpu.dma_semaphore, #tpu.memory_space<semaphore_mem>> -> memref<1x!tpu.dma_semaphore, #tpu.memory_space<semaphore_mem>>
      %dma_start3A_459 = tpu.memref_squeeze %dma_start3A_458 : memref<1x!tpu.dma_semaphore, #tpu.memory_space<semaphore_mem>> -> memref<!tpu.dma_semaphore, #tpu.memory_space<semaphore_mem>>
      tpu.enqueue_indirect_dma source(%dma_start3A_453 : memref<80x128xf32, #tpu.memory_space<vmem>>) target(%dma_start3A_457 : memref<10000x128xf32, #tpu.memory_space<vmem_shared>>) offsets(%dma_start3A_454 : memref<80xi32, #tpu.memory_space<vmem>>) semaphore(%dma_start3A_459 : memref<!tpu.dma_semaphore, #tpu.memory_space<semaphore_mem>>) {add = true}
      %sub3A_460 = arith.constant 1 : i32
      %sub3A_461 = arith.subi %add3A_429, %sub3A_460 : i32
      %mul3A_462 = arith.constant 80 : i32
      %mul3A_463 = arith.muli %sub3A_461, %mul3A_462 : i32
      %multiple_of3A_464 = tpu.assume_multiple %mul3A_463, 80 : i32
      %dma_wait3A_465 = arith.constant 2 : i32
      %dma_wait3A_466 = arith.constant 2 : i32
      %dma_wait3A_467 = arith.constant 0 : i32
      %dma_wait3A_468 = arith.constant 0 : i32
      %dma_wait3A_469 = tpu.memref_slice %arg9[%dma_wait3A_465, %dma_wait3A_467, %dma_wait3A_468] : memref<3x80x128xf32, #tpu.memory_space<vmem>> -> memref<1x80x128xf32, #tpu.memory_space<vmem>>
      %dma_wait3A_470 = tpu.memref_squeeze %dma_wait3A_469 : memref<1x80x128xf32, #tpu.memory_space<vmem>> -> memref<80x128xf32, #tpu.memory_space<vmem>>
      %dma_wait3A_471 = tpu.memref_slice %arg8[%multiple_of3A_464] : memref<10000xi32, #tpu.memory_space<vmem>> -> memref<80xi32, #tpu.memory_space<vmem>>
      %dma_wait3A_472 = arith.constant 0 : i32
      %dma_wait3A_473 = arith.constant 0 : i32
      %dma_wait3A_474 = tpu.memref_slice %arg6[%dma_wait3A_472, %dma_wait3A_473] : memref<10000x128xf32, #tpu.memory_space<vmem_shared>> -> memref<10000x128xf32, #tpu.memory_space<vmem_shared>>
      %dma_wait3A_475 = tpu.memref_slice %arg11[%dma_wait3A_466] : memref<3x!tpu.dma_semaphore, #tpu.memory_space<semaphore_mem>> -> memref<1x!tpu.dma_semaphore, #tpu.memory_space<semaphore_mem>>
      %dma_wait3A_476 = tpu.memref_squeeze %dma_wait3A_475 : memref<1x!tpu.dma_semaphore, #tpu.memory_space<semaphore_mem>> -> memref<!tpu.dma_semaphore, #tpu.memory_space<semaphore_mem>>
      tpu.wait_indirect_dma semaphore(%dma_wait3A_476 : memref<!tpu.dma_semaphore, #tpu.memory_space<semaphore_mem>>) src(%dma_wait3A_470 : memref<80x128xf32, #tpu.memory_space<vmem>>) dst(%dma_wait3A_474 : memref<10000x128xf32, #tpu.memory_space<vmem_shared>>)
      %add3A_477 = arith.constant 2 : i32
      %add3A_478 = arith.addi %add3A_429, %add3A_477 : i32
      %lt3A_479 = arith.constant 125 : i32
      %lt3A_480 = arith.cmpi slt, %add3A_478, %lt3A_479 : i32
      %convert_element_type3A_481 = arith.extui %lt3A_480 : i1 to i32
      %cond3A_482 = arith.constant 0 : i32
      %cond3A_483 = arith.cmpi ne, %convert_element_type3A_481, %cond3A_482 : i32
      scf.if %cond3A_483 {
        %add3A_540 = arith.constant 2 : i32
        %add3A_541 = arith.addi %add3A_429, %add3A_540 : i32
        %mul3A_542 = arith.constant 80 : i32
        %mul3A_543 = arith.muli %add3A_541, %mul3A_542 : i32
        %multiple_of3A_544 = tpu.assume_multiple %mul3A_543, 80 : i32
        %dma_start3A_545 = arith.constant 2 : i32
        %dma_start3A_546 = arith.constant 2 : i32
        %dma_start3A_547 = arith.constant 0 : i32
        %dma_start3A_548 = arith.constant 0 : i32
        %dma_start3A_549 = tpu.memref_slice %arg9[%dma_start3A_545, %dma_start3A_547, %dma_start3A_548] : memref<3x80x128xf32, #tpu.memory_space<vmem>> -> memref<1x80x128xf32, #tpu.memory_space<vmem>>
        %dma_start3A_550 = tpu.memref_squeeze %dma_start3A_549 : memref<1x80x128xf32, #tpu.memory_space<vmem>> -> memref<80x128xf32, #tpu.memory_space<vmem>>
        %dma_start3A_551 = tpu.memref_slice %arg7[%multiple_of3A_544] : memref<10000xi32, #tpu.memory_space<vmem>> -> memref<80xi32, #tpu.memory_space<vmem>>
        %dma_start3A_552 = arith.constant 0 : i32
        %dma_start3A_553 = arith.constant 0 : i32
        %dma_start3A_554 = tpu.memref_slice %arg2[%dma_start3A_552, %dma_start3A_553] : memref<10000x128xf32, #tpu.memory_space<hbm>> -> memref<10000x128xf32, #tpu.memory_space<hbm>>
        %dma_start3A_555 = tpu.memref_slice %arg10[%dma_start3A_546] : memref<3x!tpu.dma_semaphore, #tpu.memory_space<semaphore_mem>> -> memref<1x!tpu.dma_semaphore, #tpu.memory_space<semaphore_mem>>
        %dma_start3A_556 = tpu.memref_squeeze %dma_start3A_555 : memref<1x!tpu.dma_semaphore, #tpu.memory_space<semaphore_mem>> -> memref<!tpu.dma_semaphore, #tpu.memory_space<semaphore_mem>>
        tpu.enqueue_indirect_dma source(%dma_start3A_554 : memref<10000x128xf32, #tpu.memory_space<hbm>>) target(%dma_start3A_550 : memref<80x128xf32, #tpu.memory_space<vmem>>) offsets(%dma_start3A_551 : memref<80xi32, #tpu.memory_space<vmem>>) semaphore(%dma_start3A_556 : memref<!tpu.dma_semaphore, #tpu.memory_space<semaphore_mem>>)
      } else {
      }
      %add3A_484 = arith.constant 2 : i32
      %add3A_485 = arith.addi %add3A_372, %add3A_484 : i32
      %mul3A_486 = arith.constant 80 : i32
      %mul3A_487 = arith.muli %add3A_485, %mul3A_486 : i32
      %multiple_of3A_488 = tpu.assume_multiple %mul3A_487, 80 : i32
      %dma_wait3A_489 = arith.constant 1 : i32
      %dma_wait3A_490 = arith.constant 1 : i32
      %dma_wait3A_491 = arith.constant 0 : i32
      %dma_wait3A_492 = arith.constant 0 : i32
      %dma_wait3A_493 = tpu.memref_slice %arg9[%dma_wait3A_489, %dma_wait3A_491, %dma_wait3A_492] : memref<3x80x128xf32, #tpu.memory_space<vmem>> -> memref<1x80x128xf32, #tpu.memory_space<vmem>>
      %dma_wait3A_494 = tpu.memref_squeeze %dma_wait3A_493 : memref<1x80x128xf32, #tpu.memory_space<vmem>> -> memref<80x128xf32, #tpu.memory_space<vmem>>
      %dma_wait3A_495 = tpu.memref_slice %arg7[%multiple_of3A_488] : memref<10000xi32, #tpu.memory_space<vmem>> -> memref<80xi32, #tpu.memory_space<vmem>>
      %dma_wait3A_496 = arith.constant 0 : i32
      %dma_wait3A_497 = arith.constant 0 : i32
      %dma_wait3A_498 = tpu.memref_slice %arg2[%dma_wait3A_496, %dma_wait3A_497] : memref<10000x128xf32, #tpu.memory_space<hbm>> -> memref<10000x128xf32, #tpu.memory_space<hbm>>
      %dma_wait3A_499 = tpu.memref_slice %arg10[%dma_wait3A_490] : memref<3x!tpu.dma_semaphore, #tpu.memory_space<semaphore_mem>> -> memref<1x!tpu.dma_semaphore, #tpu.memory_space<semaphore_mem>>
      %dma_wait3A_500 = tpu.memref_squeeze %dma_wait3A_499 : memref<1x!tpu.dma_semaphore, #tpu.memory_space<semaphore_mem>> -> memref<!tpu.dma_semaphore, #tpu.memory_space<semaphore_mem>>
      tpu.wait_indirect_dma semaphore(%dma_wait3A_500 : memref<!tpu.dma_semaphore, #tpu.memory_space<semaphore_mem>>) src(%dma_wait3A_498 : memref<10000x128xf32, #tpu.memory_space<hbm>>) dst(%dma_wait3A_494 : memref<80x128xf32, #tpu.memory_space<vmem>>)
      %mul3A_501 = arith.constant 80 : i32
      %mul3A_502 = arith.muli %add3A_485, %mul3A_501 : i32
      %multiple_of3A_503 = tpu.assume_multiple %mul3A_502, 80 : i32
      %dma_start3A_504 = arith.constant 1 : i32
      %dma_start3A_505 = arith.constant 1 : i32
      %dma_start3A_506 = arith.constant 0 : i32
      %dma_start3A_507 = arith.constant 0 : i32
      %dma_start3A_508 = tpu.memref_slice %arg9[%dma_start3A_504, %dma_start3A_506, %dma_start3A_507] : memref<3x80x128xf32, #tpu.memory_space<vmem>> -> memref<1x80x128xf32, #tpu.memory_space<vmem>>
      %dma_start3A_509 = tpu.memref_squeeze %dma_start3A_508 : memref<1x80x128xf32, #tpu.memory_space<vmem>> -> memref<80x128xf32, #tpu.memory_space<vmem>>
      %dma_start3A_510 = tpu.memref_slice %arg8[%multiple_of3A_503] : memref<10000xi32, #tpu.memory_space<vmem>> -> memref<80xi32, #tpu.memory_space<vmem>>
      %dma_start3A_511 = arith.constant 0 : i32
      %dma_start3A_512 = arith.constant 0 : i32
      %dma_start3A_513 = tpu.memref_slice %arg6[%dma_start3A_511, %dma_start3A_512] : memref<10000x128xf32, #tpu.memory_space<vmem_shared>> -> memref<10000x128xf32, #tpu.memory_space<vmem_shared>>
      %dma_start3A_514 = tpu.memref_slice %arg11[%dma_start3A_505] : memref<3x!tpu.dma_semaphore, #tpu.memory_space<semaphore_mem>> -> memref<1x!tpu.dma_semaphore, #tpu.memory_space<semaphore_mem>>
      %dma_start3A_515 = tpu.memref_squeeze %dma_start3A_514 : memref<1x!tpu.dma_semaphore, #tpu.memory_space<semaphore_mem>> -> memref<!tpu.dma_semaphore, #tpu.memory_space<semaphore_mem>>
      tpu.enqueue_indirect_dma source(%dma_start3A_509 : memref<80x128xf32, #tpu.memory_space<vmem>>) target(%dma_start3A_513 : memref<10000x128xf32, #tpu.memory_space<vmem_shared>>) offsets(%dma_start3A_510 : memref<80xi32, #tpu.memory_space<vmem>>) semaphore(%dma_start3A_515 : memref<!tpu.dma_semaphore, #tpu.memory_space<semaphore_mem>>) {add = true}
      %sub3A_516 = arith.constant 1 : i32
      %sub3A_517 = arith.subi %add3A_485, %sub3A_516 : i32
      %mul3A_518 = arith.constant 80 : i32
      %mul3A_519 = arith.muli %sub3A_517, %mul3A_518 : i32
      %multiple_of3A_520 = tpu.assume_multiple %mul3A_519, 80 : i32
      %dma_wait3A_521 = arith.constant 0 : i32
      %dma_wait3A_522 = arith.constant 0 : i32
      %dma_wait3A_523 = arith.constant 0 : i32
      %dma_wait3A_524 = arith.constant 0 : i32
      %dma_wait3A_525 = tpu.memref_slice %arg9[%dma_wait3A_521, %dma_wait3A_523, %dma_wait3A_524] : memref<3x80x128xf32, #tpu.memory_space<vmem>> -> memref<1x80x128xf32, #tpu.memory_space<vmem>>
      %dma_wait3A_526 = tpu.memref_squeeze %dma_wait3A_525 : memref<1x80x128xf32, #tpu.memory_space<vmem>> -> memref<80x128xf32, #tpu.memory_space<vmem>>
      %dma_wait3A_527 = tpu.memref_slice %arg8[%multiple_of3A_520] : memref<10000xi32, #tpu.memory_space<vmem>> -> memref<80xi32, #tpu.memory_space<vmem>>
      %dma_wait3A_528 = arith.constant 0 : i32
      %dma_wait3A_529 = arith.constant 0 : i32
      %dma_wait3A_530 = tpu.memref_slice %arg6[%dma_wait3A_528, %dma_wait3A_529] : memref<10000x128xf32, #tpu.memory_space<vmem_shared>> -> memref<10000x128xf32, #tpu.memory_space<vmem_shared>>
      %dma_wait3A_531 = tpu.memref_slice %arg11[%dma_wait3A_522] : memref<3x!tpu.dma_semaphore, #tpu.memory_space<semaphore_mem>> -> memref<1x!tpu.dma_semaphore, #tpu.memory_space<semaphore_mem>>
      %dma_wait3A_532 = tpu.memref_squeeze %dma_wait3A_531 : memref<1x!tpu.dma_semaphore, #tpu.memory_space<semaphore_mem>> -> memref<!tpu.dma_semaphore, #tpu.memory_space<semaphore_mem>>
      tpu.wait_indirect_dma semaphore(%dma_wait3A_532 : memref<!tpu.dma_semaphore, #tpu.memory_space<semaphore_mem>>) src(%dma_wait3A_526 : memref<80x128xf32, #tpu.memory_space<vmem>>) dst(%dma_wait3A_530 : memref<10000x128xf32, #tpu.memory_space<vmem_shared>>)
      %add3A_533 = arith.constant 2 : i32
      %add3A_534 = arith.addi %add3A_485, %add3A_533 : i32
      %lt3A_535 = arith.constant 125 : i32
      %lt3A_536 = arith.cmpi slt, %add3A_534, %lt3A_535 : i32
      %convert_element_type3A_537 = arith.extui %lt3A_536 : i1 to i32
      %cond3A_538 = arith.constant 0 : i32
      %cond3A_539 = arith.cmpi ne, %convert_element_type3A_537, %cond3A_538 : i32
      scf.if %cond3A_539 {
        %add3A_540 = arith.constant 2 : i32
        %add3A_541 = arith.addi %add3A_485, %add3A_540 : i32
        %mul3A_542 = arith.constant 80 : i32
        %mul3A_543 = arith.muli %add3A_541, %mul3A_542 : i32
        %multiple_of3A_544 = tpu.assume_multiple %mul3A_543, 80 : i32
        %dma_start3A_545 = arith.constant 0 : i32
        %dma_start3A_546 = arith.constant 0 : i32
        %dma_start3A_547 = arith.constant 0 : i32
        %dma_start3A_548 = arith.constant 0 : i32
        %dma_start3A_549 = tpu.memref_slice %arg9[%dma_start3A_545, %dma_start3A_547, %dma_start3A_548] : memref<3x80x128xf32, #tpu.memory_space<vmem>> -> memref<1x80x128xf32, #tpu.memory_space<vmem>>
        %dma_start3A_550 = tpu.memref_squeeze %dma_start3A_549 : memref<1x80x128xf32, #tpu.memory_space<vmem>> -> memref<80x128xf32, #tpu.memory_space<vmem>>
        %dma_start3A_551 = tpu.memref_slice %arg7[%multiple_of3A_544] : memref<10000xi32, #tpu.memory_space<vmem>> -> memref<80xi32, #tpu.memory_space<vmem>>
        %dma_start3A_552 = arith.constant 0 : i32
        %dma_start3A_553 = arith.constant 0 : i32
        %dma_start3A_554 = tpu.memref_slice %arg2[%dma_start3A_552, %dma_start3A_553] : memref<10000x128xf32, #tpu.memory_space<hbm>> -> memref<10000x128xf32, #tpu.memory_space<hbm>>
        %dma_start3A_555 = tpu.memref_slice %arg10[%dma_start3A_546] : memref<3x!tpu.dma_semaphore, #tpu.memory_space<semaphore_mem>> -> memref<1x!tpu.dma_semaphore, #tpu.memory_space<semaphore_mem>>
        %dma_start3A_556 = tpu.memref_squeeze %dma_start3A_555 : memref<1x!tpu.dma_semaphore, #tpu.memory_space<semaphore_mem>> -> memref<!tpu.dma_semaphore, #tpu.memory_space<semaphore_mem>>
        tpu.enqueue_indirect_dma source(%dma_start3A_554 : memref<10000x128xf32, #tpu.memory_space<hbm>>) target(%dma_start3A_550 : memref<80x128xf32, #tpu.memory_space<vmem>>) offsets(%dma_start3A_551 : memref<80xi32, #tpu.memory_space<vmem>>) semaphore(%dma_start3A_556 : memref<!tpu.dma_semaphore, #tpu.memory_space<semaphore_mem>>)
      } else {
      }
    }
    %scan3A_240 = arith.constant 41 : i32
    %multiple_of3A_241 = arith.constant 9920 : i32
    %multiple_of3A_242 = tpu.assume_multiple %multiple_of3A_241, 80 : i32
    %dma_wait3A_243 = arith.constant 1 : i32
    %dma_wait3A_244 = arith.constant 1 : i32
    %dma_wait3A_245 = arith.constant 0 : i32
    %dma_wait3A_246 = arith.constant 0 : i32
    %dma_wait3A_247 = tpu.memref_slice %arg9[%dma_wait3A_243, %dma_wait3A_245, %dma_wait3A_246] : memref<3x80x128xf32, #tpu.memory_space<vmem>> -> memref<1x80x128xf32, #tpu.memory_space<vmem>>
    %dma_wait3A_248 = tpu.memref_squeeze %dma_wait3A_247 : memref<1x80x128xf32, #tpu.memory_space<vmem>> -> memref<80x128xf32, #tpu.memory_space<vmem>>
    %dma_wait3A_249 = tpu.memref_slice %arg8[%multiple_of3A_242] : memref<10000xi32, #tpu.memory_space<vmem>> -> memref<80xi32, #tpu.memory_space<vmem>>
    %dma_wait3A_250 = arith.constant 0 : i32
    %dma_wait3A_251 = arith.constant 0 : i32
    %dma_wait3A_252 = tpu.memref_slice %arg6[%dma_wait3A_250, %dma_wait3A_251] : memref<10000x128xf32, #tpu.memory_space<vmem_shared>> -> memref<10000x128xf32, #tpu.memory_space<vmem_shared>>
    %dma_wait3A_253 = tpu.memref_slice %arg11[%dma_wait3A_244] : memref<3x!tpu.dma_semaphore, #tpu.memory_space<semaphore_mem>> -> memref<1x!tpu.dma_semaphore, #tpu.memory_space<semaphore_mem>>
    %dma_wait3A_254 = tpu.memref_squeeze %dma_wait3A_253 : memref<1x!tpu.dma_semaphore, #tpu.memory_space<semaphore_mem>> -> memref<!tpu.dma_semaphore, #tpu.memory_space<semaphore_mem>>
    tpu.wait_indirect_dma semaphore(%dma_wait3A_254 : memref<!tpu.dma_semaphore, #tpu.memory_space<semaphore_mem>>) src(%dma_wait3A_248 : memref<80x128xf32, #tpu.memory_space<vmem>>) dst(%dma_wait3A_252 : memref<10000x128xf32, #tpu.memory_space<vmem_shared>>)
    %barrier3A_255 = arith.constant 0 : index
    tpu.barrier barrier_id(%barrier3A_255)
    %add3A_256 = arith.constant 0 : i32
    %add3A_257 = arith.addi %arg1, %add3A_256 : i32
    %lt3A_258 = arith.constant 125 : i32
    %lt3A_259 = arith.cmpi slt, %add3A_257, %lt3A_258 : i32
    %convert_element_type3A_260 = arith.extui %lt3A_259 : i1 to i32
    %cond3A_261 = arith.constant 0 : i32
    %cond3A_262 = arith.cmpi ne, %convert_element_type3A_260, %cond3A_261 : i32
    scf.if %cond3A_262 {
      %mul3A_368 = arith.constant 80 : i32
      %mul3A_369 = arith.muli %add3A_257, %mul3A_368 : i32
      %mul3A_370 = arith.constant 80 : i32
      %mul3A_371 = arith.muli %add3A_257, %mul3A_370 : i32
      %dma_start3A_372 = arith.constant 0 : i32
      %dma_start3A_373 = tpu.memref_slice %arg5[%arg0, %mul3A_371, %dma_start3A_372] : memref<2x10000x128xf32, #tpu.memory_space<hbm>> -> memref<1x80x128xf32, #tpu.memory_space<hbm>>
      %dma_start3A_374 = tpu.memref_squeeze %dma_start3A_373 : memref<1x80x128xf32, #tpu.memory_space<hbm>> -> memref<80x128xf32, #tpu.memory_space<hbm>>
      %dma_start3A_375 = arith.constant 0 : i32
      %dma_start3A_376 = tpu.memref_slice %arg6[%mul3A_369, %dma_start3A_375] : memref<10000x128xf32, #tpu.memory_space<vmem_shared>> -> memref<80x128xf32, #tpu.memory_space<vmem_shared>>
      tpu.enqueue_dma source(%dma_start3A_376 : memref<80x128xf32, #tpu.memory_space<vmem_shared>>) target(%dma_start3A_374 : memref<80x128xf32, #tpu.memory_space<hbm>>) target_semaphore(%arg12 : memref<!tpu.dma_semaphore, #tpu.memory_space<semaphore_mem>>)
    } else {
    }
    %add3A_263 = arith.constant 16 : i32
    %add3A_264 = arith.addi %arg1, %add3A_263 : i32
    %lt3A_265 = arith.constant 125 : i32
    %lt3A_266 = arith.cmpi slt, %add3A_264, %lt3A_265 : i32
    %convert_element_type3A_267 = arith.extui %lt3A_266 : i1 to i32
    %cond3A_268 = arith.constant 0 : i32
    %cond3A_269 = arith.cmpi ne, %convert_element_type3A_267, %cond3A_268 : i32
    scf.if %cond3A_269 {
      %mul3A_368 = arith.constant 80 : i32
      %mul3A_369 = arith.muli %add3A_264, %mul3A_368 : i32
      %mul3A_370 = arith.constant 80 : i32
      %mul3A_371 = arith.muli %add3A_264, %mul3A_370 : i32
      %dma_start3A_372 = arith.constant 0 : i32
      %dma_start3A_373 = tpu.memref_slice %arg5[%arg0, %mul3A_371, %dma_start3A_372] : memref<2x10000x128xf32, #tpu.memory_space<hbm>> -> memref<1x80x128xf32, #tpu.memory_space<hbm>>
      %dma_start3A_374 = tpu.memref_squeeze %dma_start3A_373 : memref<1x80x128xf32, #tpu.memory_space<hbm>> -> memref<80x128xf32, #tpu.memory_space<hbm>>
      %dma_start3A_375 = arith.constant 0 : i32
      %dma_start3A_376 = tpu.memref_slice %arg6[%mul3A_369, %dma_start3A_375] : memref<10000x128xf32, #tpu.memory_space<vmem_shared>> -> memref<80x128xf32, #tpu.memory_space<vmem_shared>>
      tpu.enqueue_dma source(%dma_start3A_376 : memref<80x128xf32, #tpu.memory_space<vmem_shared>>) target(%dma_start3A_374 : memref<80x128xf32, #tpu.memory_space<hbm>>) target_semaphore(%arg12 : memref<!tpu.dma_semaphore, #tpu.memory_space<semaphore_mem>>)
    } else {
    }
    %add3A_270 = arith.constant 32 : i32
    %add3A_271 = arith.addi %arg1, %add3A_270 : i32
    %lt3A_272 = arith.constant 125 : i32
    %lt3A_273 = arith.cmpi slt, %add3A_271, %lt3A_272 : i32
    %convert_element_type3A_274 = arith.extui %lt3A_273 : i1 to i32
    %cond3A_275 = arith.constant 0 : i32
    %cond3A_276 = arith.cmpi ne, %convert_element_type3A_274, %cond3A_275 : i32
    scf.if %cond3A_276 {
      %mul3A_368 = arith.constant 80 : i32
      %mul3A_369 = arith.muli %add3A_271, %mul3A_368 : i32
      %mul3A_370 = arith.constant 80 : i32
      %mul3A_371 = arith.muli %add3A_271, %mul3A_370 : i32
      %dma_start3A_372 = arith.constant 0 : i32
      %dma_start3A_373 = tpu.memref_slice %arg5[%arg0, %mul3A_371, %dma_start3A_372] : memref<2x10000x128xf32, #tpu.memory_space<hbm>> -> memref<1x80x128xf32, #tpu.memory_space<hbm>>
      %dma_start3A_374 = tpu.memref_squeeze %dma_start3A_373 : memref<1x80x128xf32, #tpu.memory_space<hbm>> -> memref<80x128xf32, #tpu.memory_space<hbm>>
      %dma_start3A_375 = arith.constant 0 : i32
      %dma_start3A_376 = tpu.memref_slice %arg6[%mul3A_369, %dma_start3A_375] : memref<10000x128xf32, #tpu.memory_space<vmem_shared>> -> memref<80x128xf32, #tpu.memory_space<vmem_shared>>
      tpu.enqueue_dma source(%dma_start3A_376 : memref<80x128xf32, #tpu.memory_space<vmem_shared>>) target(%dma_start3A_374 : memref<80x128xf32, #tpu.memory_space<hbm>>) target_semaphore(%arg12 : memref<!tpu.dma_semaphore, #tpu.memory_space<semaphore_mem>>)
    } else {
    }
    %add3A_277 = arith.constant 48 : i32
    %add3A_278 = arith.addi %arg1, %add3A_277 : i32
    %lt3A_279 = arith.constant 125 : i32
    %lt3A_280 = arith.cmpi slt, %add3A_278, %lt3A_279 : i32
    %convert_element_type3A_281 = arith.extui %lt3A_280 : i1 to i32
    %cond3A_282 = arith.constant 0 : i32
    %cond3A_283 = arith.cmpi ne, %convert_element_type3A_281, %cond3A_282 : i32
    scf.if %cond3A_283 {
      %mul3A_368 = arith.constant 80 : i32
      %mul3A_369 = arith.muli %add3A_278, %mul3A_368 : i32
      %mul3A_370 = arith.constant 80 : i32
      %mul3A_371 = arith.muli %add3A_278, %mul3A_370 : i32
      %dma_start3A_372 = arith.constant 0 : i32
      %dma_start3A_373 = tpu.memref_slice %arg5[%arg0, %mul3A_371, %dma_start3A_372] : memref<2x10000x128xf32, #tpu.memory_space<hbm>> -> memref<1x80x128xf32, #tpu.memory_space<hbm>>
      %dma_start3A_374 = tpu.memref_squeeze %dma_start3A_373 : memref<1x80x128xf32, #tpu.memory_space<hbm>> -> memref<80x128xf32, #tpu.memory_space<hbm>>
      %dma_start3A_375 = arith.constant 0 : i32
      %dma_start3A_376 = tpu.memref_slice %arg6[%mul3A_369, %dma_start3A_375] : memref<10000x128xf32, #tpu.memory_space<vmem_shared>> -> memref<80x128xf32, #tpu.memory_space<vmem_shared>>
      tpu.enqueue_dma source(%dma_start3A_376 : memref<80x128xf32, #tpu.memory_space<vmem_shared>>) target(%dma_start3A_374 : memref<80x128xf32, #tpu.memory_space<hbm>>) target_semaphore(%arg12 : memref<!tpu.dma_semaphore, #tpu.memory_space<semaphore_mem>>)
    } else {
    }
    %add3A_284 = arith.constant 64 : i32
    %add3A_285 = arith.addi %arg1, %add3A_284 : i32
    %lt3A_286 = arith.constant 125 : i32
    %lt3A_287 = arith.cmpi slt, %add3A_285, %lt3A_286 : i32
    %convert_element_type3A_288 = arith.extui %lt3A_287 : i1 to i32
    %cond3A_289 = arith.constant 0 : i32
    %cond3A_290 = arith.cmpi ne, %convert_element_type3A_288, %cond3A_289 : i32
    scf.if %cond3A_290 {
      %mul3A_368 = arith.constant 80 : i32
      %mul3A_369 = arith.muli %add3A_285, %mul3A_368 : i32
      %mul3A_370 = arith.constant 80 : i32
      %mul3A_371 = arith.muli %add3A_285, %mul3A_370 : i32
      %dma_start3A_372 = arith.constant 0 : i32
      %dma_start3A_373 = tpu.memref_slice %arg5[%arg0, %mul3A_371, %dma_start3A_372] : memref<2x10000x128xf32, #tpu.memory_space<hbm>> -> memref<1x80x128xf32, #tpu.memory_space<hbm>>
      %dma_start3A_374 = tpu.memref_squeeze %dma_start3A_373 : memref<1x80x128xf32, #tpu.memory_space<hbm>> -> memref<80x128xf32, #tpu.memory_space<hbm>>
      %dma_start3A_375 = arith.constant 0 : i32
      %dma_start3A_376 = tpu.memref_slice %arg6[%mul3A_369, %dma_start3A_375] : memref<10000x128xf32, #tpu.memory_space<vmem_shared>> -> memref<80x128xf32, #tpu.memory_space<vmem_shared>>
      tpu.enqueue_dma source(%dma_start3A_376 : memref<80x128xf32, #tpu.memory_space<vmem_shared>>) target(%dma_start3A_374 : memref<80x128xf32, #tpu.memory_space<hbm>>) target_semaphore(%arg12 : memref<!tpu.dma_semaphore, #tpu.memory_space<semaphore_mem>>)
    } else {
    }
    %add3A_291 = arith.constant 80 : i32
    %add3A_292 = arith.addi %arg1, %add3A_291 : i32
    %lt3A_293 = arith.constant 125 : i32
    %lt3A_294 = arith.cmpi slt, %add3A_292, %lt3A_293 : i32
    %convert_element_type3A_295 = arith.extui %lt3A_294 : i1 to i32
    %cond3A_296 = arith.constant 0 : i32
    %cond3A_297 = arith.cmpi ne, %convert_element_type3A_295, %cond3A_296 : i32
    scf.if %cond3A_297 {
      %mul3A_368 = arith.constant 80 : i32
      %mul3A_369 = arith.muli %add3A_292, %mul3A_368 : i32
      %mul3A_370 = arith.constant 80 : i32
      %mul3A_371 = arith.muli %add3A_292, %mul3A_370 : i32
      %dma_start3A_372 = arith.constant 0 : i32
      %dma_start3A_373 = tpu.memref_slice %arg5[%arg0, %mul3A_371, %dma_start3A_372] : memref<2x10000x128xf32, #tpu.memory_space<hbm>> -> memref<1x80x128xf32, #tpu.memory_space<hbm>>
      %dma_start3A_374 = tpu.memref_squeeze %dma_start3A_373 : memref<1x80x128xf32, #tpu.memory_space<hbm>> -> memref<80x128xf32, #tpu.memory_space<hbm>>
      %dma_start3A_375 = arith.constant 0 : i32
      %dma_start3A_376 = tpu.memref_slice %arg6[%mul3A_369, %dma_start3A_375] : memref<10000x128xf32, #tpu.memory_space<vmem_shared>> -> memref<80x128xf32, #tpu.memory_space<vmem_shared>>
      tpu.enqueue_dma source(%dma_start3A_376 : memref<80x128xf32, #tpu.memory_space<vmem_shared>>) target(%dma_start3A_374 : memref<80x128xf32, #tpu.memory_space<hbm>>) target_semaphore(%arg12 : memref<!tpu.dma_semaphore, #tpu.memory_space<semaphore_mem>>)
    } else {
    }
    %add3A_298 = arith.constant 96 : i32
    %add3A_299 = arith.addi %arg1, %add3A_298 : i32
    %lt3A_300 = arith.constant 125 : i32
    %lt3A_301 = arith.cmpi slt, %add3A_299, %lt3A_300 : i32
    %convert_element_type3A_302 = arith.extui %lt3A_301 : i1 to i32
    %cond3A_303 = arith.constant 0 : i32
    %cond3A_304 = arith.cmpi ne, %convert_element_type3A_302, %cond3A_303 : i32
    scf.if %cond3A_304 {
      %mul3A_368 = arith.constant 80 : i32
      %mul3A_369 = arith.muli %add3A_299, %mul3A_368 : i32
      %mul3A_370 = arith.constant 80 : i32
      %mul3A_371 = arith.muli %add3A_299, %mul3A_370 : i32
      %dma_start3A_372 = arith.constant 0 : i32
      %dma_start3A_373 = tpu.memref_slice %arg5[%arg0, %mul3A_371, %dma_start3A_372] : memref<2x10000x128xf32, #tpu.memory_space<hbm>> -> memref<1x80x128xf32, #tpu.memory_space<hbm>>
      %dma_start3A_374 = tpu.memref_squeeze %dma_start3A_373 : memref<1x80x128xf32, #tpu.memory_space<hbm>> -> memref<80x128xf32, #tpu.memory_space<hbm>>
      %dma_start3A_375 = arith.constant 0 : i32
      %dma_start3A_376 = tpu.memref_slice %arg6[%mul3A_369, %dma_start3A_375] : memref<10000x128xf32, #tpu.memory_space<vmem_shared>> -> memref<80x128xf32, #tpu.memory_space<vmem_shared>>
      tpu.enqueue_dma source(%dma_start3A_376 : memref<80x128xf32, #tpu.memory_space<vmem_shared>>) target(%dma_start3A_374 : memref<80x128xf32, #tpu.memory_space<hbm>>) target_semaphore(%arg12 : memref<!tpu.dma_semaphore, #tpu.memory_space<semaphore_mem>>)
    } else {
    }
    %add3A_305 = arith.constant 112 : i32
    %add3A_306 = arith.addi %arg1, %add3A_305 : i32
    %lt3A_307 = arith.constant 125 : i32
    %lt3A_308 = arith.cmpi slt, %add3A_306, %lt3A_307 : i32
    %convert_element_type3A_309 = arith.extui %lt3A_308 : i1 to i32
    %cond3A_310 = arith.constant 0 : i32
    %cond3A_311 = arith.cmpi ne, %convert_element_type3A_309, %cond3A_310 : i32
    scf.if %cond3A_311 {
      %mul3A_368 = arith.constant 80 : i32
      %mul3A_369 = arith.muli %add3A_306, %mul3A_368 : i32
      %mul3A_370 = arith.constant 80 : i32
      %mul3A_371 = arith.muli %add3A_306, %mul3A_370 : i32
      %dma_start3A_372 = arith.constant 0 : i32
      %dma_start3A_373 = tpu.memref_slice %arg5[%arg0, %mul3A_371, %dma_start3A_372] : memref<2x10000x128xf32, #tpu.memory_space<hbm>> -> memref<1x80x128xf32, #tpu.memory_space<hbm>>
      %dma_start3A_374 = tpu.memref_squeeze %dma_start3A_373 : memref<1x80x128xf32, #tpu.memory_space<hbm>> -> memref<80x128xf32, #tpu.memory_space<hbm>>
      %dma_start3A_375 = arith.constant 0 : i32
      %dma_start3A_376 = tpu.memref_slice %arg6[%mul3A_369, %dma_start3A_375] : memref<10000x128xf32, #tpu.memory_space<vmem_shared>> -> memref<80x128xf32, #tpu.memory_space<vmem_shared>>
      tpu.enqueue_dma source(%dma_start3A_376 : memref<80x128xf32, #tpu.memory_space<vmem_shared>>) target(%dma_start3A_374 : memref<80x128xf32, #tpu.memory_space<hbm>>) target_semaphore(%arg12 : memref<!tpu.dma_semaphore, #tpu.memory_space<semaphore_mem>>)
    } else {
    }
    %add3A_312 = arith.constant 0 : i32
    %add3A_313 = arith.addi %arg1, %add3A_312 : i32
    %lt3A_314 = arith.constant 125 : i32
    %lt3A_315 = arith.cmpi slt, %add3A_313, %lt3A_314 : i32
    %convert_element_type3A_316 = arith.extui %lt3A_315 : i1 to i32
    %cond3A_317 = arith.constant 0 : i32
    %cond3A_318 = arith.cmpi ne, %convert_element_type3A_316, %cond3A_317 : i32
    scf.if %cond3A_318 {
      %mul3A_368 = arith.constant 80 : i32
      %mul3A_369 = arith.muli %add3A_313, %mul3A_368 : i32
      %mul3A_370 = arith.constant 80 : i32
      %mul3A_371 = arith.muli %add3A_313, %mul3A_370 : i32
      %dma_wait3A_372 = arith.constant 0 : i32
      %dma_wait3A_373 = tpu.memref_slice %arg5[%arg0, %mul3A_371, %dma_wait3A_372] : memref<2x10000x128xf32, #tpu.memory_space<hbm>> -> memref<1x80x128xf32, #tpu.memory_space<hbm>>
      %dma_wait3A_374 = tpu.memref_squeeze %dma_wait3A_373 : memref<1x80x128xf32, #tpu.memory_space<hbm>> -> memref<80x128xf32, #tpu.memory_space<hbm>>
      %dma_wait3A_375 = arith.constant 0 : i32
      %dma_wait3A_376 = tpu.memref_slice %arg6[%mul3A_369, %dma_wait3A_375] : memref<10000x128xf32, #tpu.memory_space<vmem_shared>> -> memref<80x128xf32, #tpu.memory_space<vmem_shared>>
      tpu.wait_dma2 semaphore(%arg12 : memref<!tpu.dma_semaphore, #tpu.memory_space<semaphore_mem>>) src(%dma_wait3A_376 : memref<80x128xf32, #tpu.memory_space<vmem_shared>>) dst(%dma_wait3A_374 : memref<80x128xf32, #tpu.memory_space<hbm>>)
    } else {
    }
    %add3A_319 = arith.constant 16 : i32
    %add3A_320 = arith.addi %arg1, %add3A_319 : i32
    %lt3A_321 = arith.constant 125 : i32
    %lt3A_322 = arith.cmpi slt, %add3A_320, %lt3A_321 : i32
    %convert_element_type3A_323 = arith.extui %lt3A_322 : i1 to i32
    %cond3A_324 = arith.constant 0 : i32
    %cond3A_325 = arith.cmpi ne, %convert_element_type3A_323, %cond3A_324 : i32
    scf.if %cond3A_325 {
      %mul3A_368 = arith.constant 80 : i32
      %mul3A_369 = arith.muli %add3A_320, %mul3A_368 : i32
      %mul3A_370 = arith.constant 80 : i32
      %mul3A_371 = arith.muli %add3A_320, %mul3A_370 : i32
      %dma_wait3A_372 = arith.constant 0 : i32
      %dma_wait3A_373 = tpu.memref_slice %arg5[%arg0, %mul3A_371, %dma_wait3A_372] : memref<2x10000x128xf32, #tpu.memory_space<hbm>> -> memref<1x80x128xf32, #tpu.memory_space<hbm>>
      %dma_wait3A_374 = tpu.memref_squeeze %dma_wait3A_373 : memref<1x80x128xf32, #tpu.memory_space<hbm>> -> memref<80x128xf32, #tpu.memory_space<hbm>>
      %dma_wait3A_375 = arith.constant 0 : i32
      %dma_wait3A_376 = tpu.memref_slice %arg6[%mul3A_369, %dma_wait3A_375] : memref<10000x128xf32, #tpu.memory_space<vmem_shared>> -> memref<80x128xf32, #tpu.memory_space<vmem_shared>>
      tpu.wait_dma2 semaphore(%arg12 : memref<!tpu.dma_semaphore, #tpu.memory_space<semaphore_mem>>) src(%dma_wait3A_376 : memref<80x128xf32, #tpu.memory_space<vmem_shared>>) dst(%dma_wait3A_374 : memref<80x128xf32, #tpu.memory_space<hbm>>)
    } else {
    }
    %add3A_326 = arith.constant 32 : i32
    %add3A_327 = arith.addi %arg1, %add3A_326 : i32
    %lt3A_328 = arith.constant 125 : i32
    %lt3A_329 = arith.cmpi slt, %add3A_327, %lt3A_328 : i32
    %convert_element_type3A_330 = arith.extui %lt3A_329 : i1 to i32
    %cond3A_331 = arith.constant 0 : i32
    %cond3A_332 = arith.cmpi ne, %convert_element_type3A_330, %cond3A_331 : i32
    scf.if %cond3A_332 {
      %mul3A_368 = arith.constant 80 : i32
      %mul3A_369 = arith.muli %add3A_327, %mul3A_368 : i32
      %mul3A_370 = arith.constant 80 : i32
      %mul3A_371 = arith.muli %add3A_327, %mul3A_370 : i32
      %dma_wait3A_372 = arith.constant 0 : i32
      %dma_wait3A_373 = tpu.memref_slice %arg5[%arg0, %mul3A_371, %dma_wait3A_372] : memref<2x10000x128xf32, #tpu.memory_space<hbm>> -> memref<1x80x128xf32, #tpu.memory_space<hbm>>
      %dma_wait3A_374 = tpu.memref_squeeze %dma_wait3A_373 : memref<1x80x128xf32, #tpu.memory_space<hbm>> -> memref<80x128xf32, #tpu.memory_space<hbm>>
      %dma_wait3A_375 = arith.constant 0 : i32
      %dma_wait3A_376 = tpu.memref_slice %arg6[%mul3A_369, %dma_wait3A_375] : memref<10000x128xf32, #tpu.memory_space<vmem_shared>> -> memref<80x128xf32, #tpu.memory_space<vmem_shared>>
      tpu.wait_dma2 semaphore(%arg12 : memref<!tpu.dma_semaphore, #tpu.memory_space<semaphore_mem>>) src(%dma_wait3A_376 : memref<80x128xf32, #tpu.memory_space<vmem_shared>>) dst(%dma_wait3A_374 : memref<80x128xf32, #tpu.memory_space<hbm>>)
    } else {
    }
    %add3A_333 = arith.constant 48 : i32
    %add3A_334 = arith.addi %arg1, %add3A_333 : i32
    %lt3A_335 = arith.constant 125 : i32
    %lt3A_336 = arith.cmpi slt, %add3A_334, %lt3A_335 : i32
    %convert_element_type3A_337 = arith.extui %lt3A_336 : i1 to i32
    %cond3A_338 = arith.constant 0 : i32
    %cond3A_339 = arith.cmpi ne, %convert_element_type3A_337, %cond3A_338 : i32
    scf.if %cond3A_339 {
      %mul3A_368 = arith.constant 80 : i32
      %mul3A_369 = arith.muli %add3A_334, %mul3A_368 : i32
      %mul3A_370 = arith.constant 80 : i32
      %mul3A_371 = arith.muli %add3A_334, %mul3A_370 : i32
      %dma_wait3A_372 = arith.constant 0 : i32
      %dma_wait3A_373 = tpu.memref_slice %arg5[%arg0, %mul3A_371, %dma_wait3A_372] : memref<2x10000x128xf32, #tpu.memory_space<hbm>> -> memref<1x80x128xf32, #tpu.memory_space<hbm>>
      %dma_wait3A_374 = tpu.memref_squeeze %dma_wait3A_373 : memref<1x80x128xf32, #tpu.memory_space<hbm>> -> memref<80x128xf32, #tpu.memory_space<hbm>>
      %dma_wait3A_375 = arith.constant 0 : i32
      %dma_wait3A_376 = tpu.memref_slice %arg6[%mul3A_369, %dma_wait3A_375] : memref<10000x128xf32, #tpu.memory_space<vmem_shared>> -> memref<80x128xf32, #tpu.memory_space<vmem_shared>>
      tpu.wait_dma2 semaphore(%arg12 : memref<!tpu.dma_semaphore, #tpu.memory_space<semaphore_mem>>) src(%dma_wait3A_376 : memref<80x128xf32, #tpu.memory_space<vmem_shared>>) dst(%dma_wait3A_374 : memref<80x128xf32, #tpu.memory_space<hbm>>)
    } else {
    }
    %add3A_340 = arith.constant 64 : i32
    %add3A_341 = arith.addi %arg1, %add3A_340 : i32
    %lt3A_342 = arith.constant 125 : i32
    %lt3A_343 = arith.cmpi slt, %add3A_341, %lt3A_342 : i32
    %convert_element_type3A_344 = arith.extui %lt3A_343 : i1 to i32
    %cond3A_345 = arith.constant 0 : i32
    %cond3A_346 = arith.cmpi ne, %convert_element_type3A_344, %cond3A_345 : i32
    scf.if %cond3A_346 {
      %mul3A_368 = arith.constant 80 : i32
      %mul3A_369 = arith.muli %add3A_341, %mul3A_368 : i32
      %mul3A_370 = arith.constant 80 : i32
      %mul3A_371 = arith.muli %add3A_341, %mul3A_370 : i32
      %dma_wait3A_372 = arith.constant 0 : i32
      %dma_wait3A_373 = tpu.memref_slice %arg5[%arg0, %mul3A_371, %dma_wait3A_372] : memref<2x10000x128xf32, #tpu.memory_space<hbm>> -> memref<1x80x128xf32, #tpu.memory_space<hbm>>
      %dma_wait3A_374 = tpu.memref_squeeze %dma_wait3A_373 : memref<1x80x128xf32, #tpu.memory_space<hbm>> -> memref<80x128xf32, #tpu.memory_space<hbm>>
      %dma_wait3A_375 = arith.constant 0 : i32
      %dma_wait3A_376 = tpu.memref_slice %arg6[%mul3A_369, %dma_wait3A_375] : memref<10000x128xf32, #tpu.memory_space<vmem_shared>> -> memref<80x128xf32, #tpu.memory_space<vmem_shared>>
      tpu.wait_dma2 semaphore(%arg12 : memref<!tpu.dma_semaphore, #tpu.memory_space<semaphore_mem>>) src(%dma_wait3A_376 : memref<80x128xf32, #tpu.memory_space<vmem_shared>>) dst(%dma_wait3A_374 : memref<80x128xf32, #tpu.memory_space<hbm>>)
    } else {
    }
    %add3A_347 = arith.constant 80 : i32
    %add3A_348 = arith.addi %arg1, %add3A_347 : i32
    %lt3A_349 = arith.constant 125 : i32
    %lt3A_350 = arith.cmpi slt, %add3A_348, %lt3A_349 : i32
    %convert_element_type3A_351 = arith.extui %lt3A_350 : i1 to i32
    %cond3A_352 = arith.constant 0 : i32
    %cond3A_353 = arith.cmpi ne, %convert_element_type3A_351, %cond3A_352 : i32
    scf.if %cond3A_353 {
      %mul3A_368 = arith.constant 80 : i32
      %mul3A_369 = arith.muli %add3A_348, %mul3A_368 : i32
      %mul3A_370 = arith.constant 80 : i32
      %mul3A_371 = arith.muli %add3A_348, %mul3A_370 : i32
      %dma_wait3A_372 = arith.constant 0 : i32
      %dma_wait3A_373 = tpu.memref_slice %arg5[%arg0, %mul3A_371, %dma_wait3A_372] : memref<2x10000x128xf32, #tpu.memory_space<hbm>> -> memref<1x80x128xf32, #tpu.memory_space<hbm>>
      %dma_wait3A_374 = tpu.memref_squeeze %dma_wait3A_373 : memref<1x80x128xf32, #tpu.memory_space<hbm>> -> memref<80x128xf32, #tpu.memory_space<hbm>>
      %dma_wait3A_375 = arith.constant 0 : i32
      %dma_wait3A_376 = tpu.memref_slice %arg6[%mul3A_369, %dma_wait3A_375] : memref<10000x128xf32, #tpu.memory_space<vmem_shared>> -> memref<80x128xf32, #tpu.memory_space<vmem_shared>>
      tpu.wait_dma2 semaphore(%arg12 : memref<!tpu.dma_semaphore, #tpu.memory_space<semaphore_mem>>) src(%dma_wait3A_376 : memref<80x128xf32, #tpu.memory_space<vmem_shared>>) dst(%dma_wait3A_374 : memref<80x128xf32, #tpu.memory_space<hbm>>)
    } else {
    }
    %add3A_354 = arith.constant 96 : i32
    %add3A_355 = arith.addi %arg1, %add3A_354 : i32
    %lt3A_356 = arith.constant 125 : i32
    %lt3A_357 = arith.cmpi slt, %add3A_355, %lt3A_356 : i32
    %convert_element_type3A_358 = arith.extui %lt3A_357 : i1 to i32
    %cond3A_359 = arith.constant 0 : i32
    %cond3A_360 = arith.cmpi ne, %convert_element_type3A_358, %cond3A_359 : i32
    scf.if %cond3A_360 {
      %mul3A_368 = arith.constant 80 : i32
      %mul3A_369 = arith.muli %add3A_355, %mul3A_368 : i32
      %mul3A_370 = arith.constant 80 : i32
      %mul3A_371 = arith.muli %add3A_355, %mul3A_370 : i32
      %dma_wait3A_372 = arith.constant 0 : i32
      %dma_wait3A_373 = tpu.memref_slice %arg5[%arg0, %mul3A_371, %dma_wait3A_372] : memref<2x10000x128xf32, #tpu.memory_space<hbm>> -> memref<1x80x128xf32, #tpu.memory_space<hbm>>
      %dma_wait3A_374 = tpu.memref_squeeze %dma_wait3A_373 : memref<1x80x128xf32, #tpu.memory_space<hbm>> -> memref<80x128xf32, #tpu.memory_space<hbm>>
      %dma_wait3A_375 = arith.constant 0 : i32
      %dma_wait3A_376 = tpu.memref_slice %arg6[%mul3A_369, %dma_wait3A_375] : memref<10000x128xf32, #tpu.memory_space<vmem_shared>> -> memref<80x128xf32, #tpu.memory_space<vmem_shared>>
      tpu.wait_dma2 semaphore(%arg12 : memref<!tpu.dma_semaphore, #tpu.memory_space<semaphore_mem>>) src(%dma_wait3A_376 : memref<80x128xf32, #tpu.memory_space<vmem_shared>>) dst(%dma_wait3A_374 : memref<80x128xf32, #tpu.memory_space<hbm>>)
    } else {
    }
    %add3A_361 = arith.constant 112 : i32
    %add3A_362 = arith.addi %arg1, %add3A_361 : i32
    %lt3A_363 = arith.constant 125 : i32
    %lt3A_364 = arith.cmpi slt, %add3A_362, %lt3A_363 : i32
    %convert_element_type3A_365 = arith.extui %lt3A_364 : i1 to i32
    %cond3A_366 = arith.constant 0 : i32
    %cond3A_367 = arith.cmpi ne, %convert_element_type3A_365, %cond3A_366 : i32
    scf.if %cond3A_367 {
      %mul3A_368 = arith.constant 80 : i32
      %mul3A_369 = arith.muli %add3A_362, %mul3A_368 : i32
      %mul3A_370 = arith.constant 80 : i32
      %mul3A_371 = arith.muli %add3A_362, %mul3A_370 : i32
      %dma_wait3A_372 = arith.constant 0 : i32
      %dma_wait3A_373 = tpu.memref_slice %arg5[%arg0, %mul3A_371, %dma_wait3A_372] : memref<2x10000x128xf32, #tpu.memory_space<hbm>> -> memref<1x80x128xf32, #tpu.memory_space<hbm>>
      %dma_wait3A_374 = tpu.memref_squeeze %dma_wait3A_373 : memref<1x80x128xf32, #tpu.memory_space<hbm>> -> memref<80x128xf32, #tpu.memory_space<hbm>>
      %dma_wait3A_375 = arith.constant 0 : i32
      %dma_wait3A_376 = tpu.memref_slice %arg6[%mul3A_369, %dma_wait3A_375] : memref<10000x128xf32, #tpu.memory_space<vmem_shared>> -> memref<80x128xf32, #tpu.memory_space<vmem_shared>>
      tpu.wait_dma2 semaphore(%arg12 : memref<!tpu.dma_semaphore, #tpu.memory_space<semaphore_mem>>) src(%dma_wait3A_376 : memref<80x128xf32, #tpu.memory_space<vmem_shared>>) dst(%dma_wait3A_374 : memref<80x128xf32, #tpu.memory_space<hbm>>)
    } else {
    }
    return
  }
}

#map = affine_map<(d0, d1) -> (0, 0)>
#map1 = affine_map<(d0, d1) -> (0)>
#map2 = affine_map<(d0, d1) -> (0, 0, 0)>
module attributes {stable_mosaic.version = 14 : i64} {
  func.func @sc_gcn_aggregate(%arg0: i32, %arg1: i32, %arg2: memref<10000x128xf32, #tpu.memory_space<hbm>>, %arg3: memref<320000xi32, #tpu.memory_space<hbm>>, %arg4: memref<320000xi32, #tpu.memory_space<hbm>>, %arg5: memref<2x10000x128xf32, #tpu.memory_space<hbm>>, %arg6: memref<10000x128xf32, #tpu.memory_space<vmem_shared>>, %arg7: memref<10000xi32, #tpu.memory_space<vmem>>, %arg8: memref<10000xi32, #tpu.memory_space<vmem>>, %arg9: memref<3x80x128xf32, #tpu.memory_space<vmem>>, %arg10: memref<3x!tpu.dma_semaphore, #tpu.memory_space<semaphore_mem>>, %arg11: memref<3x!tpu.dma_semaphore, #tpu.memory_space<semaphore_mem>>, %arg12: memref<!tpu.dma_semaphore, #tpu.memory_space<semaphore_mem>>) attributes {dimension_semantics = [#tpu.dimension_semantics<core_parallel>, #tpu.dimension_semantics<subcore_parallel>], iteration_bounds = array<i64: 2, 16>, scalar_prefetch = 0 : i64, scratch_operands = 7 : i64, tpu.core_type = #tpu.core_type<sc_vector_subcore>, window_params = [{transform_indices = #map}, {transform_indices = #map1}, {transform_indices = #map1}, {transform_indices = #map2}]} {
    %mul3A = arith.constant 2 : i32
    %mul3A_0 = arith.muli %arg1, %mul3A : i32
    %add3A = arith.addi %mul3A_0, %arg0 : i32
    %mul3A_1 = arith.constant 10000 : i32
    %mul3A_2 = arith.muli %add3A, %mul3A_1 : i32
    %multiple_of3A = tpu.assume_multiple %mul3A_2, 10000 : i32
    "tpu.region"() ({
      %run_scoped3A = tpu.sem_alloc : memref<!tpu.dma_semaphore, #tpu.memory_space<semaphore_mem>>
      %dma_start3A_368 = tpu.memref_slice %arg3[%multiple_of3A] : memref<320000xi32, #tpu.memory_space<hbm>> -> memref<10000xi32, #tpu.memory_space<hbm>>
      %dma_start3A_369 = tpu.memref_slice %arg3[%multiple_of3A] : memref<320000xi32, #tpu.memory_space<hbm>> -> memref<10000xi32, #tpu.memory_space<hbm>>
      tpu.enqueue_dma source(%dma_start3A_369 : memref<10000xi32, #tpu.memory_space<hbm>>) target(%arg7 : memref<10000xi32, #tpu.memory_space<vmem>>) target_semaphore(%run_scoped3A : memref<!tpu.dma_semaphore, #tpu.memory_space<semaphore_mem>>)
      %dma_wait3A_370 = tpu.memref_slice %arg3[%multiple_of3A] : memref<320000xi32, #tpu.memory_space<hbm>> -> memref<10000xi32, #tpu.memory_space<hbm>>
      %dma_wait3A_371 = tpu.memref_slice %arg3[%multiple_of3A] : memref<320000xi32, #tpu.memory_space<hbm>> -> memref<10000xi32, #tpu.memory_space<hbm>>
      tpu.wait_dma2 semaphore(%run_scoped3A : memref<!tpu.dma_semaphore, #tpu.memory_space<semaphore_mem>>) src(%dma_wait3A_371 : memref<10000xi32, #tpu.memory_space<hbm>>) dst(%arg7 : memref<10000xi32, #tpu.memory_space<vmem>>)
      tpu.yield
    }) : () -> ()
    "tpu.region"() ({
      %run_scoped3A = tpu.sem_alloc : memref<!tpu.dma_semaphore, #tpu.memory_space<semaphore_mem>>
      %dma_start3A_368 = tpu.memref_slice %arg4[%multiple_of3A] : memref<320000xi32, #tpu.memory_space<hbm>> -> memref<10000xi32, #tpu.memory_space<hbm>>
      %dma_start3A_369 = tpu.memref_slice %arg4[%multiple_of3A] : memref<320000xi32, #tpu.memory_space<hbm>> -> memref<10000xi32, #tpu.memory_space<hbm>>
      tpu.enqueue_dma source(%dma_start3A_369 : memref<10000xi32, #tpu.memory_space<hbm>>) target(%arg8 : memref<10000xi32, #tpu.memory_space<vmem>>) target_semaphore(%run_scoped3A : memref<!tpu.dma_semaphore, #tpu.memory_space<semaphore_mem>>)
      %dma_wait3A_370 = tpu.memref_slice %arg4[%multiple_of3A] : memref<320000xi32, #tpu.memory_space<hbm>> -> memref<10000xi32, #tpu.memory_space<hbm>>
      %dma_wait3A_371 = tpu.memref_slice %arg4[%multiple_of3A] : memref<320000xi32, #tpu.memory_space<hbm>> -> memref<10000xi32, #tpu.memory_space<hbm>>
      tpu.wait_dma2 semaphore(%run_scoped3A : memref<!tpu.dma_semaphore, #tpu.memory_space<semaphore_mem>>) src(%dma_wait3A_371 : memref<10000xi32, #tpu.memory_space<hbm>>) dst(%arg8 : memref<10000xi32, #tpu.memory_space<vmem>>)
      tpu.yield
    }) : () -> ()
    %multiple_of3A_3 = arith.constant 0 : i32
    %multiple_of3A_4 = tpu.assume_multiple %multiple_of3A_3, 80 : i32
    %dma_start3A = arith.constant 0 : i32
    %dma_start3A_5 = arith.constant 0 : i32
    %dma_start3A_6 = arith.constant 0 : i32
    %dma_start3A_7 = arith.constant 0 : i32
    %dma_start3A_8 = tpu.memref_slice %arg9[%dma_start3A, %dma_start3A_6, %dma_start3A_7] : memref<3x80x128xf32, #tpu.memory_space<vmem>> -> memref<1x80x128xf32, #tpu.memory_space<vmem>>
    %dma_start3A_9 = tpu.memref_squeeze %dma_start3A_8 : memref<1x80x128xf32, #tpu.memory_space<vmem>> -> memref<80x128xf32, #tpu.memory_space<vmem>>
    %dma_start3A_10 = tpu.memref_slice %arg7[%multiple_of3A_4] : memref<10000xi32, #tpu.memory_space<vmem>> -> memref<80xi32, #tpu.memory_space<vmem>>
    %dma_start3A_11 = arith.constant 0 : i32
    %dma_start3A_12 = arith.constant 0 : i32
    %dma_start3A_13 = tpu.memref_slice %arg2[%dma_start3A_11, %dma_start3A_12] : memref<10000x128xf32, #tpu.memory_space<hbm>> -> memref<10000x128xf32, #tpu.memory_space<hbm>>
    %dma_start3A_14 = tpu.memref_slice %arg10[%dma_start3A_5] : memref<3x!tpu.dma_semaphore, #tpu.memory_space<semaphore_mem>> -> memref<1x!tpu.dma_semaphore, #tpu.memory_space<semaphore_mem>>
    %dma_start3A_15 = tpu.memref_squeeze %dma_start3A_14 : memref<1x!tpu.dma_semaphore, #tpu.memory_space<semaphore_mem>> -> memref<!tpu.dma_semaphore, #tpu.memory_space<semaphore_mem>>
    tpu.enqueue_indirect_dma source(%dma_start3A_13 : memref<10000x128xf32, #tpu.memory_space<hbm>>) target(%dma_start3A_9 : memref<80x128xf32, #tpu.memory_space<vmem>>) offsets(%dma_start3A_10 : memref<80xi32, #tpu.memory_space<vmem>>) semaphore(%dma_start3A_15 : memref<!tpu.dma_semaphore, #tpu.memory_space<semaphore_mem>>)
    %multiple_of3A_16 = arith.constant 80 : i32
    %multiple_of3A_17 = tpu.assume_multiple %multiple_of3A_16, 80 : i32
    %dma_start3A_18 = arith.constant 1 : i32
    %dma_start3A_19 = arith.constant 1 : i32
    %dma_start3A_20 = arith.constant 0 : i32
    %dma_start3A_21 = arith.constant 0 : i32
    %dma_start3A_22 = tpu.memref_slice %arg9[%dma_start3A_18, %dma_start3A_20, %dma_start3A_21] : memref<3x80x128xf32, #tpu.memory_space<vmem>> -> memref<1x80x128xf32, #tpu.memory_space<vmem>>
    %dma_start3A_23 = tpu.memref_squeeze %dma_start3A_22 : memref<1x80x128xf32, #tpu.memory_space<vmem>> -> memref<80x128xf32, #tpu.memory_space<vmem>>
    %dma_start3A_24 = tpu.memref_slice %arg7[%multiple_of3A_17] : memref<10000xi32, #tpu.memory_space<vmem>> -> memref<80xi32, #tpu.memory_space<vmem>>
    %dma_start3A_25 = arith.constant 0 : i32
    %dma_start3A_26 = arith.constant 0 : i32
    %dma_start3A_27 = tpu.memref_slice %arg2[%dma_start3A_25, %dma_start3A_26] : memref<10000x128xf32, #tpu.memory_space<hbm>> -> memref<10000x128xf32, #tpu.memory_space<hbm>>
    %dma_start3A_28 = tpu.memref_slice %arg10[%dma_start3A_19] : memref<3x!tpu.dma_semaphore, #tpu.memory_space<semaphore_mem>> -> memref<1x!tpu.dma_semaphore, #tpu.memory_space<semaphore_mem>>
    %dma_start3A_29 = tpu.memref_squeeze %dma_start3A_28 : memref<1x!tpu.dma_semaphore, #tpu.memory_space<semaphore_mem>> -> memref<!tpu.dma_semaphore, #tpu.memory_space<semaphore_mem>>
    tpu.enqueue_indirect_dma source(%dma_start3A_27 : memref<10000x128xf32, #tpu.memory_space<hbm>>) target(%dma_start3A_23 : memref<80x128xf32, #tpu.memory_space<vmem>>) offsets(%dma_start3A_24 : memref<80xi32, #tpu.memory_space<vmem>>) semaphore(%dma_start3A_29 : memref<!tpu.dma_semaphore, #tpu.memory_space<semaphore_mem>>)
    %add3A_30 = arith.constant 0 : i32
    %add3A_31 = arith.addi %arg1, %add3A_30 : i32
    %lt3A = arith.constant 125 : i32
    %lt3A_32 = arith.cmpi slt, %add3A_31, %lt3A : i32
    %convert_element_type3A = arith.extui %lt3A_32 : i1 to i32
    %cond3A = arith.constant 0 : i32
    %cond3A_33 = arith.cmpi ne, %convert_element_type3A, %cond3A : i32
    scf.if %cond3A_33 {
      %mul3A_368 = arith.constant 80 : i32
      %mul3A_369 = arith.muli %add3A_31, %mul3A_368 : i32
      %mul3A_370 = arith.constant 80 : i32
      %mul3A_371 = arith.muli %add3A_31, %mul3A_370 : i32
      %dma_start3A_372 = arith.constant 0 : i32
      %dma_start3A_373 = tpu.memref_slice %arg6[%mul3A_371, %dma_start3A_372] : memref<10000x128xf32, #tpu.memory_space<vmem_shared>> -> memref<80x128xf32, #tpu.memory_space<vmem_shared>>
      %dma_start3A_374 = arith.constant 0 : i32
      %dma_start3A_375 = tpu.memref_slice %arg2[%mul3A_369, %dma_start3A_374] : memref<10000x128xf32, #tpu.memory_space<hbm>> -> memref<80x128xf32, #tpu.memory_space<hbm>>
      tpu.enqueue_dma source(%dma_start3A_375 : memref<80x128xf32, #tpu.memory_space<hbm>>) target(%dma_start3A_373 : memref<80x128xf32, #tpu.memory_space<vmem_shared>>) target_semaphore(%arg12 : memref<!tpu.dma_semaphore, #tpu.memory_space<semaphore_mem>>)
    } else {
    }
    %add3A_34 = arith.constant 16 : i32
    %add3A_35 = arith.addi %arg1, %add3A_34 : i32
    %lt3A_36 = arith.constant 125 : i32
    %lt3A_37 = arith.cmpi slt, %add3A_35, %lt3A_36 : i32
    %convert_element_type3A_38 = arith.extui %lt3A_37 : i1 to i32
    %cond3A_39 = arith.constant 0 : i32
    %cond3A_40 = arith.cmpi ne, %convert_element_type3A_38, %cond3A_39 : i32
    scf.if %cond3A_40 {
      %mul3A_368 = arith.constant 80 : i32
      %mul3A_369 = arith.muli %add3A_35, %mul3A_368 : i32
      %mul3A_370 = arith.constant 80 : i32
      %mul3A_371 = arith.muli %add3A_35, %mul3A_370 : i32
      %dma_start3A_372 = arith.constant 0 : i32
      %dma_start3A_373 = tpu.memref_slice %arg6[%mul3A_371, %dma_start3A_372] : memref<10000x128xf32, #tpu.memory_space<vmem_shared>> -> memref<80x128xf32, #tpu.memory_space<vmem_shared>>
      %dma_start3A_374 = arith.constant 0 : i32
      %dma_start3A_375 = tpu.memref_slice %arg2[%mul3A_369, %dma_start3A_374] : memref<10000x128xf32, #tpu.memory_space<hbm>> -> memref<80x128xf32, #tpu.memory_space<hbm>>
      tpu.enqueue_dma source(%dma_start3A_375 : memref<80x128xf32, #tpu.memory_space<hbm>>) target(%dma_start3A_373 : memref<80x128xf32, #tpu.memory_space<vmem_shared>>) target_semaphore(%arg12 : memref<!tpu.dma_semaphore, #tpu.memory_space<semaphore_mem>>)
    } else {
    }
    %add3A_41 = arith.constant 32 : i32
    %add3A_42 = arith.addi %arg1, %add3A_41 : i32
    %lt3A_43 = arith.constant 125 : i32
    %lt3A_44 = arith.cmpi slt, %add3A_42, %lt3A_43 : i32
    %convert_element_type3A_45 = arith.extui %lt3A_44 : i1 to i32
    %cond3A_46 = arith.constant 0 : i32
    %cond3A_47 = arith.cmpi ne, %convert_element_type3A_45, %cond3A_46 : i32
    scf.if %cond3A_47 {
      %mul3A_368 = arith.constant 80 : i32
      %mul3A_369 = arith.muli %add3A_42, %mul3A_368 : i32
      %mul3A_370 = arith.constant 80 : i32
      %mul3A_371 = arith.muli %add3A_42, %mul3A_370 : i32
      %dma_start3A_372 = arith.constant 0 : i32
      %dma_start3A_373 = tpu.memref_slice %arg6[%mul3A_371, %dma_start3A_372] : memref<10000x128xf32, #tpu.memory_space<vmem_shared>> -> memref<80x128xf32, #tpu.memory_space<vmem_shared>>
      %dma_start3A_374 = arith.constant 0 : i32
      %dma_start3A_375 = tpu.memref_slice %arg2[%mul3A_369, %dma_start3A_374] : memref<10000x128xf32, #tpu.memory_space<hbm>> -> memref<80x128xf32, #tpu.memory_space<hbm>>
      tpu.enqueue_dma source(%dma_start3A_375 : memref<80x128xf32, #tpu.memory_space<hbm>>) target(%dma_start3A_373 : memref<80x128xf32, #tpu.memory_space<vmem_shared>>) target_semaphore(%arg12 : memref<!tpu.dma_semaphore, #tpu.memory_space<semaphore_mem>>)
    } else {
    }
    %add3A_48 = arith.constant 48 : i32
    %add3A_49 = arith.addi %arg1, %add3A_48 : i32
    %lt3A_50 = arith.constant 125 : i32
    %lt3A_51 = arith.cmpi slt, %add3A_49, %lt3A_50 : i32
    %convert_element_type3A_52 = arith.extui %lt3A_51 : i1 to i32
    %cond3A_53 = arith.constant 0 : i32
    %cond3A_54 = arith.cmpi ne, %convert_element_type3A_52, %cond3A_53 : i32
    scf.if %cond3A_54 {
      %mul3A_368 = arith.constant 80 : i32
      %mul3A_369 = arith.muli %add3A_49, %mul3A_368 : i32
      %mul3A_370 = arith.constant 80 : i32
      %mul3A_371 = arith.muli %add3A_49, %mul3A_370 : i32
      %dma_start3A_372 = arith.constant 0 : i32
      %dma_start3A_373 = tpu.memref_slice %arg6[%mul3A_371, %dma_start3A_372] : memref<10000x128xf32, #tpu.memory_space<vmem_shared>> -> memref<80x128xf32, #tpu.memory_space<vmem_shared>>
      %dma_start3A_374 = arith.constant 0 : i32
      %dma_start3A_375 = tpu.memref_slice %arg2[%mul3A_369, %dma_start3A_374] : memref<10000x128xf32, #tpu.memory_space<hbm>> -> memref<80x128xf32, #tpu.memory_space<hbm>>
      tpu.enqueue_dma source(%dma_start3A_375 : memref<80x128xf32, #tpu.memory_space<hbm>>) target(%dma_start3A_373 : memref<80x128xf32, #tpu.memory_space<vmem_shared>>) target_semaphore(%arg12 : memref<!tpu.dma_semaphore, #tpu.memory_space<semaphore_mem>>)
    } else {
    }
    %add3A_55 = arith.constant 64 : i32
    %add3A_56 = arith.addi %arg1, %add3A_55 : i32
    %lt3A_57 = arith.constant 125 : i32
    %lt3A_58 = arith.cmpi slt, %add3A_56, %lt3A_57 : i32
    %convert_element_type3A_59 = arith.extui %lt3A_58 : i1 to i32
    %cond3A_60 = arith.constant 0 : i32
    %cond3A_61 = arith.cmpi ne, %convert_element_type3A_59, %cond3A_60 : i32
    scf.if %cond3A_61 {
      %mul3A_368 = arith.constant 80 : i32
      %mul3A_369 = arith.muli %add3A_56, %mul3A_368 : i32
      %mul3A_370 = arith.constant 80 : i32
      %mul3A_371 = arith.muli %add3A_56, %mul3A_370 : i32
      %dma_start3A_372 = arith.constant 0 : i32
      %dma_start3A_373 = tpu.memref_slice %arg6[%mul3A_371, %dma_start3A_372] : memref<10000x128xf32, #tpu.memory_space<vmem_shared>> -> memref<80x128xf32, #tpu.memory_space<vmem_shared>>
      %dma_start3A_374 = arith.constant 0 : i32
      %dma_start3A_375 = tpu.memref_slice %arg2[%mul3A_369, %dma_start3A_374] : memref<10000x128xf32, #tpu.memory_space<hbm>> -> memref<80x128xf32, #tpu.memory_space<hbm>>
      tpu.enqueue_dma source(%dma_start3A_375 : memref<80x128xf32, #tpu.memory_space<hbm>>) target(%dma_start3A_373 : memref<80x128xf32, #tpu.memory_space<vmem_shared>>) target_semaphore(%arg12 : memref<!tpu.dma_semaphore, #tpu.memory_space<semaphore_mem>>)
    } else {
    }
    %add3A_62 = arith.constant 80 : i32
    %add3A_63 = arith.addi %arg1, %add3A_62 : i32
    %lt3A_64 = arith.constant 125 : i32
    %lt3A_65 = arith.cmpi slt, %add3A_63, %lt3A_64 : i32
    %convert_element_type3A_66 = arith.extui %lt3A_65 : i1 to i32
    %cond3A_67 = arith.constant 0 : i32
    %cond3A_68 = arith.cmpi ne, %convert_element_type3A_66, %cond3A_67 : i32
    scf.if %cond3A_68 {
      %mul3A_368 = arith.constant 80 : i32
      %mul3A_369 = arith.muli %add3A_63, %mul3A_368 : i32
      %mul3A_370 = arith.constant 80 : i32
      %mul3A_371 = arith.muli %add3A_63, %mul3A_370 : i32
      %dma_start3A_372 = arith.constant 0 : i32
      %dma_start3A_373 = tpu.memref_slice %arg6[%mul3A_371, %dma_start3A_372] : memref<10000x128xf32, #tpu.memory_space<vmem_shared>> -> memref<80x128xf32, #tpu.memory_space<vmem_shared>>
      %dma_start3A_374 = arith.constant 0 : i32
      %dma_start3A_375 = tpu.memref_slice %arg2[%mul3A_369, %dma_start3A_374] : memref<10000x128xf32, #tpu.memory_space<hbm>> -> memref<80x128xf32, #tpu.memory_space<hbm>>
      tpu.enqueue_dma source(%dma_start3A_375 : memref<80x128xf32, #tpu.memory_space<hbm>>) target(%dma_start3A_373 : memref<80x128xf32, #tpu.memory_space<vmem_shared>>) target_semaphore(%arg12 : memref<!tpu.dma_semaphore, #tpu.memory_space<semaphore_mem>>)
    } else {
    }
    %add3A_69 = arith.constant 96 : i32
    %add3A_70 = arith.addi %arg1, %add3A_69 : i32
    %lt3A_71 = arith.constant 125 : i32
    %lt3A_72 = arith.cmpi slt, %add3A_70, %lt3A_71 : i32
    %convert_element_type3A_73 = arith.extui %lt3A_72 : i1 to i32
    %cond3A_74 = arith.constant 0 : i32
    %cond3A_75 = arith.cmpi ne, %convert_element_type3A_73, %cond3A_74 : i32
    scf.if %cond3A_75 {
      %mul3A_368 = arith.constant 80 : i32
      %mul3A_369 = arith.muli %add3A_70, %mul3A_368 : i32
      %mul3A_370 = arith.constant 80 : i32
      %mul3A_371 = arith.muli %add3A_70, %mul3A_370 : i32
      %dma_start3A_372 = arith.constant 0 : i32
      %dma_start3A_373 = tpu.memref_slice %arg6[%mul3A_371, %dma_start3A_372] : memref<10000x128xf32, #tpu.memory_space<vmem_shared>> -> memref<80x128xf32, #tpu.memory_space<vmem_shared>>
      %dma_start3A_374 = arith.constant 0 : i32
      %dma_start3A_375 = tpu.memref_slice %arg2[%mul3A_369, %dma_start3A_374] : memref<10000x128xf32, #tpu.memory_space<hbm>> -> memref<80x128xf32, #tpu.memory_space<hbm>>
      tpu.enqueue_dma source(%dma_start3A_375 : memref<80x128xf32, #tpu.memory_space<hbm>>) target(%dma_start3A_373 : memref<80x128xf32, #tpu.memory_space<vmem_shared>>) target_semaphore(%arg12 : memref<!tpu.dma_semaphore, #tpu.memory_space<semaphore_mem>>)
    } else {
    }
    %add3A_76 = arith.constant 112 : i32
    %add3A_77 = arith.addi %arg1, %add3A_76 : i32
    %lt3A_78 = arith.constant 125 : i32
    %lt3A_79 = arith.cmpi slt, %add3A_77, %lt3A_78 : i32
    %convert_element_type3A_80 = arith.extui %lt3A_79 : i1 to i32
    %cond3A_81 = arith.constant 0 : i32
    %cond3A_82 = arith.cmpi ne, %convert_element_type3A_80, %cond3A_81 : i32
    scf.if %cond3A_82 {
      %mul3A_368 = arith.constant 80 : i32
      %mul3A_369 = arith.muli %add3A_77, %mul3A_368 : i32
      %mul3A_370 = arith.constant 80 : i32
      %mul3A_371 = arith.muli %add3A_77, %mul3A_370 : i32
      %dma_start3A_372 = arith.constant 0 : i32
      %dma_start3A_373 = tpu.memref_slice %arg6[%mul3A_371, %dma_start3A_372] : memref<10000x128xf32, #tpu.memory_space<vmem_shared>> -> memref<80x128xf32, #tpu.memory_space<vmem_shared>>
      %dma_start3A_374 = arith.constant 0 : i32
      %dma_start3A_375 = tpu.memref_slice %arg2[%mul3A_369, %dma_start3A_374] : memref<10000x128xf32, #tpu.memory_space<hbm>> -> memref<80x128xf32, #tpu.memory_space<hbm>>
      tpu.enqueue_dma source(%dma_start3A_375 : memref<80x128xf32, #tpu.memory_space<hbm>>) target(%dma_start3A_373 : memref<80x128xf32, #tpu.memory_space<vmem_shared>>) target_semaphore(%arg12 : memref<!tpu.dma_semaphore, #tpu.memory_space<semaphore_mem>>)
    } else {
    }
    %add3A_83 = arith.constant 0 : i32
    %add3A_84 = arith.addi %arg1, %add3A_83 : i32
    %lt3A_85 = arith.constant 125 : i32
    %lt3A_86 = arith.cmpi slt, %add3A_84, %lt3A_85 : i32
    %convert_element_type3A_87 = arith.extui %lt3A_86 : i1 to i32
    %cond3A_88 = arith.constant 0 : i32
    %cond3A_89 = arith.cmpi ne, %convert_element_type3A_87, %cond3A_88 : i32
    scf.if %cond3A_89 {
      %mul3A_368 = arith.constant 80 : i32
      %mul3A_369 = arith.muli %add3A_84, %mul3A_368 : i32
      %mul3A_370 = arith.constant 80 : i32
      %mul3A_371 = arith.muli %add3A_84, %mul3A_370 : i32
      %dma_wait3A_372 = arith.constant 0 : i32
      %dma_wait3A_373 = tpu.memref_slice %arg6[%mul3A_371, %dma_wait3A_372] : memref<10000x128xf32, #tpu.memory_space<vmem_shared>> -> memref<80x128xf32, #tpu.memory_space<vmem_shared>>
      %dma_wait3A_374 = arith.constant 0 : i32
      %dma_wait3A_375 = tpu.memref_slice %arg2[%mul3A_369, %dma_wait3A_374] : memref<10000x128xf32, #tpu.memory_space<hbm>> -> memref<80x128xf32, #tpu.memory_space<hbm>>
      tpu.wait_dma2 semaphore(%arg12 : memref<!tpu.dma_semaphore, #tpu.memory_space<semaphore_mem>>) src(%dma_wait3A_375 : memref<80x128xf32, #tpu.memory_space<hbm>>) dst(%dma_wait3A_373 : memref<80x128xf32, #tpu.memory_space<vmem_shared>>)
    } else {
    }
    %add3A_90 = arith.constant 16 : i32
    %add3A_91 = arith.addi %arg1, %add3A_90 : i32
    %lt3A_92 = arith.constant 125 : i32
    %lt3A_93 = arith.cmpi slt, %add3A_91, %lt3A_92 : i32
    %convert_element_type3A_94 = arith.extui %lt3A_93 : i1 to i32
    %cond3A_95 = arith.constant 0 : i32
    %cond3A_96 = arith.cmpi ne, %convert_element_type3A_94, %cond3A_95 : i32
    scf.if %cond3A_96 {
      %mul3A_368 = arith.constant 80 : i32
      %mul3A_369 = arith.muli %add3A_91, %mul3A_368 : i32
      %mul3A_370 = arith.constant 80 : i32
      %mul3A_371 = arith.muli %add3A_91, %mul3A_370 : i32
      %dma_wait3A_372 = arith.constant 0 : i32
      %dma_wait3A_373 = tpu.memref_slice %arg6[%mul3A_371, %dma_wait3A_372] : memref<10000x128xf32, #tpu.memory_space<vmem_shared>> -> memref<80x128xf32, #tpu.memory_space<vmem_shared>>
      %dma_wait3A_374 = arith.constant 0 : i32
      %dma_wait3A_375 = tpu.memref_slice %arg2[%mul3A_369, %dma_wait3A_374] : memref<10000x128xf32, #tpu.memory_space<hbm>> -> memref<80x128xf32, #tpu.memory_space<hbm>>
      tpu.wait_dma2 semaphore(%arg12 : memref<!tpu.dma_semaphore, #tpu.memory_space<semaphore_mem>>) src(%dma_wait3A_375 : memref<80x128xf32, #tpu.memory_space<hbm>>) dst(%dma_wait3A_373 : memref<80x128xf32, #tpu.memory_space<vmem_shared>>)
    } else {
    }
    %add3A_97 = arith.constant 32 : i32
    %add3A_98 = arith.addi %arg1, %add3A_97 : i32
    %lt3A_99 = arith.constant 125 : i32
    %lt3A_100 = arith.cmpi slt, %add3A_98, %lt3A_99 : i32
    %convert_element_type3A_101 = arith.extui %lt3A_100 : i1 to i32
    %cond3A_102 = arith.constant 0 : i32
    %cond3A_103 = arith.cmpi ne, %convert_element_type3A_101, %cond3A_102 : i32
    scf.if %cond3A_103 {
      %mul3A_368 = arith.constant 80 : i32
      %mul3A_369 = arith.muli %add3A_98, %mul3A_368 : i32
      %mul3A_370 = arith.constant 80 : i32
      %mul3A_371 = arith.muli %add3A_98, %mul3A_370 : i32
      %dma_wait3A_372 = arith.constant 0 : i32
      %dma_wait3A_373 = tpu.memref_slice %arg6[%mul3A_371, %dma_wait3A_372] : memref<10000x128xf32, #tpu.memory_space<vmem_shared>> -> memref<80x128xf32, #tpu.memory_space<vmem_shared>>
      %dma_wait3A_374 = arith.constant 0 : i32
      %dma_wait3A_375 = tpu.memref_slice %arg2[%mul3A_369, %dma_wait3A_374] : memref<10000x128xf32, #tpu.memory_space<hbm>> -> memref<80x128xf32, #tpu.memory_space<hbm>>
      tpu.wait_dma2 semaphore(%arg12 : memref<!tpu.dma_semaphore, #tpu.memory_space<semaphore_mem>>) src(%dma_wait3A_375 : memref<80x128xf32, #tpu.memory_space<hbm>>) dst(%dma_wait3A_373 : memref<80x128xf32, #tpu.memory_space<vmem_shared>>)
    } else {
    }
    %add3A_104 = arith.constant 48 : i32
    %add3A_105 = arith.addi %arg1, %add3A_104 : i32
    %lt3A_106 = arith.constant 125 : i32
    %lt3A_107 = arith.cmpi slt, %add3A_105, %lt3A_106 : i32
    %convert_element_type3A_108 = arith.extui %lt3A_107 : i1 to i32
    %cond3A_109 = arith.constant 0 : i32
    %cond3A_110 = arith.cmpi ne, %convert_element_type3A_108, %cond3A_109 : i32
    scf.if %cond3A_110 {
      %mul3A_368 = arith.constant 80 : i32
      %mul3A_369 = arith.muli %add3A_105, %mul3A_368 : i32
      %mul3A_370 = arith.constant 80 : i32
      %mul3A_371 = arith.muli %add3A_105, %mul3A_370 : i32
      %dma_wait3A_372 = arith.constant 0 : i32
      %dma_wait3A_373 = tpu.memref_slice %arg6[%mul3A_371, %dma_wait3A_372] : memref<10000x128xf32, #tpu.memory_space<vmem_shared>> -> memref<80x128xf32, #tpu.memory_space<vmem_shared>>
      %dma_wait3A_374 = arith.constant 0 : i32
      %dma_wait3A_375 = tpu.memref_slice %arg2[%mul3A_369, %dma_wait3A_374] : memref<10000x128xf32, #tpu.memory_space<hbm>> -> memref<80x128xf32, #tpu.memory_space<hbm>>
      tpu.wait_dma2 semaphore(%arg12 : memref<!tpu.dma_semaphore, #tpu.memory_space<semaphore_mem>>) src(%dma_wait3A_375 : memref<80x128xf32, #tpu.memory_space<hbm>>) dst(%dma_wait3A_373 : memref<80x128xf32, #tpu.memory_space<vmem_shared>>)
    } else {
    }
    %add3A_111 = arith.constant 64 : i32
    %add3A_112 = arith.addi %arg1, %add3A_111 : i32
    %lt3A_113 = arith.constant 125 : i32
    %lt3A_114 = arith.cmpi slt, %add3A_112, %lt3A_113 : i32
    %convert_element_type3A_115 = arith.extui %lt3A_114 : i1 to i32
    %cond3A_116 = arith.constant 0 : i32
    %cond3A_117 = arith.cmpi ne, %convert_element_type3A_115, %cond3A_116 : i32
    scf.if %cond3A_117 {
      %mul3A_368 = arith.constant 80 : i32
      %mul3A_369 = arith.muli %add3A_112, %mul3A_368 : i32
      %mul3A_370 = arith.constant 80 : i32
      %mul3A_371 = arith.muli %add3A_112, %mul3A_370 : i32
      %dma_wait3A_372 = arith.constant 0 : i32
      %dma_wait3A_373 = tpu.memref_slice %arg6[%mul3A_371, %dma_wait3A_372] : memref<10000x128xf32, #tpu.memory_space<vmem_shared>> -> memref<80x128xf32, #tpu.memory_space<vmem_shared>>
      %dma_wait3A_374 = arith.constant 0 : i32
      %dma_wait3A_375 = tpu.memref_slice %arg2[%mul3A_369, %dma_wait3A_374] : memref<10000x128xf32, #tpu.memory_space<hbm>> -> memref<80x128xf32, #tpu.memory_space<hbm>>
      tpu.wait_dma2 semaphore(%arg12 : memref<!tpu.dma_semaphore, #tpu.memory_space<semaphore_mem>>) src(%dma_wait3A_375 : memref<80x128xf32, #tpu.memory_space<hbm>>) dst(%dma_wait3A_373 : memref<80x128xf32, #tpu.memory_space<vmem_shared>>)
    } else {
    }
    %add3A_118 = arith.constant 80 : i32
    %add3A_119 = arith.addi %arg1, %add3A_118 : i32
    %lt3A_120 = arith.constant 125 : i32
    %lt3A_121 = arith.cmpi slt, %add3A_119, %lt3A_120 : i32
    %convert_element_type3A_122 = arith.extui %lt3A_121 : i1 to i32
    %cond3A_123 = arith.constant 0 : i32
    %cond3A_124 = arith.cmpi ne, %convert_element_type3A_122, %cond3A_123 : i32
    scf.if %cond3A_124 {
      %mul3A_368 = arith.constant 80 : i32
      %mul3A_369 = arith.muli %add3A_119, %mul3A_368 : i32
      %mul3A_370 = arith.constant 80 : i32
      %mul3A_371 = arith.muli %add3A_119, %mul3A_370 : i32
      %dma_wait3A_372 = arith.constant 0 : i32
      %dma_wait3A_373 = tpu.memref_slice %arg6[%mul3A_371, %dma_wait3A_372] : memref<10000x128xf32, #tpu.memory_space<vmem_shared>> -> memref<80x128xf32, #tpu.memory_space<vmem_shared>>
      %dma_wait3A_374 = arith.constant 0 : i32
      %dma_wait3A_375 = tpu.memref_slice %arg2[%mul3A_369, %dma_wait3A_374] : memref<10000x128xf32, #tpu.memory_space<hbm>> -> memref<80x128xf32, #tpu.memory_space<hbm>>
      tpu.wait_dma2 semaphore(%arg12 : memref<!tpu.dma_semaphore, #tpu.memory_space<semaphore_mem>>) src(%dma_wait3A_375 : memref<80x128xf32, #tpu.memory_space<hbm>>) dst(%dma_wait3A_373 : memref<80x128xf32, #tpu.memory_space<vmem_shared>>)
    } else {
    }
    %add3A_125 = arith.constant 96 : i32
    %add3A_126 = arith.addi %arg1, %add3A_125 : i32
    %lt3A_127 = arith.constant 125 : i32
    %lt3A_128 = arith.cmpi slt, %add3A_126, %lt3A_127 : i32
    %convert_element_type3A_129 = arith.extui %lt3A_128 : i1 to i32
    %cond3A_130 = arith.constant 0 : i32
    %cond3A_131 = arith.cmpi ne, %convert_element_type3A_129, %cond3A_130 : i32
    scf.if %cond3A_131 {
      %mul3A_368 = arith.constant 80 : i32
      %mul3A_369 = arith.muli %add3A_126, %mul3A_368 : i32
      %mul3A_370 = arith.constant 80 : i32
      %mul3A_371 = arith.muli %add3A_126, %mul3A_370 : i32
      %dma_wait3A_372 = arith.constant 0 : i32
      %dma_wait3A_373 = tpu.memref_slice %arg6[%mul3A_371, %dma_wait3A_372] : memref<10000x128xf32, #tpu.memory_space<vmem_shared>> -> memref<80x128xf32, #tpu.memory_space<vmem_shared>>
      %dma_wait3A_374 = arith.constant 0 : i32
      %dma_wait3A_375 = tpu.memref_slice %arg2[%mul3A_369, %dma_wait3A_374] : memref<10000x128xf32, #tpu.memory_space<hbm>> -> memref<80x128xf32, #tpu.memory_space<hbm>>
      tpu.wait_dma2 semaphore(%arg12 : memref<!tpu.dma_semaphore, #tpu.memory_space<semaphore_mem>>) src(%dma_wait3A_375 : memref<80x128xf32, #tpu.memory_space<hbm>>) dst(%dma_wait3A_373 : memref<80x128xf32, #tpu.memory_space<vmem_shared>>)
    } else {
    }
    %add3A_132 = arith.constant 112 : i32
    %add3A_133 = arith.addi %arg1, %add3A_132 : i32
    %lt3A_134 = arith.constant 125 : i32
    %lt3A_135 = arith.cmpi slt, %add3A_133, %lt3A_134 : i32
    %convert_element_type3A_136 = arith.extui %lt3A_135 : i1 to i32
    %cond3A_137 = arith.constant 0 : i32
    %cond3A_138 = arith.cmpi ne, %convert_element_type3A_136, %cond3A_137 : i32
    scf.if %cond3A_138 {
      %mul3A_368 = arith.constant 80 : i32
      %mul3A_369 = arith.muli %add3A_133, %mul3A_368 : i32
      %mul3A_370 = arith.constant 80 : i32
      %mul3A_371 = arith.muli %add3A_133, %mul3A_370 : i32
      %dma_wait3A_372 = arith.constant 0 : i32
      %dma_wait3A_373 = tpu.memref_slice %arg6[%mul3A_371, %dma_wait3A_372] : memref<10000x128xf32, #tpu.memory_space<vmem_shared>> -> memref<80x128xf32, #tpu.memory_space<vmem_shared>>
      %dma_wait3A_374 = arith.constant 0 : i32
      %dma_wait3A_375 = tpu.memref_slice %arg2[%mul3A_369, %dma_wait3A_374] : memref<10000x128xf32, #tpu.memory_space<hbm>> -> memref<80x128xf32, #tpu.memory_space<hbm>>
      tpu.wait_dma2 semaphore(%arg12 : memref<!tpu.dma_semaphore, #tpu.memory_space<semaphore_mem>>) src(%dma_wait3A_375 : memref<80x128xf32, #tpu.memory_space<hbm>>) dst(%dma_wait3A_373 : memref<80x128xf32, #tpu.memory_space<vmem_shared>>)
    } else {
    }
    %barrier3A = arith.constant 0 : index
    tpu.barrier barrier_id(%barrier3A)
    %multiple_of3A_139 = arith.constant 0 : i32
    %multiple_of3A_140 = tpu.assume_multiple %multiple_of3A_139, 80 : i32
    %dma_wait3A = arith.constant 0 : i32
    %dma_wait3A_141 = arith.constant 0 : i32
    %dma_wait3A_142 = arith.constant 0 : i32
    %dma_wait3A_143 = arith.constant 0 : i32
    %dma_wait3A_144 = tpu.memref_slice %arg9[%dma_wait3A, %dma_wait3A_142, %dma_wait3A_143] : memref<3x80x128xf32, #tpu.memory_space<vmem>> -> memref<1x80x128xf32, #tpu.memory_space<vmem>>
    %dma_wait3A_145 = tpu.memref_squeeze %dma_wait3A_144 : memref<1x80x128xf32, #tpu.memory_space<vmem>> -> memref<80x128xf32, #tpu.memory_space<vmem>>
    %dma_wait3A_146 = tpu.memref_slice %arg7[%multiple_of3A_140] : memref<10000xi32, #tpu.memory_space<vmem>> -> memref<80xi32, #tpu.memory_space<vmem>>
    %dma_wait3A_147 = arith.constant 0 : i32
    %dma_wait3A_148 = arith.constant 0 : i32
    %dma_wait3A_149 = tpu.memref_slice %arg2[%dma_wait3A_147, %dma_wait3A_148] : memref<10000x128xf32, #tpu.memory_space<hbm>> -> memref<10000x128xf32, #tpu.memory_space<hbm>>
    %dma_wait3A_150 = tpu.memref_slice %arg10[%dma_wait3A_141] : memref<3x!tpu.dma_semaphore, #tpu.memory_space<semaphore_mem>> -> memref<1x!tpu.dma_semaphore, #tpu.memory_space<semaphore_mem>>
    %dma_wait3A_151 = tpu.memref_squeeze %dma_wait3A_150 : memref<1x!tpu.dma_semaphore, #tpu.memory_space<semaphore_mem>> -> memref<!tpu.dma_semaphore, #tpu.memory_space<semaphore_mem>>
    tpu.wait_indirect_dma semaphore(%dma_wait3A_151 : memref<!tpu.dma_semaphore, #tpu.memory_space<semaphore_mem>>) src(%dma_wait3A_149 : memref<10000x128xf32, #tpu.memory_space<hbm>>) dst(%dma_wait3A_145 : memref<80x128xf32, #tpu.memory_space<vmem>>)
    %multiple_of3A_152 = arith.constant 0 : i32
    %multiple_of3A_153 = tpu.assume_multiple %multiple_of3A_152, 80 : i32
    %dma_start3A_154 = arith.constant 0 : i32
    %dma_start3A_155 = arith.constant 0 : i32
    %dma_start3A_156 = arith.constant 0 : i32
    %dma_start3A_157 = arith.constant 0 : i32
    %dma_start3A_158 = tpu.memref_slice %arg9[%dma_start3A_154, %dma_start3A_156, %dma_start3A_157] : memref<3x80x128xf32, #tpu.memory_space<vmem>> -> memref<1x80x128xf32, #tpu.memory_space<vmem>>
    %dma_start3A_159 = tpu.memref_squeeze %dma_start3A_158 : memref<1x80x128xf32, #tpu.memory_space<vmem>> -> memref<80x128xf32, #tpu.memory_space<vmem>>
    %dma_start3A_160 = tpu.memref_slice %arg8[%multiple_of3A_153] : memref<10000xi32, #tpu.memory_space<vmem>> -> memref<80xi32, #tpu.memory_space<vmem>>
    %dma_start3A_161 = arith.constant 0 : i32
    %dma_start3A_162 = arith.constant 0 : i32
    %dma_start3A_163 = tpu.memref_slice %arg6[%dma_start3A_161, %dma_start3A_162] : memref<10000x128xf32, #tpu.memory_space<vmem_shared>> -> memref<10000x128xf32, #tpu.memory_space<vmem_shared>>
    %dma_start3A_164 = tpu.memref_slice %arg11[%dma_start3A_155] : memref<3x!tpu.dma_semaphore, #tpu.memory_space<semaphore_mem>> -> memref<1x!tpu.dma_semaphore, #tpu.memory_space<semaphore_mem>>
    %dma_start3A_165 = tpu.memref_squeeze %dma_start3A_164 : memref<1x!tpu.dma_semaphore, #tpu.memory_space<semaphore_mem>> -> memref<!tpu.dma_semaphore, #tpu.memory_space<semaphore_mem>>
    tpu.enqueue_indirect_dma source(%dma_start3A_159 : memref<80x128xf32, #tpu.memory_space<vmem>>) target(%dma_start3A_163 : memref<10000x128xf32, #tpu.memory_space<vmem_shared>>) offsets(%dma_start3A_160 : memref<80xi32, #tpu.memory_space<vmem>>) semaphore(%dma_start3A_165 : memref<!tpu.dma_semaphore, #tpu.memory_space<semaphore_mem>>) {add = true}
    %multiple_of3A_166 = arith.constant 160 : i32
    %multiple_of3A_167 = tpu.assume_multiple %multiple_of3A_166, 80 : i32
    %dma_start3A_168 = arith.constant 2 : i32
    %dma_start3A_169 = arith.constant 2 : i32
    %dma_start3A_170 = arith.constant 0 : i32
    %dma_start3A_171 = arith.constant 0 : i32
    %dma_start3A_172 = tpu.memref_slice %arg9[%dma_start3A_168, %dma_start3A_170, %dma_start3A_171] : memref<3x80x128xf32, #tpu.memory_space<vmem>> -> memref<1x80x128xf32, #tpu.memory_space<vmem>>
    %dma_start3A_173 = tpu.memref_squeeze %dma_start3A_172 : memref<1x80x128xf32, #tpu.memory_space<vmem>> -> memref<80x128xf32, #tpu.memory_space<vmem>>
    %dma_start3A_174 = tpu.memref_slice %arg7[%multiple_of3A_167] : memref<10000xi32, #tpu.memory_space<vmem>> -> memref<80xi32, #tpu.memory_space<vmem>>
    %dma_start3A_175 = arith.constant 0 : i32
    %dma_start3A_176 = arith.constant 0 : i32
    %dma_start3A_177 = tpu.memref_slice %arg2[%dma_start3A_175, %dma_start3A_176] : memref<10000x128xf32, #tpu.memory_space<hbm>> -> memref<10000x128xf32, #tpu.memory_space<hbm>>
    %dma_start3A_178 = tpu.memref_slice %arg10[%dma_start3A_169] : memref<3x!tpu.dma_semaphore, #tpu.memory_space<semaphore_mem>> -> memref<1x!tpu.dma_semaphore, #tpu.memory_space<semaphore_mem>>
    %dma_start3A_179 = tpu.memref_squeeze %dma_start3A_178 : memref<1x!tpu.dma_semaphore, #tpu.memory_space<semaphore_mem>> -> memref<!tpu.dma_semaphore, #tpu.memory_space<semaphore_mem>>
    tpu.enqueue_indirect_dma source(%dma_start3A_177 : memref<10000x128xf32, #tpu.memory_space<hbm>>) target(%dma_start3A_173 : memref<80x128xf32, #tpu.memory_space<vmem>>) offsets(%dma_start3A_174 : memref<80xi32, #tpu.memory_space<vmem>>) semaphore(%dma_start3A_179 : memref<!tpu.dma_semaphore, #tpu.memory_space<semaphore_mem>>)
    %multiple_of3A_180 = arith.constant 80 : i32
    %multiple_of3A_181 = tpu.assume_multiple %multiple_of3A_180, 80 : i32
    %dma_wait3A_182 = arith.constant 1 : i32
    %dma_wait3A_183 = arith.constant 1 : i32
    %dma_wait3A_184 = arith.constant 0 : i32
    %dma_wait3A_185 = arith.constant 0 : i32
    %dma_wait3A_186 = tpu.memref_slice %arg9[%dma_wait3A_182, %dma_wait3A_184, %dma_wait3A_185] : memref<3x80x128xf32, #tpu.memory_space<vmem>> -> memref<1x80x128xf32, #tpu.memory_space<vmem>>
    %dma_wait3A_187 = tpu.memref_squeeze %dma_wait3A_186 : memref<1x80x128xf32, #tpu.memory_space<vmem>> -> memref<80x128xf32, #tpu.memory_space<vmem>>
    %dma_wait3A_188 = tpu.memref_slice %arg7[%multiple_of3A_181] : memref<10000xi32, #tpu.memory_space<vmem>> -> memref<80xi32, #tpu.memory_space<vmem>>
    %dma_wait3A_189 = arith.constant 0 : i32
    %dma_wait3A_190 = arith.constant 0 : i32
    %dma_wait3A_191 = tpu.memref_slice %arg2[%dma_wait3A_189, %dma_wait3A_190] : memref<10000x128xf32, #tpu.memory_space<hbm>> -> memref<10000x128xf32, #tpu.memory_space<hbm>>
    %dma_wait3A_192 = tpu.memref_slice %arg10[%dma_wait3A_183] : memref<3x!tpu.dma_semaphore, #tpu.memory_space<semaphore_mem>> -> memref<1x!tpu.dma_semaphore, #tpu.memory_space<semaphore_mem>>
    %dma_wait3A_193 = tpu.memref_squeeze %dma_wait3A_192 : memref<1x!tpu.dma_semaphore, #tpu.memory_space<semaphore_mem>> -> memref<!tpu.dma_semaphore, #tpu.memory_space<semaphore_mem>>
    tpu.wait_indirect_dma semaphore(%dma_wait3A_193 : memref<!tpu.dma_semaphore, #tpu.memory_space<semaphore_mem>>) src(%dma_wait3A_191 : memref<10000x128xf32, #tpu.memory_space<hbm>>) dst(%dma_wait3A_187 : memref<80x128xf32, #tpu.memory_space<vmem>>)
    %multiple_of3A_194 = arith.constant 80 : i32
    %multiple_of3A_195 = tpu.assume_multiple %multiple_of3A_194, 80 : i32
    %dma_start3A_196 = arith.constant 1 : i32
    %dma_start3A_197 = arith.constant 1 : i32
    %dma_start3A_198 = arith.constant 0 : i32
    %dma_start3A_199 = arith.constant 0 : i32
    %dma_start3A_200 = tpu.memref_slice %arg9[%dma_start3A_196, %dma_start3A_198, %dma_start3A_199] : memref<3x80x128xf32, #tpu.memory_space<vmem>> -> memref<1x80x128xf32, #tpu.memory_space<vmem>>
    %dma_start3A_201 = tpu.memref_squeeze %dma_start3A_200 : memref<1x80x128xf32, #tpu.memory_space<vmem>> -> memref<80x128xf32, #tpu.memory_space<vmem>>
    %dma_start3A_202 = tpu.memref_slice %arg8[%multiple_of3A_195] : memref<10000xi32, #tpu.memory_space<vmem>> -> memref<80xi32, #tpu.memory_space<vmem>>
    %dma_start3A_203 = arith.constant 0 : i32
    %dma_start3A_204 = arith.constant 0 : i32
    %dma_start3A_205 = tpu.memref_slice %arg6[%dma_start3A_203, %dma_start3A_204] : memref<10000x128xf32, #tpu.memory_space<vmem_shared>> -> memref<10000x128xf32, #tpu.memory_space<vmem_shared>>
    %dma_start3A_206 = tpu.memref_slice %arg11[%dma_start3A_197] : memref<3x!tpu.dma_semaphore, #tpu.memory_space<semaphore_mem>> -> memref<1x!tpu.dma_semaphore, #tpu.memory_space<semaphore_mem>>
    %dma_start3A_207 = tpu.memref_squeeze %dma_start3A_206 : memref<1x!tpu.dma_semaphore, #tpu.memory_space<semaphore_mem>> -> memref<!tpu.dma_semaphore, #tpu.memory_space<semaphore_mem>>
    tpu.enqueue_indirect_dma source(%dma_start3A_201 : memref<80x128xf32, #tpu.memory_space<vmem>>) target(%dma_start3A_205 : memref<10000x128xf32, #tpu.memory_space<vmem_shared>>) offsets(%dma_start3A_202 : memref<80xi32, #tpu.memory_space<vmem>>) semaphore(%dma_start3A_207 : memref<!tpu.dma_semaphore, #tpu.memory_space<semaphore_mem>>) {add = true}
    %multiple_of3A_208 = arith.constant 0 : i32
    %multiple_of3A_209 = tpu.assume_multiple %multiple_of3A_208, 80 : i32
    %dma_wait3A_210 = arith.constant 0 : i32
    %dma_wait3A_211 = arith.constant 0 : i32
    %dma_wait3A_212 = arith.constant 0 : i32
    %dma_wait3A_213 = arith.constant 0 : i32
    %dma_wait3A_214 = tpu.memref_slice %arg9[%dma_wait3A_210, %dma_wait3A_212, %dma_wait3A_213] : memref<3x80x128xf32, #tpu.memory_space<vmem>> -> memref<1x80x128xf32, #tpu.memory_space<vmem>>
    %dma_wait3A_215 = tpu.memref_squeeze %dma_wait3A_214 : memref<1x80x128xf32, #tpu.memory_space<vmem>> -> memref<80x128xf32, #tpu.memory_space<vmem>>
    %dma_wait3A_216 = tpu.memref_slice %arg8[%multiple_of3A_209] : memref<10000xi32, #tpu.memory_space<vmem>> -> memref<80xi32, #tpu.memory_space<vmem>>
    %dma_wait3A_217 = arith.constant 0 : i32
    %dma_wait3A_218 = arith.constant 0 : i32
    %dma_wait3A_219 = tpu.memref_slice %arg6[%dma_wait3A_217, %dma_wait3A_218] : memref<10000x128xf32, #tpu.memory_space<vmem_shared>> -> memref<10000x128xf32, #tpu.memory_space<vmem_shared>>
    %dma_wait3A_220 = tpu.memref_slice %arg11[%dma_wait3A_211] : memref<3x!tpu.dma_semaphore, #tpu.memory_space<semaphore_mem>> -> memref<1x!tpu.dma_semaphore, #tpu.memory_space<semaphore_mem>>
    %dma_wait3A_221 = tpu.memref_squeeze %dma_wait3A_220 : memref<1x!tpu.dma_semaphore, #tpu.memory_space<semaphore_mem>> -> memref<!tpu.dma_semaphore, #tpu.memory_space<semaphore_mem>>
    tpu.wait_indirect_dma semaphore(%dma_wait3A_221 : memref<!tpu.dma_semaphore, #tpu.memory_space<semaphore_mem>>) src(%dma_wait3A_215 : memref<80x128xf32, #tpu.memory_space<vmem>>) dst(%dma_wait3A_219 : memref<10000x128xf32, #tpu.memory_space<vmem_shared>>)
    %multiple_of3A_222 = arith.constant 240 : i32
    %multiple_of3A_223 = tpu.assume_multiple %multiple_of3A_222, 80 : i32
    %dma_start3A_224 = arith.constant 0 : i32
    %dma_start3A_225 = arith.constant 0 : i32
    %dma_start3A_226 = arith.constant 0 : i32
    %dma_start3A_227 = arith.constant 0 : i32
    %dma_start3A_228 = tpu.memref_slice %arg9[%dma_start3A_224, %dma_start3A_226, %dma_start3A_227] : memref<3x80x128xf32, #tpu.memory_space<vmem>> -> memref<1x80x128xf32, #tpu.memory_space<vmem>>
    %dma_start3A_229 = tpu.memref_squeeze %dma_start3A_228 : memref<1x80x128xf32, #tpu.memory_space<vmem>> -> memref<80x128xf32, #tpu.memory_space<vmem>>
    %dma_start3A_230 = tpu.memref_slice %arg7[%multiple_of3A_223] : memref<10000xi32, #tpu.memory_space<vmem>> -> memref<80xi32, #tpu.memory_space<vmem>>
    %dma_start3A_231 = arith.constant 0 : i32
    %dma_start3A_232 = arith.constant 0 : i32
    %dma_start3A_233 = tpu.memref_slice %arg2[%dma_start3A_231, %dma_start3A_232] : memref<10000x128xf32, #tpu.memory_space<hbm>> -> memref<10000x128xf32, #tpu.memory_space<hbm>>
    %dma_start3A_234 = tpu.memref_slice %arg10[%dma_start3A_225] : memref<3x!tpu.dma_semaphore, #tpu.memory_space<semaphore_mem>> -> memref<1x!tpu.dma_semaphore, #tpu.memory_space<semaphore_mem>>
    %dma_start3A_235 = tpu.memref_squeeze %dma_start3A_234 : memref<1x!tpu.dma_semaphore, #tpu.memory_space<semaphore_mem>> -> memref<!tpu.dma_semaphore, #tpu.memory_space<semaphore_mem>>
    tpu.enqueue_indirect_dma source(%dma_start3A_233 : memref<10000x128xf32, #tpu.memory_space<hbm>>) target(%dma_start3A_229 : memref<80x128xf32, #tpu.memory_space<vmem>>) offsets(%dma_start3A_230 : memref<80xi32, #tpu.memory_space<vmem>>) semaphore(%dma_start3A_235 : memref<!tpu.dma_semaphore, #tpu.memory_space<semaphore_mem>>)
    %scan3A = arith.constant 0 : i32
    %scan3A_236 = arith.constant 0 : i32
    %scan3A_237 = arith.constant 41 : i32
    %scan3A_238 = arith.addi %scan3A_236, %scan3A_237 : i32
    %scan3A_239 = arith.constant 1 : i32
    scf.for %scan3A_368 = %scan3A_236 to %scan3A_238 step %scan3A_239  : i32 {
      %mul3A_369 = arith.constant 3 : i32
      %mul3A_370 = arith.muli %mul3A_369, %scan3A_368 : i32
      %add3A_371 = arith.constant 2 : i32
      %add3A_372 = arith.addi %mul3A_370, %add3A_371 : i32
      %add3A_373 = arith.constant 0 : i32
      %add3A_374 = arith.addi %add3A_372, %add3A_373 : i32
      %mul3A_375 = arith.constant 80 : i32
      %mul3A_376 = arith.muli %add3A_374, %mul3A_375 : i32
      %multiple_of3A_377 = tpu.assume_multiple %mul3A_376, 80 : i32
      %dma_wait3A_378 = arith.constant 2 : i32
      %dma_wait3A_379 = arith.constant 2 : i32
      %dma_wait3A_380 = arith.constant 0 : i32
      %dma_wait3A_381 = arith.constant 0 : i32
      %dma_wait3A_382 = tpu.memref_slice %arg9[%dma_wait3A_378, %dma_wait3A_380, %dma_wait3A_381] : memref<3x80x128xf32, #tpu.memory_space<vmem>> -> memref<1x80x128xf32, #tpu.memory_space<vmem>>
      %dma_wait3A_383 = tpu.memref_squeeze %dma_wait3A_382 : memref<1x80x128xf32, #tpu.memory_space<vmem>> -> memref<80x128xf32, #tpu.memory_space<vmem>>
      %dma_wait3A_384 = tpu.memref_slice %arg7[%multiple_of3A_377] : memref<10000xi32, #tpu.memory_space<vmem>> -> memref<80xi32, #tpu.memory_space<vmem>>
      %dma_wait3A_385 = arith.constant 0 : i32
      %dma_wait3A_386 = arith.constant 0 : i32
      %dma_wait3A_387 = tpu.memref_slice %arg2[%dma_wait3A_385, %dma_wait3A_386] : memref<10000x128xf32, #tpu.memory_space<hbm>> -> memref<10000x128xf32, #tpu.memory_space<hbm>>
      %dma_wait3A_388 = tpu.memref_slice %arg10[%dma_wait3A_379] : memref<3x!tpu.dma_semaphore, #tpu.memory_space<semaphore_mem>> -> memref<1x!tpu.dma_semaphore, #tpu.memory_space<semaphore_mem>>
      %dma_wait3A_389 = tpu.memref_squeeze %dma_wait3A_388 : memref<1x!tpu.dma_semaphore, #tpu.memory_space<semaphore_mem>> -> memref<!tpu.dma_semaphore, #tpu.memory_space<semaphore_mem>>
      tpu.wait_indirect_dma semaphore(%dma_wait3A_389 : memref<!tpu.dma_semaphore, #tpu.memory_space<semaphore_mem>>) src(%dma_wait3A_387 : memref<10000x128xf32, #tpu.memory_space<hbm>>) dst(%dma_wait3A_383 : memref<80x128xf32, #tpu.memory_space<vmem>>)
      %mul3A_390 = arith.constant 80 : i32
      %mul3A_391 = arith.muli %add3A_374, %mul3A_390 : i32
      %multiple_of3A_392 = tpu.assume_multiple %mul3A_391, 80 : i32
      %dma_start3A_393 = arith.constant 2 : i32
      %dma_start3A_394 = arith.constant 2 : i32
      %dma_start3A_395 = arith.constant 0 : i32
      %dma_start3A_396 = arith.constant 0 : i32
      %dma_start3A_397 = tpu.memref_slice %arg9[%dma_start3A_393, %dma_start3A_395, %dma_start3A_396] : memref<3x80x128xf32, #tpu.memory_space<vmem>> -> memref<1x80x128xf32, #tpu.memory_space<vmem>>
      %dma_start3A_398 = tpu.memref_squeeze %dma_start3A_397 : memref<1x80x128xf32, #tpu.memory_space<vmem>> -> memref<80x128xf32, #tpu.memory_space<vmem>>
      %dma_start3A_399 = tpu.memref_slice %arg8[%multiple_of3A_392] : memref<10000xi32, #tpu.memory_space<vmem>> -> memref<80xi32, #tpu.memory_space<vmem>>
      %dma_start3A_400 = arith.constant 0 : i32
      %dma_start3A_401 = arith.constant 0 : i32
      %dma_start3A_402 = tpu.memref_slice %arg6[%dma_start3A_400, %dma_start3A_401] : memref<10000x128xf32, #tpu.memory_space<vmem_shared>> -> memref<10000x128xf32, #tpu.memory_space<vmem_shared>>
      %dma_start3A_403 = tpu.memref_slice %arg11[%dma_start3A_394] : memref<3x!tpu.dma_semaphore, #tpu.memory_space<semaphore_mem>> -> memref<1x!tpu.dma_semaphore, #tpu.memory_space<semaphore_mem>>
      %dma_start3A_404 = tpu.memref_squeeze %dma_start3A_403 : memref<1x!tpu.dma_semaphore, #tpu.memory_space<semaphore_mem>> -> memref<!tpu.dma_semaphore, #tpu.memory_space<semaphore_mem>>
      tpu.enqueue_indirect_dma source(%dma_start3A_398 : memref<80x128xf32, #tpu.memory_space<vmem>>) target(%dma_start3A_402 : memref<10000x128xf32, #tpu.memory_space<vmem_shared>>) offsets(%dma_start3A_399 : memref<80xi32, #tpu.memory_space<vmem>>) semaphore(%dma_start3A_404 : memref<!tpu.dma_semaphore, #tpu.memory_space<semaphore_mem>>) {add = true}
      %sub3A = arith.constant 1 : i32
      %sub3A_405 = arith.subi %add3A_374, %sub3A : i32
      %mul3A_406 = arith.constant 80 : i32
      %mul3A_407 = arith.muli %sub3A_405, %mul3A_406 : i32
      %multiple_of3A_408 = tpu.assume_multiple %mul3A_407, 80 : i32
      %dma_wait3A_409 = arith.constant 1 : i32
      %dma_wait3A_410 = arith.constant 1 : i32
      %dma_wait3A_411 = arith.constant 0 : i32
      %dma_wait3A_412 = arith.constant 0 : i32
      %dma_wait3A_413 = tpu.memref_slice %arg9[%dma_wait3A_409, %dma_wait3A_411, %dma_wait3A_412] : memref<3x80x128xf32, #tpu.memory_space<vmem>> -> memref<1x80x128xf32, #tpu.memory_space<vmem>>
      %dma_wait3A_414 = tpu.memref_squeeze %dma_wait3A_413 : memref<1x80x128xf32, #tpu.memory_space<vmem>> -> memref<80x128xf32, #tpu.memory_space<vmem>>
      %dma_wait3A_415 = tpu.memref_slice %arg8[%multiple_of3A_408] : memref<10000xi32, #tpu.memory_space<vmem>> -> memref<80xi32, #tpu.memory_space<vmem>>
      %dma_wait3A_416 = arith.constant 0 : i32
      %dma_wait3A_417 = arith.constant 0 : i32
      %dma_wait3A_418 = tpu.memref_slice %arg6[%dma_wait3A_416, %dma_wait3A_417] : memref<10000x128xf32, #tpu.memory_space<vmem_shared>> -> memref<10000x128xf32, #tpu.memory_space<vmem_shared>>
      %dma_wait3A_419 = tpu.memref_slice %arg11[%dma_wait3A_410] : memref<3x!tpu.dma_semaphore, #tpu.memory_space<semaphore_mem>> -> memref<1x!tpu.dma_semaphore, #tpu.memory_space<semaphore_mem>>
      %dma_wait3A_420 = tpu.memref_squeeze %dma_wait3A_419 : memref<1x!tpu.dma_semaphore, #tpu.memory_space<semaphore_mem>> -> memref<!tpu.dma_semaphore, #tpu.memory_space<semaphore_mem>>
      tpu.wait_indirect_dma semaphore(%dma_wait3A_420 : memref<!tpu.dma_semaphore, #tpu.memory_space<semaphore_mem>>) src(%dma_wait3A_414 : memref<80x128xf32, #tpu.memory_space<vmem>>) dst(%dma_wait3A_418 : memref<10000x128xf32, #tpu.memory_space<vmem_shared>>)
      %add3A_421 = arith.constant 2 : i32
      %add3A_422 = arith.addi %add3A_374, %add3A_421 : i32
      %lt3A_423 = arith.constant 125 : i32
      %lt3A_424 = arith.cmpi slt, %add3A_422, %lt3A_423 : i32
      %convert_element_type3A_425 = arith.extui %lt3A_424 : i1 to i32
      %cond3A_426 = arith.constant 0 : i32
      %cond3A_427 = arith.cmpi ne, %convert_element_type3A_425, %cond3A_426 : i32
      scf.if %cond3A_427 {
        %add3A_540 = arith.constant 2 : i32
        %add3A_541 = arith.addi %add3A_374, %add3A_540 : i32
        %mul3A_542 = arith.constant 80 : i32
        %mul3A_543 = arith.muli %add3A_541, %mul3A_542 : i32
        %multiple_of3A_544 = tpu.assume_multiple %mul3A_543, 80 : i32
        %dma_start3A_545 = arith.constant 1 : i32
        %dma_start3A_546 = arith.constant 1 : i32
        %dma_start3A_547 = arith.constant 0 : i32
        %dma_start3A_548 = arith.constant 0 : i32
        %dma_start3A_549 = tpu.memref_slice %arg9[%dma_start3A_545, %dma_start3A_547, %dma_start3A_548] : memref<3x80x128xf32, #tpu.memory_space<vmem>> -> memref<1x80x128xf32, #tpu.memory_space<vmem>>
        %dma_start3A_550 = tpu.memref_squeeze %dma_start3A_549 : memref<1x80x128xf32, #tpu.memory_space<vmem>> -> memref<80x128xf32, #tpu.memory_space<vmem>>
        %dma_start3A_551 = tpu.memref_slice %arg7[%multiple_of3A_544] : memref<10000xi32, #tpu.memory_space<vmem>> -> memref<80xi32, #tpu.memory_space<vmem>>
        %dma_start3A_552 = arith.constant 0 : i32
        %dma_start3A_553 = arith.constant 0 : i32
        %dma_start3A_554 = tpu.memref_slice %arg2[%dma_start3A_552, %dma_start3A_553] : memref<10000x128xf32, #tpu.memory_space<hbm>> -> memref<10000x128xf32, #tpu.memory_space<hbm>>
        %dma_start3A_555 = tpu.memref_slice %arg10[%dma_start3A_546] : memref<3x!tpu.dma_semaphore, #tpu.memory_space<semaphore_mem>> -> memref<1x!tpu.dma_semaphore, #tpu.memory_space<semaphore_mem>>
        %dma_start3A_556 = tpu.memref_squeeze %dma_start3A_555 : memref<1x!tpu.dma_semaphore, #tpu.memory_space<semaphore_mem>> -> memref<!tpu.dma_semaphore, #tpu.memory_space<semaphore_mem>>
        tpu.enqueue_indirect_dma source(%dma_start3A_554 : memref<10000x128xf32, #tpu.memory_space<hbm>>) target(%dma_start3A_550 : memref<80x128xf32, #tpu.memory_space<vmem>>) offsets(%dma_start3A_551 : memref<80xi32, #tpu.memory_space<vmem>>) semaphore(%dma_start3A_556 : memref<!tpu.dma_semaphore, #tpu.memory_space<semaphore_mem>>)
      } else {
      }
      %add3A_428 = arith.constant 1 : i32
      %add3A_429 = arith.addi %add3A_372, %add3A_428 : i32
      %mul3A_430 = arith.constant 80 : i32
      %mul3A_431 = arith.muli %add3A_429, %mul3A_430 : i32
      %multiple_of3A_432 = tpu.assume_multiple %mul3A_431, 80 : i32
      %dma_wait3A_433 = arith.constant 0 : i32
      %dma_wait3A_434 = arith.constant 0 : i32
      %dma_wait3A_435 = arith.constant 0 : i32
      %dma_wait3A_436 = arith.constant 0 : i32
      %dma_wait3A_437 = tpu.memref_slice %arg9[%dma_wait3A_433, %dma_wait3A_435, %dma_wait3A_436] : memref<3x80x128xf32, #tpu.memory_space<vmem>> -> memref<1x80x128xf32, #tpu.memory_space<vmem>>
      %dma_wait3A_438 = tpu.memref_squeeze %dma_wait3A_437 : memref<1x80x128xf32, #tpu.memory_space<vmem>> -> memref<80x128xf32, #tpu.memory_space<vmem>>
      %dma_wait3A_439 = tpu.memref_slice %arg7[%multiple_of3A_432] : memref<10000xi32, #tpu.memory_space<vmem>> -> memref<80xi32, #tpu.memory_space<vmem>>
      %dma_wait3A_440 = arith.constant 0 : i32
      %dma_wait3A_441 = arith.constant 0 : i32
      %dma_wait3A_442 = tpu.memref_slice %arg2[%dma_wait3A_440, %dma_wait3A_441] : memref<10000x128xf32, #tpu.memory_space<hbm>> -> memref<10000x128xf32, #tpu.memory_space<hbm>>
      %dma_wait3A_443 = tpu.memref_slice %arg10[%dma_wait3A_434] : memref<3x!tpu.dma_semaphore, #tpu.memory_space<semaphore_mem>> -> memref<1x!tpu.dma_semaphore, #tpu.memory_space<semaphore_mem>>
      %dma_wait3A_444 = tpu.memref_squeeze %dma_wait3A_443 : memref<1x!tpu.dma_semaphore, #tpu.memory_space<semaphore_mem>> -> memref<!tpu.dma_semaphore, #tpu.memory_space<semaphore_mem>>
      tpu.wait_indirect_dma semaphore(%dma_wait3A_444 : memref<!tpu.dma_semaphore, #tpu.memory_space<semaphore_mem>>) src(%dma_wait3A_442 : memref<10000x128xf32, #tpu.memory_space<hbm>>) dst(%dma_wait3A_438 : memref<80x128xf32, #tpu.memory_space<vmem>>)
      %mul3A_445 = arith.constant 80 : i32
      %mul3A_446 = arith.muli %add3A_429, %mul3A_445 : i32
      %multiple_of3A_447 = tpu.assume_multiple %mul3A_446, 80 : i32
      %dma_start3A_448 = arith.constant 0 : i32
      %dma_start3A_449 = arith.constant 0 : i32
      %dma_start3A_450 = arith.constant 0 : i32
      %dma_start3A_451 = arith.constant 0 : i32
      %dma_start3A_452 = tpu.memref_slice %arg9[%dma_start3A_448, %dma_start3A_450, %dma_start3A_451] : memref<3x80x128xf32, #tpu.memory_space<vmem>> -> memref<1x80x128xf32, #tpu.memory_space<vmem>>
      %dma_start3A_453 = tpu.memref_squeeze %dma_start3A_452 : memref<1x80x128xf32, #tpu.memory_space<vmem>> -> memref<80x128xf32, #tpu.memory_space<vmem>>
      %dma_start3A_454 = tpu.memref_slice %arg8[%multiple_of3A_447] : memref<10000xi32, #tpu.memory_space<vmem>> -> memref<80xi32, #tpu.memory_space<vmem>>
      %dma_start3A_455 = arith.constant 0 : i32
      %dma_start3A_456 = arith.constant 0 : i32
      %dma_start3A_457 = tpu.memref_slice %arg6[%dma_start3A_455, %dma_start3A_456] : memref<10000x128xf32, #tpu.memory_space<vmem_shared>> -> memref<10000x128xf32, #tpu.memory_space<vmem_shared>>
      %dma_start3A_458 = tpu.memref_slice %arg11[%dma_start3A_449] : memref<3x!tpu.dma_semaphore, #tpu.memory_space<semaphore_mem>> -> memref<1x!tpu.dma_semaphore, #tpu.memory_space<semaphore_mem>>
      %dma_start3A_459 = tpu.memref_squeeze %dma_start3A_458 : memref<1x!tpu.dma_semaphore, #tpu.memory_space<semaphore_mem>> -> memref<!tpu.dma_semaphore, #tpu.memory_space<semaphore_mem>>
      tpu.enqueue_indirect_dma source(%dma_start3A_453 : memref<80x128xf32, #tpu.memory_space<vmem>>) target(%dma_start3A_457 : memref<10000x128xf32, #tpu.memory_space<vmem_shared>>) offsets(%dma_start3A_454 : memref<80xi32, #tpu.memory_space<vmem>>) semaphore(%dma_start3A_459 : memref<!tpu.dma_semaphore, #tpu.memory_space<semaphore_mem>>) {add = true}
      %sub3A_460 = arith.constant 1 : i32
      %sub3A_461 = arith.subi %add3A_429, %sub3A_460 : i32
      %mul3A_462 = arith.constant 80 : i32
      %mul3A_463 = arith.muli %sub3A_461, %mul3A_462 : i32
      %multiple_of3A_464 = tpu.assume_multiple %mul3A_463, 80 : i32
      %dma_wait3A_465 = arith.constant 2 : i32
      %dma_wait3A_466 = arith.constant 2 : i32
      %dma_wait3A_467 = arith.constant 0 : i32
      %dma_wait3A_468 = arith.constant 0 : i32
      %dma_wait3A_469 = tpu.memref_slice %arg9[%dma_wait3A_465, %dma_wait3A_467, %dma_wait3A_468] : memref<3x80x128xf32, #tpu.memory_space<vmem>> -> memref<1x80x128xf32, #tpu.memory_space<vmem>>
      %dma_wait3A_470 = tpu.memref_squeeze %dma_wait3A_469 : memref<1x80x128xf32, #tpu.memory_space<vmem>> -> memref<80x128xf32, #tpu.memory_space<vmem>>
      %dma_wait3A_471 = tpu.memref_slice %arg8[%multiple_of3A_464] : memref<10000xi32, #tpu.memory_space<vmem>> -> memref<80xi32, #tpu.memory_space<vmem>>
      %dma_wait3A_472 = arith.constant 0 : i32
      %dma_wait3A_473 = arith.constant 0 : i32
      %dma_wait3A_474 = tpu.memref_slice %arg6[%dma_wait3A_472, %dma_wait3A_473] : memref<10000x128xf32, #tpu.memory_space<vmem_shared>> -> memref<10000x128xf32, #tpu.memory_space<vmem_shared>>
      %dma_wait3A_475 = tpu.memref_slice %arg11[%dma_wait3A_466] : memref<3x!tpu.dma_semaphore, #tpu.memory_space<semaphore_mem>> -> memref<1x!tpu.dma_semaphore, #tpu.memory_space<semaphore_mem>>
      %dma_wait3A_476 = tpu.memref_squeeze %dma_wait3A_475 : memref<1x!tpu.dma_semaphore, #tpu.memory_space<semaphore_mem>> -> memref<!tpu.dma_semaphore, #tpu.memory_space<semaphore_mem>>
      tpu.wait_indirect_dma semaphore(%dma_wait3A_476 : memref<!tpu.dma_semaphore, #tpu.memory_space<semaphore_mem>>) src(%dma_wait3A_470 : memref<80x128xf32, #tpu.memory_space<vmem>>) dst(%dma_wait3A_474 : memref<10000x128xf32, #tpu.memory_space<vmem_shared>>)
      %add3A_477 = arith.constant 2 : i32
      %add3A_478 = arith.addi %add3A_429, %add3A_477 : i32
      %lt3A_479 = arith.constant 125 : i32
      %lt3A_480 = arith.cmpi slt, %add3A_478, %lt3A_479 : i32
      %convert_element_type3A_481 = arith.extui %lt3A_480 : i1 to i32
      %cond3A_482 = arith.constant 0 : i32
      %cond3A_483 = arith.cmpi ne, %convert_element_type3A_481, %cond3A_482 : i32
      scf.if %cond3A_483 {
        %add3A_540 = arith.constant 2 : i32
        %add3A_541 = arith.addi %add3A_429, %add3A_540 : i32
        %mul3A_542 = arith.constant 80 : i32
        %mul3A_543 = arith.muli %add3A_541, %mul3A_542 : i32
        %multiple_of3A_544 = tpu.assume_multiple %mul3A_543, 80 : i32
        %dma_start3A_545 = arith.constant 2 : i32
        %dma_start3A_546 = arith.constant 2 : i32
        %dma_start3A_547 = arith.constant 0 : i32
        %dma_start3A_548 = arith.constant 0 : i32
        %dma_start3A_549 = tpu.memref_slice %arg9[%dma_start3A_545, %dma_start3A_547, %dma_start3A_548] : memref<3x80x128xf32, #tpu.memory_space<vmem>> -> memref<1x80x128xf32, #tpu.memory_space<vmem>>
        %dma_start3A_550 = tpu.memref_squeeze %dma_start3A_549 : memref<1x80x128xf32, #tpu.memory_space<vmem>> -> memref<80x128xf32, #tpu.memory_space<vmem>>
        %dma_start3A_551 = tpu.memref_slice %arg7[%multiple_of3A_544] : memref<10000xi32, #tpu.memory_space<vmem>> -> memref<80xi32, #tpu.memory_space<vmem>>
        %dma_start3A_552 = arith.constant 0 : i32
        %dma_start3A_553 = arith.constant 0 : i32
        %dma_start3A_554 = tpu.memref_slice %arg2[%dma_start3A_552, %dma_start3A_553] : memref<10000x128xf32, #tpu.memory_space<hbm>> -> memref<10000x128xf32, #tpu.memory_space<hbm>>
        %dma_start3A_555 = tpu.memref_slice %arg10[%dma_start3A_546] : memref<3x!tpu.dma_semaphore, #tpu.memory_space<semaphore_mem>> -> memref<1x!tpu.dma_semaphore, #tpu.memory_space<semaphore_mem>>
        %dma_start3A_556 = tpu.memref_squeeze %dma_start3A_555 : memref<1x!tpu.dma_semaphore, #tpu.memory_space<semaphore_mem>> -> memref<!tpu.dma_semaphore, #tpu.memory_space<semaphore_mem>>
        tpu.enqueue_indirect_dma source(%dma_start3A_554 : memref<10000x128xf32, #tpu.memory_space<hbm>>) target(%dma_start3A_550 : memref<80x128xf32, #tpu.memory_space<vmem>>) offsets(%dma_start3A_551 : memref<80xi32, #tpu.memory_space<vmem>>) semaphore(%dma_start3A_556 : memref<!tpu.dma_semaphore, #tpu.memory_space<semaphore_mem>>)
      } else {
      }
      %add3A_484 = arith.constant 2 : i32
      %add3A_485 = arith.addi %add3A_372, %add3A_484 : i32
      %mul3A_486 = arith.constant 80 : i32
      %mul3A_487 = arith.muli %add3A_485, %mul3A_486 : i32
      %multiple_of3A_488 = tpu.assume_multiple %mul3A_487, 80 : i32
      %dma_wait3A_489 = arith.constant 1 : i32
      %dma_wait3A_490 = arith.constant 1 : i32
      %dma_wait3A_491 = arith.constant 0 : i32
      %dma_wait3A_492 = arith.constant 0 : i32
      %dma_wait3A_493 = tpu.memref_slice %arg9[%dma_wait3A_489, %dma_wait3A_491, %dma_wait3A_492] : memref<3x80x128xf32, #tpu.memory_space<vmem>> -> memref<1x80x128xf32, #tpu.memory_space<vmem>>
      %dma_wait3A_494 = tpu.memref_squeeze %dma_wait3A_493 : memref<1x80x128xf32, #tpu.memory_space<vmem>> -> memref<80x128xf32, #tpu.memory_space<vmem>>
      %dma_wait3A_495 = tpu.memref_slice %arg7[%multiple_of3A_488] : memref<10000xi32, #tpu.memory_space<vmem>> -> memref<80xi32, #tpu.memory_space<vmem>>
      %dma_wait3A_496 = arith.constant 0 : i32
      %dma_wait3A_497 = arith.constant 0 : i32
      %dma_wait3A_498 = tpu.memref_slice %arg2[%dma_wait3A_496, %dma_wait3A_497] : memref<10000x128xf32, #tpu.memory_space<hbm>> -> memref<10000x128xf32, #tpu.memory_space<hbm>>
      %dma_wait3A_499 = tpu.memref_slice %arg10[%dma_wait3A_490] : memref<3x!tpu.dma_semaphore, #tpu.memory_space<semaphore_mem>> -> memref<1x!tpu.dma_semaphore, #tpu.memory_space<semaphore_mem>>
      %dma_wait3A_500 = tpu.memref_squeeze %dma_wait3A_499 : memref<1x!tpu.dma_semaphore, #tpu.memory_space<semaphore_mem>> -> memref<!tpu.dma_semaphore, #tpu.memory_space<semaphore_mem>>
      tpu.wait_indirect_dma semaphore(%dma_wait3A_500 : memref<!tpu.dma_semaphore, #tpu.memory_space<semaphore_mem>>) src(%dma_wait3A_498 : memref<10000x128xf32, #tpu.memory_space<hbm>>) dst(%dma_wait3A_494 : memref<80x128xf32, #tpu.memory_space<vmem>>)
      %mul3A_501 = arith.constant 80 : i32
      %mul3A_502 = arith.muli %add3A_485, %mul3A_501 : i32
      %multiple_of3A_503 = tpu.assume_multiple %mul3A_502, 80 : i32
      %dma_start3A_504 = arith.constant 1 : i32
      %dma_start3A_505 = arith.constant 1 : i32
      %dma_start3A_506 = arith.constant 0 : i32
      %dma_start3A_507 = arith.constant 0 : i32
      %dma_start3A_508 = tpu.memref_slice %arg9[%dma_start3A_504, %dma_start3A_506, %dma_start3A_507] : memref<3x80x128xf32, #tpu.memory_space<vmem>> -> memref<1x80x128xf32, #tpu.memory_space<vmem>>
      %dma_start3A_509 = tpu.memref_squeeze %dma_start3A_508 : memref<1x80x128xf32, #tpu.memory_space<vmem>> -> memref<80x128xf32, #tpu.memory_space<vmem>>
      %dma_start3A_510 = tpu.memref_slice %arg8[%multiple_of3A_503] : memref<10000xi32, #tpu.memory_space<vmem>> -> memref<80xi32, #tpu.memory_space<vmem>>
      %dma_start3A_511 = arith.constant 0 : i32
      %dma_start3A_512 = arith.constant 0 : i32
      %dma_start3A_513 = tpu.memref_slice %arg6[%dma_start3A_511, %dma_start3A_512] : memref<10000x128xf32, #tpu.memory_space<vmem_shared>> -> memref<10000x128xf32, #tpu.memory_space<vmem_shared>>
      %dma_start3A_514 = tpu.memref_slice %arg11[%dma_start3A_505] : memref<3x!tpu.dma_semaphore, #tpu.memory_space<semaphore_mem>> -> memref<1x!tpu.dma_semaphore, #tpu.memory_space<semaphore_mem>>
      %dma_start3A_515 = tpu.memref_squeeze %dma_start3A_514 : memref<1x!tpu.dma_semaphore, #tpu.memory_space<semaphore_mem>> -> memref<!tpu.dma_semaphore, #tpu.memory_space<semaphore_mem>>
      tpu.enqueue_indirect_dma source(%dma_start3A_509 : memref<80x128xf32, #tpu.memory_space<vmem>>) target(%dma_start3A_513 : memref<10000x128xf32, #tpu.memory_space<vmem_shared>>) offsets(%dma_start3A_510 : memref<80xi32, #tpu.memory_space<vmem>>) semaphore(%dma_start3A_515 : memref<!tpu.dma_semaphore, #tpu.memory_space<semaphore_mem>>) {add = true}
      %sub3A_516 = arith.constant 1 : i32
      %sub3A_517 = arith.subi %add3A_485, %sub3A_516 : i32
      %mul3A_518 = arith.constant 80 : i32
      %mul3A_519 = arith.muli %sub3A_517, %mul3A_518 : i32
      %multiple_of3A_520 = tpu.assume_multiple %mul3A_519, 80 : i32
      %dma_wait3A_521 = arith.constant 0 : i32
      %dma_wait3A_522 = arith.constant 0 : i32
      %dma_wait3A_523 = arith.constant 0 : i32
      %dma_wait3A_524 = arith.constant 0 : i32
      %dma_wait3A_525 = tpu.memref_slice %arg9[%dma_wait3A_521, %dma_wait3A_523, %dma_wait3A_524] : memref<3x80x128xf32, #tpu.memory_space<vmem>> -> memref<1x80x128xf32, #tpu.memory_space<vmem>>
      %dma_wait3A_526 = tpu.memref_squeeze %dma_wait3A_525 : memref<1x80x128xf32, #tpu.memory_space<vmem>> -> memref<80x128xf32, #tpu.memory_space<vmem>>
      %dma_wait3A_527 = tpu.memref_slice %arg8[%multiple_of3A_520] : memref<10000xi32, #tpu.memory_space<vmem>> -> memref<80xi32, #tpu.memory_space<vmem>>
      %dma_wait3A_528 = arith.constant 0 : i32
      %dma_wait3A_529 = arith.constant 0 : i32
      %dma_wait3A_530 = tpu.memref_slice %arg6[%dma_wait3A_528, %dma_wait3A_529] : memref<10000x128xf32, #tpu.memory_space<vmem_shared>> -> memref<10000x128xf32, #tpu.memory_space<vmem_shared>>
      %dma_wait3A_531 = tpu.memref_slice %arg11[%dma_wait3A_522] : memref<3x!tpu.dma_semaphore, #tpu.memory_space<semaphore_mem>> -> memref<1x!tpu.dma_semaphore, #tpu.memory_space<semaphore_mem>>
      %dma_wait3A_532 = tpu.memref_squeeze %dma_wait3A_531 : memref<1x!tpu.dma_semaphore, #tpu.memory_space<semaphore_mem>> -> memref<!tpu.dma_semaphore, #tpu.memory_space<semaphore_mem>>
      tpu.wait_indirect_dma semaphore(%dma_wait3A_532 : memref<!tpu.dma_semaphore, #tpu.memory_space<semaphore_mem>>) src(%dma_wait3A_526 : memref<80x128xf32, #tpu.memory_space<vmem>>) dst(%dma_wait3A_530 : memref<10000x128xf32, #tpu.memory_space<vmem_shared>>)
      %add3A_533 = arith.constant 2 : i32
      %add3A_534 = arith.addi %add3A_485, %add3A_533 : i32
      %lt3A_535 = arith.constant 125 : i32
      %lt3A_536 = arith.cmpi slt, %add3A_534, %lt3A_535 : i32
      %convert_element_type3A_537 = arith.extui %lt3A_536 : i1 to i32
      %cond3A_538 = arith.constant 0 : i32
      %cond3A_539 = arith.cmpi ne, %convert_element_type3A_537, %cond3A_538 : i32
      scf.if %cond3A_539 {
        %add3A_540 = arith.constant 2 : i32
        %add3A_541 = arith.addi %add3A_485, %add3A_540 : i32
        %mul3A_542 = arith.constant 80 : i32
        %mul3A_543 = arith.muli %add3A_541, %mul3A_542 : i32
        %multiple_of3A_544 = tpu.assume_multiple %mul3A_543, 80 : i32
        %dma_start3A_545 = arith.constant 0 : i32
        %dma_start3A_546 = arith.constant 0 : i32
        %dma_start3A_547 = arith.constant 0 : i32
        %dma_start3A_548 = arith.constant 0 : i32
        %dma_start3A_549 = tpu.memref_slice %arg9[%dma_start3A_545, %dma_start3A_547, %dma_start3A_548] : memref<3x80x128xf32, #tpu.memory_space<vmem>> -> memref<1x80x128xf32, #tpu.memory_space<vmem>>
        %dma_start3A_550 = tpu.memref_squeeze %dma_start3A_549 : memref<1x80x128xf32, #tpu.memory_space<vmem>> -> memref<80x128xf32, #tpu.memory_space<vmem>>
        %dma_start3A_551 = tpu.memref_slice %arg7[%multiple_of3A_544] : memref<10000xi32, #tpu.memory_space<vmem>> -> memref<80xi32, #tpu.memory_space<vmem>>
        %dma_start3A_552 = arith.constant 0 : i32
        %dma_start3A_553 = arith.constant 0 : i32
        %dma_start3A_554 = tpu.memref_slice %arg2[%dma_start3A_552, %dma_start3A_553] : memref<10000x128xf32, #tpu.memory_space<hbm>> -> memref<10000x128xf32, #tpu.memory_space<hbm>>
        %dma_start3A_555 = tpu.memref_slice %arg10[%dma_start3A_546] : memref<3x!tpu.dma_semaphore, #tpu.memory_space<semaphore_mem>> -> memref<1x!tpu.dma_semaphore, #tpu.memory_space<semaphore_mem>>
        %dma_start3A_556 = tpu.memref_squeeze %dma_start3A_555 : memref<1x!tpu.dma_semaphore, #tpu.memory_space<semaphore_mem>> -> memref<!tpu.dma_semaphore, #tpu.memory_space<semaphore_mem>>
        tpu.enqueue_indirect_dma source(%dma_start3A_554 : memref<10000x128xf32, #tpu.memory_space<hbm>>) target(%dma_start3A_550 : memref<80x128xf32, #tpu.memory_space<vmem>>) offsets(%dma_start3A_551 : memref<80xi32, #tpu.memory_space<vmem>>) semaphore(%dma_start3A_556 : memref<!tpu.dma_semaphore, #tpu.memory_space<semaphore_mem>>)
      } else {
      }
    }
    %scan3A_240 = arith.constant 41 : i32
    %multiple_of3A_241 = arith.constant 9920 : i32
    %multiple_of3A_242 = tpu.assume_multiple %multiple_of3A_241, 80 : i32
    %dma_wait3A_243 = arith.constant 1 : i32
    %dma_wait3A_244 = arith.constant 1 : i32
    %dma_wait3A_245 = arith.constant 0 : i32
    %dma_wait3A_246 = arith.constant 0 : i32
    %dma_wait3A_247 = tpu.memref_slice %arg9[%dma_wait3A_243, %dma_wait3A_245, %dma_wait3A_246] : memref<3x80x128xf32, #tpu.memory_space<vmem>> -> memref<1x80x128xf32, #tpu.memory_space<vmem>>
    %dma_wait3A_248 = tpu.memref_squeeze %dma_wait3A_247 : memref<1x80x128xf32, #tpu.memory_space<vmem>> -> memref<80x128xf32, #tpu.memory_space<vmem>>
    %dma_wait3A_249 = tpu.memref_slice %arg8[%multiple_of3A_242] : memref<10000xi32, #tpu.memory_space<vmem>> -> memref<80xi32, #tpu.memory_space<vmem>>
    %dma_wait3A_250 = arith.constant 0 : i32
    %dma_wait3A_251 = arith.constant 0 : i32
    %dma_wait3A_252 = tpu.memref_slice %arg6[%dma_wait3A_250, %dma_wait3A_251] : memref<10000x128xf32, #tpu.memory_space<vmem_shared>> -> memref<10000x128xf32, #tpu.memory_space<vmem_shared>>
    %dma_wait3A_253 = tpu.memref_slice %arg11[%dma_wait3A_244] : memref<3x!tpu.dma_semaphore, #tpu.memory_space<semaphore_mem>> -> memref<1x!tpu.dma_semaphore, #tpu.memory_space<semaphore_mem>>
    %dma_wait3A_254 = tpu.memref_squeeze %dma_wait3A_253 : memref<1x!tpu.dma_semaphore, #tpu.memory_space<semaphore_mem>> -> memref<!tpu.dma_semaphore, #tpu.memory_space<semaphore_mem>>
    tpu.wait_indirect_dma semaphore(%dma_wait3A_254 : memref<!tpu.dma_semaphore, #tpu.memory_space<semaphore_mem>>) src(%dma_wait3A_248 : memref<80x128xf32, #tpu.memory_space<vmem>>) dst(%dma_wait3A_252 : memref<10000x128xf32, #tpu.memory_space<vmem_shared>>)
    %barrier3A_255 = arith.constant 0 : index
    tpu.barrier barrier_id(%barrier3A_255)
    %add3A_256 = arith.constant 0 : i32
    %add3A_257 = arith.addi %arg1, %add3A_256 : i32
    %lt3A_258 = arith.constant 125 : i32
    %lt3A_259 = arith.cmpi slt, %add3A_257, %lt3A_258 : i32
    %convert_element_type3A_260 = arith.extui %lt3A_259 : i1 to i32
    %cond3A_261 = arith.constant 0 : i32
    %cond3A_262 = arith.cmpi ne, %convert_element_type3A_260, %cond3A_261 : i32
    scf.if %cond3A_262 {
      %mul3A_368 = arith.constant 80 : i32
      %mul3A_369 = arith.muli %add3A_257, %mul3A_368 : i32
      %mul3A_370 = arith.constant 80 : i32
      %mul3A_371 = arith.muli %add3A_257, %mul3A_370 : i32
      %dma_start3A_372 = arith.constant 0 : i32
      %dma_start3A_373 = tpu.memref_slice %arg5[%arg0, %mul3A_371, %dma_start3A_372] : memref<2x10000x128xf32, #tpu.memory_space<hbm>> -> memref<1x80x128xf32, #tpu.memory_space<hbm>>
      %dma_start3A_374 = tpu.memref_squeeze %dma_start3A_373 : memref<1x80x128xf32, #tpu.memory_space<hbm>> -> memref<80x128xf32, #tpu.memory_space<hbm>>
      %dma_start3A_375 = arith.constant 0 : i32
      %dma_start3A_376 = tpu.memref_slice %arg6[%mul3A_369, %dma_start3A_375] : memref<10000x128xf32, #tpu.memory_space<vmem_shared>> -> memref<80x128xf32, #tpu.memory_space<vmem_shared>>
      tpu.enqueue_dma source(%dma_start3A_376 : memref<80x128xf32, #tpu.memory_space<vmem_shared>>) target(%dma_start3A_374 : memref<80x128xf32, #tpu.memory_space<hbm>>) target_semaphore(%arg12 : memref<!tpu.dma_semaphore, #tpu.memory_space<semaphore_mem>>)
    } else {
    }
    %add3A_263 = arith.constant 16 : i32
    %add3A_264 = arith.addi %arg1, %add3A_263 : i32
    %lt3A_265 = arith.constant 125 : i32
    %lt3A_266 = arith.cmpi slt, %add3A_264, %lt3A_265 : i32
    %convert_element_type3A_267 = arith.extui %lt3A_266 : i1 to i32
    %cond3A_268 = arith.constant 0 : i32
    %cond3A_269 = arith.cmpi ne, %convert_element_type3A_267, %cond3A_268 : i32
    scf.if %cond3A_269 {
      %mul3A_368 = arith.constant 80 : i32
      %mul3A_369 = arith.muli %add3A_264, %mul3A_368 : i32
      %mul3A_370 = arith.constant 80 : i32
      %mul3A_371 = arith.muli %add3A_264, %mul3A_370 : i32
      %dma_start3A_372 = arith.constant 0 : i32
      %dma_start3A_373 = tpu.memref_slice %arg5[%arg0, %mul3A_371, %dma_start3A_372] : memref<2x10000x128xf32, #tpu.memory_space<hbm>> -> memref<1x80x128xf32, #tpu.memory_space<hbm>>
      %dma_start3A_374 = tpu.memref_squeeze %dma_start3A_373 : memref<1x80x128xf32, #tpu.memory_space<hbm>> -> memref<80x128xf32, #tpu.memory_space<hbm>>
      %dma_start3A_375 = arith.constant 0 : i32
      %dma_start3A_376 = tpu.memref_slice %arg6[%mul3A_369, %dma_start3A_375] : memref<10000x128xf32, #tpu.memory_space<vmem_shared>> -> memref<80x128xf32, #tpu.memory_space<vmem_shared>>
      tpu.enqueue_dma source(%dma_start3A_376 : memref<80x128xf32, #tpu.memory_space<vmem_shared>>) target(%dma_start3A_374 : memref<80x128xf32, #tpu.memory_space<hbm>>) target_semaphore(%arg12 : memref<!tpu.dma_semaphore, #tpu.memory_space<semaphore_mem>>)
    } else {
    }
    %add3A_270 = arith.constant 32 : i32
    %add3A_271 = arith.addi %arg1, %add3A_270 : i32
    %lt3A_272 = arith.constant 125 : i32
    %lt3A_273 = arith.cmpi slt, %add3A_271, %lt3A_272 : i32
    %convert_element_type3A_274 = arith.extui %lt3A_273 : i1 to i32
    %cond3A_275 = arith.constant 0 : i32
    %cond3A_276 = arith.cmpi ne, %convert_element_type3A_274, %cond3A_275 : i32
    scf.if %cond3A_276 {
      %mul3A_368 = arith.constant 80 : i32
      %mul3A_369 = arith.muli %add3A_271, %mul3A_368 : i32
      %mul3A_370 = arith.constant 80 : i32
      %mul3A_371 = arith.muli %add3A_271, %mul3A_370 : i32
      %dma_start3A_372 = arith.constant 0 : i32
      %dma_start3A_373 = tpu.memref_slice %arg5[%arg0, %mul3A_371, %dma_start3A_372] : memref<2x10000x128xf32, #tpu.memory_space<hbm>> -> memref<1x80x128xf32, #tpu.memory_space<hbm>>
      %dma_start3A_374 = tpu.memref_squeeze %dma_start3A_373 : memref<1x80x128xf32, #tpu.memory_space<hbm>> -> memref<80x128xf32, #tpu.memory_space<hbm>>
      %dma_start3A_375 = arith.constant 0 : i32
      %dma_start3A_376 = tpu.memref_slice %arg6[%mul3A_369, %dma_start3A_375] : memref<10000x128xf32, #tpu.memory_space<vmem_shared>> -> memref<80x128xf32, #tpu.memory_space<vmem_shared>>
      tpu.enqueue_dma source(%dma_start3A_376 : memref<80x128xf32, #tpu.memory_space<vmem_shared>>) target(%dma_start3A_374 : memref<80x128xf32, #tpu.memory_space<hbm>>) target_semaphore(%arg12 : memref<!tpu.dma_semaphore, #tpu.memory_space<semaphore_mem>>)
    } else {
    }
    %add3A_277 = arith.constant 48 : i32
    %add3A_278 = arith.addi %arg1, %add3A_277 : i32
    %lt3A_279 = arith.constant 125 : i32
    %lt3A_280 = arith.cmpi slt, %add3A_278, %lt3A_279 : i32
    %convert_element_type3A_281 = arith.extui %lt3A_280 : i1 to i32
    %cond3A_282 = arith.constant 0 : i32
    %cond3A_283 = arith.cmpi ne, %convert_element_type3A_281, %cond3A_282 : i32
    scf.if %cond3A_283 {
      %mul3A_368 = arith.constant 80 : i32
      %mul3A_369 = arith.muli %add3A_278, %mul3A_368 : i32
      %mul3A_370 = arith.constant 80 : i32
      %mul3A_371 = arith.muli %add3A_278, %mul3A_370 : i32
      %dma_start3A_372 = arith.constant 0 : i32
      %dma_start3A_373 = tpu.memref_slice %arg5[%arg0, %mul3A_371, %dma_start3A_372] : memref<2x10000x128xf32, #tpu.memory_space<hbm>> -> memref<1x80x128xf32, #tpu.memory_space<hbm>>
      %dma_start3A_374 = tpu.memref_squeeze %dma_start3A_373 : memref<1x80x128xf32, #tpu.memory_space<hbm>> -> memref<80x128xf32, #tpu.memory_space<hbm>>
      %dma_start3A_375 = arith.constant 0 : i32
      %dma_start3A_376 = tpu.memref_slice %arg6[%mul3A_369, %dma_start3A_375] : memref<10000x128xf32, #tpu.memory_space<vmem_shared>> -> memref<80x128xf32, #tpu.memory_space<vmem_shared>>
      tpu.enqueue_dma source(%dma_start3A_376 : memref<80x128xf32, #tpu.memory_space<vmem_shared>>) target(%dma_start3A_374 : memref<80x128xf32, #tpu.memory_space<hbm>>) target_semaphore(%arg12 : memref<!tpu.dma_semaphore, #tpu.memory_space<semaphore_mem>>)
    } else {
    }
    %add3A_284 = arith.constant 64 : i32
    %add3A_285 = arith.addi %arg1, %add3A_284 : i32
    %lt3A_286 = arith.constant 125 : i32
    %lt3A_287 = arith.cmpi slt, %add3A_285, %lt3A_286 : i32
    %convert_element_type3A_288 = arith.extui %lt3A_287 : i1 to i32
    %cond3A_289 = arith.constant 0 : i32
    %cond3A_290 = arith.cmpi ne, %convert_element_type3A_288, %cond3A_289 : i32
    scf.if %cond3A_290 {
      %mul3A_368 = arith.constant 80 : i32
      %mul3A_369 = arith.muli %add3A_285, %mul3A_368 : i32
      %mul3A_370 = arith.constant 80 : i32
      %mul3A_371 = arith.muli %add3A_285, %mul3A_370 : i32
      %dma_start3A_372 = arith.constant 0 : i32
      %dma_start3A_373 = tpu.memref_slice %arg5[%arg0, %mul3A_371, %dma_start3A_372] : memref<2x10000x128xf32, #tpu.memory_space<hbm>> -> memref<1x80x128xf32, #tpu.memory_space<hbm>>
      %dma_start3A_374 = tpu.memref_squeeze %dma_start3A_373 : memref<1x80x128xf32, #tpu.memory_space<hbm>> -> memref<80x128xf32, #tpu.memory_space<hbm>>
      %dma_start3A_375 = arith.constant 0 : i32
      %dma_start3A_376 = tpu.memref_slice %arg6[%mul3A_369, %dma_start3A_375] : memref<10000x128xf32, #tpu.memory_space<vmem_shared>> -> memref<80x128xf32, #tpu.memory_space<vmem_shared>>
      tpu.enqueue_dma source(%dma_start3A_376 : memref<80x128xf32, #tpu.memory_space<vmem_shared>>) target(%dma_start3A_374 : memref<80x128xf32, #tpu.memory_space<hbm>>) target_semaphore(%arg12 : memref<!tpu.dma_semaphore, #tpu.memory_space<semaphore_mem>>)
    } else {
    }
    %add3A_291 = arith.constant 80 : i32
    %add3A_292 = arith.addi %arg1, %add3A_291 : i32
    %lt3A_293 = arith.constant 125 : i32
    %lt3A_294 = arith.cmpi slt, %add3A_292, %lt3A_293 : i32
    %convert_element_type3A_295 = arith.extui %lt3A_294 : i1 to i32
    %cond3A_296 = arith.constant 0 : i32
    %cond3A_297 = arith.cmpi ne, %convert_element_type3A_295, %cond3A_296 : i32
    scf.if %cond3A_297 {
      %mul3A_368 = arith.constant 80 : i32
      %mul3A_369 = arith.muli %add3A_292, %mul3A_368 : i32
      %mul3A_370 = arith.constant 80 : i32
      %mul3A_371 = arith.muli %add3A_292, %mul3A_370 : i32
      %dma_start3A_372 = arith.constant 0 : i32
      %dma_start3A_373 = tpu.memref_slice %arg5[%arg0, %mul3A_371, %dma_start3A_372] : memref<2x10000x128xf32, #tpu.memory_space<hbm>> -> memref<1x80x128xf32, #tpu.memory_space<hbm>>
      %dma_start3A_374 = tpu.memref_squeeze %dma_start3A_373 : memref<1x80x128xf32, #tpu.memory_space<hbm>> -> memref<80x128xf32, #tpu.memory_space<hbm>>
      %dma_start3A_375 = arith.constant 0 : i32
      %dma_start3A_376 = tpu.memref_slice %arg6[%mul3A_369, %dma_start3A_375] : memref<10000x128xf32, #tpu.memory_space<vmem_shared>> -> memref<80x128xf32, #tpu.memory_space<vmem_shared>>
      tpu.enqueue_dma source(%dma_start3A_376 : memref<80x128xf32, #tpu.memory_space<vmem_shared>>) target(%dma_start3A_374 : memref<80x128xf32, #tpu.memory_space<hbm>>) target_semaphore(%arg12 : memref<!tpu.dma_semaphore, #tpu.memory_space<semaphore_mem>>)
    } else {
    }
    %add3A_298 = arith.constant 96 : i32
    %add3A_299 = arith.addi %arg1, %add3A_298 : i32
    %lt3A_300 = arith.constant 125 : i32
    %lt3A_301 = arith.cmpi slt, %add3A_299, %lt3A_300 : i32
    %convert_element_type3A_302 = arith.extui %lt3A_301 : i1 to i32
    %cond3A_303 = arith.constant 0 : i32
    %cond3A_304 = arith.cmpi ne, %convert_element_type3A_302, %cond3A_303 : i32
    scf.if %cond3A_304 {
      %mul3A_368 = arith.constant 80 : i32
      %mul3A_369 = arith.muli %add3A_299, %mul3A_368 : i32
      %mul3A_370 = arith.constant 80 : i32
      %mul3A_371 = arith.muli %add3A_299, %mul3A_370 : i32
      %dma_start3A_372 = arith.constant 0 : i32
      %dma_start3A_373 = tpu.memref_slice %arg5[%arg0, %mul3A_371, %dma_start3A_372] : memref<2x10000x128xf32, #tpu.memory_space<hbm>> -> memref<1x80x128xf32, #tpu.memory_space<hbm>>
      %dma_start3A_374 = tpu.memref_squeeze %dma_start3A_373 : memref<1x80x128xf32, #tpu.memory_space<hbm>> -> memref<80x128xf32, #tpu.memory_space<hbm>>
      %dma_start3A_375 = arith.constant 0 : i32
      %dma_start3A_376 = tpu.memref_slice %arg6[%mul3A_369, %dma_start3A_375] : memref<10000x128xf32, #tpu.memory_space<vmem_shared>> -> memref<80x128xf32, #tpu.memory_space<vmem_shared>>
      tpu.enqueue_dma source(%dma_start3A_376 : memref<80x128xf32, #tpu.memory_space<vmem_shared>>) target(%dma_start3A_374 : memref<80x128xf32, #tpu.memory_space<hbm>>) target_semaphore(%arg12 : memref<!tpu.dma_semaphore, #tpu.memory_space<semaphore_mem>>)
    } else {
    }
    %add3A_305 = arith.constant 112 : i32
    %add3A_306 = arith.addi %arg1, %add3A_305 : i32
    %lt3A_307 = arith.constant 125 : i32
    %lt3A_308 = arith.cmpi slt, %add3A_306, %lt3A_307 : i32
    %convert_element_type3A_309 = arith.extui %lt3A_308 : i1 to i32
    %cond3A_310 = arith.constant 0 : i32
    %cond3A_311 = arith.cmpi ne, %convert_element_type3A_309, %cond3A_310 : i32
    scf.if %cond3A_311 {
      %mul3A_368 = arith.constant 80 : i32
      %mul3A_369 = arith.muli %add3A_306, %mul3A_368 : i32
      %mul3A_370 = arith.constant 80 : i32
      %mul3A_371 = arith.muli %add3A_306, %mul3A_370 : i32
      %dma_start3A_372 = arith.constant 0 : i32
      %dma_start3A_373 = tpu.memref_slice %arg5[%arg0, %mul3A_371, %dma_start3A_372] : memref<2x10000x128xf32, #tpu.memory_space<hbm>> -> memref<1x80x128xf32, #tpu.memory_space<hbm>>
      %dma_start3A_374 = tpu.memref_squeeze %dma_start3A_373 : memref<1x80x128xf32, #tpu.memory_space<hbm>> -> memref<80x128xf32, #tpu.memory_space<hbm>>
      %dma_start3A_375 = arith.constant 0 : i32
      %dma_start3A_376 = tpu.memref_slice %arg6[%mul3A_369, %dma_start3A_375] : memref<10000x128xf32, #tpu.memory_space<vmem_shared>> -> memref<80x128xf32, #tpu.memory_space<vmem_shared>>
      tpu.enqueue_dma source(%dma_start3A_376 : memref<80x128xf32, #tpu.memory_space<vmem_shared>>) target(%dma_start3A_374 : memref<80x128xf32, #tpu.memory_space<hbm>>) target_semaphore(%arg12 : memref<!tpu.dma_semaphore, #tpu.memory_space<semaphore_mem>>)
    } else {
    }
    %add3A_312 = arith.constant 0 : i32
    %add3A_313 = arith.addi %arg1, %add3A_312 : i32
    %lt3A_314 = arith.constant 125 : i32
    %lt3A_315 = arith.cmpi slt, %add3A_313, %lt3A_314 : i32
    %convert_element_type3A_316 = arith.extui %lt3A_315 : i1 to i32
    %cond3A_317 = arith.constant 0 : i32
    %cond3A_318 = arith.cmpi ne, %convert_element_type3A_316, %cond3A_317 : i32
    scf.if %cond3A_318 {
      %mul3A_368 = arith.constant 80 : i32
      %mul3A_369 = arith.muli %add3A_313, %mul3A_368 : i32
      %mul3A_370 = arith.constant 80 : i32
      %mul3A_371 = arith.muli %add3A_313, %mul3A_370 : i32
      %dma_wait3A_372 = arith.constant 0 : i32
      %dma_wait3A_373 = tpu.memref_slice %arg5[%arg0, %mul3A_371, %dma_wait3A_372] : memref<2x10000x128xf32, #tpu.memory_space<hbm>> -> memref<1x80x128xf32, #tpu.memory_space<hbm>>
      %dma_wait3A_374 = tpu.memref_squeeze %dma_wait3A_373 : memref<1x80x128xf32, #tpu.memory_space<hbm>> -> memref<80x128xf32, #tpu.memory_space<hbm>>
      %dma_wait3A_375 = arith.constant 0 : i32
      %dma_wait3A_376 = tpu.memref_slice %arg6[%mul3A_369, %dma_wait3A_375] : memref<10000x128xf32, #tpu.memory_space<vmem_shared>> -> memref<80x128xf32, #tpu.memory_space<vmem_shared>>
      tpu.wait_dma2 semaphore(%arg12 : memref<!tpu.dma_semaphore, #tpu.memory_space<semaphore_mem>>) src(%dma_wait3A_376 : memref<80x128xf32, #tpu.memory_space<vmem_shared>>) dst(%dma_wait3A_374 : memref<80x128xf32, #tpu.memory_space<hbm>>)
    } else {
    }
    %add3A_319 = arith.constant 16 : i32
    %add3A_320 = arith.addi %arg1, %add3A_319 : i32
    %lt3A_321 = arith.constant 125 : i32
    %lt3A_322 = arith.cmpi slt, %add3A_320, %lt3A_321 : i32
    %convert_element_type3A_323 = arith.extui %lt3A_322 : i1 to i32
    %cond3A_324 = arith.constant 0 : i32
    %cond3A_325 = arith.cmpi ne, %convert_element_type3A_323, %cond3A_324 : i32
    scf.if %cond3A_325 {
      %mul3A_368 = arith.constant 80 : i32
      %mul3A_369 = arith.muli %add3A_320, %mul3A_368 : i32
      %mul3A_370 = arith.constant 80 : i32
      %mul3A_371 = arith.muli %add3A_320, %mul3A_370 : i32
      %dma_wait3A_372 = arith.constant 0 : i32
      %dma_wait3A_373 = tpu.memref_slice %arg5[%arg0, %mul3A_371, %dma_wait3A_372] : memref<2x10000x128xf32, #tpu.memory_space<hbm>> -> memref<1x80x128xf32, #tpu.memory_space<hbm>>
      %dma_wait3A_374 = tpu.memref_squeeze %dma_wait3A_373 : memref<1x80x128xf32, #tpu.memory_space<hbm>> -> memref<80x128xf32, #tpu.memory_space<hbm>>
      %dma_wait3A_375 = arith.constant 0 : i32
      %dma_wait3A_376 = tpu.memref_slice %arg6[%mul3A_369, %dma_wait3A_375] : memref<10000x128xf32, #tpu.memory_space<vmem_shared>> -> memref<80x128xf32, #tpu.memory_space<vmem_shared>>
      tpu.wait_dma2 semaphore(%arg12 : memref<!tpu.dma_semaphore, #tpu.memory_space<semaphore_mem>>) src(%dma_wait3A_376 : memref<80x128xf32, #tpu.memory_space<vmem_shared>>) dst(%dma_wait3A_374 : memref<80x128xf32, #tpu.memory_space<hbm>>)
    } else {
    }
    %add3A_326 = arith.constant 32 : i32
    %add3A_327 = arith.addi %arg1, %add3A_326 : i32
    %lt3A_328 = arith.constant 125 : i32
    %lt3A_329 = arith.cmpi slt, %add3A_327, %lt3A_328 : i32
    %convert_element_type3A_330 = arith.extui %lt3A_329 : i1 to i32
    %cond3A_331 = arith.constant 0 : i32
    %cond3A_332 = arith.cmpi ne, %convert_element_type3A_330, %cond3A_331 : i32
    scf.if %cond3A_332 {
      %mul3A_368 = arith.constant 80 : i32
      %mul3A_369 = arith.muli %add3A_327, %mul3A_368 : i32
      %mul3A_370 = arith.constant 80 : i32
      %mul3A_371 = arith.muli %add3A_327, %mul3A_370 : i32
      %dma_wait3A_372 = arith.constant 0 : i32
      %dma_wait3A_373 = tpu.memref_slice %arg5[%arg0, %mul3A_371, %dma_wait3A_372] : memref<2x10000x128xf32, #tpu.memory_space<hbm>> -> memref<1x80x128xf32, #tpu.memory_space<hbm>>
      %dma_wait3A_374 = tpu.memref_squeeze %dma_wait3A_373 : memref<1x80x128xf32, #tpu.memory_space<hbm>> -> memref<80x128xf32, #tpu.memory_space<hbm>>
      %dma_wait3A_375 = arith.constant 0 : i32
      %dma_wait3A_376 = tpu.memref_slice %arg6[%mul3A_369, %dma_wait3A_375] : memref<10000x128xf32, #tpu.memory_space<vmem_shared>> -> memref<80x128xf32, #tpu.memory_space<vmem_shared>>
      tpu.wait_dma2 semaphore(%arg12 : memref<!tpu.dma_semaphore, #tpu.memory_space<semaphore_mem>>) src(%dma_wait3A_376 : memref<80x128xf32, #tpu.memory_space<vmem_shared>>) dst(%dma_wait3A_374 : memref<80x128xf32, #tpu.memory_space<hbm>>)
    } else {
    }
    %add3A_333 = arith.constant 48 : i32
    %add3A_334 = arith.addi %arg1, %add3A_333 : i32
    %lt3A_335 = arith.constant 125 : i32
    %lt3A_336 = arith.cmpi slt, %add3A_334, %lt3A_335 : i32
    %convert_element_type3A_337 = arith.extui %lt3A_336 : i1 to i32
    %cond3A_338 = arith.constant 0 : i32
    %cond3A_339 = arith.cmpi ne, %convert_element_type3A_337, %cond3A_338 : i32
    scf.if %cond3A_339 {
      %mul3A_368 = arith.constant 80 : i32
      %mul3A_369 = arith.muli %add3A_334, %mul3A_368 : i32
      %mul3A_370 = arith.constant 80 : i32
      %mul3A_371 = arith.muli %add3A_334, %mul3A_370 : i32
      %dma_wait3A_372 = arith.constant 0 : i32
      %dma_wait3A_373 = tpu.memref_slice %arg5[%arg0, %mul3A_371, %dma_wait3A_372] : memref<2x10000x128xf32, #tpu.memory_space<hbm>> -> memref<1x80x128xf32, #tpu.memory_space<hbm>>
      %dma_wait3A_374 = tpu.memref_squeeze %dma_wait3A_373 : memref<1x80x128xf32, #tpu.memory_space<hbm>> -> memref<80x128xf32, #tpu.memory_space<hbm>>
      %dma_wait3A_375 = arith.constant 0 : i32
      %dma_wait3A_376 = tpu.memref_slice %arg6[%mul3A_369, %dma_wait3A_375] : memref<10000x128xf32, #tpu.memory_space<vmem_shared>> -> memref<80x128xf32, #tpu.memory_space<vmem_shared>>
      tpu.wait_dma2 semaphore(%arg12 : memref<!tpu.dma_semaphore, #tpu.memory_space<semaphore_mem>>) src(%dma_wait3A_376 : memref<80x128xf32, #tpu.memory_space<vmem_shared>>) dst(%dma_wait3A_374 : memref<80x128xf32, #tpu.memory_space<hbm>>)
    } else {
    }
    %add3A_340 = arith.constant 64 : i32
    %add3A_341 = arith.addi %arg1, %add3A_340 : i32
    %lt3A_342 = arith.constant 125 : i32
    %lt3A_343 = arith.cmpi slt, %add3A_341, %lt3A_342 : i32
    %convert_element_type3A_344 = arith.extui %lt3A_343 : i1 to i32
    %cond3A_345 = arith.constant 0 : i32
    %cond3A_346 = arith.cmpi ne, %convert_element_type3A_344, %cond3A_345 : i32
    scf.if %cond3A_346 {
      %mul3A_368 = arith.constant 80 : i32
      %mul3A_369 = arith.muli %add3A_341, %mul3A_368 : i32
      %mul3A_370 = arith.constant 80 : i32
      %mul3A_371 = arith.muli %add3A_341, %mul3A_370 : i32
      %dma_wait3A_372 = arith.constant 0 : i32
      %dma_wait3A_373 = tpu.memref_slice %arg5[%arg0, %mul3A_371, %dma_wait3A_372] : memref<2x10000x128xf32, #tpu.memory_space<hbm>> -> memref<1x80x128xf32, #tpu.memory_space<hbm>>
      %dma_wait3A_374 = tpu.memref_squeeze %dma_wait3A_373 : memref<1x80x128xf32, #tpu.memory_space<hbm>> -> memref<80x128xf32, #tpu.memory_space<hbm>>
      %dma_wait3A_375 = arith.constant 0 : i32
      %dma_wait3A_376 = tpu.memref_slice %arg6[%mul3A_369, %dma_wait3A_375] : memref<10000x128xf32, #tpu.memory_space<vmem_shared>> -> memref<80x128xf32, #tpu.memory_space<vmem_shared>>
      tpu.wait_dma2 semaphore(%arg12 : memref<!tpu.dma_semaphore, #tpu.memory_space<semaphore_mem>>) src(%dma_wait3A_376 : memref<80x128xf32, #tpu.memory_space<vmem_shared>>) dst(%dma_wait3A_374 : memref<80x128xf32, #tpu.memory_space<hbm>>)
    } else {
    }
    %add3A_347 = arith.constant 80 : i32
    %add3A_348 = arith.addi %arg1, %add3A_347 : i32
    %lt3A_349 = arith.constant 125 : i32
    %lt3A_350 = arith.cmpi slt, %add3A_348, %lt3A_349 : i32
    %convert_element_type3A_351 = arith.extui %lt3A_350 : i1 to i32
    %cond3A_352 = arith.constant 0 : i32
    %cond3A_353 = arith.cmpi ne, %convert_element_type3A_351, %cond3A_352 : i32
    scf.if %cond3A_353 {
      %mul3A_368 = arith.constant 80 : i32
      %mul3A_369 = arith.muli %add3A_348, %mul3A_368 : i32
      %mul3A_370 = arith.constant 80 : i32
      %mul3A_371 = arith.muli %add3A_348, %mul3A_370 : i32
      %dma_wait3A_372 = arith.constant 0 : i32
      %dma_wait3A_373 = tpu.memref_slice %arg5[%arg0, %mul3A_371, %dma_wait3A_372] : memref<2x10000x128xf32, #tpu.memory_space<hbm>> -> memref<1x80x128xf32, #tpu.memory_space<hbm>>
      %dma_wait3A_374 = tpu.memref_squeeze %dma_wait3A_373 : memref<1x80x128xf32, #tpu.memory_space<hbm>> -> memref<80x128xf32, #tpu.memory_space<hbm>>
      %dma_wait3A_375 = arith.constant 0 : i32
      %dma_wait3A_376 = tpu.memref_slice %arg6[%mul3A_369, %dma_wait3A_375] : memref<10000x128xf32, #tpu.memory_space<vmem_shared>> -> memref<80x128xf32, #tpu.memory_space<vmem_shared>>
      tpu.wait_dma2 semaphore(%arg12 : memref<!tpu.dma_semaphore, #tpu.memory_space<semaphore_mem>>) src(%dma_wait3A_376 : memref<80x128xf32, #tpu.memory_space<vmem_shared>>) dst(%dma_wait3A_374 : memref<80x128xf32, #tpu.memory_space<hbm>>)
    } else {
    }
    %add3A_354 = arith.constant 96 : i32
    %add3A_355 = arith.addi %arg1, %add3A_354 : i32
    %lt3A_356 = arith.constant 125 : i32
    %lt3A_357 = arith.cmpi slt, %add3A_355, %lt3A_356 : i32
    %convert_element_type3A_358 = arith.extui %lt3A_357 : i1 to i32
    %cond3A_359 = arith.constant 0 : i32
    %cond3A_360 = arith.cmpi ne, %convert_element_type3A_358, %cond3A_359 : i32
    scf.if %cond3A_360 {
      %mul3A_368 = arith.constant 80 : i32
      %mul3A_369 = arith.muli %add3A_355, %mul3A_368 : i32
      %mul3A_370 = arith.constant 80 : i32
      %mul3A_371 = arith.muli %add3A_355, %mul3A_370 : i32
      %dma_wait3A_372 = arith.constant 0 : i32
      %dma_wait3A_373 = tpu.memref_slice %arg5[%arg0, %mul3A_371, %dma_wait3A_372] : memref<2x10000x128xf32, #tpu.memory_space<hbm>> -> memref<1x80x128xf32, #tpu.memory_space<hbm>>
      %dma_wait3A_374 = tpu.memref_squeeze %dma_wait3A_373 : memref<1x80x128xf32, #tpu.memory_space<hbm>> -> memref<80x128xf32, #tpu.memory_space<hbm>>
      %dma_wait3A_375 = arith.constant 0 : i32
      %dma_wait3A_376 = tpu.memref_slice %arg6[%mul3A_369, %dma_wait3A_375] : memref<10000x128xf32, #tpu.memory_space<vmem_shared>> -> memref<80x128xf32, #tpu.memory_space<vmem_shared>>
      tpu.wait_dma2 semaphore(%arg12 : memref<!tpu.dma_semaphore, #tpu.memory_space<semaphore_mem>>) src(%dma_wait3A_376 : memref<80x128xf32, #tpu.memory_space<vmem_shared>>) dst(%dma_wait3A_374 : memref<80x128xf32, #tpu.memory_space<hbm>>)
    } else {
    }
    %add3A_361 = arith.constant 112 : i32
    %add3A_362 = arith.addi %arg1, %add3A_361 : i32
    %lt3A_363 = arith.constant 125 : i32
    %lt3A_364 = arith.cmpi slt, %add3A_362, %lt3A_363 : i32
    %convert_element_type3A_365 = arith.extui %lt3A_364 : i1 to i32
    %cond3A_366 = arith.constant 0 : i32
    %cond3A_367 = arith.cmpi ne, %convert_element_type3A_365, %cond3A_366 : i32
    scf.if %cond3A_367 {
      %mul3A_368 = arith.constant 80 : i32
      %mul3A_369 = arith.muli %add3A_362, %mul3A_368 : i32
      %mul3A_370 = arith.constant 80 : i32
      %mul3A_371 = arith.muli %add3A_362, %mul3A_370 : i32
      %dma_wait3A_372 = arith.constant 0 : i32
      %dma_wait3A_373 = tpu.memref_slice %arg5[%arg0, %mul3A_371, %dma_wait3A_372] : memref<2x10000x128xf32, #tpu.memory_space<hbm>> -> memref<1x80x128xf32, #tpu.memory_space<hbm>>
      %dma_wait3A_374 = tpu.memref_squeeze %dma_wait3A_373 : memref<1x80x128xf32, #tpu.memory_space<hbm>> -> memref<80x128xf32, #tpu.memory_space<hbm>>
      %dma_wait3A_375 = arith.constant 0 : i32
      %dma_wait3A_376 = tpu.memref_slice %arg6[%mul3A_369, %dma_wait3A_375] : memref<10000x128xf32, #tpu.memory_space<vmem_shared>> -> memref<80x128xf32, #tpu.memory_space<vmem_shared>>
      tpu.wait_dma2 semaphore(%arg12 : memref<!tpu.dma_semaphore, #tpu.memory_space<semaphore_mem>>) src(%dma_wait3A_376 : memref<80x128xf32, #tpu.memory_space<vmem_shared>>) dst(%dma_wait3A_374 : memref<80x128xf32, #tpu.memory_space<hbm>>)
    } else {
    }
    return
  }
}

#map = affine_map<(d0, d1) -> (0, 0)>
#map1 = affine_map<(d0, d1) -> (0)>
#map2 = affine_map<(d0, d1) -> (0, 0, 0)>
module attributes {stable_mosaic.version = 14 : i64} {
  func.func @sc_gcn_aggregate(%arg0: i32, %arg1: i32, %arg2: memref<10000x128xf32, #tpu.memory_space<hbm>>, %arg3: memref<320000xi32, #tpu.memory_space<hbm>>, %arg4: memref<320000xi32, #tpu.memory_space<hbm>>, %arg5: memref<2x10000x128xf32, #tpu.memory_space<hbm>>, %arg6: memref<10000x128xf32, #tpu.memory_space<vmem_shared>>, %arg7: memref<10000xi32, #tpu.memory_space<vmem>>, %arg8: memref<10000xi32, #tpu.memory_space<vmem>>, %arg9: memref<3x80x128xf32, #tpu.memory_space<vmem>>, %arg10: memref<3x!tpu.dma_semaphore, #tpu.memory_space<semaphore_mem>>, %arg11: memref<3x!tpu.dma_semaphore, #tpu.memory_space<semaphore_mem>>, %arg12: memref<!tpu.dma_semaphore, #tpu.memory_space<semaphore_mem>>) attributes {dimension_semantics = [#tpu.dimension_semantics<core_parallel>, #tpu.dimension_semantics<subcore_parallel>], iteration_bounds = array<i64: 2, 16>, scalar_prefetch = 0 : i64, scratch_operands = 7 : i64, tpu.core_type = #tpu.core_type<sc_vector_subcore>, window_params = [{transform_indices = #map}, {transform_indices = #map1}, {transform_indices = #map1}, {transform_indices = #map2}]} {
    %mul3A = arith.constant 2 : i32
    %mul3A_0 = arith.muli %arg1, %mul3A : i32
    %add3A = arith.addi %mul3A_0, %arg0 : i32
    %mul3A_1 = arith.constant 10000 : i32
    %mul3A_2 = arith.muli %add3A, %mul3A_1 : i32
    %multiple_of3A = tpu.assume_multiple %mul3A_2, 10000 : i32
    "tpu.region"() ({
      %run_scoped3A = tpu.sem_alloc : memref<!tpu.dma_semaphore, #tpu.memory_space<semaphore_mem>>
      %dma_start3A_368 = tpu.memref_slice %arg3[%multiple_of3A] : memref<320000xi32, #tpu.memory_space<hbm>> -> memref<10000xi32, #tpu.memory_space<hbm>>
      %dma_start3A_369 = tpu.memref_slice %arg3[%multiple_of3A] : memref<320000xi32, #tpu.memory_space<hbm>> -> memref<10000xi32, #tpu.memory_space<hbm>>
      tpu.enqueue_dma source(%dma_start3A_369 : memref<10000xi32, #tpu.memory_space<hbm>>) target(%arg7 : memref<10000xi32, #tpu.memory_space<vmem>>) target_semaphore(%run_scoped3A : memref<!tpu.dma_semaphore, #tpu.memory_space<semaphore_mem>>)
      %dma_wait3A_370 = tpu.memref_slice %arg3[%multiple_of3A] : memref<320000xi32, #tpu.memory_space<hbm>> -> memref<10000xi32, #tpu.memory_space<hbm>>
      %dma_wait3A_371 = tpu.memref_slice %arg3[%multiple_of3A] : memref<320000xi32, #tpu.memory_space<hbm>> -> memref<10000xi32, #tpu.memory_space<hbm>>
      tpu.wait_dma2 semaphore(%run_scoped3A : memref<!tpu.dma_semaphore, #tpu.memory_space<semaphore_mem>>) src(%dma_wait3A_371 : memref<10000xi32, #tpu.memory_space<hbm>>) dst(%arg7 : memref<10000xi32, #tpu.memory_space<vmem>>)
      tpu.yield
    }) : () -> ()
    "tpu.region"() ({
      %run_scoped3A = tpu.sem_alloc : memref<!tpu.dma_semaphore, #tpu.memory_space<semaphore_mem>>
      %dma_start3A_368 = tpu.memref_slice %arg4[%multiple_of3A] : memref<320000xi32, #tpu.memory_space<hbm>> -> memref<10000xi32, #tpu.memory_space<hbm>>
      %dma_start3A_369 = tpu.memref_slice %arg4[%multiple_of3A] : memref<320000xi32, #tpu.memory_space<hbm>> -> memref<10000xi32, #tpu.memory_space<hbm>>
      tpu.enqueue_dma source(%dma_start3A_369 : memref<10000xi32, #tpu.memory_space<hbm>>) target(%arg8 : memref<10000xi32, #tpu.memory_space<vmem>>) target_semaphore(%run_scoped3A : memref<!tpu.dma_semaphore, #tpu.memory_space<semaphore_mem>>)
      %dma_wait3A_370 = tpu.memref_slice %arg4[%multiple_of3A] : memref<320000xi32, #tpu.memory_space<hbm>> -> memref<10000xi32, #tpu.memory_space<hbm>>
      %dma_wait3A_371 = tpu.memref_slice %arg4[%multiple_of3A] : memref<320000xi32, #tpu.memory_space<hbm>> -> memref<10000xi32, #tpu.memory_space<hbm>>
      tpu.wait_dma2 semaphore(%run_scoped3A : memref<!tpu.dma_semaphore, #tpu.memory_space<semaphore_mem>>) src(%dma_wait3A_371 : memref<10000xi32, #tpu.memory_space<hbm>>) dst(%arg8 : memref<10000xi32, #tpu.memory_space<vmem>>)
      tpu.yield
    }) : () -> ()
    %multiple_of3A_3 = arith.constant 0 : i32
    %multiple_of3A_4 = tpu.assume_multiple %multiple_of3A_3, 80 : i32
    %dma_start3A = arith.constant 0 : i32
    %dma_start3A_5 = arith.constant 0 : i32
    %dma_start3A_6 = arith.constant 0 : i32
    %dma_start3A_7 = arith.constant 0 : i32
    %dma_start3A_8 = tpu.memref_slice %arg9[%dma_start3A, %dma_start3A_6, %dma_start3A_7] : memref<3x80x128xf32, #tpu.memory_space<vmem>> -> memref<1x80x128xf32, #tpu.memory_space<vmem>>
    %dma_start3A_9 = tpu.memref_squeeze %dma_start3A_8 : memref<1x80x128xf32, #tpu.memory_space<vmem>> -> memref<80x128xf32, #tpu.memory_space<vmem>>
    %dma_start3A_10 = tpu.memref_slice %arg7[%multiple_of3A_4] : memref<10000xi32, #tpu.memory_space<vmem>> -> memref<80xi32, #tpu.memory_space<vmem>>
    %dma_start3A_11 = arith.constant 0 : i32
    %dma_start3A_12 = arith.constant 0 : i32
    %dma_start3A_13 = tpu.memref_slice %arg2[%dma_start3A_11, %dma_start3A_12] : memref<10000x128xf32, #tpu.memory_space<hbm>> -> memref<10000x128xf32, #tpu.memory_space<hbm>>
    %dma_start3A_14 = tpu.memref_slice %arg10[%dma_start3A_5] : memref<3x!tpu.dma_semaphore, #tpu.memory_space<semaphore_mem>> -> memref<1x!tpu.dma_semaphore, #tpu.memory_space<semaphore_mem>>
    %dma_start3A_15 = tpu.memref_squeeze %dma_start3A_14 : memref<1x!tpu.dma_semaphore, #tpu.memory_space<semaphore_mem>> -> memref<!tpu.dma_semaphore, #tpu.memory_space<semaphore_mem>>
    tpu.enqueue_indirect_dma source(%dma_start3A_13 : memref<10000x128xf32, #tpu.memory_space<hbm>>) target(%dma_start3A_9 : memref<80x128xf32, #tpu.memory_space<vmem>>) offsets(%dma_start3A_10 : memref<80xi32, #tpu.memory_space<vmem>>) semaphore(%dma_start3A_15 : memref<!tpu.dma_semaphore, #tpu.memory_space<semaphore_mem>>)
    %multiple_of3A_16 = arith.constant 80 : i32
    %multiple_of3A_17 = tpu.assume_multiple %multiple_of3A_16, 80 : i32
    %dma_start3A_18 = arith.constant 1 : i32
    %dma_start3A_19 = arith.constant 1 : i32
    %dma_start3A_20 = arith.constant 0 : i32
    %dma_start3A_21 = arith.constant 0 : i32
    %dma_start3A_22 = tpu.memref_slice %arg9[%dma_start3A_18, %dma_start3A_20, %dma_start3A_21] : memref<3x80x128xf32, #tpu.memory_space<vmem>> -> memref<1x80x128xf32, #tpu.memory_space<vmem>>
    %dma_start3A_23 = tpu.memref_squeeze %dma_start3A_22 : memref<1x80x128xf32, #tpu.memory_space<vmem>> -> memref<80x128xf32, #tpu.memory_space<vmem>>
    %dma_start3A_24 = tpu.memref_slice %arg7[%multiple_of3A_17] : memref<10000xi32, #tpu.memory_space<vmem>> -> memref<80xi32, #tpu.memory_space<vmem>>
    %dma_start3A_25 = arith.constant 0 : i32
    %dma_start3A_26 = arith.constant 0 : i32
    %dma_start3A_27 = tpu.memref_slice %arg2[%dma_start3A_25, %dma_start3A_26] : memref<10000x128xf32, #tpu.memory_space<hbm>> -> memref<10000x128xf32, #tpu.memory_space<hbm>>
    %dma_start3A_28 = tpu.memref_slice %arg10[%dma_start3A_19] : memref<3x!tpu.dma_semaphore, #tpu.memory_space<semaphore_mem>> -> memref<1x!tpu.dma_semaphore, #tpu.memory_space<semaphore_mem>>
    %dma_start3A_29 = tpu.memref_squeeze %dma_start3A_28 : memref<1x!tpu.dma_semaphore, #tpu.memory_space<semaphore_mem>> -> memref<!tpu.dma_semaphore, #tpu.memory_space<semaphore_mem>>
    tpu.enqueue_indirect_dma source(%dma_start3A_27 : memref<10000x128xf32, #tpu.memory_space<hbm>>) target(%dma_start3A_23 : memref<80x128xf32, #tpu.memory_space<vmem>>) offsets(%dma_start3A_24 : memref<80xi32, #tpu.memory_space<vmem>>) semaphore(%dma_start3A_29 : memref<!tpu.dma_semaphore, #tpu.memory_space<semaphore_mem>>)
    %add3A_30 = arith.constant 0 : i32
    %add3A_31 = arith.addi %arg1, %add3A_30 : i32
    %lt3A = arith.constant 125 : i32
    %lt3A_32 = arith.cmpi slt, %add3A_31, %lt3A : i32
    %convert_element_type3A = arith.extui %lt3A_32 : i1 to i32
    %cond3A = arith.constant 0 : i32
    %cond3A_33 = arith.cmpi ne, %convert_element_type3A, %cond3A : i32
    scf.if %cond3A_33 {
      %mul3A_368 = arith.constant 80 : i32
      %mul3A_369 = arith.muli %add3A_31, %mul3A_368 : i32
      %mul3A_370 = arith.constant 80 : i32
      %mul3A_371 = arith.muli %add3A_31, %mul3A_370 : i32
      %dma_start3A_372 = arith.constant 0 : i32
      %dma_start3A_373 = tpu.memref_slice %arg6[%mul3A_371, %dma_start3A_372] : memref<10000x128xf32, #tpu.memory_space<vmem_shared>> -> memref<80x128xf32, #tpu.memory_space<vmem_shared>>
      %dma_start3A_374 = arith.constant 0 : i32
      %dma_start3A_375 = tpu.memref_slice %arg2[%mul3A_369, %dma_start3A_374] : memref<10000x128xf32, #tpu.memory_space<hbm>> -> memref<80x128xf32, #tpu.memory_space<hbm>>
      tpu.enqueue_dma source(%dma_start3A_375 : memref<80x128xf32, #tpu.memory_space<hbm>>) target(%dma_start3A_373 : memref<80x128xf32, #tpu.memory_space<vmem_shared>>) target_semaphore(%arg12 : memref<!tpu.dma_semaphore, #tpu.memory_space<semaphore_mem>>)
    } else {
    }
    %add3A_34 = arith.constant 16 : i32
    %add3A_35 = arith.addi %arg1, %add3A_34 : i32
    %lt3A_36 = arith.constant 125 : i32
    %lt3A_37 = arith.cmpi slt, %add3A_35, %lt3A_36 : i32
    %convert_element_type3A_38 = arith.extui %lt3A_37 : i1 to i32
    %cond3A_39 = arith.constant 0 : i32
    %cond3A_40 = arith.cmpi ne, %convert_element_type3A_38, %cond3A_39 : i32
    scf.if %cond3A_40 {
      %mul3A_368 = arith.constant 80 : i32
      %mul3A_369 = arith.muli %add3A_35, %mul3A_368 : i32
      %mul3A_370 = arith.constant 80 : i32
      %mul3A_371 = arith.muli %add3A_35, %mul3A_370 : i32
      %dma_start3A_372 = arith.constant 0 : i32
      %dma_start3A_373 = tpu.memref_slice %arg6[%mul3A_371, %dma_start3A_372] : memref<10000x128xf32, #tpu.memory_space<vmem_shared>> -> memref<80x128xf32, #tpu.memory_space<vmem_shared>>
      %dma_start3A_374 = arith.constant 0 : i32
      %dma_start3A_375 = tpu.memref_slice %arg2[%mul3A_369, %dma_start3A_374] : memref<10000x128xf32, #tpu.memory_space<hbm>> -> memref<80x128xf32, #tpu.memory_space<hbm>>
      tpu.enqueue_dma source(%dma_start3A_375 : memref<80x128xf32, #tpu.memory_space<hbm>>) target(%dma_start3A_373 : memref<80x128xf32, #tpu.memory_space<vmem_shared>>) target_semaphore(%arg12 : memref<!tpu.dma_semaphore, #tpu.memory_space<semaphore_mem>>)
    } else {
    }
    %add3A_41 = arith.constant 32 : i32
    %add3A_42 = arith.addi %arg1, %add3A_41 : i32
    %lt3A_43 = arith.constant 125 : i32
    %lt3A_44 = arith.cmpi slt, %add3A_42, %lt3A_43 : i32
    %convert_element_type3A_45 = arith.extui %lt3A_44 : i1 to i32
    %cond3A_46 = arith.constant 0 : i32
    %cond3A_47 = arith.cmpi ne, %convert_element_type3A_45, %cond3A_46 : i32
    scf.if %cond3A_47 {
      %mul3A_368 = arith.constant 80 : i32
      %mul3A_369 = arith.muli %add3A_42, %mul3A_368 : i32
      %mul3A_370 = arith.constant 80 : i32
      %mul3A_371 = arith.muli %add3A_42, %mul3A_370 : i32
      %dma_start3A_372 = arith.constant 0 : i32
      %dma_start3A_373 = tpu.memref_slice %arg6[%mul3A_371, %dma_start3A_372] : memref<10000x128xf32, #tpu.memory_space<vmem_shared>> -> memref<80x128xf32, #tpu.memory_space<vmem_shared>>
      %dma_start3A_374 = arith.constant 0 : i32
      %dma_start3A_375 = tpu.memref_slice %arg2[%mul3A_369, %dma_start3A_374] : memref<10000x128xf32, #tpu.memory_space<hbm>> -> memref<80x128xf32, #tpu.memory_space<hbm>>
      tpu.enqueue_dma source(%dma_start3A_375 : memref<80x128xf32, #tpu.memory_space<hbm>>) target(%dma_start3A_373 : memref<80x128xf32, #tpu.memory_space<vmem_shared>>) target_semaphore(%arg12 : memref<!tpu.dma_semaphore, #tpu.memory_space<semaphore_mem>>)
    } else {
    }
    %add3A_48 = arith.constant 48 : i32
    %add3A_49 = arith.addi %arg1, %add3A_48 : i32
    %lt3A_50 = arith.constant 125 : i32
    %lt3A_51 = arith.cmpi slt, %add3A_49, %lt3A_50 : i32
    %convert_element_type3A_52 = arith.extui %lt3A_51 : i1 to i32
    %cond3A_53 = arith.constant 0 : i32
    %cond3A_54 = arith.cmpi ne, %convert_element_type3A_52, %cond3A_53 : i32
    scf.if %cond3A_54 {
      %mul3A_368 = arith.constant 80 : i32
      %mul3A_369 = arith.muli %add3A_49, %mul3A_368 : i32
      %mul3A_370 = arith.constant 80 : i32
      %mul3A_371 = arith.muli %add3A_49, %mul3A_370 : i32
      %dma_start3A_372 = arith.constant 0 : i32
      %dma_start3A_373 = tpu.memref_slice %arg6[%mul3A_371, %dma_start3A_372] : memref<10000x128xf32, #tpu.memory_space<vmem_shared>> -> memref<80x128xf32, #tpu.memory_space<vmem_shared>>
      %dma_start3A_374 = arith.constant 0 : i32
      %dma_start3A_375 = tpu.memref_slice %arg2[%mul3A_369, %dma_start3A_374] : memref<10000x128xf32, #tpu.memory_space<hbm>> -> memref<80x128xf32, #tpu.memory_space<hbm>>
      tpu.enqueue_dma source(%dma_start3A_375 : memref<80x128xf32, #tpu.memory_space<hbm>>) target(%dma_start3A_373 : memref<80x128xf32, #tpu.memory_space<vmem_shared>>) target_semaphore(%arg12 : memref<!tpu.dma_semaphore, #tpu.memory_space<semaphore_mem>>)
    } else {
    }
    %add3A_55 = arith.constant 64 : i32
    %add3A_56 = arith.addi %arg1, %add3A_55 : i32
    %lt3A_57 = arith.constant 125 : i32
    %lt3A_58 = arith.cmpi slt, %add3A_56, %lt3A_57 : i32
    %convert_element_type3A_59 = arith.extui %lt3A_58 : i1 to i32
    %cond3A_60 = arith.constant 0 : i32
    %cond3A_61 = arith.cmpi ne, %convert_element_type3A_59, %cond3A_60 : i32
    scf.if %cond3A_61 {
      %mul3A_368 = arith.constant 80 : i32
      %mul3A_369 = arith.muli %add3A_56, %mul3A_368 : i32
      %mul3A_370 = arith.constant 80 : i32
      %mul3A_371 = arith.muli %add3A_56, %mul3A_370 : i32
      %dma_start3A_372 = arith.constant 0 : i32
      %dma_start3A_373 = tpu.memref_slice %arg6[%mul3A_371, %dma_start3A_372] : memref<10000x128xf32, #tpu.memory_space<vmem_shared>> -> memref<80x128xf32, #tpu.memory_space<vmem_shared>>
      %dma_start3A_374 = arith.constant 0 : i32
      %dma_start3A_375 = tpu.memref_slice %arg2[%mul3A_369, %dma_start3A_374] : memref<10000x128xf32, #tpu.memory_space<hbm>> -> memref<80x128xf32, #tpu.memory_space<hbm>>
      tpu.enqueue_dma source(%dma_start3A_375 : memref<80x128xf32, #tpu.memory_space<hbm>>) target(%dma_start3A_373 : memref<80x128xf32, #tpu.memory_space<vmem_shared>>) target_semaphore(%arg12 : memref<!tpu.dma_semaphore, #tpu.memory_space<semaphore_mem>>)
    } else {
    }
    %add3A_62 = arith.constant 80 : i32
    %add3A_63 = arith.addi %arg1, %add3A_62 : i32
    %lt3A_64 = arith.constant 125 : i32
    %lt3A_65 = arith.cmpi slt, %add3A_63, %lt3A_64 : i32
    %convert_element_type3A_66 = arith.extui %lt3A_65 : i1 to i32
    %cond3A_67 = arith.constant 0 : i32
    %cond3A_68 = arith.cmpi ne, %convert_element_type3A_66, %cond3A_67 : i32
    scf.if %cond3A_68 {
      %mul3A_368 = arith.constant 80 : i32
      %mul3A_369 = arith.muli %add3A_63, %mul3A_368 : i32
      %mul3A_370 = arith.constant 80 : i32
      %mul3A_371 = arith.muli %add3A_63, %mul3A_370 : i32
      %dma_start3A_372 = arith.constant 0 : i32
      %dma_start3A_373 = tpu.memref_slice %arg6[%mul3A_371, %dma_start3A_372] : memref<10000x128xf32, #tpu.memory_space<vmem_shared>> -> memref<80x128xf32, #tpu.memory_space<vmem_shared>>
      %dma_start3A_374 = arith.constant 0 : i32
      %dma_start3A_375 = tpu.memref_slice %arg2[%mul3A_369, %dma_start3A_374] : memref<10000x128xf32, #tpu.memory_space<hbm>> -> memref<80x128xf32, #tpu.memory_space<hbm>>
      tpu.enqueue_dma source(%dma_start3A_375 : memref<80x128xf32, #tpu.memory_space<hbm>>) target(%dma_start3A_373 : memref<80x128xf32, #tpu.memory_space<vmem_shared>>) target_semaphore(%arg12 : memref<!tpu.dma_semaphore, #tpu.memory_space<semaphore_mem>>)
    } else {
    }
    %add3A_69 = arith.constant 96 : i32
    %add3A_70 = arith.addi %arg1, %add3A_69 : i32
    %lt3A_71 = arith.constant 125 : i32
    %lt3A_72 = arith.cmpi slt, %add3A_70, %lt3A_71 : i32
    %convert_element_type3A_73 = arith.extui %lt3A_72 : i1 to i32
    %cond3A_74 = arith.constant 0 : i32
    %cond3A_75 = arith.cmpi ne, %convert_element_type3A_73, %cond3A_74 : i32
    scf.if %cond3A_75 {
      %mul3A_368 = arith.constant 80 : i32
      %mul3A_369 = arith.muli %add3A_70, %mul3A_368 : i32
      %mul3A_370 = arith.constant 80 : i32
      %mul3A_371 = arith.muli %add3A_70, %mul3A_370 : i32
      %dma_start3A_372 = arith.constant 0 : i32
      %dma_start3A_373 = tpu.memref_slice %arg6[%mul3A_371, %dma_start3A_372] : memref<10000x128xf32, #tpu.memory_space<vmem_shared>> -> memref<80x128xf32, #tpu.memory_space<vmem_shared>>
      %dma_start3A_374 = arith.constant 0 : i32
      %dma_start3A_375 = tpu.memref_slice %arg2[%mul3A_369, %dma_start3A_374] : memref<10000x128xf32, #tpu.memory_space<hbm>> -> memref<80x128xf32, #tpu.memory_space<hbm>>
      tpu.enqueue_dma source(%dma_start3A_375 : memref<80x128xf32, #tpu.memory_space<hbm>>) target(%dma_start3A_373 : memref<80x128xf32, #tpu.memory_space<vmem_shared>>) target_semaphore(%arg12 : memref<!tpu.dma_semaphore, #tpu.memory_space<semaphore_mem>>)
    } else {
    }
    %add3A_76 = arith.constant 112 : i32
    %add3A_77 = arith.addi %arg1, %add3A_76 : i32
    %lt3A_78 = arith.constant 125 : i32
    %lt3A_79 = arith.cmpi slt, %add3A_77, %lt3A_78 : i32
    %convert_element_type3A_80 = arith.extui %lt3A_79 : i1 to i32
    %cond3A_81 = arith.constant 0 : i32
    %cond3A_82 = arith.cmpi ne, %convert_element_type3A_80, %cond3A_81 : i32
    scf.if %cond3A_82 {
      %mul3A_368 = arith.constant 80 : i32
      %mul3A_369 = arith.muli %add3A_77, %mul3A_368 : i32
      %mul3A_370 = arith.constant 80 : i32
      %mul3A_371 = arith.muli %add3A_77, %mul3A_370 : i32
      %dma_start3A_372 = arith.constant 0 : i32
      %dma_start3A_373 = tpu.memref_slice %arg6[%mul3A_371, %dma_start3A_372] : memref<10000x128xf32, #tpu.memory_space<vmem_shared>> -> memref<80x128xf32, #tpu.memory_space<vmem_shared>>
      %dma_start3A_374 = arith.constant 0 : i32
      %dma_start3A_375 = tpu.memref_slice %arg2[%mul3A_369, %dma_start3A_374] : memref<10000x128xf32, #tpu.memory_space<hbm>> -> memref<80x128xf32, #tpu.memory_space<hbm>>
      tpu.enqueue_dma source(%dma_start3A_375 : memref<80x128xf32, #tpu.memory_space<hbm>>) target(%dma_start3A_373 : memref<80x128xf32, #tpu.memory_space<vmem_shared>>) target_semaphore(%arg12 : memref<!tpu.dma_semaphore, #tpu.memory_space<semaphore_mem>>)
    } else {
    }
    %add3A_83 = arith.constant 0 : i32
    %add3A_84 = arith.addi %arg1, %add3A_83 : i32
    %lt3A_85 = arith.constant 125 : i32
    %lt3A_86 = arith.cmpi slt, %add3A_84, %lt3A_85 : i32
    %convert_element_type3A_87 = arith.extui %lt3A_86 : i1 to i32
    %cond3A_88 = arith.constant 0 : i32
    %cond3A_89 = arith.cmpi ne, %convert_element_type3A_87, %cond3A_88 : i32
    scf.if %cond3A_89 {
      %mul3A_368 = arith.constant 80 : i32
      %mul3A_369 = arith.muli %add3A_84, %mul3A_368 : i32
      %mul3A_370 = arith.constant 80 : i32
      %mul3A_371 = arith.muli %add3A_84, %mul3A_370 : i32
      %dma_wait3A_372 = arith.constant 0 : i32
      %dma_wait3A_373 = tpu.memref_slice %arg6[%mul3A_371, %dma_wait3A_372] : memref<10000x128xf32, #tpu.memory_space<vmem_shared>> -> memref<80x128xf32, #tpu.memory_space<vmem_shared>>
      %dma_wait3A_374 = arith.constant 0 : i32
      %dma_wait3A_375 = tpu.memref_slice %arg2[%mul3A_369, %dma_wait3A_374] : memref<10000x128xf32, #tpu.memory_space<hbm>> -> memref<80x128xf32, #tpu.memory_space<hbm>>
      tpu.wait_dma2 semaphore(%arg12 : memref<!tpu.dma_semaphore, #tpu.memory_space<semaphore_mem>>) src(%dma_wait3A_375 : memref<80x128xf32, #tpu.memory_space<hbm>>) dst(%dma_wait3A_373 : memref<80x128xf32, #tpu.memory_space<vmem_shared>>)
    } else {
    }
    %add3A_90 = arith.constant 16 : i32
    %add3A_91 = arith.addi %arg1, %add3A_90 : i32
    %lt3A_92 = arith.constant 125 : i32
    %lt3A_93 = arith.cmpi slt, %add3A_91, %lt3A_92 : i32
    %convert_element_type3A_94 = arith.extui %lt3A_93 : i1 to i32
    %cond3A_95 = arith.constant 0 : i32
    %cond3A_96 = arith.cmpi ne, %convert_element_type3A_94, %cond3A_95 : i32
    scf.if %cond3A_96 {
      %mul3A_368 = arith.constant 80 : i32
      %mul3A_369 = arith.muli %add3A_91, %mul3A_368 : i32
      %mul3A_370 = arith.constant 80 : i32
      %mul3A_371 = arith.muli %add3A_91, %mul3A_370 : i32
      %dma_wait3A_372 = arith.constant 0 : i32
      %dma_wait3A_373 = tpu.memref_slice %arg6[%mul3A_371, %dma_wait3A_372] : memref<10000x128xf32, #tpu.memory_space<vmem_shared>> -> memref<80x128xf32, #tpu.memory_space<vmem_shared>>
      %dma_wait3A_374 = arith.constant 0 : i32
      %dma_wait3A_375 = tpu.memref_slice %arg2[%mul3A_369, %dma_wait3A_374] : memref<10000x128xf32, #tpu.memory_space<hbm>> -> memref<80x128xf32, #tpu.memory_space<hbm>>
      tpu.wait_dma2 semaphore(%arg12 : memref<!tpu.dma_semaphore, #tpu.memory_space<semaphore_mem>>) src(%dma_wait3A_375 : memref<80x128xf32, #tpu.memory_space<hbm>>) dst(%dma_wait3A_373 : memref<80x128xf32, #tpu.memory_space<vmem_shared>>)
    } else {
    }
    %add3A_97 = arith.constant 32 : i32
    %add3A_98 = arith.addi %arg1, %add3A_97 : i32
    %lt3A_99 = arith.constant 125 : i32
    %lt3A_100 = arith.cmpi slt, %add3A_98, %lt3A_99 : i32
    %convert_element_type3A_101 = arith.extui %lt3A_100 : i1 to i32
    %cond3A_102 = arith.constant 0 : i32
    %cond3A_103 = arith.cmpi ne, %convert_element_type3A_101, %cond3A_102 : i32
    scf.if %cond3A_103 {
      %mul3A_368 = arith.constant 80 : i32
      %mul3A_369 = arith.muli %add3A_98, %mul3A_368 : i32
      %mul3A_370 = arith.constant 80 : i32
      %mul3A_371 = arith.muli %add3A_98, %mul3A_370 : i32
      %dma_wait3A_372 = arith.constant 0 : i32
      %dma_wait3A_373 = tpu.memref_slice %arg6[%mul3A_371, %dma_wait3A_372] : memref<10000x128xf32, #tpu.memory_space<vmem_shared>> -> memref<80x128xf32, #tpu.memory_space<vmem_shared>>
      %dma_wait3A_374 = arith.constant 0 : i32
      %dma_wait3A_375 = tpu.memref_slice %arg2[%mul3A_369, %dma_wait3A_374] : memref<10000x128xf32, #tpu.memory_space<hbm>> -> memref<80x128xf32, #tpu.memory_space<hbm>>
      tpu.wait_dma2 semaphore(%arg12 : memref<!tpu.dma_semaphore, #tpu.memory_space<semaphore_mem>>) src(%dma_wait3A_375 : memref<80x128xf32, #tpu.memory_space<hbm>>) dst(%dma_wait3A_373 : memref<80x128xf32, #tpu.memory_space<vmem_shared>>)
    } else {
    }
    %add3A_104 = arith.constant 48 : i32
    %add3A_105 = arith.addi %arg1, %add3A_104 : i32
    %lt3A_106 = arith.constant 125 : i32
    %lt3A_107 = arith.cmpi slt, %add3A_105, %lt3A_106 : i32
    %convert_element_type3A_108 = arith.extui %lt3A_107 : i1 to i32
    %cond3A_109 = arith.constant 0 : i32
    %cond3A_110 = arith.cmpi ne, %convert_element_type3A_108, %cond3A_109 : i32
    scf.if %cond3A_110 {
      %mul3A_368 = arith.constant 80 : i32
      %mul3A_369 = arith.muli %add3A_105, %mul3A_368 : i32
      %mul3A_370 = arith.constant 80 : i32
      %mul3A_371 = arith.muli %add3A_105, %mul3A_370 : i32
      %dma_wait3A_372 = arith.constant 0 : i32
      %dma_wait3A_373 = tpu.memref_slice %arg6[%mul3A_371, %dma_wait3A_372] : memref<10000x128xf32, #tpu.memory_space<vmem_shared>> -> memref<80x128xf32, #tpu.memory_space<vmem_shared>>
      %dma_wait3A_374 = arith.constant 0 : i32
      %dma_wait3A_375 = tpu.memref_slice %arg2[%mul3A_369, %dma_wait3A_374] : memref<10000x128xf32, #tpu.memory_space<hbm>> -> memref<80x128xf32, #tpu.memory_space<hbm>>
      tpu.wait_dma2 semaphore(%arg12 : memref<!tpu.dma_semaphore, #tpu.memory_space<semaphore_mem>>) src(%dma_wait3A_375 : memref<80x128xf32, #tpu.memory_space<hbm>>) dst(%dma_wait3A_373 : memref<80x128xf32, #tpu.memory_space<vmem_shared>>)
    } else {
    }
    %add3A_111 = arith.constant 64 : i32
    %add3A_112 = arith.addi %arg1, %add3A_111 : i32
    %lt3A_113 = arith.constant 125 : i32
    %lt3A_114 = arith.cmpi slt, %add3A_112, %lt3A_113 : i32
    %convert_element_type3A_115 = arith.extui %lt3A_114 : i1 to i32
    %cond3A_116 = arith.constant 0 : i32
    %cond3A_117 = arith.cmpi ne, %convert_element_type3A_115, %cond3A_116 : i32
    scf.if %cond3A_117 {
      %mul3A_368 = arith.constant 80 : i32
      %mul3A_369 = arith.muli %add3A_112, %mul3A_368 : i32
      %mul3A_370 = arith.constant 80 : i32
      %mul3A_371 = arith.muli %add3A_112, %mul3A_370 : i32
      %dma_wait3A_372 = arith.constant 0 : i32
      %dma_wait3A_373 = tpu.memref_slice %arg6[%mul3A_371, %dma_wait3A_372] : memref<10000x128xf32, #tpu.memory_space<vmem_shared>> -> memref<80x128xf32, #tpu.memory_space<vmem_shared>>
      %dma_wait3A_374 = arith.constant 0 : i32
      %dma_wait3A_375 = tpu.memref_slice %arg2[%mul3A_369, %dma_wait3A_374] : memref<10000x128xf32, #tpu.memory_space<hbm>> -> memref<80x128xf32, #tpu.memory_space<hbm>>
      tpu.wait_dma2 semaphore(%arg12 : memref<!tpu.dma_semaphore, #tpu.memory_space<semaphore_mem>>) src(%dma_wait3A_375 : memref<80x128xf32, #tpu.memory_space<hbm>>) dst(%dma_wait3A_373 : memref<80x128xf32, #tpu.memory_space<vmem_shared>>)
    } else {
    }
    %add3A_118 = arith.constant 80 : i32
    %add3A_119 = arith.addi %arg1, %add3A_118 : i32
    %lt3A_120 = arith.constant 125 : i32
    %lt3A_121 = arith.cmpi slt, %add3A_119, %lt3A_120 : i32
    %convert_element_type3A_122 = arith.extui %lt3A_121 : i1 to i32
    %cond3A_123 = arith.constant 0 : i32
    %cond3A_124 = arith.cmpi ne, %convert_element_type3A_122, %cond3A_123 : i32
    scf.if %cond3A_124 {
      %mul3A_368 = arith.constant 80 : i32
      %mul3A_369 = arith.muli %add3A_119, %mul3A_368 : i32
      %mul3A_370 = arith.constant 80 : i32
      %mul3A_371 = arith.muli %add3A_119, %mul3A_370 : i32
      %dma_wait3A_372 = arith.constant 0 : i32
      %dma_wait3A_373 = tpu.memref_slice %arg6[%mul3A_371, %dma_wait3A_372] : memref<10000x128xf32, #tpu.memory_space<vmem_shared>> -> memref<80x128xf32, #tpu.memory_space<vmem_shared>>
      %dma_wait3A_374 = arith.constant 0 : i32
      %dma_wait3A_375 = tpu.memref_slice %arg2[%mul3A_369, %dma_wait3A_374] : memref<10000x128xf32, #tpu.memory_space<hbm>> -> memref<80x128xf32, #tpu.memory_space<hbm>>
      tpu.wait_dma2 semaphore(%arg12 : memref<!tpu.dma_semaphore, #tpu.memory_space<semaphore_mem>>) src(%dma_wait3A_375 : memref<80x128xf32, #tpu.memory_space<hbm>>) dst(%dma_wait3A_373 : memref<80x128xf32, #tpu.memory_space<vmem_shared>>)
    } else {
    }
    %add3A_125 = arith.constant 96 : i32
    %add3A_126 = arith.addi %arg1, %add3A_125 : i32
    %lt3A_127 = arith.constant 125 : i32
    %lt3A_128 = arith.cmpi slt, %add3A_126, %lt3A_127 : i32
    %convert_element_type3A_129 = arith.extui %lt3A_128 : i1 to i32
    %cond3A_130 = arith.constant 0 : i32
    %cond3A_131 = arith.cmpi ne, %convert_element_type3A_129, %cond3A_130 : i32
    scf.if %cond3A_131 {
      %mul3A_368 = arith.constant 80 : i32
      %mul3A_369 = arith.muli %add3A_126, %mul3A_368 : i32
      %mul3A_370 = arith.constant 80 : i32
      %mul3A_371 = arith.muli %add3A_126, %mul3A_370 : i32
      %dma_wait3A_372 = arith.constant 0 : i32
      %dma_wait3A_373 = tpu.memref_slice %arg6[%mul3A_371, %dma_wait3A_372] : memref<10000x128xf32, #tpu.memory_space<vmem_shared>> -> memref<80x128xf32, #tpu.memory_space<vmem_shared>>
      %dma_wait3A_374 = arith.constant 0 : i32
      %dma_wait3A_375 = tpu.memref_slice %arg2[%mul3A_369, %dma_wait3A_374] : memref<10000x128xf32, #tpu.memory_space<hbm>> -> memref<80x128xf32, #tpu.memory_space<hbm>>
      tpu.wait_dma2 semaphore(%arg12 : memref<!tpu.dma_semaphore, #tpu.memory_space<semaphore_mem>>) src(%dma_wait3A_375 : memref<80x128xf32, #tpu.memory_space<hbm>>) dst(%dma_wait3A_373 : memref<80x128xf32, #tpu.memory_space<vmem_shared>>)
    } else {
    }
    %add3A_132 = arith.constant 112 : i32
    %add3A_133 = arith.addi %arg1, %add3A_132 : i32
    %lt3A_134 = arith.constant 125 : i32
    %lt3A_135 = arith.cmpi slt, %add3A_133, %lt3A_134 : i32
    %convert_element_type3A_136 = arith.extui %lt3A_135 : i1 to i32
    %cond3A_137 = arith.constant 0 : i32
    %cond3A_138 = arith.cmpi ne, %convert_element_type3A_136, %cond3A_137 : i32
    scf.if %cond3A_138 {
      %mul3A_368 = arith.constant 80 : i32
      %mul3A_369 = arith.muli %add3A_133, %mul3A_368 : i32
      %mul3A_370 = arith.constant 80 : i32
      %mul3A_371 = arith.muli %add3A_133, %mul3A_370 : i32
      %dma_wait3A_372 = arith.constant 0 : i32
      %dma_wait3A_373 = tpu.memref_slice %arg6[%mul3A_371, %dma_wait3A_372] : memref<10000x128xf32, #tpu.memory_space<vmem_shared>> -> memref<80x128xf32, #tpu.memory_space<vmem_shared>>
      %dma_wait3A_374 = arith.constant 0 : i32
      %dma_wait3A_375 = tpu.memref_slice %arg2[%mul3A_369, %dma_wait3A_374] : memref<10000x128xf32, #tpu.memory_space<hbm>> -> memref<80x128xf32, #tpu.memory_space<hbm>>
      tpu.wait_dma2 semaphore(%arg12 : memref<!tpu.dma_semaphore, #tpu.memory_space<semaphore_mem>>) src(%dma_wait3A_375 : memref<80x128xf32, #tpu.memory_space<hbm>>) dst(%dma_wait3A_373 : memref<80x128xf32, #tpu.memory_space<vmem_shared>>)
    } else {
    }
    %barrier3A = arith.constant 0 : index
    tpu.barrier barrier_id(%barrier3A)
    %multiple_of3A_139 = arith.constant 0 : i32
    %multiple_of3A_140 = tpu.assume_multiple %multiple_of3A_139, 80 : i32
    %dma_wait3A = arith.constant 0 : i32
    %dma_wait3A_141 = arith.constant 0 : i32
    %dma_wait3A_142 = arith.constant 0 : i32
    %dma_wait3A_143 = arith.constant 0 : i32
    %dma_wait3A_144 = tpu.memref_slice %arg9[%dma_wait3A, %dma_wait3A_142, %dma_wait3A_143] : memref<3x80x128xf32, #tpu.memory_space<vmem>> -> memref<1x80x128xf32, #tpu.memory_space<vmem>>
    %dma_wait3A_145 = tpu.memref_squeeze %dma_wait3A_144 : memref<1x80x128xf32, #tpu.memory_space<vmem>> -> memref<80x128xf32, #tpu.memory_space<vmem>>
    %dma_wait3A_146 = tpu.memref_slice %arg7[%multiple_of3A_140] : memref<10000xi32, #tpu.memory_space<vmem>> -> memref<80xi32, #tpu.memory_space<vmem>>
    %dma_wait3A_147 = arith.constant 0 : i32
    %dma_wait3A_148 = arith.constant 0 : i32
    %dma_wait3A_149 = tpu.memref_slice %arg2[%dma_wait3A_147, %dma_wait3A_148] : memref<10000x128xf32, #tpu.memory_space<hbm>> -> memref<10000x128xf32, #tpu.memory_space<hbm>>
    %dma_wait3A_150 = tpu.memref_slice %arg10[%dma_wait3A_141] : memref<3x!tpu.dma_semaphore, #tpu.memory_space<semaphore_mem>> -> memref<1x!tpu.dma_semaphore, #tpu.memory_space<semaphore_mem>>
    %dma_wait3A_151 = tpu.memref_squeeze %dma_wait3A_150 : memref<1x!tpu.dma_semaphore, #tpu.memory_space<semaphore_mem>> -> memref<!tpu.dma_semaphore, #tpu.memory_space<semaphore_mem>>
    tpu.wait_indirect_dma semaphore(%dma_wait3A_151 : memref<!tpu.dma_semaphore, #tpu.memory_space<semaphore_mem>>) src(%dma_wait3A_149 : memref<10000x128xf32, #tpu.memory_space<hbm>>) dst(%dma_wait3A_145 : memref<80x128xf32, #tpu.memory_space<vmem>>)
    %multiple_of3A_152 = arith.constant 0 : i32
    %multiple_of3A_153 = tpu.assume_multiple %multiple_of3A_152, 80 : i32
    %dma_start3A_154 = arith.constant 0 : i32
    %dma_start3A_155 = arith.constant 0 : i32
    %dma_start3A_156 = arith.constant 0 : i32
    %dma_start3A_157 = arith.constant 0 : i32
    %dma_start3A_158 = tpu.memref_slice %arg9[%dma_start3A_154, %dma_start3A_156, %dma_start3A_157] : memref<3x80x128xf32, #tpu.memory_space<vmem>> -> memref<1x80x128xf32, #tpu.memory_space<vmem>>
    %dma_start3A_159 = tpu.memref_squeeze %dma_start3A_158 : memref<1x80x128xf32, #tpu.memory_space<vmem>> -> memref<80x128xf32, #tpu.memory_space<vmem>>
    %dma_start3A_160 = tpu.memref_slice %arg8[%multiple_of3A_153] : memref<10000xi32, #tpu.memory_space<vmem>> -> memref<80xi32, #tpu.memory_space<vmem>>
    %dma_start3A_161 = arith.constant 0 : i32
    %dma_start3A_162 = arith.constant 0 : i32
    %dma_start3A_163 = tpu.memref_slice %arg6[%dma_start3A_161, %dma_start3A_162] : memref<10000x128xf32, #tpu.memory_space<vmem_shared>> -> memref<10000x128xf32, #tpu.memory_space<vmem_shared>>
    %dma_start3A_164 = tpu.memref_slice %arg11[%dma_start3A_155] : memref<3x!tpu.dma_semaphore, #tpu.memory_space<semaphore_mem>> -> memref<1x!tpu.dma_semaphore, #tpu.memory_space<semaphore_mem>>
    %dma_start3A_165 = tpu.memref_squeeze %dma_start3A_164 : memref<1x!tpu.dma_semaphore, #tpu.memory_space<semaphore_mem>> -> memref<!tpu.dma_semaphore, #tpu.memory_space<semaphore_mem>>
    tpu.enqueue_indirect_dma source(%dma_start3A_159 : memref<80x128xf32, #tpu.memory_space<vmem>>) target(%dma_start3A_163 : memref<10000x128xf32, #tpu.memory_space<vmem_shared>>) offsets(%dma_start3A_160 : memref<80xi32, #tpu.memory_space<vmem>>) semaphore(%dma_start3A_165 : memref<!tpu.dma_semaphore, #tpu.memory_space<semaphore_mem>>) {add = true}
    %multiple_of3A_166 = arith.constant 160 : i32
    %multiple_of3A_167 = tpu.assume_multiple %multiple_of3A_166, 80 : i32
    %dma_start3A_168 = arith.constant 2 : i32
    %dma_start3A_169 = arith.constant 2 : i32
    %dma_start3A_170 = arith.constant 0 : i32
    %dma_start3A_171 = arith.constant 0 : i32
    %dma_start3A_172 = tpu.memref_slice %arg9[%dma_start3A_168, %dma_start3A_170, %dma_start3A_171] : memref<3x80x128xf32, #tpu.memory_space<vmem>> -> memref<1x80x128xf32, #tpu.memory_space<vmem>>
    %dma_start3A_173 = tpu.memref_squeeze %dma_start3A_172 : memref<1x80x128xf32, #tpu.memory_space<vmem>> -> memref<80x128xf32, #tpu.memory_space<vmem>>
    %dma_start3A_174 = tpu.memref_slice %arg7[%multiple_of3A_167] : memref<10000xi32, #tpu.memory_space<vmem>> -> memref<80xi32, #tpu.memory_space<vmem>>
    %dma_start3A_175 = arith.constant 0 : i32
    %dma_start3A_176 = arith.constant 0 : i32
    %dma_start3A_177 = tpu.memref_slice %arg2[%dma_start3A_175, %dma_start3A_176] : memref<10000x128xf32, #tpu.memory_space<hbm>> -> memref<10000x128xf32, #tpu.memory_space<hbm>>
    %dma_start3A_178 = tpu.memref_slice %arg10[%dma_start3A_169] : memref<3x!tpu.dma_semaphore, #tpu.memory_space<semaphore_mem>> -> memref<1x!tpu.dma_semaphore, #tpu.memory_space<semaphore_mem>>
    %dma_start3A_179 = tpu.memref_squeeze %dma_start3A_178 : memref<1x!tpu.dma_semaphore, #tpu.memory_space<semaphore_mem>> -> memref<!tpu.dma_semaphore, #tpu.memory_space<semaphore_mem>>
    tpu.enqueue_indirect_dma source(%dma_start3A_177 : memref<10000x128xf32, #tpu.memory_space<hbm>>) target(%dma_start3A_173 : memref<80x128xf32, #tpu.memory_space<vmem>>) offsets(%dma_start3A_174 : memref<80xi32, #tpu.memory_space<vmem>>) semaphore(%dma_start3A_179 : memref<!tpu.dma_semaphore, #tpu.memory_space<semaphore_mem>>)
    %multiple_of3A_180 = arith.constant 80 : i32
    %multiple_of3A_181 = tpu.assume_multiple %multiple_of3A_180, 80 : i32
    %dma_wait3A_182 = arith.constant 1 : i32
    %dma_wait3A_183 = arith.constant 1 : i32
    %dma_wait3A_184 = arith.constant 0 : i32
    %dma_wait3A_185 = arith.constant 0 : i32
    %dma_wait3A_186 = tpu.memref_slice %arg9[%dma_wait3A_182, %dma_wait3A_184, %dma_wait3A_185] : memref<3x80x128xf32, #tpu.memory_space<vmem>> -> memref<1x80x128xf32, #tpu.memory_space<vmem>>
    %dma_wait3A_187 = tpu.memref_squeeze %dma_wait3A_186 : memref<1x80x128xf32, #tpu.memory_space<vmem>> -> memref<80x128xf32, #tpu.memory_space<vmem>>
    %dma_wait3A_188 = tpu.memref_slice %arg7[%multiple_of3A_181] : memref<10000xi32, #tpu.memory_space<vmem>> -> memref<80xi32, #tpu.memory_space<vmem>>
    %dma_wait3A_189 = arith.constant 0 : i32
    %dma_wait3A_190 = arith.constant 0 : i32
    %dma_wait3A_191 = tpu.memref_slice %arg2[%dma_wait3A_189, %dma_wait3A_190] : memref<10000x128xf32, #tpu.memory_space<hbm>> -> memref<10000x128xf32, #tpu.memory_space<hbm>>
    %dma_wait3A_192 = tpu.memref_slice %arg10[%dma_wait3A_183] : memref<3x!tpu.dma_semaphore, #tpu.memory_space<semaphore_mem>> -> memref<1x!tpu.dma_semaphore, #tpu.memory_space<semaphore_mem>>
    %dma_wait3A_193 = tpu.memref_squeeze %dma_wait3A_192 : memref<1x!tpu.dma_semaphore, #tpu.memory_space<semaphore_mem>> -> memref<!tpu.dma_semaphore, #tpu.memory_space<semaphore_mem>>
    tpu.wait_indirect_dma semaphore(%dma_wait3A_193 : memref<!tpu.dma_semaphore, #tpu.memory_space<semaphore_mem>>) src(%dma_wait3A_191 : memref<10000x128xf32, #tpu.memory_space<hbm>>) dst(%dma_wait3A_187 : memref<80x128xf32, #tpu.memory_space<vmem>>)
    %multiple_of3A_194 = arith.constant 80 : i32
    %multiple_of3A_195 = tpu.assume_multiple %multiple_of3A_194, 80 : i32
    %dma_start3A_196 = arith.constant 1 : i32
    %dma_start3A_197 = arith.constant 1 : i32
    %dma_start3A_198 = arith.constant 0 : i32
    %dma_start3A_199 = arith.constant 0 : i32
    %dma_start3A_200 = tpu.memref_slice %arg9[%dma_start3A_196, %dma_start3A_198, %dma_start3A_199] : memref<3x80x128xf32, #tpu.memory_space<vmem>> -> memref<1x80x128xf32, #tpu.memory_space<vmem>>
    %dma_start3A_201 = tpu.memref_squeeze %dma_start3A_200 : memref<1x80x128xf32, #tpu.memory_space<vmem>> -> memref<80x128xf32, #tpu.memory_space<vmem>>
    %dma_start3A_202 = tpu.memref_slice %arg8[%multiple_of3A_195] : memref<10000xi32, #tpu.memory_space<vmem>> -> memref<80xi32, #tpu.memory_space<vmem>>
    %dma_start3A_203 = arith.constant 0 : i32
    %dma_start3A_204 = arith.constant 0 : i32
    %dma_start3A_205 = tpu.memref_slice %arg6[%dma_start3A_203, %dma_start3A_204] : memref<10000x128xf32, #tpu.memory_space<vmem_shared>> -> memref<10000x128xf32, #tpu.memory_space<vmem_shared>>
    %dma_start3A_206 = tpu.memref_slice %arg11[%dma_start3A_197] : memref<3x!tpu.dma_semaphore, #tpu.memory_space<semaphore_mem>> -> memref<1x!tpu.dma_semaphore, #tpu.memory_space<semaphore_mem>>
    %dma_start3A_207 = tpu.memref_squeeze %dma_start3A_206 : memref<1x!tpu.dma_semaphore, #tpu.memory_space<semaphore_mem>> -> memref<!tpu.dma_semaphore, #tpu.memory_space<semaphore_mem>>
    tpu.enqueue_indirect_dma source(%dma_start3A_201 : memref<80x128xf32, #tpu.memory_space<vmem>>) target(%dma_start3A_205 : memref<10000x128xf32, #tpu.memory_space<vmem_shared>>) offsets(%dma_start3A_202 : memref<80xi32, #tpu.memory_space<vmem>>) semaphore(%dma_start3A_207 : memref<!tpu.dma_semaphore, #tpu.memory_space<semaphore_mem>>) {add = true}
    %multiple_of3A_208 = arith.constant 0 : i32
    %multiple_of3A_209 = tpu.assume_multiple %multiple_of3A_208, 80 : i32
    %dma_wait3A_210 = arith.constant 0 : i32
    %dma_wait3A_211 = arith.constant 0 : i32
    %dma_wait3A_212 = arith.constant 0 : i32
    %dma_wait3A_213 = arith.constant 0 : i32
    %dma_wait3A_214 = tpu.memref_slice %arg9[%dma_wait3A_210, %dma_wait3A_212, %dma_wait3A_213] : memref<3x80x128xf32, #tpu.memory_space<vmem>> -> memref<1x80x128xf32, #tpu.memory_space<vmem>>
    %dma_wait3A_215 = tpu.memref_squeeze %dma_wait3A_214 : memref<1x80x128xf32, #tpu.memory_space<vmem>> -> memref<80x128xf32, #tpu.memory_space<vmem>>
    %dma_wait3A_216 = tpu.memref_slice %arg8[%multiple_of3A_209] : memref<10000xi32, #tpu.memory_space<vmem>> -> memref<80xi32, #tpu.memory_space<vmem>>
    %dma_wait3A_217 = arith.constant 0 : i32
    %dma_wait3A_218 = arith.constant 0 : i32
    %dma_wait3A_219 = tpu.memref_slice %arg6[%dma_wait3A_217, %dma_wait3A_218] : memref<10000x128xf32, #tpu.memory_space<vmem_shared>> -> memref<10000x128xf32, #tpu.memory_space<vmem_shared>>
    %dma_wait3A_220 = tpu.memref_slice %arg11[%dma_wait3A_211] : memref<3x!tpu.dma_semaphore, #tpu.memory_space<semaphore_mem>> -> memref<1x!tpu.dma_semaphore, #tpu.memory_space<semaphore_mem>>
    %dma_wait3A_221 = tpu.memref_squeeze %dma_wait3A_220 : memref<1x!tpu.dma_semaphore, #tpu.memory_space<semaphore_mem>> -> memref<!tpu.dma_semaphore, #tpu.memory_space<semaphore_mem>>
    tpu.wait_indirect_dma semaphore(%dma_wait3A_221 : memref<!tpu.dma_semaphore, #tpu.memory_space<semaphore_mem>>) src(%dma_wait3A_215 : memref<80x128xf32, #tpu.memory_space<vmem>>) dst(%dma_wait3A_219 : memref<10000x128xf32, #tpu.memory_space<vmem_shared>>)
    %multiple_of3A_222 = arith.constant 240 : i32
    %multiple_of3A_223 = tpu.assume_multiple %multiple_of3A_222, 80 : i32
    %dma_start3A_224 = arith.constant 0 : i32
    %dma_start3A_225 = arith.constant 0 : i32
    %dma_start3A_226 = arith.constant 0 : i32
    %dma_start3A_227 = arith.constant 0 : i32
    %dma_start3A_228 = tpu.memref_slice %arg9[%dma_start3A_224, %dma_start3A_226, %dma_start3A_227] : memref<3x80x128xf32, #tpu.memory_space<vmem>> -> memref<1x80x128xf32, #tpu.memory_space<vmem>>
    %dma_start3A_229 = tpu.memref_squeeze %dma_start3A_228 : memref<1x80x128xf32, #tpu.memory_space<vmem>> -> memref<80x128xf32, #tpu.memory_space<vmem>>
    %dma_start3A_230 = tpu.memref_slice %arg7[%multiple_of3A_223] : memref<10000xi32, #tpu.memory_space<vmem>> -> memref<80xi32, #tpu.memory_space<vmem>>
    %dma_start3A_231 = arith.constant 0 : i32
    %dma_start3A_232 = arith.constant 0 : i32
    %dma_start3A_233 = tpu.memref_slice %arg2[%dma_start3A_231, %dma_start3A_232] : memref<10000x128xf32, #tpu.memory_space<hbm>> -> memref<10000x128xf32, #tpu.memory_space<hbm>>
    %dma_start3A_234 = tpu.memref_slice %arg10[%dma_start3A_225] : memref<3x!tpu.dma_semaphore, #tpu.memory_space<semaphore_mem>> -> memref<1x!tpu.dma_semaphore, #tpu.memory_space<semaphore_mem>>
    %dma_start3A_235 = tpu.memref_squeeze %dma_start3A_234 : memref<1x!tpu.dma_semaphore, #tpu.memory_space<semaphore_mem>> -> memref<!tpu.dma_semaphore, #tpu.memory_space<semaphore_mem>>
    tpu.enqueue_indirect_dma source(%dma_start3A_233 : memref<10000x128xf32, #tpu.memory_space<hbm>>) target(%dma_start3A_229 : memref<80x128xf32, #tpu.memory_space<vmem>>) offsets(%dma_start3A_230 : memref<80xi32, #tpu.memory_space<vmem>>) semaphore(%dma_start3A_235 : memref<!tpu.dma_semaphore, #tpu.memory_space<semaphore_mem>>)
    %scan3A = arith.constant 0 : i32
    %scan3A_236 = arith.constant 0 : i32
    %scan3A_237 = arith.constant 41 : i32
    %scan3A_238 = arith.addi %scan3A_236, %scan3A_237 : i32
    %scan3A_239 = arith.constant 1 : i32
    scf.for %scan3A_368 = %scan3A_236 to %scan3A_238 step %scan3A_239  : i32 {
      %mul3A_369 = arith.constant 3 : i32
      %mul3A_370 = arith.muli %mul3A_369, %scan3A_368 : i32
      %add3A_371 = arith.constant 2 : i32
      %add3A_372 = arith.addi %mul3A_370, %add3A_371 : i32
      %add3A_373 = arith.constant 0 : i32
      %add3A_374 = arith.addi %add3A_372, %add3A_373 : i32
      %mul3A_375 = arith.constant 80 : i32
      %mul3A_376 = arith.muli %add3A_374, %mul3A_375 : i32
      %multiple_of3A_377 = tpu.assume_multiple %mul3A_376, 80 : i32
      %dma_wait3A_378 = arith.constant 2 : i32
      %dma_wait3A_379 = arith.constant 2 : i32
      %dma_wait3A_380 = arith.constant 0 : i32
      %dma_wait3A_381 = arith.constant 0 : i32
      %dma_wait3A_382 = tpu.memref_slice %arg9[%dma_wait3A_378, %dma_wait3A_380, %dma_wait3A_381] : memref<3x80x128xf32, #tpu.memory_space<vmem>> -> memref<1x80x128xf32, #tpu.memory_space<vmem>>
      %dma_wait3A_383 = tpu.memref_squeeze %dma_wait3A_382 : memref<1x80x128xf32, #tpu.memory_space<vmem>> -> memref<80x128xf32, #tpu.memory_space<vmem>>
      %dma_wait3A_384 = tpu.memref_slice %arg7[%multiple_of3A_377] : memref<10000xi32, #tpu.memory_space<vmem>> -> memref<80xi32, #tpu.memory_space<vmem>>
      %dma_wait3A_385 = arith.constant 0 : i32
      %dma_wait3A_386 = arith.constant 0 : i32
      %dma_wait3A_387 = tpu.memref_slice %arg2[%dma_wait3A_385, %dma_wait3A_386] : memref<10000x128xf32, #tpu.memory_space<hbm>> -> memref<10000x128xf32, #tpu.memory_space<hbm>>
      %dma_wait3A_388 = tpu.memref_slice %arg10[%dma_wait3A_379] : memref<3x!tpu.dma_semaphore, #tpu.memory_space<semaphore_mem>> -> memref<1x!tpu.dma_semaphore, #tpu.memory_space<semaphore_mem>>
      %dma_wait3A_389 = tpu.memref_squeeze %dma_wait3A_388 : memref<1x!tpu.dma_semaphore, #tpu.memory_space<semaphore_mem>> -> memref<!tpu.dma_semaphore, #tpu.memory_space<semaphore_mem>>
      tpu.wait_indirect_dma semaphore(%dma_wait3A_389 : memref<!tpu.dma_semaphore, #tpu.memory_space<semaphore_mem>>) src(%dma_wait3A_387 : memref<10000x128xf32, #tpu.memory_space<hbm>>) dst(%dma_wait3A_383 : memref<80x128xf32, #tpu.memory_space<vmem>>)
      %mul3A_390 = arith.constant 80 : i32
      %mul3A_391 = arith.muli %add3A_374, %mul3A_390 : i32
      %multiple_of3A_392 = tpu.assume_multiple %mul3A_391, 80 : i32
      %dma_start3A_393 = arith.constant 2 : i32
      %dma_start3A_394 = arith.constant 2 : i32
      %dma_start3A_395 = arith.constant 0 : i32
      %dma_start3A_396 = arith.constant 0 : i32
      %dma_start3A_397 = tpu.memref_slice %arg9[%dma_start3A_393, %dma_start3A_395, %dma_start3A_396] : memref<3x80x128xf32, #tpu.memory_space<vmem>> -> memref<1x80x128xf32, #tpu.memory_space<vmem>>
      %dma_start3A_398 = tpu.memref_squeeze %dma_start3A_397 : memref<1x80x128xf32, #tpu.memory_space<vmem>> -> memref<80x128xf32, #tpu.memory_space<vmem>>
      %dma_start3A_399 = tpu.memref_slice %arg8[%multiple_of3A_392] : memref<10000xi32, #tpu.memory_space<vmem>> -> memref<80xi32, #tpu.memory_space<vmem>>
      %dma_start3A_400 = arith.constant 0 : i32
      %dma_start3A_401 = arith.constant 0 : i32
      %dma_start3A_402 = tpu.memref_slice %arg6[%dma_start3A_400, %dma_start3A_401] : memref<10000x128xf32, #tpu.memory_space<vmem_shared>> -> memref<10000x128xf32, #tpu.memory_space<vmem_shared>>
      %dma_start3A_403 = tpu.memref_slice %arg11[%dma_start3A_394] : memref<3x!tpu.dma_semaphore, #tpu.memory_space<semaphore_mem>> -> memref<1x!tpu.dma_semaphore, #tpu.memory_space<semaphore_mem>>
      %dma_start3A_404 = tpu.memref_squeeze %dma_start3A_403 : memref<1x!tpu.dma_semaphore, #tpu.memory_space<semaphore_mem>> -> memref<!tpu.dma_semaphore, #tpu.memory_space<semaphore_mem>>
      tpu.enqueue_indirect_dma source(%dma_start3A_398 : memref<80x128xf32, #tpu.memory_space<vmem>>) target(%dma_start3A_402 : memref<10000x128xf32, #tpu.memory_space<vmem_shared>>) offsets(%dma_start3A_399 : memref<80xi32, #tpu.memory_space<vmem>>) semaphore(%dma_start3A_404 : memref<!tpu.dma_semaphore, #tpu.memory_space<semaphore_mem>>) {add = true}
      %sub3A = arith.constant 1 : i32
      %sub3A_405 = arith.subi %add3A_374, %sub3A : i32
      %mul3A_406 = arith.constant 80 : i32
      %mul3A_407 = arith.muli %sub3A_405, %mul3A_406 : i32
      %multiple_of3A_408 = tpu.assume_multiple %mul3A_407, 80 : i32
      %dma_wait3A_409 = arith.constant 1 : i32
      %dma_wait3A_410 = arith.constant 1 : i32
      %dma_wait3A_411 = arith.constant 0 : i32
      %dma_wait3A_412 = arith.constant 0 : i32
      %dma_wait3A_413 = tpu.memref_slice %arg9[%dma_wait3A_409, %dma_wait3A_411, %dma_wait3A_412] : memref<3x80x128xf32, #tpu.memory_space<vmem>> -> memref<1x80x128xf32, #tpu.memory_space<vmem>>
      %dma_wait3A_414 = tpu.memref_squeeze %dma_wait3A_413 : memref<1x80x128xf32, #tpu.memory_space<vmem>> -> memref<80x128xf32, #tpu.memory_space<vmem>>
      %dma_wait3A_415 = tpu.memref_slice %arg8[%multiple_of3A_408] : memref<10000xi32, #tpu.memory_space<vmem>> -> memref<80xi32, #tpu.memory_space<vmem>>
      %dma_wait3A_416 = arith.constant 0 : i32
      %dma_wait3A_417 = arith.constant 0 : i32
      %dma_wait3A_418 = tpu.memref_slice %arg6[%dma_wait3A_416, %dma_wait3A_417] : memref<10000x128xf32, #tpu.memory_space<vmem_shared>> -> memref<10000x128xf32, #tpu.memory_space<vmem_shared>>
      %dma_wait3A_419 = tpu.memref_slice %arg11[%dma_wait3A_410] : memref<3x!tpu.dma_semaphore, #tpu.memory_space<semaphore_mem>> -> memref<1x!tpu.dma_semaphore, #tpu.memory_space<semaphore_mem>>
      %dma_wait3A_420 = tpu.memref_squeeze %dma_wait3A_419 : memref<1x!tpu.dma_semaphore, #tpu.memory_space<semaphore_mem>> -> memref<!tpu.dma_semaphore, #tpu.memory_space<semaphore_mem>>
      tpu.wait_indirect_dma semaphore(%dma_wait3A_420 : memref<!tpu.dma_semaphore, #tpu.memory_space<semaphore_mem>>) src(%dma_wait3A_414 : memref<80x128xf32, #tpu.memory_space<vmem>>) dst(%dma_wait3A_418 : memref<10000x128xf32, #tpu.memory_space<vmem_shared>>)
      %add3A_421 = arith.constant 2 : i32
      %add3A_422 = arith.addi %add3A_374, %add3A_421 : i32
      %lt3A_423 = arith.constant 125 : i32
      %lt3A_424 = arith.cmpi slt, %add3A_422, %lt3A_423 : i32
      %convert_element_type3A_425 = arith.extui %lt3A_424 : i1 to i32
      %cond3A_426 = arith.constant 0 : i32
      %cond3A_427 = arith.cmpi ne, %convert_element_type3A_425, %cond3A_426 : i32
      scf.if %cond3A_427 {
        %add3A_540 = arith.constant 2 : i32
        %add3A_541 = arith.addi %add3A_374, %add3A_540 : i32
        %mul3A_542 = arith.constant 80 : i32
        %mul3A_543 = arith.muli %add3A_541, %mul3A_542 : i32
        %multiple_of3A_544 = tpu.assume_multiple %mul3A_543, 80 : i32
        %dma_start3A_545 = arith.constant 1 : i32
        %dma_start3A_546 = arith.constant 1 : i32
        %dma_start3A_547 = arith.constant 0 : i32
        %dma_start3A_548 = arith.constant 0 : i32
        %dma_start3A_549 = tpu.memref_slice %arg9[%dma_start3A_545, %dma_start3A_547, %dma_start3A_548] : memref<3x80x128xf32, #tpu.memory_space<vmem>> -> memref<1x80x128xf32, #tpu.memory_space<vmem>>
        %dma_start3A_550 = tpu.memref_squeeze %dma_start3A_549 : memref<1x80x128xf32, #tpu.memory_space<vmem>> -> memref<80x128xf32, #tpu.memory_space<vmem>>
        %dma_start3A_551 = tpu.memref_slice %arg7[%multiple_of3A_544] : memref<10000xi32, #tpu.memory_space<vmem>> -> memref<80xi32, #tpu.memory_space<vmem>>
        %dma_start3A_552 = arith.constant 0 : i32
        %dma_start3A_553 = arith.constant 0 : i32
        %dma_start3A_554 = tpu.memref_slice %arg2[%dma_start3A_552, %dma_start3A_553] : memref<10000x128xf32, #tpu.memory_space<hbm>> -> memref<10000x128xf32, #tpu.memory_space<hbm>>
        %dma_start3A_555 = tpu.memref_slice %arg10[%dma_start3A_546] : memref<3x!tpu.dma_semaphore, #tpu.memory_space<semaphore_mem>> -> memref<1x!tpu.dma_semaphore, #tpu.memory_space<semaphore_mem>>
        %dma_start3A_556 = tpu.memref_squeeze %dma_start3A_555 : memref<1x!tpu.dma_semaphore, #tpu.memory_space<semaphore_mem>> -> memref<!tpu.dma_semaphore, #tpu.memory_space<semaphore_mem>>
        tpu.enqueue_indirect_dma source(%dma_start3A_554 : memref<10000x128xf32, #tpu.memory_space<hbm>>) target(%dma_start3A_550 : memref<80x128xf32, #tpu.memory_space<vmem>>) offsets(%dma_start3A_551 : memref<80xi32, #tpu.memory_space<vmem>>) semaphore(%dma_start3A_556 : memref<!tpu.dma_semaphore, #tpu.memory_space<semaphore_mem>>)
      } else {
      }
      %add3A_428 = arith.constant 1 : i32
      %add3A_429 = arith.addi %add3A_372, %add3A_428 : i32
      %mul3A_430 = arith.constant 80 : i32
      %mul3A_431 = arith.muli %add3A_429, %mul3A_430 : i32
      %multiple_of3A_432 = tpu.assume_multiple %mul3A_431, 80 : i32
      %dma_wait3A_433 = arith.constant 0 : i32
      %dma_wait3A_434 = arith.constant 0 : i32
      %dma_wait3A_435 = arith.constant 0 : i32
      %dma_wait3A_436 = arith.constant 0 : i32
      %dma_wait3A_437 = tpu.memref_slice %arg9[%dma_wait3A_433, %dma_wait3A_435, %dma_wait3A_436] : memref<3x80x128xf32, #tpu.memory_space<vmem>> -> memref<1x80x128xf32, #tpu.memory_space<vmem>>
      %dma_wait3A_438 = tpu.memref_squeeze %dma_wait3A_437 : memref<1x80x128xf32, #tpu.memory_space<vmem>> -> memref<80x128xf32, #tpu.memory_space<vmem>>
      %dma_wait3A_439 = tpu.memref_slice %arg7[%multiple_of3A_432] : memref<10000xi32, #tpu.memory_space<vmem>> -> memref<80xi32, #tpu.memory_space<vmem>>
      %dma_wait3A_440 = arith.constant 0 : i32
      %dma_wait3A_441 = arith.constant 0 : i32
      %dma_wait3A_442 = tpu.memref_slice %arg2[%dma_wait3A_440, %dma_wait3A_441] : memref<10000x128xf32, #tpu.memory_space<hbm>> -> memref<10000x128xf32, #tpu.memory_space<hbm>>
      %dma_wait3A_443 = tpu.memref_slice %arg10[%dma_wait3A_434] : memref<3x!tpu.dma_semaphore, #tpu.memory_space<semaphore_mem>> -> memref<1x!tpu.dma_semaphore, #tpu.memory_space<semaphore_mem>>
      %dma_wait3A_444 = tpu.memref_squeeze %dma_wait3A_443 : memref<1x!tpu.dma_semaphore, #tpu.memory_space<semaphore_mem>> -> memref<!tpu.dma_semaphore, #tpu.memory_space<semaphore_mem>>
      tpu.wait_indirect_dma semaphore(%dma_wait3A_444 : memref<!tpu.dma_semaphore, #tpu.memory_space<semaphore_mem>>) src(%dma_wait3A_442 : memref<10000x128xf32, #tpu.memory_space<hbm>>) dst(%dma_wait3A_438 : memref<80x128xf32, #tpu.memory_space<vmem>>)
      %mul3A_445 = arith.constant 80 : i32
      %mul3A_446 = arith.muli %add3A_429, %mul3A_445 : i32
      %multiple_of3A_447 = tpu.assume_multiple %mul3A_446, 80 : i32
      %dma_start3A_448 = arith.constant 0 : i32
      %dma_start3A_449 = arith.constant 0 : i32
      %dma_start3A_450 = arith.constant 0 : i32
      %dma_start3A_451 = arith.constant 0 : i32
      %dma_start3A_452 = tpu.memref_slice %arg9[%dma_start3A_448, %dma_start3A_450, %dma_start3A_451] : memref<3x80x128xf32, #tpu.memory_space<vmem>> -> memref<1x80x128xf32, #tpu.memory_space<vmem>>
      %dma_start3A_453 = tpu.memref_squeeze %dma_start3A_452 : memref<1x80x128xf32, #tpu.memory_space<vmem>> -> memref<80x128xf32, #tpu.memory_space<vmem>>
      %dma_start3A_454 = tpu.memref_slice %arg8[%multiple_of3A_447] : memref<10000xi32, #tpu.memory_space<vmem>> -> memref<80xi32, #tpu.memory_space<vmem>>
      %dma_start3A_455 = arith.constant 0 : i32
      %dma_start3A_456 = arith.constant 0 : i32
      %dma_start3A_457 = tpu.memref_slice %arg6[%dma_start3A_455, %dma_start3A_456] : memref<10000x128xf32, #tpu.memory_space<vmem_shared>> -> memref<10000x128xf32, #tpu.memory_space<vmem_shared>>
      %dma_start3A_458 = tpu.memref_slice %arg11[%dma_start3A_449] : memref<3x!tpu.dma_semaphore, #tpu.memory_space<semaphore_mem>> -> memref<1x!tpu.dma_semaphore, #tpu.memory_space<semaphore_mem>>
      %dma_start3A_459 = tpu.memref_squeeze %dma_start3A_458 : memref<1x!tpu.dma_semaphore, #tpu.memory_space<semaphore_mem>> -> memref<!tpu.dma_semaphore, #tpu.memory_space<semaphore_mem>>
      tpu.enqueue_indirect_dma source(%dma_start3A_453 : memref<80x128xf32, #tpu.memory_space<vmem>>) target(%dma_start3A_457 : memref<10000x128xf32, #tpu.memory_space<vmem_shared>>) offsets(%dma_start3A_454 : memref<80xi32, #tpu.memory_space<vmem>>) semaphore(%dma_start3A_459 : memref<!tpu.dma_semaphore, #tpu.memory_space<semaphore_mem>>) {add = true}
      %sub3A_460 = arith.constant 1 : i32
      %sub3A_461 = arith.subi %add3A_429, %sub3A_460 : i32
      %mul3A_462 = arith.constant 80 : i32
      %mul3A_463 = arith.muli %sub3A_461, %mul3A_462 : i32
      %multiple_of3A_464 = tpu.assume_multiple %mul3A_463, 80 : i32
      %dma_wait3A_465 = arith.constant 2 : i32
      %dma_wait3A_466 = arith.constant 2 : i32
      %dma_wait3A_467 = arith.constant 0 : i32
      %dma_wait3A_468 = arith.constant 0 : i32
      %dma_wait3A_469 = tpu.memref_slice %arg9[%dma_wait3A_465, %dma_wait3A_467, %dma_wait3A_468] : memref<3x80x128xf32, #tpu.memory_space<vmem>> -> memref<1x80x128xf32, #tpu.memory_space<vmem>>
      %dma_wait3A_470 = tpu.memref_squeeze %dma_wait3A_469 : memref<1x80x128xf32, #tpu.memory_space<vmem>> -> memref<80x128xf32, #tpu.memory_space<vmem>>
      %dma_wait3A_471 = tpu.memref_slice %arg8[%multiple_of3A_464] : memref<10000xi32, #tpu.memory_space<vmem>> -> memref<80xi32, #tpu.memory_space<vmem>>
      %dma_wait3A_472 = arith.constant 0 : i32
      %dma_wait3A_473 = arith.constant 0 : i32
      %dma_wait3A_474 = tpu.memref_slice %arg6[%dma_wait3A_472, %dma_wait3A_473] : memref<10000x128xf32, #tpu.memory_space<vmem_shared>> -> memref<10000x128xf32, #tpu.memory_space<vmem_shared>>
      %dma_wait3A_475 = tpu.memref_slice %arg11[%dma_wait3A_466] : memref<3x!tpu.dma_semaphore, #tpu.memory_space<semaphore_mem>> -> memref<1x!tpu.dma_semaphore, #tpu.memory_space<semaphore_mem>>
      %dma_wait3A_476 = tpu.memref_squeeze %dma_wait3A_475 : memref<1x!tpu.dma_semaphore, #tpu.memory_space<semaphore_mem>> -> memref<!tpu.dma_semaphore, #tpu.memory_space<semaphore_mem>>
      tpu.wait_indirect_dma semaphore(%dma_wait3A_476 : memref<!tpu.dma_semaphore, #tpu.memory_space<semaphore_mem>>) src(%dma_wait3A_470 : memref<80x128xf32, #tpu.memory_space<vmem>>) dst(%dma_wait3A_474 : memref<10000x128xf32, #tpu.memory_space<vmem_shared>>)
      %add3A_477 = arith.constant 2 : i32
      %add3A_478 = arith.addi %add3A_429, %add3A_477 : i32
      %lt3A_479 = arith.constant 125 : i32
      %lt3A_480 = arith.cmpi slt, %add3A_478, %lt3A_479 : i32
      %convert_element_type3A_481 = arith.extui %lt3A_480 : i1 to i32
      %cond3A_482 = arith.constant 0 : i32
      %cond3A_483 = arith.cmpi ne, %convert_element_type3A_481, %cond3A_482 : i32
      scf.if %cond3A_483 {
        %add3A_540 = arith.constant 2 : i32
        %add3A_541 = arith.addi %add3A_429, %add3A_540 : i32
        %mul3A_542 = arith.constant 80 : i32
        %mul3A_543 = arith.muli %add3A_541, %mul3A_542 : i32
        %multiple_of3A_544 = tpu.assume_multiple %mul3A_543, 80 : i32
        %dma_start3A_545 = arith.constant 2 : i32
        %dma_start3A_546 = arith.constant 2 : i32
        %dma_start3A_547 = arith.constant 0 : i32
        %dma_start3A_548 = arith.constant 0 : i32
        %dma_start3A_549 = tpu.memref_slice %arg9[%dma_start3A_545, %dma_start3A_547, %dma_start3A_548] : memref<3x80x128xf32, #tpu.memory_space<vmem>> -> memref<1x80x128xf32, #tpu.memory_space<vmem>>
        %dma_start3A_550 = tpu.memref_squeeze %dma_start3A_549 : memref<1x80x128xf32, #tpu.memory_space<vmem>> -> memref<80x128xf32, #tpu.memory_space<vmem>>
        %dma_start3A_551 = tpu.memref_slice %arg7[%multiple_of3A_544] : memref<10000xi32, #tpu.memory_space<vmem>> -> memref<80xi32, #tpu.memory_space<vmem>>
        %dma_start3A_552 = arith.constant 0 : i32
        %dma_start3A_553 = arith.constant 0 : i32
        %dma_start3A_554 = tpu.memref_slice %arg2[%dma_start3A_552, %dma_start3A_553] : memref<10000x128xf32, #tpu.memory_space<hbm>> -> memref<10000x128xf32, #tpu.memory_space<hbm>>
        %dma_start3A_555 = tpu.memref_slice %arg10[%dma_start3A_546] : memref<3x!tpu.dma_semaphore, #tpu.memory_space<semaphore_mem>> -> memref<1x!tpu.dma_semaphore, #tpu.memory_space<semaphore_mem>>
        %dma_start3A_556 = tpu.memref_squeeze %dma_start3A_555 : memref<1x!tpu.dma_semaphore, #tpu.memory_space<semaphore_mem>> -> memref<!tpu.dma_semaphore, #tpu.memory_space<semaphore_mem>>
        tpu.enqueue_indirect_dma source(%dma_start3A_554 : memref<10000x128xf32, #tpu.memory_space<hbm>>) target(%dma_start3A_550 : memref<80x128xf32, #tpu.memory_space<vmem>>) offsets(%dma_start3A_551 : memref<80xi32, #tpu.memory_space<vmem>>) semaphore(%dma_start3A_556 : memref<!tpu.dma_semaphore, #tpu.memory_space<semaphore_mem>>)
      } else {
      }
      %add3A_484 = arith.constant 2 : i32
      %add3A_485 = arith.addi %add3A_372, %add3A_484 : i32
      %mul3A_486 = arith.constant 80 : i32
      %mul3A_487 = arith.muli %add3A_485, %mul3A_486 : i32
      %multiple_of3A_488 = tpu.assume_multiple %mul3A_487, 80 : i32
      %dma_wait3A_489 = arith.constant 1 : i32
      %dma_wait3A_490 = arith.constant 1 : i32
      %dma_wait3A_491 = arith.constant 0 : i32
      %dma_wait3A_492 = arith.constant 0 : i32
      %dma_wait3A_493 = tpu.memref_slice %arg9[%dma_wait3A_489, %dma_wait3A_491, %dma_wait3A_492] : memref<3x80x128xf32, #tpu.memory_space<vmem>> -> memref<1x80x128xf32, #tpu.memory_space<vmem>>
      %dma_wait3A_494 = tpu.memref_squeeze %dma_wait3A_493 : memref<1x80x128xf32, #tpu.memory_space<vmem>> -> memref<80x128xf32, #tpu.memory_space<vmem>>
      %dma_wait3A_495 = tpu.memref_slice %arg7[%multiple_of3A_488] : memref<10000xi32, #tpu.memory_space<vmem>> -> memref<80xi32, #tpu.memory_space<vmem>>
      %dma_wait3A_496 = arith.constant 0 : i32
      %dma_wait3A_497 = arith.constant 0 : i32
      %dma_wait3A_498 = tpu.memref_slice %arg2[%dma_wait3A_496, %dma_wait3A_497] : memref<10000x128xf32, #tpu.memory_space<hbm>> -> memref<10000x128xf32, #tpu.memory_space<hbm>>
      %dma_wait3A_499 = tpu.memref_slice %arg10[%dma_wait3A_490] : memref<3x!tpu.dma_semaphore, #tpu.memory_space<semaphore_mem>> -> memref<1x!tpu.dma_semaphore, #tpu.memory_space<semaphore_mem>>
      %dma_wait3A_500 = tpu.memref_squeeze %dma_wait3A_499 : memref<1x!tpu.dma_semaphore, #tpu.memory_space<semaphore_mem>> -> memref<!tpu.dma_semaphore, #tpu.memory_space<semaphore_mem>>
      tpu.wait_indirect_dma semaphore(%dma_wait3A_500 : memref<!tpu.dma_semaphore, #tpu.memory_space<semaphore_mem>>) src(%dma_wait3A_498 : memref<10000x128xf32, #tpu.memory_space<hbm>>) dst(%dma_wait3A_494 : memref<80x128xf32, #tpu.memory_space<vmem>>)
      %mul3A_501 = arith.constant 80 : i32
      %mul3A_502 = arith.muli %add3A_485, %mul3A_501 : i32
      %multiple_of3A_503 = tpu.assume_multiple %mul3A_502, 80 : i32
      %dma_start3A_504 = arith.constant 1 : i32
      %dma_start3A_505 = arith.constant 1 : i32
      %dma_start3A_506 = arith.constant 0 : i32
      %dma_start3A_507 = arith.constant 0 : i32
      %dma_start3A_508 = tpu.memref_slice %arg9[%dma_start3A_504, %dma_start3A_506, %dma_start3A_507] : memref<3x80x128xf32, #tpu.memory_space<vmem>> -> memref<1x80x128xf32, #tpu.memory_space<vmem>>
      %dma_start3A_509 = tpu.memref_squeeze %dma_start3A_508 : memref<1x80x128xf32, #tpu.memory_space<vmem>> -> memref<80x128xf32, #tpu.memory_space<vmem>>
      %dma_start3A_510 = tpu.memref_slice %arg8[%multiple_of3A_503] : memref<10000xi32, #tpu.memory_space<vmem>> -> memref<80xi32, #tpu.memory_space<vmem>>
      %dma_start3A_511 = arith.constant 0 : i32
      %dma_start3A_512 = arith.constant 0 : i32
      %dma_start3A_513 = tpu.memref_slice %arg6[%dma_start3A_511, %dma_start3A_512] : memref<10000x128xf32, #tpu.memory_space<vmem_shared>> -> memref<10000x128xf32, #tpu.memory_space<vmem_shared>>
      %dma_start3A_514 = tpu.memref_slice %arg11[%dma_start3A_505] : memref<3x!tpu.dma_semaphore, #tpu.memory_space<semaphore_mem>> -> memref<1x!tpu.dma_semaphore, #tpu.memory_space<semaphore_mem>>
      %dma_start3A_515 = tpu.memref_squeeze %dma_start3A_514 : memref<1x!tpu.dma_semaphore, #tpu.memory_space<semaphore_mem>> -> memref<!tpu.dma_semaphore, #tpu.memory_space<semaphore_mem>>
      tpu.enqueue_indirect_dma source(%dma_start3A_509 : memref<80x128xf32, #tpu.memory_space<vmem>>) target(%dma_start3A_513 : memref<10000x128xf32, #tpu.memory_space<vmem_shared>>) offsets(%dma_start3A_510 : memref<80xi32, #tpu.memory_space<vmem>>) semaphore(%dma_start3A_515 : memref<!tpu.dma_semaphore, #tpu.memory_space<semaphore_mem>>) {add = true}
      %sub3A_516 = arith.constant 1 : i32
      %sub3A_517 = arith.subi %add3A_485, %sub3A_516 : i32
      %mul3A_518 = arith.constant 80 : i32
      %mul3A_519 = arith.muli %sub3A_517, %mul3A_518 : i32
      %multiple_of3A_520 = tpu.assume_multiple %mul3A_519, 80 : i32
      %dma_wait3A_521 = arith.constant 0 : i32
      %dma_wait3A_522 = arith.constant 0 : i32
      %dma_wait3A_523 = arith.constant 0 : i32
      %dma_wait3A_524 = arith.constant 0 : i32
      %dma_wait3A_525 = tpu.memref_slice %arg9[%dma_wait3A_521, %dma_wait3A_523, %dma_wait3A_524] : memref<3x80x128xf32, #tpu.memory_space<vmem>> -> memref<1x80x128xf32, #tpu.memory_space<vmem>>
      %dma_wait3A_526 = tpu.memref_squeeze %dma_wait3A_525 : memref<1x80x128xf32, #tpu.memory_space<vmem>> -> memref<80x128xf32, #tpu.memory_space<vmem>>
      %dma_wait3A_527 = tpu.memref_slice %arg8[%multiple_of3A_520] : memref<10000xi32, #tpu.memory_space<vmem>> -> memref<80xi32, #tpu.memory_space<vmem>>
      %dma_wait3A_528 = arith.constant 0 : i32
      %dma_wait3A_529 = arith.constant 0 : i32
      %dma_wait3A_530 = tpu.memref_slice %arg6[%dma_wait3A_528, %dma_wait3A_529] : memref<10000x128xf32, #tpu.memory_space<vmem_shared>> -> memref<10000x128xf32, #tpu.memory_space<vmem_shared>>
      %dma_wait3A_531 = tpu.memref_slice %arg11[%dma_wait3A_522] : memref<3x!tpu.dma_semaphore, #tpu.memory_space<semaphore_mem>> -> memref<1x!tpu.dma_semaphore, #tpu.memory_space<semaphore_mem>>
      %dma_wait3A_532 = tpu.memref_squeeze %dma_wait3A_531 : memref<1x!tpu.dma_semaphore, #tpu.memory_space<semaphore_mem>> -> memref<!tpu.dma_semaphore, #tpu.memory_space<semaphore_mem>>
      tpu.wait_indirect_dma semaphore(%dma_wait3A_532 : memref<!tpu.dma_semaphore, #tpu.memory_space<semaphore_mem>>) src(%dma_wait3A_526 : memref<80x128xf32, #tpu.memory_space<vmem>>) dst(%dma_wait3A_530 : memref<10000x128xf32, #tpu.memory_space<vmem_shared>>)
      %add3A_533 = arith.constant 2 : i32
      %add3A_534 = arith.addi %add3A_485, %add3A_533 : i32
      %lt3A_535 = arith.constant 125 : i32
      %lt3A_536 = arith.cmpi slt, %add3A_534, %lt3A_535 : i32
      %convert_element_type3A_537 = arith.extui %lt3A_536 : i1 to i32
      %cond3A_538 = arith.constant 0 : i32
      %cond3A_539 = arith.cmpi ne, %convert_element_type3A_537, %cond3A_538 : i32
      scf.if %cond3A_539 {
        %add3A_540 = arith.constant 2 : i32
        %add3A_541 = arith.addi %add3A_485, %add3A_540 : i32
        %mul3A_542 = arith.constant 80 : i32
        %mul3A_543 = arith.muli %add3A_541, %mul3A_542 : i32
        %multiple_of3A_544 = tpu.assume_multiple %mul3A_543, 80 : i32
        %dma_start3A_545 = arith.constant 0 : i32
        %dma_start3A_546 = arith.constant 0 : i32
        %dma_start3A_547 = arith.constant 0 : i32
        %dma_start3A_548 = arith.constant 0 : i32
        %dma_start3A_549 = tpu.memref_slice %arg9[%dma_start3A_545, %dma_start3A_547, %dma_start3A_548] : memref<3x80x128xf32, #tpu.memory_space<vmem>> -> memref<1x80x128xf32, #tpu.memory_space<vmem>>
        %dma_start3A_550 = tpu.memref_squeeze %dma_start3A_549 : memref<1x80x128xf32, #tpu.memory_space<vmem>> -> memref<80x128xf32, #tpu.memory_space<vmem>>
        %dma_start3A_551 = tpu.memref_slice %arg7[%multiple_of3A_544] : memref<10000xi32, #tpu.memory_space<vmem>> -> memref<80xi32, #tpu.memory_space<vmem>>
        %dma_start3A_552 = arith.constant 0 : i32
        %dma_start3A_553 = arith.constant 0 : i32
        %dma_start3A_554 = tpu.memref_slice %arg2[%dma_start3A_552, %dma_start3A_553] : memref<10000x128xf32, #tpu.memory_space<hbm>> -> memref<10000x128xf32, #tpu.memory_space<hbm>>
        %dma_start3A_555 = tpu.memref_slice %arg10[%dma_start3A_546] : memref<3x!tpu.dma_semaphore, #tpu.memory_space<semaphore_mem>> -> memref<1x!tpu.dma_semaphore, #tpu.memory_space<semaphore_mem>>
        %dma_start3A_556 = tpu.memref_squeeze %dma_start3A_555 : memref<1x!tpu.dma_semaphore, #tpu.memory_space<semaphore_mem>> -> memref<!tpu.dma_semaphore, #tpu.memory_space<semaphore_mem>>
        tpu.enqueue_indirect_dma source(%dma_start3A_554 : memref<10000x128xf32, #tpu.memory_space<hbm>>) target(%dma_start3A_550 : memref<80x128xf32, #tpu.memory_space<vmem>>) offsets(%dma_start3A_551 : memref<80xi32, #tpu.memory_space<vmem>>) semaphore(%dma_start3A_556 : memref<!tpu.dma_semaphore, #tpu.memory_space<semaphore_mem>>)
      } else {
      }
    }
    %scan3A_240 = arith.constant 41 : i32
    %multiple_of3A_241 = arith.constant 9920 : i32
    %multiple_of3A_242 = tpu.assume_multiple %multiple_of3A_241, 80 : i32
    %dma_wait3A_243 = arith.constant 1 : i32
    %dma_wait3A_244 = arith.constant 1 : i32
    %dma_wait3A_245 = arith.constant 0 : i32
    %dma_wait3A_246 = arith.constant 0 : i32
    %dma_wait3A_247 = tpu.memref_slice %arg9[%dma_wait3A_243, %dma_wait3A_245, %dma_wait3A_246] : memref<3x80x128xf32, #tpu.memory_space<vmem>> -> memref<1x80x128xf32, #tpu.memory_space<vmem>>
    %dma_wait3A_248 = tpu.memref_squeeze %dma_wait3A_247 : memref<1x80x128xf32, #tpu.memory_space<vmem>> -> memref<80x128xf32, #tpu.memory_space<vmem>>
    %dma_wait3A_249 = tpu.memref_slice %arg8[%multiple_of3A_242] : memref<10000xi32, #tpu.memory_space<vmem>> -> memref<80xi32, #tpu.memory_space<vmem>>
    %dma_wait3A_250 = arith.constant 0 : i32
    %dma_wait3A_251 = arith.constant 0 : i32
    %dma_wait3A_252 = tpu.memref_slice %arg6[%dma_wait3A_250, %dma_wait3A_251] : memref<10000x128xf32, #tpu.memory_space<vmem_shared>> -> memref<10000x128xf32, #tpu.memory_space<vmem_shared>>
    %dma_wait3A_253 = tpu.memref_slice %arg11[%dma_wait3A_244] : memref<3x!tpu.dma_semaphore, #tpu.memory_space<semaphore_mem>> -> memref<1x!tpu.dma_semaphore, #tpu.memory_space<semaphore_mem>>
    %dma_wait3A_254 = tpu.memref_squeeze %dma_wait3A_253 : memref<1x!tpu.dma_semaphore, #tpu.memory_space<semaphore_mem>> -> memref<!tpu.dma_semaphore, #tpu.memory_space<semaphore_mem>>
    tpu.wait_indirect_dma semaphore(%dma_wait3A_254 : memref<!tpu.dma_semaphore, #tpu.memory_space<semaphore_mem>>) src(%dma_wait3A_248 : memref<80x128xf32, #tpu.memory_space<vmem>>) dst(%dma_wait3A_252 : memref<10000x128xf32, #tpu.memory_space<vmem_shared>>)
    %barrier3A_255 = arith.constant 0 : index
    tpu.barrier barrier_id(%barrier3A_255)
    %add3A_256 = arith.constant 0 : i32
    %add3A_257 = arith.addi %arg1, %add3A_256 : i32
    %lt3A_258 = arith.constant 125 : i32
    %lt3A_259 = arith.cmpi slt, %add3A_257, %lt3A_258 : i32
    %convert_element_type3A_260 = arith.extui %lt3A_259 : i1 to i32
    %cond3A_261 = arith.constant 0 : i32
    %cond3A_262 = arith.cmpi ne, %convert_element_type3A_260, %cond3A_261 : i32
    scf.if %cond3A_262 {
      %mul3A_368 = arith.constant 80 : i32
      %mul3A_369 = arith.muli %add3A_257, %mul3A_368 : i32
      %mul3A_370 = arith.constant 80 : i32
      %mul3A_371 = arith.muli %add3A_257, %mul3A_370 : i32
      %dma_start3A_372 = arith.constant 0 : i32
      %dma_start3A_373 = tpu.memref_slice %arg5[%arg0, %mul3A_371, %dma_start3A_372] : memref<2x10000x128xf32, #tpu.memory_space<hbm>> -> memref<1x80x128xf32, #tpu.memory_space<hbm>>
      %dma_start3A_374 = tpu.memref_squeeze %dma_start3A_373 : memref<1x80x128xf32, #tpu.memory_space<hbm>> -> memref<80x128xf32, #tpu.memory_space<hbm>>
      %dma_start3A_375 = arith.constant 0 : i32
      %dma_start3A_376 = tpu.memref_slice %arg6[%mul3A_369, %dma_start3A_375] : memref<10000x128xf32, #tpu.memory_space<vmem_shared>> -> memref<80x128xf32, #tpu.memory_space<vmem_shared>>
      tpu.enqueue_dma source(%dma_start3A_376 : memref<80x128xf32, #tpu.memory_space<vmem_shared>>) target(%dma_start3A_374 : memref<80x128xf32, #tpu.memory_space<hbm>>) target_semaphore(%arg12 : memref<!tpu.dma_semaphore, #tpu.memory_space<semaphore_mem>>)
    } else {
    }
    %add3A_263 = arith.constant 16 : i32
    %add3A_264 = arith.addi %arg1, %add3A_263 : i32
    %lt3A_265 = arith.constant 125 : i32
    %lt3A_266 = arith.cmpi slt, %add3A_264, %lt3A_265 : i32
    %convert_element_type3A_267 = arith.extui %lt3A_266 : i1 to i32
    %cond3A_268 = arith.constant 0 : i32
    %cond3A_269 = arith.cmpi ne, %convert_element_type3A_267, %cond3A_268 : i32
    scf.if %cond3A_269 {
      %mul3A_368 = arith.constant 80 : i32
      %mul3A_369 = arith.muli %add3A_264, %mul3A_368 : i32
      %mul3A_370 = arith.constant 80 : i32
      %mul3A_371 = arith.muli %add3A_264, %mul3A_370 : i32
      %dma_start3A_372 = arith.constant 0 : i32
      %dma_start3A_373 = tpu.memref_slice %arg5[%arg0, %mul3A_371, %dma_start3A_372] : memref<2x10000x128xf32, #tpu.memory_space<hbm>> -> memref<1x80x128xf32, #tpu.memory_space<hbm>>
      %dma_start3A_374 = tpu.memref_squeeze %dma_start3A_373 : memref<1x80x128xf32, #tpu.memory_space<hbm>> -> memref<80x128xf32, #tpu.memory_space<hbm>>
      %dma_start3A_375 = arith.constant 0 : i32
      %dma_start3A_376 = tpu.memref_slice %arg6[%mul3A_369, %dma_start3A_375] : memref<10000x128xf32, #tpu.memory_space<vmem_shared>> -> memref<80x128xf32, #tpu.memory_space<vmem_shared>>
      tpu.enqueue_dma source(%dma_start3A_376 : memref<80x128xf32, #tpu.memory_space<vmem_shared>>) target(%dma_start3A_374 : memref<80x128xf32, #tpu.memory_space<hbm>>) target_semaphore(%arg12 : memref<!tpu.dma_semaphore, #tpu.memory_space<semaphore_mem>>)
    } else {
    }
    %add3A_270 = arith.constant 32 : i32
    %add3A_271 = arith.addi %arg1, %add3A_270 : i32
    %lt3A_272 = arith.constant 125 : i32
    %lt3A_273 = arith.cmpi slt, %add3A_271, %lt3A_272 : i32
    %convert_element_type3A_274 = arith.extui %lt3A_273 : i1 to i32
    %cond3A_275 = arith.constant 0 : i32
    %cond3A_276 = arith.cmpi ne, %convert_element_type3A_274, %cond3A_275 : i32
    scf.if %cond3A_276 {
      %mul3A_368 = arith.constant 80 : i32
      %mul3A_369 = arith.muli %add3A_271, %mul3A_368 : i32
      %mul3A_370 = arith.constant 80 : i32
      %mul3A_371 = arith.muli %add3A_271, %mul3A_370 : i32
      %dma_start3A_372 = arith.constant 0 : i32
      %dma_start3A_373 = tpu.memref_slice %arg5[%arg0, %mul3A_371, %dma_start3A_372] : memref<2x10000x128xf32, #tpu.memory_space<hbm>> -> memref<1x80x128xf32, #tpu.memory_space<hbm>>
      %dma_start3A_374 = tpu.memref_squeeze %dma_start3A_373 : memref<1x80x128xf32, #tpu.memory_space<hbm>> -> memref<80x128xf32, #tpu.memory_space<hbm>>
      %dma_start3A_375 = arith.constant 0 : i32
      %dma_start3A_376 = tpu.memref_slice %arg6[%mul3A_369, %dma_start3A_375] : memref<10000x128xf32, #tpu.memory_space<vmem_shared>> -> memref<80x128xf32, #tpu.memory_space<vmem_shared>>
      tpu.enqueue_dma source(%dma_start3A_376 : memref<80x128xf32, #tpu.memory_space<vmem_shared>>) target(%dma_start3A_374 : memref<80x128xf32, #tpu.memory_space<hbm>>) target_semaphore(%arg12 : memref<!tpu.dma_semaphore, #tpu.memory_space<semaphore_mem>>)
    } else {
    }
    %add3A_277 = arith.constant 48 : i32
    %add3A_278 = arith.addi %arg1, %add3A_277 : i32
    %lt3A_279 = arith.constant 125 : i32
    %lt3A_280 = arith.cmpi slt, %add3A_278, %lt3A_279 : i32
    %convert_element_type3A_281 = arith.extui %lt3A_280 : i1 to i32
    %cond3A_282 = arith.constant 0 : i32
    %cond3A_283 = arith.cmpi ne, %convert_element_type3A_281, %cond3A_282 : i32
    scf.if %cond3A_283 {
      %mul3A_368 = arith.constant 80 : i32
      %mul3A_369 = arith.muli %add3A_278, %mul3A_368 : i32
      %mul3A_370 = arith.constant 80 : i32
      %mul3A_371 = arith.muli %add3A_278, %mul3A_370 : i32
      %dma_start3A_372 = arith.constant 0 : i32
      %dma_start3A_373 = tpu.memref_slice %arg5[%arg0, %mul3A_371, %dma_start3A_372] : memref<2x10000x128xf32, #tpu.memory_space<hbm>> -> memref<1x80x128xf32, #tpu.memory_space<hbm>>
      %dma_start3A_374 = tpu.memref_squeeze %dma_start3A_373 : memref<1x80x128xf32, #tpu.memory_space<hbm>> -> memref<80x128xf32, #tpu.memory_space<hbm>>
      %dma_start3A_375 = arith.constant 0 : i32
      %dma_start3A_376 = tpu.memref_slice %arg6[%mul3A_369, %dma_start3A_375] : memref<10000x128xf32, #tpu.memory_space<vmem_shared>> -> memref<80x128xf32, #tpu.memory_space<vmem_shared>>
      tpu.enqueue_dma source(%dma_start3A_376 : memref<80x128xf32, #tpu.memory_space<vmem_shared>>) target(%dma_start3A_374 : memref<80x128xf32, #tpu.memory_space<hbm>>) target_semaphore(%arg12 : memref<!tpu.dma_semaphore, #tpu.memory_space<semaphore_mem>>)
    } else {
    }
    %add3A_284 = arith.constant 64 : i32
    %add3A_285 = arith.addi %arg1, %add3A_284 : i32
    %lt3A_286 = arith.constant 125 : i32
    %lt3A_287 = arith.cmpi slt, %add3A_285, %lt3A_286 : i32
    %convert_element_type3A_288 = arith.extui %lt3A_287 : i1 to i32
    %cond3A_289 = arith.constant 0 : i32
    %cond3A_290 = arith.cmpi ne, %convert_element_type3A_288, %cond3A_289 : i32
    scf.if %cond3A_290 {
      %mul3A_368 = arith.constant 80 : i32
      %mul3A_369 = arith.muli %add3A_285, %mul3A_368 : i32
      %mul3A_370 = arith.constant 80 : i32
      %mul3A_371 = arith.muli %add3A_285, %mul3A_370 : i32
      %dma_start3A_372 = arith.constant 0 : i32
      %dma_start3A_373 = tpu.memref_slice %arg5[%arg0, %mul3A_371, %dma_start3A_372] : memref<2x10000x128xf32, #tpu.memory_space<hbm>> -> memref<1x80x128xf32, #tpu.memory_space<hbm>>
      %dma_start3A_374 = tpu.memref_squeeze %dma_start3A_373 : memref<1x80x128xf32, #tpu.memory_space<hbm>> -> memref<80x128xf32, #tpu.memory_space<hbm>>
      %dma_start3A_375 = arith.constant 0 : i32
      %dma_start3A_376 = tpu.memref_slice %arg6[%mul3A_369, %dma_start3A_375] : memref<10000x128xf32, #tpu.memory_space<vmem_shared>> -> memref<80x128xf32, #tpu.memory_space<vmem_shared>>
      tpu.enqueue_dma source(%dma_start3A_376 : memref<80x128xf32, #tpu.memory_space<vmem_shared>>) target(%dma_start3A_374 : memref<80x128xf32, #tpu.memory_space<hbm>>) target_semaphore(%arg12 : memref<!tpu.dma_semaphore, #tpu.memory_space<semaphore_mem>>)
    } else {
    }
    %add3A_291 = arith.constant 80 : i32
    %add3A_292 = arith.addi %arg1, %add3A_291 : i32
    %lt3A_293 = arith.constant 125 : i32
    %lt3A_294 = arith.cmpi slt, %add3A_292, %lt3A_293 : i32
    %convert_element_type3A_295 = arith.extui %lt3A_294 : i1 to i32
    %cond3A_296 = arith.constant 0 : i32
    %cond3A_297 = arith.cmpi ne, %convert_element_type3A_295, %cond3A_296 : i32
    scf.if %cond3A_297 {
      %mul3A_368 = arith.constant 80 : i32
      %mul3A_369 = arith.muli %add3A_292, %mul3A_368 : i32
      %mul3A_370 = arith.constant 80 : i32
      %mul3A_371 = arith.muli %add3A_292, %mul3A_370 : i32
      %dma_start3A_372 = arith.constant 0 : i32
      %dma_start3A_373 = tpu.memref_slice %arg5[%arg0, %mul3A_371, %dma_start3A_372] : memref<2x10000x128xf32, #tpu.memory_space<hbm>> -> memref<1x80x128xf32, #tpu.memory_space<hbm>>
      %dma_start3A_374 = tpu.memref_squeeze %dma_start3A_373 : memref<1x80x128xf32, #tpu.memory_space<hbm>> -> memref<80x128xf32, #tpu.memory_space<hbm>>
      %dma_start3A_375 = arith.constant 0 : i32
      %dma_start3A_376 = tpu.memref_slice %arg6[%mul3A_369, %dma_start3A_375] : memref<10000x128xf32, #tpu.memory_space<vmem_shared>> -> memref<80x128xf32, #tpu.memory_space<vmem_shared>>
      tpu.enqueue_dma source(%dma_start3A_376 : memref<80x128xf32, #tpu.memory_space<vmem_shared>>) target(%dma_start3A_374 : memref<80x128xf32, #tpu.memory_space<hbm>>) target_semaphore(%arg12 : memref<!tpu.dma_semaphore, #tpu.memory_space<semaphore_mem>>)
    } else {
    }
    %add3A_298 = arith.constant 96 : i32
    %add3A_299 = arith.addi %arg1, %add3A_298 : i32
    %lt3A_300 = arith.constant 125 : i32
    %lt3A_301 = arith.cmpi slt, %add3A_299, %lt3A_300 : i32
    %convert_element_type3A_302 = arith.extui %lt3A_301 : i1 to i32
    %cond3A_303 = arith.constant 0 : i32
    %cond3A_304 = arith.cmpi ne, %convert_element_type3A_302, %cond3A_303 : i32
    scf.if %cond3A_304 {
      %mul3A_368 = arith.constant 80 : i32
      %mul3A_369 = arith.muli %add3A_299, %mul3A_368 : i32
      %mul3A_370 = arith.constant 80 : i32
      %mul3A_371 = arith.muli %add3A_299, %mul3A_370 : i32
      %dma_start3A_372 = arith.constant 0 : i32
      %dma_start3A_373 = tpu.memref_slice %arg5[%arg0, %mul3A_371, %dma_start3A_372] : memref<2x10000x128xf32, #tpu.memory_space<hbm>> -> memref<1x80x128xf32, #tpu.memory_space<hbm>>
      %dma_start3A_374 = tpu.memref_squeeze %dma_start3A_373 : memref<1x80x128xf32, #tpu.memory_space<hbm>> -> memref<80x128xf32, #tpu.memory_space<hbm>>
      %dma_start3A_375 = arith.constant 0 : i32
      %dma_start3A_376 = tpu.memref_slice %arg6[%mul3A_369, %dma_start3A_375] : memref<10000x128xf32, #tpu.memory_space<vmem_shared>> -> memref<80x128xf32, #tpu.memory_space<vmem_shared>>
      tpu.enqueue_dma source(%dma_start3A_376 : memref<80x128xf32, #tpu.memory_space<vmem_shared>>) target(%dma_start3A_374 : memref<80x128xf32, #tpu.memory_space<hbm>>) target_semaphore(%arg12 : memref<!tpu.dma_semaphore, #tpu.memory_space<semaphore_mem>>)
    } else {
    }
    %add3A_305 = arith.constant 112 : i32
    %add3A_306 = arith.addi %arg1, %add3A_305 : i32
    %lt3A_307 = arith.constant 125 : i32
    %lt3A_308 = arith.cmpi slt, %add3A_306, %lt3A_307 : i32
    %convert_element_type3A_309 = arith.extui %lt3A_308 : i1 to i32
    %cond3A_310 = arith.constant 0 : i32
    %cond3A_311 = arith.cmpi ne, %convert_element_type3A_309, %cond3A_310 : i32
    scf.if %cond3A_311 {
      %mul3A_368 = arith.constant 80 : i32
      %mul3A_369 = arith.muli %add3A_306, %mul3A_368 : i32
      %mul3A_370 = arith.constant 80 : i32
      %mul3A_371 = arith.muli %add3A_306, %mul3A_370 : i32
      %dma_start3A_372 = arith.constant 0 : i32
      %dma_start3A_373 = tpu.memref_slice %arg5[%arg0, %mul3A_371, %dma_start3A_372] : memref<2x10000x128xf32, #tpu.memory_space<hbm>> -> memref<1x80x128xf32, #tpu.memory_space<hbm>>
      %dma_start3A_374 = tpu.memref_squeeze %dma_start3A_373 : memref<1x80x128xf32, #tpu.memory_space<hbm>> -> memref<80x128xf32, #tpu.memory_space<hbm>>
      %dma_start3A_375 = arith.constant 0 : i32
      %dma_start3A_376 = tpu.memref_slice %arg6[%mul3A_369, %dma_start3A_375] : memref<10000x128xf32, #tpu.memory_space<vmem_shared>> -> memref<80x128xf32, #tpu.memory_space<vmem_shared>>
      tpu.enqueue_dma source(%dma_start3A_376 : memref<80x128xf32, #tpu.memory_space<vmem_shared>>) target(%dma_start3A_374 : memref<80x128xf32, #tpu.memory_space<hbm>>) target_semaphore(%arg12 : memref<!tpu.dma_semaphore, #tpu.memory_space<semaphore_mem>>)
    } else {
    }
    %add3A_312 = arith.constant 0 : i32
    %add3A_313 = arith.addi %arg1, %add3A_312 : i32
    %lt3A_314 = arith.constant 125 : i32
    %lt3A_315 = arith.cmpi slt, %add3A_313, %lt3A_314 : i32
    %convert_element_type3A_316 = arith.extui %lt3A_315 : i1 to i32
    %cond3A_317 = arith.constant 0 : i32
    %cond3A_318 = arith.cmpi ne, %convert_element_type3A_316, %cond3A_317 : i32
    scf.if %cond3A_318 {
      %mul3A_368 = arith.constant 80 : i32
      %mul3A_369 = arith.muli %add3A_313, %mul3A_368 : i32
      %mul3A_370 = arith.constant 80 : i32
      %mul3A_371 = arith.muli %add3A_313, %mul3A_370 : i32
      %dma_wait3A_372 = arith.constant 0 : i32
      %dma_wait3A_373 = tpu.memref_slice %arg5[%arg0, %mul3A_371, %dma_wait3A_372] : memref<2x10000x128xf32, #tpu.memory_space<hbm>> -> memref<1x80x128xf32, #tpu.memory_space<hbm>>
      %dma_wait3A_374 = tpu.memref_squeeze %dma_wait3A_373 : memref<1x80x128xf32, #tpu.memory_space<hbm>> -> memref<80x128xf32, #tpu.memory_space<hbm>>
      %dma_wait3A_375 = arith.constant 0 : i32
      %dma_wait3A_376 = tpu.memref_slice %arg6[%mul3A_369, %dma_wait3A_375] : memref<10000x128xf32, #tpu.memory_space<vmem_shared>> -> memref<80x128xf32, #tpu.memory_space<vmem_shared>>
      tpu.wait_dma2 semaphore(%arg12 : memref<!tpu.dma_semaphore, #tpu.memory_space<semaphore_mem>>) src(%dma_wait3A_376 : memref<80x128xf32, #tpu.memory_space<vmem_shared>>) dst(%dma_wait3A_374 : memref<80x128xf32, #tpu.memory_space<hbm>>)
    } else {
    }
    %add3A_319 = arith.constant 16 : i32
    %add3A_320 = arith.addi %arg1, %add3A_319 : i32
    %lt3A_321 = arith.constant 125 : i32
    %lt3A_322 = arith.cmpi slt, %add3A_320, %lt3A_321 : i32
    %convert_element_type3A_323 = arith.extui %lt3A_322 : i1 to i32
    %cond3A_324 = arith.constant 0 : i32
    %cond3A_325 = arith.cmpi ne, %convert_element_type3A_323, %cond3A_324 : i32
    scf.if %cond3A_325 {
      %mul3A_368 = arith.constant 80 : i32
      %mul3A_369 = arith.muli %add3A_320, %mul3A_368 : i32
      %mul3A_370 = arith.constant 80 : i32
      %mul3A_371 = arith.muli %add3A_320, %mul3A_370 : i32
      %dma_wait3A_372 = arith.constant 0 : i32
      %dma_wait3A_373 = tpu.memref_slice %arg5[%arg0, %mul3A_371, %dma_wait3A_372] : memref<2x10000x128xf32, #tpu.memory_space<hbm>> -> memref<1x80x128xf32, #tpu.memory_space<hbm>>
      %dma_wait3A_374 = tpu.memref_squeeze %dma_wait3A_373 : memref<1x80x128xf32, #tpu.memory_space<hbm>> -> memref<80x128xf32, #tpu.memory_space<hbm>>
      %dma_wait3A_375 = arith.constant 0 : i32
      %dma_wait3A_376 = tpu.memref_slice %arg6[%mul3A_369, %dma_wait3A_375] : memref<10000x128xf32, #tpu.memory_space<vmem_shared>> -> memref<80x128xf32, #tpu.memory_space<vmem_shared>>
      tpu.wait_dma2 semaphore(%arg12 : memref<!tpu.dma_semaphore, #tpu.memory_space<semaphore_mem>>) src(%dma_wait3A_376 : memref<80x128xf32, #tpu.memory_space<vmem_shared>>) dst(%dma_wait3A_374 : memref<80x128xf32, #tpu.memory_space<hbm>>)
    } else {
    }
    %add3A_326 = arith.constant 32 : i32
    %add3A_327 = arith.addi %arg1, %add3A_326 : i32
    %lt3A_328 = arith.constant 125 : i32
    %lt3A_329 = arith.cmpi slt, %add3A_327, %lt3A_328 : i32
    %convert_element_type3A_330 = arith.extui %lt3A_329 : i1 to i32
    %cond3A_331 = arith.constant 0 : i32
    %cond3A_332 = arith.cmpi ne, %convert_element_type3A_330, %cond3A_331 : i32
    scf.if %cond3A_332 {
      %mul3A_368 = arith.constant 80 : i32
      %mul3A_369 = arith.muli %add3A_327, %mul3A_368 : i32
      %mul3A_370 = arith.constant 80 : i32
      %mul3A_371 = arith.muli %add3A_327, %mul3A_370 : i32
      %dma_wait3A_372 = arith.constant 0 : i32
      %dma_wait3A_373 = tpu.memref_slice %arg5[%arg0, %mul3A_371, %dma_wait3A_372] : memref<2x10000x128xf32, #tpu.memory_space<hbm>> -> memref<1x80x128xf32, #tpu.memory_space<hbm>>
      %dma_wait3A_374 = tpu.memref_squeeze %dma_wait3A_373 : memref<1x80x128xf32, #tpu.memory_space<hbm>> -> memref<80x128xf32, #tpu.memory_space<hbm>>
      %dma_wait3A_375 = arith.constant 0 : i32
      %dma_wait3A_376 = tpu.memref_slice %arg6[%mul3A_369, %dma_wait3A_375] : memref<10000x128xf32, #tpu.memory_space<vmem_shared>> -> memref<80x128xf32, #tpu.memory_space<vmem_shared>>
      tpu.wait_dma2 semaphore(%arg12 : memref<!tpu.dma_semaphore, #tpu.memory_space<semaphore_mem>>) src(%dma_wait3A_376 : memref<80x128xf32, #tpu.memory_space<vmem_shared>>) dst(%dma_wait3A_374 : memref<80x128xf32, #tpu.memory_space<hbm>>)
    } else {
    }
    %add3A_333 = arith.constant 48 : i32
    %add3A_334 = arith.addi %arg1, %add3A_333 : i32
    %lt3A_335 = arith.constant 125 : i32
    %lt3A_336 = arith.cmpi slt, %add3A_334, %lt3A_335 : i32
    %convert_element_type3A_337 = arith.extui %lt3A_336 : i1 to i32
    %cond3A_338 = arith.constant 0 : i32
    %cond3A_339 = arith.cmpi ne, %convert_element_type3A_337, %cond3A_338 : i32
    scf.if %cond3A_339 {
      %mul3A_368 = arith.constant 80 : i32
      %mul3A_369 = arith.muli %add3A_334, %mul3A_368 : i32
      %mul3A_370 = arith.constant 80 : i32
      %mul3A_371 = arith.muli %add3A_334, %mul3A_370 : i32
      %dma_wait3A_372 = arith.constant 0 : i32
      %dma_wait3A_373 = tpu.memref_slice %arg5[%arg0, %mul3A_371, %dma_wait3A_372] : memref<2x10000x128xf32, #tpu.memory_space<hbm>> -> memref<1x80x128xf32, #tpu.memory_space<hbm>>
      %dma_wait3A_374 = tpu.memref_squeeze %dma_wait3A_373 : memref<1x80x128xf32, #tpu.memory_space<hbm>> -> memref<80x128xf32, #tpu.memory_space<hbm>>
      %dma_wait3A_375 = arith.constant 0 : i32
      %dma_wait3A_376 = tpu.memref_slice %arg6[%mul3A_369, %dma_wait3A_375] : memref<10000x128xf32, #tpu.memory_space<vmem_shared>> -> memref<80x128xf32, #tpu.memory_space<vmem_shared>>
      tpu.wait_dma2 semaphore(%arg12 : memref<!tpu.dma_semaphore, #tpu.memory_space<semaphore_mem>>) src(%dma_wait3A_376 : memref<80x128xf32, #tpu.memory_space<vmem_shared>>) dst(%dma_wait3A_374 : memref<80x128xf32, #tpu.memory_space<hbm>>)
    } else {
    }
    %add3A_340 = arith.constant 64 : i32
    %add3A_341 = arith.addi %arg1, %add3A_340 : i32
    %lt3A_342 = arith.constant 125 : i32
    %lt3A_343 = arith.cmpi slt, %add3A_341, %lt3A_342 : i32
    %convert_element_type3A_344 = arith.extui %lt3A_343 : i1 to i32
    %cond3A_345 = arith.constant 0 : i32
    %cond3A_346 = arith.cmpi ne, %convert_element_type3A_344, %cond3A_345 : i32
    scf.if %cond3A_346 {
      %mul3A_368 = arith.constant 80 : i32
      %mul3A_369 = arith.muli %add3A_341, %mul3A_368 : i32
      %mul3A_370 = arith.constant 80 : i32
      %mul3A_371 = arith.muli %add3A_341, %mul3A_370 : i32
      %dma_wait3A_372 = arith.constant 0 : i32
      %dma_wait3A_373 = tpu.memref_slice %arg5[%arg0, %mul3A_371, %dma_wait3A_372] : memref<2x10000x128xf32, #tpu.memory_space<hbm>> -> memref<1x80x128xf32, #tpu.memory_space<hbm>>
      %dma_wait3A_374 = tpu.memref_squeeze %dma_wait3A_373 : memref<1x80x128xf32, #tpu.memory_space<hbm>> -> memref<80x128xf32, #tpu.memory_space<hbm>>
      %dma_wait3A_375 = arith.constant 0 : i32
      %dma_wait3A_376 = tpu.memref_slice %arg6[%mul3A_369, %dma_wait3A_375] : memref<10000x128xf32, #tpu.memory_space<vmem_shared>> -> memref<80x128xf32, #tpu.memory_space<vmem_shared>>
      tpu.wait_dma2 semaphore(%arg12 : memref<!tpu.dma_semaphore, #tpu.memory_space<semaphore_mem>>) src(%dma_wait3A_376 : memref<80x128xf32, #tpu.memory_space<vmem_shared>>) dst(%dma_wait3A_374 : memref<80x128xf32, #tpu.memory_space<hbm>>)
    } else {
    }
    %add3A_347 = arith.constant 80 : i32
    %add3A_348 = arith.addi %arg1, %add3A_347 : i32
    %lt3A_349 = arith.constant 125 : i32
    %lt3A_350 = arith.cmpi slt, %add3A_348, %lt3A_349 : i32
    %convert_element_type3A_351 = arith.extui %lt3A_350 : i1 to i32
    %cond3A_352 = arith.constant 0 : i32
    %cond3A_353 = arith.cmpi ne, %convert_element_type3A_351, %cond3A_352 : i32
    scf.if %cond3A_353 {
      %mul3A_368 = arith.constant 80 : i32
      %mul3A_369 = arith.muli %add3A_348, %mul3A_368 : i32
      %mul3A_370 = arith.constant 80 : i32
      %mul3A_371 = arith.muli %add3A_348, %mul3A_370 : i32
      %dma_wait3A_372 = arith.constant 0 : i32
      %dma_wait3A_373 = tpu.memref_slice %arg5[%arg0, %mul3A_371, %dma_wait3A_372] : memref<2x10000x128xf32, #tpu.memory_space<hbm>> -> memref<1x80x128xf32, #tpu.memory_space<hbm>>
      %dma_wait3A_374 = tpu.memref_squeeze %dma_wait3A_373 : memref<1x80x128xf32, #tpu.memory_space<hbm>> -> memref<80x128xf32, #tpu.memory_space<hbm>>
      %dma_wait3A_375 = arith.constant 0 : i32
      %dma_wait3A_376 = tpu.memref_slice %arg6[%mul3A_369, %dma_wait3A_375] : memref<10000x128xf32, #tpu.memory_space<vmem_shared>> -> memref<80x128xf32, #tpu.memory_space<vmem_shared>>
      tpu.wait_dma2 semaphore(%arg12 : memref<!tpu.dma_semaphore, #tpu.memory_space<semaphore_mem>>) src(%dma_wait3A_376 : memref<80x128xf32, #tpu.memory_space<vmem_shared>>) dst(%dma_wait3A_374 : memref<80x128xf32, #tpu.memory_space<hbm>>)
    } else {
    }
    %add3A_354 = arith.constant 96 : i32
    %add3A_355 = arith.addi %arg1, %add3A_354 : i32
    %lt3A_356 = arith.constant 125 : i32
    %lt3A_357 = arith.cmpi slt, %add3A_355, %lt3A_356 : i32
    %convert_element_type3A_358 = arith.extui %lt3A_357 : i1 to i32
    %cond3A_359 = arith.constant 0 : i32
    %cond3A_360 = arith.cmpi ne, %convert_element_type3A_358, %cond3A_359 : i32
    scf.if %cond3A_360 {
      %mul3A_368 = arith.constant 80 : i32
      %mul3A_369 = arith.muli %add3A_355, %mul3A_368 : i32
      %mul3A_370 = arith.constant 80 : i32
      %mul3A_371 = arith.muli %add3A_355, %mul3A_370 : i32
      %dma_wait3A_372 = arith.constant 0 : i32
      %dma_wait3A_373 = tpu.memref_slice %arg5[%arg0, %mul3A_371, %dma_wait3A_372] : memref<2x10000x128xf32, #tpu.memory_space<hbm>> -> memref<1x80x128xf32, #tpu.memory_space<hbm>>
      %dma_wait3A_374 = tpu.memref_squeeze %dma_wait3A_373 : memref<1x80x128xf32, #tpu.memory_space<hbm>> -> memref<80x128xf32, #tpu.memory_space<hbm>>
      %dma_wait3A_375 = arith.constant 0 : i32
      %dma_wait3A_376 = tpu.memref_slice %arg6[%mul3A_369, %dma_wait3A_375] : memref<10000x128xf32, #tpu.memory_space<vmem_shared>> -> memref<80x128xf32, #tpu.memory_space<vmem_shared>>
      tpu.wait_dma2 semaphore(%arg12 : memref<!tpu.dma_semaphore, #tpu.memory_space<semaphore_mem>>) src(%dma_wait3A_376 : memref<80x128xf32, #tpu.memory_space<vmem_shared>>) dst(%dma_wait3A_374 : memref<80x128xf32, #tpu.memory_space<hbm>>)
    } else {
    }
    %add3A_361 = arith.constant 112 : i32
    %add3A_362 = arith.addi %arg1, %add3A_361 : i32
    %lt3A_363 = arith.constant 125 : i32
    %lt3A_364 = arith.cmpi slt, %add3A_362, %lt3A_363 : i32
    %convert_element_type3A_365 = arith.extui %lt3A_364 : i1 to i32
    %cond3A_366 = arith.constant 0 : i32
    %cond3A_367 = arith.cmpi ne, %convert_element_type3A_365, %cond3A_366 : i32
    scf.if %cond3A_367 {
      %mul3A_368 = arith.constant 80 : i32
      %mul3A_369 = arith.muli %add3A_362, %mul3A_368 : i32
      %mul3A_370 = arith.constant 80 : i32
      %mul3A_371 = arith.muli %add3A_362, %mul3A_370 : i32
      %dma_wait3A_372 = arith.constant 0 : i32
      %dma_wait3A_373 = tpu.memref_slice %arg5[%arg0, %mul3A_371, %dma_wait3A_372] : memref<2x10000x128xf32, #tpu.memory_space<hbm>> -> memref<1x80x128xf32, #tpu.memory_space<hbm>>
      %dma_wait3A_374 = tpu.memref_squeeze %dma_wait3A_373 : memref<1x80x128xf32, #tpu.memory_space<hbm>> -> memref<80x128xf32, #tpu.memory_space<hbm>>
      %dma_wait3A_375 = arith.constant 0 : i32
      %dma_wait3A_376 = tpu.memref_slice %arg6[%mul3A_369, %dma_wait3A_375] : memref<10000x128xf32, #tpu.memory_space<vmem_shared>> -> memref<80x128xf32, #tpu.memory_space<vmem_shared>>
      tpu.wait_dma2 semaphore(%arg12 : memref<!tpu.dma_semaphore, #tpu.memory_space<semaphore_mem>>) src(%dma_wait3A_376 : memref<80x128xf32, #tpu.memory_space<vmem_shared>>) dst(%dma_wait3A_374 : memref<80x128xf32, #tpu.memory_space<hbm>>)
    } else {
    }
    return
  }
}

#map = affine_map<(d0, d1) -> (0)>
module attributes {stable_mosaic.version = 14 : i64} {
  func.func @sc_gcn_degree(%arg0: i32, %arg1: i32, %arg2: memref<320000xi32, #tpu.memory_space<hbm>>, %arg3: memref<20000xf32, #tpu.memory_space<hbm>>, %arg4: memref<10000xf32, #tpu.memory_space<vmem_shared>>, %arg5: memref<10000xi32, #tpu.memory_space<vmem>>, %arg6: memref<80xf32, #tpu.memory_space<vmem>>, %arg7: memref<8x80xf32, #tpu.memory_space<vmem>>, %arg8: memref<!tpu.dma_semaphore, #tpu.memory_space<semaphore_mem>>, %arg9: memref<5x!tpu.dma_semaphore, #tpu.memory_space<semaphore_mem>>) attributes {dimension_semantics = [#tpu.dimension_semantics<core_parallel>, #tpu.dimension_semantics<subcore_parallel>], iteration_bounds = array<i64: 2, 16>, scalar_prefetch = 0 : i64, scratch_operands = 6 : i64, tpu.core_type = #tpu.core_type<sc_vector_subcore>, window_params = [{transform_indices = #map}, {transform_indices = #map}]} {
    %mul3A = arith.constant 2 : i32
    %mul3A_0 = arith.muli %arg1, %mul3A : i32
    %add3A = arith.addi %mul3A_0, %arg0 : i32
    %mul3A_1 = arith.constant 10000 : i32
    %mul3A_2 = arith.muli %add3A, %mul3A_1 : i32
    %multiple_of3A = tpu.assume_multiple %mul3A_2, 10000 : i32
    %broadcast_in_dim3A = arith.constant 1.000000e+00 : f32
    %broadcast_in_dim3A_3 = vector.broadcast %broadcast_in_dim3A : f32 to vector<16xf32>
    %swap3A = arith.constant 0 : index
    %swap3A_4 = tpu.vector_load %arg6[%swap3A] {strides = array<i32>} : memref<80xf32, #tpu.memory_space<vmem>>, vector<16xf32>,
    %swap3A_5 = vector.shape_cast %swap3A_4 : vector<16xf32> to vector<16xf32>
    %swap3A_6 = vector.shape_cast %broadcast_in_dim3A_3 : vector<16xf32> to vector<16xf32>
    tpu.vector_store %arg6[%swap3A], %swap3A_6 {strides = array<i32>} : memref<80xf32, #tpu.memory_space<vmem>>, vector<16xf32>,
    %broadcast_in_dim3A_7 = arith.constant 1.000000e+00 : f32
    %broadcast_in_dim3A_8 = vector.broadcast %broadcast_in_dim3A_7 : f32 to vector<16xf32>
    %swap3A_9 = arith.constant 16 : index
    %swap3A_10 = tpu.vector_load %arg6[%swap3A_9] {strides = array<i32>} : memref<80xf32, #tpu.memory_space<vmem>>, vector<16xf32>,
    %swap3A_11 = vector.shape_cast %swap3A_10 : vector<16xf32> to vector<16xf32>
    %swap3A_12 = vector.shape_cast %broadcast_in_dim3A_8 : vector<16xf32> to vector<16xf32>
    tpu.vector_store %arg6[%swap3A_9], %swap3A_12 {strides = array<i32>} : memref<80xf32, #tpu.memory_space<vmem>>, vector<16xf32>,
    %broadcast_in_dim3A_13 = arith.constant 1.000000e+00 : f32
    %broadcast_in_dim3A_14 = vector.broadcast %broadcast_in_dim3A_13 : f32 to vector<16xf32>
    %swap3A_15 = arith.constant 32 : index
    %swap3A_16 = tpu.vector_load %arg6[%swap3A_15] {strides = array<i32>} : memref<80xf32, #tpu.memory_space<vmem>>, vector<16xf32>,
    %swap3A_17 = vector.shape_cast %swap3A_16 : vector<16xf32> to vector<16xf32>
    %swap3A_18 = vector.shape_cast %broadcast_in_dim3A_14 : vector<16xf32> to vector<16xf32>
    tpu.vector_store %arg6[%swap3A_15], %swap3A_18 {strides = array<i32>} : memref<80xf32, #tpu.memory_space<vmem>>, vector<16xf32>,
    %broadcast_in_dim3A_19 = arith.constant 1.000000e+00 : f32
    %broadcast_in_dim3A_20 = vector.broadcast %broadcast_in_dim3A_19 : f32 to vector<16xf32>
    %swap3A_21 = arith.constant 48 : index
    %swap3A_22 = tpu.vector_load %arg6[%swap3A_21] {strides = array<i32>} : memref<80xf32, #tpu.memory_space<vmem>>, vector<16xf32>,
    %swap3A_23 = vector.shape_cast %swap3A_22 : vector<16xf32> to vector<16xf32>
    %swap3A_24 = vector.shape_cast %broadcast_in_dim3A_20 : vector<16xf32> to vector<16xf32>
    tpu.vector_store %arg6[%swap3A_21], %swap3A_24 {strides = array<i32>} : memref<80xf32, #tpu.memory_space<vmem>>, vector<16xf32>,
    %broadcast_in_dim3A_25 = arith.constant 1.000000e+00 : f32
    %broadcast_in_dim3A_26 = vector.broadcast %broadcast_in_dim3A_25 : f32 to vector<16xf32>
    %swap3A_27 = arith.constant 64 : index
    %swap3A_28 = tpu.vector_load %arg6[%swap3A_27] {strides = array<i32>} : memref<80xf32, #tpu.memory_space<vmem>>, vector<16xf32>,
    %swap3A_29 = vector.shape_cast %swap3A_28 : vector<16xf32> to vector<16xf32>
    %swap3A_30 = vector.shape_cast %broadcast_in_dim3A_26 : vector<16xf32> to vector<16xf32>
    tpu.vector_store %arg6[%swap3A_27], %swap3A_30 {strides = array<i32>} : memref<80xf32, #tpu.memory_space<vmem>>, vector<16xf32>,
    "tpu.region"() ({
      %run_scoped3A = tpu.sem_alloc : memref<!tpu.dma_semaphore, #tpu.memory_space<semaphore_mem>>
      %dma_start3A = tpu.memref_slice %arg2[%multiple_of3A] : memref<320000xi32, #tpu.memory_space<hbm>> -> memref<10000xi32, #tpu.memory_space<hbm>>
      %dma_start3A_353 = tpu.memref_slice %arg2[%multiple_of3A] : memref<320000xi32, #tpu.memory_space<hbm>> -> memref<10000xi32, #tpu.memory_space<hbm>>
      tpu.enqueue_dma source(%dma_start3A_353 : memref<10000xi32, #tpu.memory_space<hbm>>) target(%arg5 : memref<10000xi32, #tpu.memory_space<vmem>>) target_semaphore(%run_scoped3A : memref<!tpu.dma_semaphore, #tpu.memory_space<semaphore_mem>>)
      %dma_wait3A_354 = tpu.memref_slice %arg2[%multiple_of3A] : memref<320000xi32, #tpu.memory_space<hbm>> -> memref<10000xi32, #tpu.memory_space<hbm>>
      %dma_wait3A_355 = tpu.memref_slice %arg2[%multiple_of3A] : memref<320000xi32, #tpu.memory_space<hbm>> -> memref<10000xi32, #tpu.memory_space<hbm>>
      tpu.wait_dma2 semaphore(%run_scoped3A : memref<!tpu.dma_semaphore, #tpu.memory_space<semaphore_mem>>) src(%dma_wait3A_355 : memref<10000xi32, #tpu.memory_space<hbm>>) dst(%arg5 : memref<10000xi32, #tpu.memory_space<vmem>>)
      tpu.yield
    }) : () -> ()
    %add3A_31 = arith.constant 0 : i32
    %add3A_32 = arith.addi %arg1, %add3A_31 : i32
    %lt3A = arith.constant 125 : i32
    %lt3A_33 = arith.cmpi slt, %add3A_32, %lt3A : i32
    %convert_element_type3A = arith.extui %lt3A_33 : i1 to i32
    %cond3A = arith.constant 0 : i32
    %cond3A_34 = arith.cmpi ne, %convert_element_type3A, %cond3A : i32
    scf.if %cond3A_34 {
      %mul3A_353 = arith.constant 80 : i32
      %mul3A_354 = arith.muli %add3A_32, %mul3A_353 : i32
      %dma_start3A = tpu.memref_slice %arg4[%mul3A_354] : memref<10000xf32, #tpu.memory_space<vmem_shared>> -> memref<80xf32, #tpu.memory_space<vmem_shared>>
      %dma_start3A_355 = tpu.memref_slice %arg4[%mul3A_354] : memref<10000xf32, #tpu.memory_space<vmem_shared>> -> memref<80xf32, #tpu.memory_space<vmem_shared>>
      tpu.enqueue_dma source(%arg6 : memref<80xf32, #tpu.memory_space<vmem>>) target(%dma_start3A_355 : memref<80xf32, #tpu.memory_space<vmem_shared>>) target_semaphore(%arg8 : memref<!tpu.dma_semaphore, #tpu.memory_space<semaphore_mem>>)
    } else {
    }
    %add3A_35 = arith.constant 16 : i32
    %add3A_36 = arith.addi %arg1, %add3A_35 : i32
    %lt3A_37 = arith.constant 125 : i32
    %lt3A_38 = arith.cmpi slt, %add3A_36, %lt3A_37 : i32
    %convert_element_type3A_39 = arith.extui %lt3A_38 : i1 to i32
    %cond3A_40 = arith.constant 0 : i32
    %cond3A_41 = arith.cmpi ne, %convert_element_type3A_39, %cond3A_40 : i32
    scf.if %cond3A_41 {
      %mul3A_353 = arith.constant 80 : i32
      %mul3A_354 = arith.muli %add3A_36, %mul3A_353 : i32
      %dma_start3A = tpu.memref_slice %arg4[%mul3A_354] : memref<10000xf32, #tpu.memory_space<vmem_shared>> -> memref<80xf32, #tpu.memory_space<vmem_shared>>
      %dma_start3A_355 = tpu.memref_slice %arg4[%mul3A_354] : memref<10000xf32, #tpu.memory_space<vmem_shared>> -> memref<80xf32, #tpu.memory_space<vmem_shared>>
      tpu.enqueue_dma source(%arg6 : memref<80xf32, #tpu.memory_space<vmem>>) target(%dma_start3A_355 : memref<80xf32, #tpu.memory_space<vmem_shared>>) target_semaphore(%arg8 : memref<!tpu.dma_semaphore, #tpu.memory_space<semaphore_mem>>)
    } else {
    }
    %add3A_42 = arith.constant 32 : i32
    %add3A_43 = arith.addi %arg1, %add3A_42 : i32
    %lt3A_44 = arith.constant 125 : i32
    %lt3A_45 = arith.cmpi slt, %add3A_43, %lt3A_44 : i32
    %convert_element_type3A_46 = arith.extui %lt3A_45 : i1 to i32
    %cond3A_47 = arith.constant 0 : i32
    %cond3A_48 = arith.cmpi ne, %convert_element_type3A_46, %cond3A_47 : i32
    scf.if %cond3A_48 {
      %mul3A_353 = arith.constant 80 : i32
      %mul3A_354 = arith.muli %add3A_43, %mul3A_353 : i32
      %dma_start3A = tpu.memref_slice %arg4[%mul3A_354] : memref<10000xf32, #tpu.memory_space<vmem_shared>> -> memref<80xf32, #tpu.memory_space<vmem_shared>>
      %dma_start3A_355 = tpu.memref_slice %arg4[%mul3A_354] : memref<10000xf32, #tpu.memory_space<vmem_shared>> -> memref<80xf32, #tpu.memory_space<vmem_shared>>
      tpu.enqueue_dma source(%arg6 : memref<80xf32, #tpu.memory_space<vmem>>) target(%dma_start3A_355 : memref<80xf32, #tpu.memory_space<vmem_shared>>) target_semaphore(%arg8 : memref<!tpu.dma_semaphore, #tpu.memory_space<semaphore_mem>>)
    } else {
    }
    %add3A_49 = arith.constant 48 : i32
    %add3A_50 = arith.addi %arg1, %add3A_49 : i32
    %lt3A_51 = arith.constant 125 : i32
    %lt3A_52 = arith.cmpi slt, %add3A_50, %lt3A_51 : i32
    %convert_element_type3A_53 = arith.extui %lt3A_52 : i1 to i32
    %cond3A_54 = arith.constant 0 : i32
    %cond3A_55 = arith.cmpi ne, %convert_element_type3A_53, %cond3A_54 : i32
    scf.if %cond3A_55 {
      %mul3A_353 = arith.constant 80 : i32
      %mul3A_354 = arith.muli %add3A_50, %mul3A_353 : i32
      %dma_start3A = tpu.memref_slice %arg4[%mul3A_354] : memref<10000xf32, #tpu.memory_space<vmem_shared>> -> memref<80xf32, #tpu.memory_space<vmem_shared>>
      %dma_start3A_355 = tpu.memref_slice %arg4[%mul3A_354] : memref<10000xf32, #tpu.memory_space<vmem_shared>> -> memref<80xf32, #tpu.memory_space<vmem_shared>>
      tpu.enqueue_dma source(%arg6 : memref<80xf32, #tpu.memory_space<vmem>>) target(%dma_start3A_355 : memref<80xf32, #tpu.memory_space<vmem_shared>>) target_semaphore(%arg8 : memref<!tpu.dma_semaphore, #tpu.memory_space<semaphore_mem>>)
    } else {
    }
    %add3A_56 = arith.constant 64 : i32
    %add3A_57 = arith.addi %arg1, %add3A_56 : i32
    %lt3A_58 = arith.constant 125 : i32
    %lt3A_59 = arith.cmpi slt, %add3A_57, %lt3A_58 : i32
    %convert_element_type3A_60 = arith.extui %lt3A_59 : i1 to i32
    %cond3A_61 = arith.constant 0 : i32
    %cond3A_62 = arith.cmpi ne, %convert_element_type3A_60, %cond3A_61 : i32
    scf.if %cond3A_62 {
      %mul3A_353 = arith.constant 80 : i32
      %mul3A_354 = arith.muli %add3A_57, %mul3A_353 : i32
      %dma_start3A = tpu.memref_slice %arg4[%mul3A_354] : memref<10000xf32, #tpu.memory_space<vmem_shared>> -> memref<80xf32, #tpu.memory_space<vmem_shared>>
      %dma_start3A_355 = tpu.memref_slice %arg4[%mul3A_354] : memref<10000xf32, #tpu.memory_space<vmem_shared>> -> memref<80xf32, #tpu.memory_space<vmem_shared>>
      tpu.enqueue_dma source(%arg6 : memref<80xf32, #tpu.memory_space<vmem>>) target(%dma_start3A_355 : memref<80xf32, #tpu.memory_space<vmem_shared>>) target_semaphore(%arg8 : memref<!tpu.dma_semaphore, #tpu.memory_space<semaphore_mem>>)
    } else {
    }
    %add3A_63 = arith.constant 80 : i32
    %add3A_64 = arith.addi %arg1, %add3A_63 : i32
    %lt3A_65 = arith.constant 125 : i32
    %lt3A_66 = arith.cmpi slt, %add3A_64, %lt3A_65 : i32
    %convert_element_type3A_67 = arith.extui %lt3A_66 : i1 to i32
    %cond3A_68 = arith.constant 0 : i32
    %cond3A_69 = arith.cmpi ne, %convert_element_type3A_67, %cond3A_68 : i32
    scf.if %cond3A_69 {
      %mul3A_353 = arith.constant 80 : i32
      %mul3A_354 = arith.muli %add3A_64, %mul3A_353 : i32
      %dma_start3A = tpu.memref_slice %arg4[%mul3A_354] : memref<10000xf32, #tpu.memory_space<vmem_shared>> -> memref<80xf32, #tpu.memory_space<vmem_shared>>
      %dma_start3A_355 = tpu.memref_slice %arg4[%mul3A_354] : memref<10000xf32, #tpu.memory_space<vmem_shared>> -> memref<80xf32, #tpu.memory_space<vmem_shared>>
      tpu.enqueue_dma source(%arg6 : memref<80xf32, #tpu.memory_space<vmem>>) target(%dma_start3A_355 : memref<80xf32, #tpu.memory_space<vmem_shared>>) target_semaphore(%arg8 : memref<!tpu.dma_semaphore, #tpu.memory_space<semaphore_mem>>)
    } else {
    }
    %add3A_70 = arith.constant 96 : i32
    %add3A_71 = arith.addi %arg1, %add3A_70 : i32
    %lt3A_72 = arith.constant 125 : i32
    %lt3A_73 = arith.cmpi slt, %add3A_71, %lt3A_72 : i32
    %convert_element_type3A_74 = arith.extui %lt3A_73 : i1 to i32
    %cond3A_75 = arith.constant 0 : i32
    %cond3A_76 = arith.cmpi ne, %convert_element_type3A_74, %cond3A_75 : i32
    scf.if %cond3A_76 {
      %mul3A_353 = arith.constant 80 : i32
      %mul3A_354 = arith.muli %add3A_71, %mul3A_353 : i32
      %dma_start3A = tpu.memref_slice %arg4[%mul3A_354] : memref<10000xf32, #tpu.memory_space<vmem_shared>> -> memref<80xf32, #tpu.memory_space<vmem_shared>>
      %dma_start3A_355 = tpu.memref_slice %arg4[%mul3A_354] : memref<10000xf32, #tpu.memory_space<vmem_shared>> -> memref<80xf32, #tpu.memory_space<vmem_shared>>
      tpu.enqueue_dma source(%arg6 : memref<80xf32, #tpu.memory_space<vmem>>) target(%dma_start3A_355 : memref<80xf32, #tpu.memory_space<vmem_shared>>) target_semaphore(%arg8 : memref<!tpu.dma_semaphore, #tpu.memory_space<semaphore_mem>>)
    } else {
    }
    %add3A_77 = arith.constant 112 : i32
    %add3A_78 = arith.addi %arg1, %add3A_77 : i32
    %lt3A_79 = arith.constant 125 : i32
    %lt3A_80 = arith.cmpi slt, %add3A_78, %lt3A_79 : i32
    %convert_element_type3A_81 = arith.extui %lt3A_80 : i1 to i32
    %cond3A_82 = arith.constant 0 : i32
    %cond3A_83 = arith.cmpi ne, %convert_element_type3A_81, %cond3A_82 : i32
    scf.if %cond3A_83 {
      %mul3A_353 = arith.constant 80 : i32
      %mul3A_354 = arith.muli %add3A_78, %mul3A_353 : i32
      %dma_start3A = tpu.memref_slice %arg4[%mul3A_354] : memref<10000xf32, #tpu.memory_space<vmem_shared>> -> memref<80xf32, #tpu.memory_space<vmem_shared>>
      %dma_start3A_355 = tpu.memref_slice %arg4[%mul3A_354] : memref<10000xf32, #tpu.memory_space<vmem_shared>> -> memref<80xf32, #tpu.memory_space<vmem_shared>>
      tpu.enqueue_dma source(%arg6 : memref<80xf32, #tpu.memory_space<vmem>>) target(%dma_start3A_355 : memref<80xf32, #tpu.memory_space<vmem_shared>>) target_semaphore(%arg8 : memref<!tpu.dma_semaphore, #tpu.memory_space<semaphore_mem>>)
    } else {
    }
    %add3A_84 = arith.constant 0 : i32
    %add3A_85 = arith.addi %arg1, %add3A_84 : i32
    %lt3A_86 = arith.constant 125 : i32
    %lt3A_87 = arith.cmpi slt, %add3A_85, %lt3A_86 : i32
    %convert_element_type3A_88 = arith.extui %lt3A_87 : i1 to i32
    %cond3A_89 = arith.constant 0 : i32
    %cond3A_90 = arith.cmpi ne, %convert_element_type3A_88, %cond3A_89 : i32
    scf.if %cond3A_90 {
      %mul3A_353 = arith.constant 80 : i32
      %mul3A_354 = arith.muli %add3A_85, %mul3A_353 : i32
      %dma_wait3A_355 = tpu.memref_slice %arg4[%mul3A_354] : memref<10000xf32, #tpu.memory_space<vmem_shared>> -> memref<80xf32, #tpu.memory_space<vmem_shared>>
      %dma_wait3A_356 = tpu.memref_slice %arg4[%mul3A_354] : memref<10000xf32, #tpu.memory_space<vmem_shared>> -> memref<80xf32, #tpu.memory_space<vmem_shared>>
      tpu.wait_dma2 semaphore(%arg8 : memref<!tpu.dma_semaphore, #tpu.memory_space<semaphore_mem>>) src(%arg6 : memref<80xf32, #tpu.memory_space<vmem>>) dst(%dma_wait3A_356 : memref<80xf32, #tpu.memory_space<vmem_shared>>)
    } else {
    }
    %add3A_91 = arith.constant 16 : i32
    %add3A_92 = arith.addi %arg1, %add3A_91 : i32
    %lt3A_93 = arith.constant 125 : i32
    %lt3A_94 = arith.cmpi slt, %add3A_92, %lt3A_93 : i32
    %convert_element_type3A_95 = arith.extui %lt3A_94 : i1 to i32
    %cond3A_96 = arith.constant 0 : i32
    %cond3A_97 = arith.cmpi ne, %convert_element_type3A_95, %cond3A_96 : i32
    scf.if %cond3A_97 {
      %mul3A_353 = arith.constant 80 : i32
      %mul3A_354 = arith.muli %add3A_92, %mul3A_353 : i32
      %dma_wait3A_355 = tpu.memref_slice %arg4[%mul3A_354] : memref<10000xf32, #tpu.memory_space<vmem_shared>> -> memref<80xf32, #tpu.memory_space<vmem_shared>>
      %dma_wait3A_356 = tpu.memref_slice %arg4[%mul3A_354] : memref<10000xf32, #tpu.memory_space<vmem_shared>> -> memref<80xf32, #tpu.memory_space<vmem_shared>>
      tpu.wait_dma2 semaphore(%arg8 : memref<!tpu.dma_semaphore, #tpu.memory_space<semaphore_mem>>) src(%arg6 : memref<80xf32, #tpu.memory_space<vmem>>) dst(%dma_wait3A_356 : memref<80xf32, #tpu.memory_space<vmem_shared>>)
    } else {
    }
    %add3A_98 = arith.constant 32 : i32
    %add3A_99 = arith.addi %arg1, %add3A_98 : i32
    %lt3A_100 = arith.constant 125 : i32
    %lt3A_101 = arith.cmpi slt, %add3A_99, %lt3A_100 : i32
    %convert_element_type3A_102 = arith.extui %lt3A_101 : i1 to i32
    %cond3A_103 = arith.constant 0 : i32
    %cond3A_104 = arith.cmpi ne, %convert_element_type3A_102, %cond3A_103 : i32
    scf.if %cond3A_104 {
      %mul3A_353 = arith.constant 80 : i32
      %mul3A_354 = arith.muli %add3A_99, %mul3A_353 : i32
      %dma_wait3A_355 = tpu.memref_slice %arg4[%mul3A_354] : memref<10000xf32, #tpu.memory_space<vmem_shared>> -> memref<80xf32, #tpu.memory_space<vmem_shared>>
      %dma_wait3A_356 = tpu.memref_slice %arg4[%mul3A_354] : memref<10000xf32, #tpu.memory_space<vmem_shared>> -> memref<80xf32, #tpu.memory_space<vmem_shared>>
      tpu.wait_dma2 semaphore(%arg8 : memref<!tpu.dma_semaphore, #tpu.memory_space<semaphore_mem>>) src(%arg6 : memref<80xf32, #tpu.memory_space<vmem>>) dst(%dma_wait3A_356 : memref<80xf32, #tpu.memory_space<vmem_shared>>)
    } else {
    }
    %add3A_105 = arith.constant 48 : i32
    %add3A_106 = arith.addi %arg1, %add3A_105 : i32
    %lt3A_107 = arith.constant 125 : i32
    %lt3A_108 = arith.cmpi slt, %add3A_106, %lt3A_107 : i32
    %convert_element_type3A_109 = arith.extui %lt3A_108 : i1 to i32
    %cond3A_110 = arith.constant 0 : i32
    %cond3A_111 = arith.cmpi ne, %convert_element_type3A_109, %cond3A_110 : i32
    scf.if %cond3A_111 {
      %mul3A_353 = arith.constant 80 : i32
      %mul3A_354 = arith.muli %add3A_106, %mul3A_353 : i32
      %dma_wait3A_355 = tpu.memref_slice %arg4[%mul3A_354] : memref<10000xf32, #tpu.memory_space<vmem_shared>> -> memref<80xf32, #tpu.memory_space<vmem_shared>>
      %dma_wait3A_356 = tpu.memref_slice %arg4[%mul3A_354] : memref<10000xf32, #tpu.memory_space<vmem_shared>> -> memref<80xf32, #tpu.memory_space<vmem_shared>>
      tpu.wait_dma2 semaphore(%arg8 : memref<!tpu.dma_semaphore, #tpu.memory_space<semaphore_mem>>) src(%arg6 : memref<80xf32, #tpu.memory_space<vmem>>) dst(%dma_wait3A_356 : memref<80xf32, #tpu.memory_space<vmem_shared>>)
    } else {
    }
    %add3A_112 = arith.constant 64 : i32
    %add3A_113 = arith.addi %arg1, %add3A_112 : i32
    %lt3A_114 = arith.constant 125 : i32
    %lt3A_115 = arith.cmpi slt, %add3A_113, %lt3A_114 : i32
    %convert_element_type3A_116 = arith.extui %lt3A_115 : i1 to i32
    %cond3A_117 = arith.constant 0 : i32
    %cond3A_118 = arith.cmpi ne, %convert_element_type3A_116, %cond3A_117 : i32
    scf.if %cond3A_118 {
      %mul3A_353 = arith.constant 80 : i32
      %mul3A_354 = arith.muli %add3A_113, %mul3A_353 : i32
      %dma_wait3A_355 = tpu.memref_slice %arg4[%mul3A_354] : memref<10000xf32, #tpu.memory_space<vmem_shared>> -> memref<80xf32, #tpu.memory_space<vmem_shared>>
      %dma_wait3A_356 = tpu.memref_slice %arg4[%mul3A_354] : memref<10000xf32, #tpu.memory_space<vmem_shared>> -> memref<80xf32, #tpu.memory_space<vmem_shared>>
      tpu.wait_dma2 semaphore(%arg8 : memref<!tpu.dma_semaphore, #tpu.memory_space<semaphore_mem>>) src(%arg6 : memref<80xf32, #tpu.memory_space<vmem>>) dst(%dma_wait3A_356 : memref<80xf32, #tpu.memory_space<vmem_shared>>)
    } else {
    }
    %add3A_119 = arith.constant 80 : i32
    %add3A_120 = arith.addi %arg1, %add3A_119 : i32
    %lt3A_121 = arith.constant 125 : i32
    %lt3A_122 = arith.cmpi slt, %add3A_120, %lt3A_121 : i32
    %convert_element_type3A_123 = arith.extui %lt3A_122 : i1 to i32
    %cond3A_124 = arith.constant 0 : i32
    %cond3A_125 = arith.cmpi ne, %convert_element_type3A_123, %cond3A_124 : i32
    scf.if %cond3A_125 {
      %mul3A_353 = arith.constant 80 : i32
      %mul3A_354 = arith.muli %add3A_120, %mul3A_353 : i32
      %dma_wait3A_355 = tpu.memref_slice %arg4[%mul3A_354] : memref<10000xf32, #tpu.memory_space<vmem_shared>> -> memref<80xf32, #tpu.memory_space<vmem_shared>>
      %dma_wait3A_356 = tpu.memref_slice %arg4[%mul3A_354] : memref<10000xf32, #tpu.memory_space<vmem_shared>> -> memref<80xf32, #tpu.memory_space<vmem_shared>>
      tpu.wait_dma2 semaphore(%arg8 : memref<!tpu.dma_semaphore, #tpu.memory_space<semaphore_mem>>) src(%arg6 : memref<80xf32, #tpu.memory_space<vmem>>) dst(%dma_wait3A_356 : memref<80xf32, #tpu.memory_space<vmem_shared>>)
    } else {
    }
    %add3A_126 = arith.constant 96 : i32
    %add3A_127 = arith.addi %arg1, %add3A_126 : i32
    %lt3A_128 = arith.constant 125 : i32
    %lt3A_129 = arith.cmpi slt, %add3A_127, %lt3A_128 : i32
    %convert_element_type3A_130 = arith.extui %lt3A_129 : i1 to i32
    %cond3A_131 = arith.constant 0 : i32
    %cond3A_132 = arith.cmpi ne, %convert_element_type3A_130, %cond3A_131 : i32
    scf.if %cond3A_132 {
      %mul3A_353 = arith.constant 80 : i32
      %mul3A_354 = arith.muli %add3A_127, %mul3A_353 : i32
      %dma_wait3A_355 = tpu.memref_slice %arg4[%mul3A_354] : memref<10000xf32, #tpu.memory_space<vmem_shared>> -> memref<80xf32, #tpu.memory_space<vmem_shared>>
      %dma_wait3A_356 = tpu.memref_slice %arg4[%mul3A_354] : memref<10000xf32, #tpu.memory_space<vmem_shared>> -> memref<80xf32, #tpu.memory_space<vmem_shared>>
      tpu.wait_dma2 semaphore(%arg8 : memref<!tpu.dma_semaphore, #tpu.memory_space<semaphore_mem>>) src(%arg6 : memref<80xf32, #tpu.memory_space<vmem>>) dst(%dma_wait3A_356 : memref<80xf32, #tpu.memory_space<vmem_shared>>)
    } else {
    }
    %add3A_133 = arith.constant 112 : i32
    %add3A_134 = arith.addi %arg1, %add3A_133 : i32
    %lt3A_135 = arith.constant 125 : i32
    %lt3A_136 = arith.cmpi slt, %add3A_134, %lt3A_135 : i32
    %convert_element_type3A_137 = arith.extui %lt3A_136 : i1 to i32
    %cond3A_138 = arith.constant 0 : i32
    %cond3A_139 = arith.cmpi ne, %convert_element_type3A_137, %cond3A_138 : i32
    scf.if %cond3A_139 {
      %mul3A_353 = arith.constant 80 : i32
      %mul3A_354 = arith.muli %add3A_134, %mul3A_353 : i32
      %dma_wait3A_355 = tpu.memref_slice %arg4[%mul3A_354] : memref<10000xf32, #tpu.memory_space<vmem_shared>> -> memref<80xf32, #tpu.memory_space<vmem_shared>>
      %dma_wait3A_356 = tpu.memref_slice %arg4[%mul3A_354] : memref<10000xf32, #tpu.memory_space<vmem_shared>> -> memref<80xf32, #tpu.memory_space<vmem_shared>>
      tpu.wait_dma2 semaphore(%arg8 : memref<!tpu.dma_semaphore, #tpu.memory_space<semaphore_mem>>) src(%arg6 : memref<80xf32, #tpu.memory_space<vmem>>) dst(%dma_wait3A_356 : memref<80xf32, #tpu.memory_space<vmem_shared>>)
    } else {
    }
    %barrier3A = arith.constant 0 : index
    tpu.barrier barrier_id(%barrier3A)
    %scan3A = arith.constant 0 : i32
    %scan3A_140 = arith.constant 0 : i32
    %scan3A_141 = arith.constant 25 : i32
    %scan3A_142 = arith.addi %scan3A_140, %scan3A_141 : i32
    %scan3A_143 = arith.constant 1 : i32
    scf.for %scan3A_353 = %scan3A_140 to %scan3A_142 step %scan3A_143  : i32 {
      %mul3A_354 = arith.constant 5 : i32
      %mul3A_355 = arith.muli %mul3A_354, %scan3A_353 : i32
      %add3A_356 = arith.constant 0 : i32
      %add3A_357 = arith.addi %mul3A_355, %add3A_356 : i32
      %gt3A = arith.constant 0 : i32
      %gt3A_358 = arith.cmpi sgt, %scan3A_353, %gt3A : i32
      %convert_element_type3A_359 = arith.extui %gt3A_358 : i1 to i32
      %cond3A_360 = arith.constant 0 : i32
      %cond3A_361 = arith.cmpi ne, %convert_element_type3A_359, %cond3A_360 : i32
      scf.if %cond3A_361 {
        %sub3A = arith.constant 5 : i32
        %sub3A_442 = arith.subi %add3A_357, %sub3A : i32
        %mul3A_443 = arith.constant 80 : i32
        %mul3A_444 = arith.muli %sub3A_442, %mul3A_443 : i32
        %multiple_of3A_445 = tpu.assume_multiple %mul3A_444, 80 : i32
        %dma_wait3A_446 = arith.constant 0 : i32
        %dma_wait3A_447 = tpu.memref_slice %arg5[%multiple_of3A_445] : memref<10000xi32, #tpu.memory_space<vmem>> -> memref<80xi32, #tpu.memory_space<vmem>>
        %dma_wait3A_448 = arith.constant 0 : i32
        %dma_wait3A_449 = tpu.memref_slice %arg4[%dma_wait3A_448] : memref<10000xf32, #tpu.memory_space<vmem_shared>> -> memref<10000xf32, #tpu.memory_space<vmem_shared>>
        %dma_wait3A_450 = tpu.memref_slice %arg9[%dma_wait3A_446] : memref<5x!tpu.dma_semaphore, #tpu.memory_space<semaphore_mem>> -> memref<1x!tpu.dma_semaphore, #tpu.memory_space<semaphore_mem>>
        %dma_wait3A_451 = tpu.memref_squeeze %dma_wait3A_450 : memref<1x!tpu.dma_semaphore, #tpu.memory_space<semaphore_mem>> -> memref<!tpu.dma_semaphore, #tpu.memory_space<semaphore_mem>>
        tpu.wait_indirect_dma semaphore(%dma_wait3A_451 : memref<!tpu.dma_semaphore, #tpu.memory_space<semaphore_mem>>) src(%arg6 : memref<80xf32, #tpu.memory_space<vmem>>) dst(%dma_wait3A_449 : memref<10000xf32, #tpu.memory_space<vmem_shared>>)
      } else {
      }
      %mul3A_362 = arith.constant 80 : i32
      %mul3A_363 = arith.muli %add3A_357, %mul3A_362 : i32
      %multiple_of3A_364 = tpu.assume_multiple %mul3A_363, 80 : i32
      %dma_start3A = arith.constant 0 : i32
      %dma_start3A_365 = tpu.memref_slice %arg5[%multiple_of3A_364] : memref<10000xi32, #tpu.memory_space<vmem>> -> memref<80xi32, #tpu.memory_space<vmem>>
      %dma_start3A_366 = arith.constant 0 : i32
      %dma_start3A_367 = tpu.memref_slice %arg4[%dma_start3A_366] : memref<10000xf32, #tpu.memory_space<vmem_shared>> -> memref<10000xf32, #tpu.memory_space<vmem_shared>>
      %dma_start3A_368 = tpu.memref_slice %arg9[%dma_start3A] : memref<5x!tpu.dma_semaphore, #tpu.memory_space<semaphore_mem>> -> memref<1x!tpu.dma_semaphore, #tpu.memory_space<semaphore_mem>>
      %dma_start3A_369 = tpu.memref_squeeze %dma_start3A_368 : memref<1x!tpu.dma_semaphore, #tpu.memory_space<semaphore_mem>> -> memref<!tpu.dma_semaphore, #tpu.memory_space<semaphore_mem>>
      tpu.enqueue_indirect_dma source(%arg6 : memref<80xf32, #tpu.memory_space<vmem>>) target(%dma_start3A_367 : memref<10000xf32, #tpu.memory_space<vmem_shared>>) offsets(%dma_start3A_365 : memref<80xi32, #tpu.memory_space<vmem>>) semaphore(%dma_start3A_369 : memref<!tpu.dma_semaphore, #tpu.memory_space<semaphore_mem>>) {add = true}
      %mul3A_370 = arith.constant 5 : i32
      %mul3A_371 = arith.muli %mul3A_370, %scan3A_353 : i32
      %add3A_372 = arith.constant 1 : i32
      %add3A_373 = arith.addi %mul3A_371, %add3A_372 : i32
      %gt3A_374 = arith.constant 0 : i32
      %gt3A_375 = arith.cmpi sgt, %scan3A_353, %gt3A_374 : i32
      %convert_element_type3A_376 = arith.extui %gt3A_375 : i1 to i32
      %cond3A_377 = arith.constant 0 : i32
      %cond3A_378 = arith.cmpi ne, %convert_element_type3A_376, %cond3A_377 : i32
      scf.if %cond3A_378 {
        %sub3A = arith.constant 5 : i32
        %sub3A_442 = arith.subi %add3A_373, %sub3A : i32
        %mul3A_443 = arith.constant 80 : i32
        %mul3A_444 = arith.muli %sub3A_442, %mul3A_443 : i32
        %multiple_of3A_445 = tpu.assume_multiple %mul3A_444, 80 : i32
        %dma_wait3A_446 = arith.constant 1 : i32
        %dma_wait3A_447 = tpu.memref_slice %arg5[%multiple_of3A_445] : memref<10000xi32, #tpu.memory_space<vmem>> -> memref<80xi32, #tpu.memory_space<vmem>>
        %dma_wait3A_448 = arith.constant 0 : i32
        %dma_wait3A_449 = tpu.memref_slice %arg4[%dma_wait3A_448] : memref<10000xf32, #tpu.memory_space<vmem_shared>> -> memref<10000xf32, #tpu.memory_space<vmem_shared>>
        %dma_wait3A_450 = tpu.memref_slice %arg9[%dma_wait3A_446] : memref<5x!tpu.dma_semaphore, #tpu.memory_space<semaphore_mem>> -> memref<1x!tpu.dma_semaphore, #tpu.memory_space<semaphore_mem>>
        %dma_wait3A_451 = tpu.memref_squeeze %dma_wait3A_450 : memref<1x!tpu.dma_semaphore, #tpu.memory_space<semaphore_mem>> -> memref<!tpu.dma_semaphore, #tpu.memory_space<semaphore_mem>>
        tpu.wait_indirect_dma semaphore(%dma_wait3A_451 : memref<!tpu.dma_semaphore, #tpu.memory_space<semaphore_mem>>) src(%arg6 : memref<80xf32, #tpu.memory_space<vmem>>) dst(%dma_wait3A_449 : memref<10000xf32, #tpu.memory_space<vmem_shared>>)
      } else {
      }
      %mul3A_379 = arith.constant 80 : i32
      %mul3A_380 = arith.muli %add3A_373, %mul3A_379 : i32
      %multiple_of3A_381 = tpu.assume_multiple %mul3A_380, 80 : i32
      %dma_start3A_382 = arith.constant 1 : i32
      %dma_start3A_383 = tpu.memref_slice %arg5[%multiple_of3A_381] : memref<10000xi32, #tpu.memory_space<vmem>> -> memref<80xi32, #tpu.memory_space<vmem>>
      %dma_start3A_384 = arith.constant 0 : i32
      %dma_start3A_385 = tpu.memref_slice %arg4[%dma_start3A_384] : memref<10000xf32, #tpu.memory_space<vmem_shared>> -> memref<10000xf32, #tpu.memory_space<vmem_shared>>
      %dma_start3A_386 = tpu.memref_slice %arg9[%dma_start3A_382] : memref<5x!tpu.dma_semaphore, #tpu.memory_space<semaphore_mem>> -> memref<1x!tpu.dma_semaphore, #tpu.memory_space<semaphore_mem>>
      %dma_start3A_387 = tpu.memref_squeeze %dma_start3A_386 : memref<1x!tpu.dma_semaphore, #tpu.memory_space<semaphore_mem>> -> memref<!tpu.dma_semaphore, #tpu.memory_space<semaphore_mem>>
      tpu.enqueue_indirect_dma source(%arg6 : memref<80xf32, #tpu.memory_space<vmem>>) target(%dma_start3A_385 : memref<10000xf32, #tpu.memory_space<vmem_shared>>) offsets(%dma_start3A_383 : memref<80xi32, #tpu.memory_space<vmem>>) semaphore(%dma_start3A_387 : memref<!tpu.dma_semaphore, #tpu.memory_space<semaphore_mem>>) {add = true}
      %mul3A_388 = arith.constant 5 : i32
      %mul3A_389 = arith.muli %mul3A_388, %scan3A_353 : i32
      %add3A_390 = arith.constant 2 : i32
      %add3A_391 = arith.addi %mul3A_389, %add3A_390 : i32
      %gt3A_392 = arith.constant 0 : i32
      %gt3A_393 = arith.cmpi sgt, %scan3A_353, %gt3A_392 : i32
      %convert_element_type3A_394 = arith.extui %gt3A_393 : i1 to i32
      %cond3A_395 = arith.constant 0 : i32
      %cond3A_396 = arith.cmpi ne, %convert_element_type3A_394, %cond3A_395 : i32
      scf.if %cond3A_396 {
        %sub3A = arith.constant 5 : i32
        %sub3A_442 = arith.subi %add3A_391, %sub3A : i32
        %mul3A_443 = arith.constant 80 : i32
        %mul3A_444 = arith.muli %sub3A_442, %mul3A_443 : i32
        %multiple_of3A_445 = tpu.assume_multiple %mul3A_444, 80 : i32
        %dma_wait3A_446 = arith.constant 2 : i32
        %dma_wait3A_447 = tpu.memref_slice %arg5[%multiple_of3A_445] : memref<10000xi32, #tpu.memory_space<vmem>> -> memref<80xi32, #tpu.memory_space<vmem>>
        %dma_wait3A_448 = arith.constant 0 : i32
        %dma_wait3A_449 = tpu.memref_slice %arg4[%dma_wait3A_448] : memref<10000xf32, #tpu.memory_space<vmem_shared>> -> memref<10000xf32, #tpu.memory_space<vmem_shared>>
        %dma_wait3A_450 = tpu.memref_slice %arg9[%dma_wait3A_446] : memref<5x!tpu.dma_semaphore, #tpu.memory_space<semaphore_mem>> -> memref<1x!tpu.dma_semaphore, #tpu.memory_space<semaphore_mem>>
        %dma_wait3A_451 = tpu.memref_squeeze %dma_wait3A_450 : memref<1x!tpu.dma_semaphore, #tpu.memory_space<semaphore_mem>> -> memref<!tpu.dma_semaphore, #tpu.memory_space<semaphore_mem>>
        tpu.wait_indirect_dma semaphore(%dma_wait3A_451 : memref<!tpu.dma_semaphore, #tpu.memory_space<semaphore_mem>>) src(%arg6 : memref<80xf32, #tpu.memory_space<vmem>>) dst(%dma_wait3A_449 : memref<10000xf32, #tpu.memory_space<vmem_shared>>)
      } else {
      }
      %mul3A_397 = arith.constant 80 : i32
      %mul3A_398 = arith.muli %add3A_391, %mul3A_397 : i32
      %multiple_of3A_399 = tpu.assume_multiple %mul3A_398, 80 : i32
      %dma_start3A_400 = arith.constant 2 : i32
      %dma_start3A_401 = tpu.memref_slice %arg5[%multiple_of3A_399] : memref<10000xi32, #tpu.memory_space<vmem>> -> memref<80xi32, #tpu.memory_space<vmem>>
      %dma_start3A_402 = arith.constant 0 : i32
      %dma_start3A_403 = tpu.memref_slice %arg4[%dma_start3A_402] : memref<10000xf32, #tpu.memory_space<vmem_shared>> -> memref<10000xf32, #tpu.memory_space<vmem_shared>>
      %dma_start3A_404 = tpu.memref_slice %arg9[%dma_start3A_400] : memref<5x!tpu.dma_semaphore, #tpu.memory_space<semaphore_mem>> -> memref<1x!tpu.dma_semaphore, #tpu.memory_space<semaphore_mem>>
      %dma_start3A_405 = tpu.memref_squeeze %dma_start3A_404 : memref<1x!tpu.dma_semaphore, #tpu.memory_space<semaphore_mem>> -> memref<!tpu.dma_semaphore, #tpu.memory_space<semaphore_mem>>
      tpu.enqueue_indirect_dma source(%arg6 : memref<80xf32, #tpu.memory_space<vmem>>) target(%dma_start3A_403 : memref<10000xf32, #tpu.memory_space<vmem_shared>>) offsets(%dma_start3A_401 : memref<80xi32, #tpu.memory_space<vmem>>) semaphore(%dma_start3A_405 : memref<!tpu.dma_semaphore, #tpu.memory_space<semaphore_mem>>) {add = true}
      %mul3A_406 = arith.constant 5 : i32
      %mul3A_407 = arith.muli %mul3A_406, %scan3A_353 : i32
      %add3A_408 = arith.constant 3 : i32
      %add3A_409 = arith.addi %mul3A_407, %add3A_408 : i32
      %gt3A_410 = arith.constant 0 : i32
      %gt3A_411 = arith.cmpi sgt, %scan3A_353, %gt3A_410 : i32
      %convert_element_type3A_412 = arith.extui %gt3A_411 : i1 to i32
      %cond3A_413 = arith.constant 0 : i32
      %cond3A_414 = arith.cmpi ne, %convert_element_type3A_412, %cond3A_413 : i32
      scf.if %cond3A_414 {
        %sub3A = arith.constant 5 : i32
        %sub3A_442 = arith.subi %add3A_409, %sub3A : i32
        %mul3A_443 = arith.constant 80 : i32
        %mul3A_444 = arith.muli %sub3A_442, %mul3A_443 : i32
        %multiple_of3A_445 = tpu.assume_multiple %mul3A_444, 80 : i32
        %dma_wait3A_446 = arith.constant 3 : i32
        %dma_wait3A_447 = tpu.memref_slice %arg5[%multiple_of3A_445] : memref<10000xi32, #tpu.memory_space<vmem>> -> memref<80xi32, #tpu.memory_space<vmem>>
        %dma_wait3A_448 = arith.constant 0 : i32
        %dma_wait3A_449 = tpu.memref_slice %arg4[%dma_wait3A_448] : memref<10000xf32, #tpu.memory_space<vmem_shared>> -> memref<10000xf32, #tpu.memory_space<vmem_shared>>
        %dma_wait3A_450 = tpu.memref_slice %arg9[%dma_wait3A_446] : memref<5x!tpu.dma_semaphore, #tpu.memory_space<semaphore_mem>> -> memref<1x!tpu.dma_semaphore, #tpu.memory_space<semaphore_mem>>
        %dma_wait3A_451 = tpu.memref_squeeze %dma_wait3A_450 : memref<1x!tpu.dma_semaphore, #tpu.memory_space<semaphore_mem>> -> memref<!tpu.dma_semaphore, #tpu.memory_space<semaphore_mem>>
        tpu.wait_indirect_dma semaphore(%dma_wait3A_451 : memref<!tpu.dma_semaphore, #tpu.memory_space<semaphore_mem>>) src(%arg6 : memref<80xf32, #tpu.memory_space<vmem>>) dst(%dma_wait3A_449 : memref<10000xf32, #tpu.memory_space<vmem_shared>>)
      } else {
      }
      %mul3A_415 = arith.constant 80 : i32
      %mul3A_416 = arith.muli %add3A_409, %mul3A_415 : i32
      %multiple_of3A_417 = tpu.assume_multiple %mul3A_416, 80 : i32
      %dma_start3A_418 = arith.constant 3 : i32
      %dma_start3A_419 = tpu.memref_slice %arg5[%multiple_of3A_417] : memref<10000xi32, #tpu.memory_space<vmem>> -> memref<80xi32, #tpu.memory_space<vmem>>
      %dma_start3A_420 = arith.constant 0 : i32
      %dma_start3A_421 = tpu.memref_slice %arg4[%dma_start3A_420] : memref<10000xf32, #tpu.memory_space<vmem_shared>> -> memref<10000xf32, #tpu.memory_space<vmem_shared>>
      %dma_start3A_422 = tpu.memref_slice %arg9[%dma_start3A_418] : memref<5x!tpu.dma_semaphore, #tpu.memory_space<semaphore_mem>> -> memref<1x!tpu.dma_semaphore, #tpu.memory_space<semaphore_mem>>
      %dma_start3A_423 = tpu.memref_squeeze %dma_start3A_422 : memref<1x!tpu.dma_semaphore, #tpu.memory_space<semaphore_mem>> -> memref<!tpu.dma_semaphore, #tpu.memory_space<semaphore_mem>>
      tpu.enqueue_indirect_dma source(%arg6 : memref<80xf32, #tpu.memory_space<vmem>>) target(%dma_start3A_421 : memref<10000xf32, #tpu.memory_space<vmem_shared>>) offsets(%dma_start3A_419 : memref<80xi32, #tpu.memory_space<vmem>>) semaphore(%dma_start3A_423 : memref<!tpu.dma_semaphore, #tpu.memory_space<semaphore_mem>>) {add = true}
      %mul3A_424 = arith.constant 5 : i32
      %mul3A_425 = arith.muli %mul3A_424, %scan3A_353 : i32
      %add3A_426 = arith.constant 4 : i32
      %add3A_427 = arith.addi %mul3A_425, %add3A_426 : i32
      %gt3A_428 = arith.constant 0 : i32
      %gt3A_429 = arith.cmpi sgt, %scan3A_353, %gt3A_428 : i32
      %convert_element_type3A_430 = arith.extui %gt3A_429 : i1 to i32
      %cond3A_431 = arith.constant 0 : i32
      %cond3A_432 = arith.cmpi ne, %convert_element_type3A_430, %cond3A_431 : i32
      scf.if %cond3A_432 {
        %sub3A = arith.constant 5 : i32
        %sub3A_442 = arith.subi %add3A_427, %sub3A : i32
        %mul3A_443 = arith.constant 80 : i32
        %mul3A_444 = arith.muli %sub3A_442, %mul3A_443 : i32
        %multiple_of3A_445 = tpu.assume_multiple %mul3A_444, 80 : i32
        %dma_wait3A_446 = arith.constant 4 : i32
        %dma_wait3A_447 = tpu.memref_slice %arg5[%multiple_of3A_445] : memref<10000xi32, #tpu.memory_space<vmem>> -> memref<80xi32, #tpu.memory_space<vmem>>
        %dma_wait3A_448 = arith.constant 0 : i32
        %dma_wait3A_449 = tpu.memref_slice %arg4[%dma_wait3A_448] : memref<10000xf32, #tpu.memory_space<vmem_shared>> -> memref<10000xf32, #tpu.memory_space<vmem_shared>>
        %dma_wait3A_450 = tpu.memref_slice %arg9[%dma_wait3A_446] : memref<5x!tpu.dma_semaphore, #tpu.memory_space<semaphore_mem>> -> memref<1x!tpu.dma_semaphore, #tpu.memory_space<semaphore_mem>>
        %dma_wait3A_451 = tpu.memref_squeeze %dma_wait3A_450 : memref<1x!tpu.dma_semaphore, #tpu.memory_space<semaphore_mem>> -> memref<!tpu.dma_semaphore, #tpu.memory_space<semaphore_mem>>
        tpu.wait_indirect_dma semaphore(%dma_wait3A_451 : memref<!tpu.dma_semaphore, #tpu.memory_space<semaphore_mem>>) src(%arg6 : memref<80xf32, #tpu.memory_space<vmem>>) dst(%dma_wait3A_449 : memref<10000xf32, #tpu.memory_space<vmem_shared>>)
      } else {
      }
      %mul3A_433 = arith.constant 80 : i32
      %mul3A_434 = arith.muli %add3A_427, %mul3A_433 : i32
      %multiple_of3A_435 = tpu.assume_multiple %mul3A_434, 80 : i32
      %dma_start3A_436 = arith.constant 4 : i32
      %dma_start3A_437 = tpu.memref_slice %arg5[%multiple_of3A_435] : memref<10000xi32, #tpu.memory_space<vmem>> -> memref<80xi32, #tpu.memory_space<vmem>>
      %dma_start3A_438 = arith.constant 0 : i32
      %dma_start3A_439 = tpu.memref_slice %arg4[%dma_start3A_438] : memref<10000xf32, #tpu.memory_space<vmem_shared>> -> memref<10000xf32, #tpu.memory_space<vmem_shared>>
      %dma_start3A_440 = tpu.memref_slice %arg9[%dma_start3A_436] : memref<5x!tpu.dma_semaphore, #tpu.memory_space<semaphore_mem>> -> memref<1x!tpu.dma_semaphore, #tpu.memory_space<semaphore_mem>>
      %dma_start3A_441 = tpu.memref_squeeze %dma_start3A_440 : memref<1x!tpu.dma_semaphore, #tpu.memory_space<semaphore_mem>> -> memref<!tpu.dma_semaphore, #tpu.memory_space<semaphore_mem>>
      tpu.enqueue_indirect_dma source(%arg6 : memref<80xf32, #tpu.memory_space<vmem>>) target(%dma_start3A_439 : memref<10000xf32, #tpu.memory_space<vmem_shared>>) offsets(%dma_start3A_437 : memref<80xi32, #tpu.memory_space<vmem>>) semaphore(%dma_start3A_441 : memref<!tpu.dma_semaphore, #tpu.memory_space<semaphore_mem>>) {add = true}
    }
    %scan3A_144 = arith.constant 25 : i32
    %multiple_of3A_145 = arith.constant 9600 : i32
    %multiple_of3A_146 = tpu.assume_multiple %multiple_of3A_145, 80 : i32
    %dma_wait3A = arith.constant 0 : i32
    %dma_wait3A_147 = tpu.memref_slice %arg5[%multiple_of3A_146] : memref<10000xi32, #tpu.memory_space<vmem>> -> memref<80xi32, #tpu.memory_space<vmem>>
    %dma_wait3A_148 = arith.constant 0 : i32
    %dma_wait3A_149 = tpu.memref_slice %arg4[%dma_wait3A_148] : memref<10000xf32, #tpu.memory_space<vmem_shared>> -> memref<10000xf32, #tpu.memory_space<vmem_shared>>
    %dma_wait3A_150 = tpu.memref_slice %arg9[%dma_wait3A] : memref<5x!tpu.dma_semaphore, #tpu.memory_space<semaphore_mem>> -> memref<1x!tpu.dma_semaphore, #tpu.memory_space<semaphore_mem>>
    %dma_wait3A_151 = tpu.memref_squeeze %dma_wait3A_150 : memref<1x!tpu.dma_semaphore, #tpu.memory_space<semaphore_mem>> -> memref<!tpu.dma_semaphore, #tpu.memory_space<semaphore_mem>>
    tpu.wait_indirect_dma semaphore(%dma_wait3A_151 : memref<!tpu.dma_semaphore, #tpu.memory_space<semaphore_mem>>) src(%arg6 : memref<80xf32, #tpu.memory_space<vmem>>) dst(%dma_wait3A_149 : memref<10000xf32, #tpu.memory_space<vmem_shared>>)
    %multiple_of3A_152 = arith.constant 9680 : i32
    %multiple_of3A_153 = tpu.assume_multiple %multiple_of3A_152, 80 : i32
    %dma_wait3A_154 = arith.constant 1 : i32
    %dma_wait3A_155 = tpu.memref_slice %arg5[%multiple_of3A_153] : memref<10000xi32, #tpu.memory_space<vmem>> -> memref<80xi32, #tpu.memory_space<vmem>>
    %dma_wait3A_156 = arith.constant 0 : i32
    %dma_wait3A_157 = tpu.memref_slice %arg4[%dma_wait3A_156] : memref<10000xf32, #tpu.memory_space<vmem_shared>> -> memref<10000xf32, #tpu.memory_space<vmem_shared>>
    %dma_wait3A_158 = tpu.memref_slice %arg9[%dma_wait3A_154] : memref<5x!tpu.dma_semaphore, #tpu.memory_space<semaphore_mem>> -> memref<1x!tpu.dma_semaphore, #tpu.memory_space<semaphore_mem>>
    %dma_wait3A_159 = tpu.memref_squeeze %dma_wait3A_158 : memref<1x!tpu.dma_semaphore, #tpu.memory_space<semaphore_mem>> -> memref<!tpu.dma_semaphore, #tpu.memory_space<semaphore_mem>>
    tpu.wait_indirect_dma semaphore(%dma_wait3A_159 : memref<!tpu.dma_semaphore, #tpu.memory_space<semaphore_mem>>) src(%arg6 : memref<80xf32, #tpu.memory_space<vmem>>) dst(%dma_wait3A_157 : memref<10000xf32, #tpu.memory_space<vmem_shared>>)
    %multiple_of3A_160 = arith.constant 9760 : i32
    %multiple_of3A_161 = tpu.assume_multiple %multiple_of3A_160, 80 : i32
    %dma_wait3A_162 = arith.constant 2 : i32
    %dma_wait3A_163 = tpu.memref_slice %arg5[%multiple_of3A_161] : memref<10000xi32, #tpu.memory_space<vmem>> -> memref<80xi32, #tpu.memory_space<vmem>>
    %dma_wait3A_164 = arith.constant 0 : i32
    %dma_wait3A_165 = tpu.memref_slice %arg4[%dma_wait3A_164] : memref<10000xf32, #tpu.memory_space<vmem_shared>> -> memref<10000xf32, #tpu.memory_space<vmem_shared>>
    %dma_wait3A_166 = tpu.memref_slice %arg9[%dma_wait3A_162] : memref<5x!tpu.dma_semaphore, #tpu.memory_space<semaphore_mem>> -> memref<1x!tpu.dma_semaphore, #tpu.memory_space<semaphore_mem>>
    %dma_wait3A_167 = tpu.memref_squeeze %dma_wait3A_166 : memref<1x!tpu.dma_semaphore, #tpu.memory_space<semaphore_mem>> -> memref<!tpu.dma_semaphore, #tpu.memory_space<semaphore_mem>>
    tpu.wait_indirect_dma semaphore(%dma_wait3A_167 : memref<!tpu.dma_semaphore, #tpu.memory_space<semaphore_mem>>) src(%arg6 : memref<80xf32, #tpu.memory_space<vmem>>) dst(%dma_wait3A_165 : memref<10000xf32, #tpu.memory_space<vmem_shared>>)
    %multiple_of3A_168 = arith.constant 9840 : i32
    %multiple_of3A_169 = tpu.assume_multiple %multiple_of3A_168, 80 : i32
    %dma_wait3A_170 = arith.constant 3 : i32
    %dma_wait3A_171 = tpu.memref_slice %arg5[%multiple_of3A_169] : memref<10000xi32, #tpu.memory_space<vmem>> -> memref<80xi32, #tpu.memory_space<vmem>>
    %dma_wait3A_172 = arith.constant 0 : i32
    %dma_wait3A_173 = tpu.memref_slice %arg4[%dma_wait3A_172] : memref<10000xf32, #tpu.memory_space<vmem_shared>> -> memref<10000xf32, #tpu.memory_space<vmem_shared>>
    %dma_wait3A_174 = tpu.memref_slice %arg9[%dma_wait3A_170] : memref<5x!tpu.dma_semaphore, #tpu.memory_space<semaphore_mem>> -> memref<1x!tpu.dma_semaphore, #tpu.memory_space<semaphore_mem>>
    %dma_wait3A_175 = tpu.memref_squeeze %dma_wait3A_174 : memref<1x!tpu.dma_semaphore, #tpu.memory_space<semaphore_mem>> -> memref<!tpu.dma_semaphore, #tpu.memory_space<semaphore_mem>>
    tpu.wait_indirect_dma semaphore(%dma_wait3A_175 : memref<!tpu.dma_semaphore, #tpu.memory_space<semaphore_mem>>) src(%arg6 : memref<80xf32, #tpu.memory_space<vmem>>) dst(%dma_wait3A_173 : memref<10000xf32, #tpu.memory_space<vmem_shared>>)
    %multiple_of3A_176 = arith.constant 9920 : i32
    %multiple_of3A_177 = tpu.assume_multiple %multiple_of3A_176, 80 : i32
    %dma_wait3A_178 = arith.constant 4 : i32
    %dma_wait3A_179 = tpu.memref_slice %arg5[%multiple_of3A_177] : memref<10000xi32, #tpu.memory_space<vmem>> -> memref<80xi32, #tpu.memory_space<vmem>>
    %dma_wait3A_180 = arith.constant 0 : i32
    %dma_wait3A_181 = tpu.memref_slice %arg4[%dma_wait3A_180] : memref<10000xf32, #tpu.memory_space<vmem_shared>> -> memref<10000xf32, #tpu.memory_space<vmem_shared>>
    %dma_wait3A_182 = tpu.memref_slice %arg9[%dma_wait3A_178] : memref<5x!tpu.dma_semaphore, #tpu.memory_space<semaphore_mem>> -> memref<1x!tpu.dma_semaphore, #tpu.memory_space<semaphore_mem>>
    %dma_wait3A_183 = tpu.memref_squeeze %dma_wait3A_182 : memref<1x!tpu.dma_semaphore, #tpu.memory_space<semaphore_mem>> -> memref<!tpu.dma_semaphore, #tpu.memory_space<semaphore_mem>>
    tpu.wait_indirect_dma semaphore(%dma_wait3A_183 : memref<!tpu.dma_semaphore, #tpu.memory_space<semaphore_mem>>) src(%arg6 : memref<80xf32, #tpu.memory_space<vmem>>) dst(%dma_wait3A_181 : memref<10000xf32, #tpu.memory_space<vmem_shared>>)
    %barrier3A_184 = arith.constant 0 : index
    tpu.barrier barrier_id(%barrier3A_184)
    %add3A_185 = arith.constant 0 : i32
    %add3A_186 = arith.addi %arg1, %add3A_185 : i32
    %lt3A_187 = arith.constant 125 : i32
    %lt3A_188 = arith.cmpi slt, %add3A_186, %lt3A_187 : i32
    %convert_element_type3A_189 = arith.extui %lt3A_188 : i1 to i32
    %cond3A_190 = arith.constant 0 : i32
    %cond3A_191 = arith.cmpi ne, %convert_element_type3A_189, %cond3A_190 : i32
    scf.if %cond3A_191 {
      %mul3A_353 = arith.constant 80 : i32
      %mul3A_354 = arith.muli %add3A_186, %mul3A_353 : i32
      %dma_start3A = arith.constant 0 : i32
      %dma_start3A_355 = arith.constant 0 : i32
      %dma_start3A_356 = tpu.memref_slice %arg7[%dma_start3A, %dma_start3A_355] : memref<8x80xf32, #tpu.memory_space<vmem>> -> memref<1x80xf32, #tpu.memory_space<vmem>>
      %dma_start3A_357 = tpu.memref_squeeze %dma_start3A_356 : memref<1x80xf32, #tpu.memory_space<vmem>> -> memref<80xf32, #tpu.memory_space<vmem>>
      %dma_start3A_358 = tpu.memref_slice %arg4[%mul3A_354] : memref<10000xf32, #tpu.memory_space<vmem_shared>> -> memref<80xf32, #tpu.memory_space<vmem_shared>>
      %dma_start3A_359 = arith.constant 0 : i32
      %dma_start3A_360 = tpu.memref_slice %arg7[%dma_start3A, %dma_start3A_359] : memref<8x80xf32, #tpu.memory_space<vmem>> -> memref<1x80xf32, #tpu.memory_space<vmem>>
      %dma_start3A_361 = tpu.memref_squeeze %dma_start3A_360 : memref<1x80xf32, #tpu.memory_space<vmem>> -> memref<80xf32, #tpu.memory_space<vmem>>
      %dma_start3A_362 = tpu.memref_slice %arg4[%mul3A_354] : memref<10000xf32, #tpu.memory_space<vmem_shared>> -> memref<80xf32, #tpu.memory_space<vmem_shared>>
      tpu.enqueue_dma source(%dma_start3A_362 : memref<80xf32, #tpu.memory_space<vmem_shared>>) target(%dma_start3A_361 : memref<80xf32, #tpu.memory_space<vmem>>) target_semaphore(%arg8 : memref<!tpu.dma_semaphore, #tpu.memory_space<semaphore_mem>>)
    } else {
    }
    %add3A_192 = arith.constant 16 : i32
    %add3A_193 = arith.addi %arg1, %add3A_192 : i32
    %lt3A_194 = arith.constant 125 : i32
    %lt3A_195 = arith.cmpi slt, %add3A_193, %lt3A_194 : i32
    %convert_element_type3A_196 = arith.extui %lt3A_195 : i1 to i32
    %cond3A_197 = arith.constant 0 : i32
    %cond3A_198 = arith.cmpi ne, %convert_element_type3A_196, %cond3A_197 : i32
    scf.if %cond3A_198 {
      %mul3A_353 = arith.constant 80 : i32
      %mul3A_354 = arith.muli %add3A_193, %mul3A_353 : i32
      %dma_start3A = arith.constant 1 : i32
      %dma_start3A_355 = arith.constant 0 : i32
      %dma_start3A_356 = tpu.memref_slice %arg7[%dma_start3A, %dma_start3A_355] : memref<8x80xf32, #tpu.memory_space<vmem>> -> memref<1x80xf32, #tpu.memory_space<vmem>>
      %dma_start3A_357 = tpu.memref_squeeze %dma_start3A_356 : memref<1x80xf32, #tpu.memory_space<vmem>> -> memref<80xf32, #tpu.memory_space<vmem>>
      %dma_start3A_358 = tpu.memref_slice %arg4[%mul3A_354] : memref<10000xf32, #tpu.memory_space<vmem_shared>> -> memref<80xf32, #tpu.memory_space<vmem_shared>>
      %dma_start3A_359 = arith.constant 0 : i32
      %dma_start3A_360 = tpu.memref_slice %arg7[%dma_start3A, %dma_start3A_359] : memref<8x80xf32, #tpu.memory_space<vmem>> -> memref<1x80xf32, #tpu.memory_space<vmem>>
      %dma_start3A_361 = tpu.memref_squeeze %dma_start3A_360 : memref<1x80xf32, #tpu.memory_space<vmem>> -> memref<80xf32, #tpu.memory_space<vmem>>
      %dma_start3A_362 = tpu.memref_slice %arg4[%mul3A_354] : memref<10000xf32, #tpu.memory_space<vmem_shared>> -> memref<80xf32, #tpu.memory_space<vmem_shared>>
      tpu.enqueue_dma source(%dma_start3A_362 : memref<80xf32, #tpu.memory_space<vmem_shared>>) target(%dma_start3A_361 : memref<80xf32, #tpu.memory_space<vmem>>) target_semaphore(%arg8 : memref<!tpu.dma_semaphore, #tpu.memory_space<semaphore_mem>>)
    } else {
    }
    %add3A_199 = arith.constant 32 : i32
    %add3A_200 = arith.addi %arg1, %add3A_199 : i32
    %lt3A_201 = arith.constant 125 : i32
    %lt3A_202 = arith.cmpi slt, %add3A_200, %lt3A_201 : i32
    %convert_element_type3A_203 = arith.extui %lt3A_202 : i1 to i32
    %cond3A_204 = arith.constant 0 : i32
    %cond3A_205 = arith.cmpi ne, %convert_element_type3A_203, %cond3A_204 : i32
    scf.if %cond3A_205 {
      %mul3A_353 = arith.constant 80 : i32
      %mul3A_354 = arith.muli %add3A_200, %mul3A_353 : i32
      %dma_start3A = arith.constant 2 : i32
      %dma_start3A_355 = arith.constant 0 : i32
      %dma_start3A_356 = tpu.memref_slice %arg7[%dma_start3A, %dma_start3A_355] : memref<8x80xf32, #tpu.memory_space<vmem>> -> memref<1x80xf32, #tpu.memory_space<vmem>>
      %dma_start3A_357 = tpu.memref_squeeze %dma_start3A_356 : memref<1x80xf32, #tpu.memory_space<vmem>> -> memref<80xf32, #tpu.memory_space<vmem>>
      %dma_start3A_358 = tpu.memref_slice %arg4[%mul3A_354] : memref<10000xf32, #tpu.memory_space<vmem_shared>> -> memref<80xf32, #tpu.memory_space<vmem_shared>>
      %dma_start3A_359 = arith.constant 0 : i32
      %dma_start3A_360 = tpu.memref_slice %arg7[%dma_start3A, %dma_start3A_359] : memref<8x80xf32, #tpu.memory_space<vmem>> -> memref<1x80xf32, #tpu.memory_space<vmem>>
      %dma_start3A_361 = tpu.memref_squeeze %dma_start3A_360 : memref<1x80xf32, #tpu.memory_space<vmem>> -> memref<80xf32, #tpu.memory_space<vmem>>
      %dma_start3A_362 = tpu.memref_slice %arg4[%mul3A_354] : memref<10000xf32, #tpu.memory_space<vmem_shared>> -> memref<80xf32, #tpu.memory_space<vmem_shared>>
      tpu.enqueue_dma source(%dma_start3A_362 : memref<80xf32, #tpu.memory_space<vmem_shared>>) target(%dma_start3A_361 : memref<80xf32, #tpu.memory_space<vmem>>) target_semaphore(%arg8 : memref<!tpu.dma_semaphore, #tpu.memory_space<semaphore_mem>>)
    } else {
    }
    %add3A_206 = arith.constant 48 : i32
    %add3A_207 = arith.addi %arg1, %add3A_206 : i32
    %lt3A_208 = arith.constant 125 : i32
    %lt3A_209 = arith.cmpi slt, %add3A_207, %lt3A_208 : i32
    %convert_element_type3A_210 = arith.extui %lt3A_209 : i1 to i32
    %cond3A_211 = arith.constant 0 : i32
    %cond3A_212 = arith.cmpi ne, %convert_element_type3A_210, %cond3A_211 : i32
    scf.if %cond3A_212 {
      %mul3A_353 = arith.constant 80 : i32
      %mul3A_354 = arith.muli %add3A_207, %mul3A_353 : i32
      %dma_start3A = arith.constant 3 : i32
      %dma_start3A_355 = arith.constant 0 : i32
      %dma_start3A_356 = tpu.memref_slice %arg7[%dma_start3A, %dma_start3A_355] : memref<8x80xf32, #tpu.memory_space<vmem>> -> memref<1x80xf32, #tpu.memory_space<vmem>>
      %dma_start3A_357 = tpu.memref_squeeze %dma_start3A_356 : memref<1x80xf32, #tpu.memory_space<vmem>> -> memref<80xf32, #tpu.memory_space<vmem>>
      %dma_start3A_358 = tpu.memref_slice %arg4[%mul3A_354] : memref<10000xf32, #tpu.memory_space<vmem_shared>> -> memref<80xf32, #tpu.memory_space<vmem_shared>>
      %dma_start3A_359 = arith.constant 0 : i32
      %dma_start3A_360 = tpu.memref_slice %arg7[%dma_start3A, %dma_start3A_359] : memref<8x80xf32, #tpu.memory_space<vmem>> -> memref<1x80xf32, #tpu.memory_space<vmem>>
      %dma_start3A_361 = tpu.memref_squeeze %dma_start3A_360 : memref<1x80xf32, #tpu.memory_space<vmem>> -> memref<80xf32, #tpu.memory_space<vmem>>
      %dma_start3A_362 = tpu.memref_slice %arg4[%mul3A_354] : memref<10000xf32, #tpu.memory_space<vmem_shared>> -> memref<80xf32, #tpu.memory_space<vmem_shared>>
      tpu.enqueue_dma source(%dma_start3A_362 : memref<80xf32, #tpu.memory_space<vmem_shared>>) target(%dma_start3A_361 : memref<80xf32, #tpu.memory_space<vmem>>) target_semaphore(%arg8 : memref<!tpu.dma_semaphore, #tpu.memory_space<semaphore_mem>>)
    } else {
    }
    %add3A_213 = arith.constant 64 : i32
    %add3A_214 = arith.addi %arg1, %add3A_213 : i32
    %lt3A_215 = arith.constant 125 : i32
    %lt3A_216 = arith.cmpi slt, %add3A_214, %lt3A_215 : i32
    %convert_element_type3A_217 = arith.extui %lt3A_216 : i1 to i32
    %cond3A_218 = arith.constant 0 : i32
    %cond3A_219 = arith.cmpi ne, %convert_element_type3A_217, %cond3A_218 : i32
    scf.if %cond3A_219 {
      %mul3A_353 = arith.constant 80 : i32
      %mul3A_354 = arith.muli %add3A_214, %mul3A_353 : i32
      %dma_start3A = arith.constant 4 : i32
      %dma_start3A_355 = arith.constant 0 : i32
      %dma_start3A_356 = tpu.memref_slice %arg7[%dma_start3A, %dma_start3A_355] : memref<8x80xf32, #tpu.memory_space<vmem>> -> memref<1x80xf32, #tpu.memory_space<vmem>>
      %dma_start3A_357 = tpu.memref_squeeze %dma_start3A_356 : memref<1x80xf32, #tpu.memory_space<vmem>> -> memref<80xf32, #tpu.memory_space<vmem>>
      %dma_start3A_358 = tpu.memref_slice %arg4[%mul3A_354] : memref<10000xf32, #tpu.memory_space<vmem_shared>> -> memref<80xf32, #tpu.memory_space<vmem_shared>>
      %dma_start3A_359 = arith.constant 0 : i32
      %dma_start3A_360 = tpu.memref_slice %arg7[%dma_start3A, %dma_start3A_359] : memref<8x80xf32, #tpu.memory_space<vmem>> -> memref<1x80xf32, #tpu.memory_space<vmem>>
      %dma_start3A_361 = tpu.memref_squeeze %dma_start3A_360 : memref<1x80xf32, #tpu.memory_space<vmem>> -> memref<80xf32, #tpu.memory_space<vmem>>
      %dma_start3A_362 = tpu.memref_slice %arg4[%mul3A_354] : memref<10000xf32, #tpu.memory_space<vmem_shared>> -> memref<80xf32, #tpu.memory_space<vmem_shared>>
      tpu.enqueue_dma source(%dma_start3A_362 : memref<80xf32, #tpu.memory_space<vmem_shared>>) target(%dma_start3A_361 : memref<80xf32, #tpu.memory_space<vmem>>) target_semaphore(%arg8 : memref<!tpu.dma_semaphore, #tpu.memory_space<semaphore_mem>>)
    } else {
    }
    %add3A_220 = arith.constant 80 : i32
    %add3A_221 = arith.addi %arg1, %add3A_220 : i32
    %lt3A_222 = arith.constant 125 : i32
    %lt3A_223 = arith.cmpi slt, %add3A_221, %lt3A_222 : i32
    %convert_element_type3A_224 = arith.extui %lt3A_223 : i1 to i32
    %cond3A_225 = arith.constant 0 : i32
    %cond3A_226 = arith.cmpi ne, %convert_element_type3A_224, %cond3A_225 : i32
    scf.if %cond3A_226 {
      %mul3A_353 = arith.constant 80 : i32
      %mul3A_354 = arith.muli %add3A_221, %mul3A_353 : i32
      %dma_start3A = arith.constant 5 : i32
      %dma_start3A_355 = arith.constant 0 : i32
      %dma_start3A_356 = tpu.memref_slice %arg7[%dma_start3A, %dma_start3A_355] : memref<8x80xf32, #tpu.memory_space<vmem>> -> memref<1x80xf32, #tpu.memory_space<vmem>>
      %dma_start3A_357 = tpu.memref_squeeze %dma_start3A_356 : memref<1x80xf32, #tpu.memory_space<vmem>> -> memref<80xf32, #tpu.memory_space<vmem>>
      %dma_start3A_358 = tpu.memref_slice %arg4[%mul3A_354] : memref<10000xf32, #tpu.memory_space<vmem_shared>> -> memref<80xf32, #tpu.memory_space<vmem_shared>>
      %dma_start3A_359 = arith.constant 0 : i32
      %dma_start3A_360 = tpu.memref_slice %arg7[%dma_start3A, %dma_start3A_359] : memref<8x80xf32, #tpu.memory_space<vmem>> -> memref<1x80xf32, #tpu.memory_space<vmem>>
      %dma_start3A_361 = tpu.memref_squeeze %dma_start3A_360 : memref<1x80xf32, #tpu.memory_space<vmem>> -> memref<80xf32, #tpu.memory_space<vmem>>
      %dma_start3A_362 = tpu.memref_slice %arg4[%mul3A_354] : memref<10000xf32, #tpu.memory_space<vmem_shared>> -> memref<80xf32, #tpu.memory_space<vmem_shared>>
      tpu.enqueue_dma source(%dma_start3A_362 : memref<80xf32, #tpu.memory_space<vmem_shared>>) target(%dma_start3A_361 : memref<80xf32, #tpu.memory_space<vmem>>) target_semaphore(%arg8 : memref<!tpu.dma_semaphore, #tpu.memory_space<semaphore_mem>>)
    } else {
    }
    %add3A_227 = arith.constant 96 : i32
    %add3A_228 = arith.addi %arg1, %add3A_227 : i32
    %lt3A_229 = arith.constant 125 : i32
    %lt3A_230 = arith.cmpi slt, %add3A_228, %lt3A_229 : i32
    %convert_element_type3A_231 = arith.extui %lt3A_230 : i1 to i32
    %cond3A_232 = arith.constant 0 : i32
    %cond3A_233 = arith.cmpi ne, %convert_element_type3A_231, %cond3A_232 : i32
    scf.if %cond3A_233 {
      %mul3A_353 = arith.constant 80 : i32
      %mul3A_354 = arith.muli %add3A_228, %mul3A_353 : i32
      %dma_start3A = arith.constant 6 : i32
      %dma_start3A_355 = arith.constant 0 : i32
      %dma_start3A_356 = tpu.memref_slice %arg7[%dma_start3A, %dma_start3A_355] : memref<8x80xf32, #tpu.memory_space<vmem>> -> memref<1x80xf32, #tpu.memory_space<vmem>>
      %dma_start3A_357 = tpu.memref_squeeze %dma_start3A_356 : memref<1x80xf32, #tpu.memory_space<vmem>> -> memref<80xf32, #tpu.memory_space<vmem>>
      %dma_start3A_358 = tpu.memref_slice %arg4[%mul3A_354] : memref<10000xf32, #tpu.memory_space<vmem_shared>> -> memref<80xf32, #tpu.memory_space<vmem_shared>>
      %dma_start3A_359 = arith.constant 0 : i32
      %dma_start3A_360 = tpu.memref_slice %arg7[%dma_start3A, %dma_start3A_359] : memref<8x80xf32, #tpu.memory_space<vmem>> -> memref<1x80xf32, #tpu.memory_space<vmem>>
      %dma_start3A_361 = tpu.memref_squeeze %dma_start3A_360 : memref<1x80xf32, #tpu.memory_space<vmem>> -> memref<80xf32, #tpu.memory_space<vmem>>
      %dma_start3A_362 = tpu.memref_slice %arg4[%mul3A_354] : memref<10000xf32, #tpu.memory_space<vmem_shared>> -> memref<80xf32, #tpu.memory_space<vmem_shared>>
      tpu.enqueue_dma source(%dma_start3A_362 : memref<80xf32, #tpu.memory_space<vmem_shared>>) target(%dma_start3A_361 : memref<80xf32, #tpu.memory_space<vmem>>) target_semaphore(%arg8 : memref<!tpu.dma_semaphore, #tpu.memory_space<semaphore_mem>>)
    } else {
    }
    %add3A_234 = arith.constant 112 : i32
    %add3A_235 = arith.addi %arg1, %add3A_234 : i32
    %lt3A_236 = arith.constant 125 : i32
    %lt3A_237 = arith.cmpi slt, %add3A_235, %lt3A_236 : i32
    %convert_element_type3A_238 = arith.extui %lt3A_237 : i1 to i32
    %cond3A_239 = arith.constant 0 : i32
    %cond3A_240 = arith.cmpi ne, %convert_element_type3A_238, %cond3A_239 : i32
    scf.if %cond3A_240 {
      %mul3A_353 = arith.constant 80 : i32
      %mul3A_354 = arith.muli %add3A_235, %mul3A_353 : i32
      %dma_start3A = arith.constant 7 : i32
      %dma_start3A_355 = arith.constant 0 : i32
      %dma_start3A_356 = tpu.memref_slice %arg7[%dma_start3A, %dma_start3A_355] : memref<8x80xf32, #tpu.memory_space<vmem>> -> memref<1x80xf32, #tpu.memory_space<vmem>>
      %dma_start3A_357 = tpu.memref_squeeze %dma_start3A_356 : memref<1x80xf32, #tpu.memory_space<vmem>> -> memref<80xf32, #tpu.memory_space<vmem>>
      %dma_start3A_358 = tpu.memref_slice %arg4[%mul3A_354] : memref<10000xf32, #tpu.memory_space<vmem_shared>> -> memref<80xf32, #tpu.memory_space<vmem_shared>>
      %dma_start3A_359 = arith.constant 0 : i32
      %dma_start3A_360 = tpu.memref_slice %arg7[%dma_start3A, %dma_start3A_359] : memref<8x80xf32, #tpu.memory_space<vmem>> -> memref<1x80xf32, #tpu.memory_space<vmem>>
      %dma_start3A_361 = tpu.memref_squeeze %dma_start3A_360 : memref<1x80xf32, #tpu.memory_space<vmem>> -> memref<80xf32, #tpu.memory_space<vmem>>
      %dma_start3A_362 = tpu.memref_slice %arg4[%mul3A_354] : memref<10000xf32, #tpu.memory_space<vmem_shared>> -> memref<80xf32, #tpu.memory_space<vmem_shared>>
      tpu.enqueue_dma source(%dma_start3A_362 : memref<80xf32, #tpu.memory_space<vmem_shared>>) target(%dma_start3A_361 : memref<80xf32, #tpu.memory_space<vmem>>) target_semaphore(%arg8 : memref<!tpu.dma_semaphore, #tpu.memory_space<semaphore_mem>>)
    } else {
    }
    %add3A_241 = arith.constant 0 : i32
    %add3A_242 = arith.addi %arg1, %add3A_241 : i32
    %lt3A_243 = arith.constant 125 : i32
    %lt3A_244 = arith.cmpi slt, %add3A_242, %lt3A_243 : i32
    %convert_element_type3A_245 = arith.extui %lt3A_244 : i1 to i32
    %cond3A_246 = arith.constant 0 : i32
    %cond3A_247 = arith.cmpi ne, %convert_element_type3A_245, %cond3A_246 : i32
    scf.if %cond3A_247 {
      %mul3A_353 = arith.constant 80 : i32
      %mul3A_354 = arith.muli %add3A_242, %mul3A_353 : i32
      %dma_wait3A_355 = arith.constant 0 : i32
      %dma_wait3A_356 = arith.constant 0 : i32
      %dma_wait3A_357 = tpu.memref_slice %arg7[%dma_wait3A_355, %dma_wait3A_356] : memref<8x80xf32, #tpu.memory_space<vmem>> -> memref<1x80xf32, #tpu.memory_space<vmem>>
      %dma_wait3A_358 = tpu.memref_squeeze %dma_wait3A_357 : memref<1x80xf32, #tpu.memory_space<vmem>> -> memref<80xf32, #tpu.memory_space<vmem>>
      %dma_wait3A_359 = tpu.memref_slice %arg4[%mul3A_354] : memref<10000xf32, #tpu.memory_space<vmem_shared>> -> memref<80xf32, #tpu.memory_space<vmem_shared>>
      %dma_wait3A_360 = arith.constant 0 : i32
      %dma_wait3A_361 = tpu.memref_slice %arg7[%dma_wait3A_355, %dma_wait3A_360] : memref<8x80xf32, #tpu.memory_space<vmem>> -> memref<1x80xf32, #tpu.memory_space<vmem>>
      %dma_wait3A_362 = tpu.memref_squeeze %dma_wait3A_361 : memref<1x80xf32, #tpu.memory_space<vmem>> -> memref<80xf32, #tpu.memory_space<vmem>>
      %dma_wait3A_363 = tpu.memref_slice %arg4[%mul3A_354] : memref<10000xf32, #tpu.memory_space<vmem_shared>> -> memref<80xf32, #tpu.memory_space<vmem_shared>>
      tpu.wait_dma2 semaphore(%arg8 : memref<!tpu.dma_semaphore, #tpu.memory_space<semaphore_mem>>) src(%dma_wait3A_363 : memref<80xf32, #tpu.memory_space<vmem_shared>>) dst(%dma_wait3A_362 : memref<80xf32, #tpu.memory_space<vmem>>)
      %mul3A_364 = arith.constant 10000 : i32
      %mul3A_365 = arith.muli %arg0, %mul3A_364 : i32
      %mul3A_366 = arith.constant 80 : i32
      %mul3A_367 = arith.muli %add3A_242, %mul3A_366 : i32
      %add3A_368 = arith.addi %mul3A_365, %mul3A_367 : i32
      %dma_start3A = arith.constant 0 : i32
      %dma_start3A_369 = arith.constant 0 : i32
      %dma_start3A_370 = tpu.memref_slice %arg7[%dma_start3A, %dma_start3A_369] : memref<8x80xf32, #tpu.memory_space<vmem>> -> memref<1x80xf32, #tpu.memory_space<vmem>>
      %dma_start3A_371 = tpu.memref_squeeze %dma_start3A_370 : memref<1x80xf32, #tpu.memory_space<vmem>> -> memref<80xf32, #tpu.memory_space<vmem>>
      %dma_start3A_372 = tpu.memref_slice %arg3[%add3A_368] : memref<20000xf32, #tpu.memory_space<hbm>> -> memref<80xf32, #tpu.memory_space<hbm>>
      %dma_start3A_373 = tpu.memref_slice %arg3[%add3A_368] : memref<20000xf32, #tpu.memory_space<hbm>> -> memref<80xf32, #tpu.memory_space<hbm>>
      %dma_start3A_374 = arith.constant 0 : i32
      %dma_start3A_375 = tpu.memref_slice %arg7[%dma_start3A, %dma_start3A_374] : memref<8x80xf32, #tpu.memory_space<vmem>> -> memref<1x80xf32, #tpu.memory_space<vmem>>
      %dma_start3A_376 = tpu.memref_squeeze %dma_start3A_375 : memref<1x80xf32, #tpu.memory_space<vmem>> -> memref<80xf32, #tpu.memory_space<vmem>>
      tpu.enqueue_dma source(%dma_start3A_376 : memref<80xf32, #tpu.memory_space<vmem>>) target(%dma_start3A_373 : memref<80xf32, #tpu.memory_space<hbm>>) target_semaphore(%arg8 : memref<!tpu.dma_semaphore, #tpu.memory_space<semaphore_mem>>)
    } else {
    }
    %add3A_248 = arith.constant 16 : i32
    %add3A_249 = arith.addi %arg1, %add3A_248 : i32
    %lt3A_250 = arith.constant 125 : i32
    %lt3A_251 = arith.cmpi slt, %add3A_249, %lt3A_250 : i32
    %convert_element_type3A_252 = arith.extui %lt3A_251 : i1 to i32
    %cond3A_253 = arith.constant 0 : i32
    %cond3A_254 = arith.cmpi ne, %convert_element_type3A_252, %cond3A_253 : i32
    scf.if %cond3A_254 {
      %mul3A_353 = arith.constant 80 : i32
      %mul3A_354 = arith.muli %add3A_249, %mul3A_353 : i32
      %dma_wait3A_355 = arith.constant 1 : i32
      %dma_wait3A_356 = arith.constant 0 : i32
      %dma_wait3A_357 = tpu.memref_slice %arg7[%dma_wait3A_355, %dma_wait3A_356] : memref<8x80xf32, #tpu.memory_space<vmem>> -> memref<1x80xf32, #tpu.memory_space<vmem>>
      %dma_wait3A_358 = tpu.memref_squeeze %dma_wait3A_357 : memref<1x80xf32, #tpu.memory_space<vmem>> -> memref<80xf32, #tpu.memory_space<vmem>>
      %dma_wait3A_359 = tpu.memref_slice %arg4[%mul3A_354] : memref<10000xf32, #tpu.memory_space<vmem_shared>> -> memref<80xf32, #tpu.memory_space<vmem_shared>>
      %dma_wait3A_360 = arith.constant 0 : i32
      %dma_wait3A_361 = tpu.memref_slice %arg7[%dma_wait3A_355, %dma_wait3A_360] : memref<8x80xf32, #tpu.memory_space<vmem>> -> memref<1x80xf32, #tpu.memory_space<vmem>>
      %dma_wait3A_362 = tpu.memref_squeeze %dma_wait3A_361 : memref<1x80xf32, #tpu.memory_space<vmem>> -> memref<80xf32, #tpu.memory_space<vmem>>
      %dma_wait3A_363 = tpu.memref_slice %arg4[%mul3A_354] : memref<10000xf32, #tpu.memory_space<vmem_shared>> -> memref<80xf32, #tpu.memory_space<vmem_shared>>
      tpu.wait_dma2 semaphore(%arg8 : memref<!tpu.dma_semaphore, #tpu.memory_space<semaphore_mem>>) src(%dma_wait3A_363 : memref<80xf32, #tpu.memory_space<vmem_shared>>) dst(%dma_wait3A_362 : memref<80xf32, #tpu.memory_space<vmem>>)
      %mul3A_364 = arith.constant 10000 : i32
      %mul3A_365 = arith.muli %arg0, %mul3A_364 : i32
      %mul3A_366 = arith.constant 80 : i32
      %mul3A_367 = arith.muli %add3A_249, %mul3A_366 : i32
      %add3A_368 = arith.addi %mul3A_365, %mul3A_367 : i32
      %dma_start3A = arith.constant 1 : i32
      %dma_start3A_369 = arith.constant 0 : i32
      %dma_start3A_370 = tpu.memref_slice %arg7[%dma_start3A, %dma_start3A_369] : memref<8x80xf32, #tpu.memory_space<vmem>> -> memref<1x80xf32, #tpu.memory_space<vmem>>
      %dma_start3A_371 = tpu.memref_squeeze %dma_start3A_370 : memref<1x80xf32, #tpu.memory_space<vmem>> -> memref<80xf32, #tpu.memory_space<vmem>>
      %dma_start3A_372 = tpu.memref_slice %arg3[%add3A_368] : memref<20000xf32, #tpu.memory_space<hbm>> -> memref<80xf32, #tpu.memory_space<hbm>>
      %dma_start3A_373 = tpu.memref_slice %arg3[%add3A_368] : memref<20000xf32, #tpu.memory_space<hbm>> -> memref<80xf32, #tpu.memory_space<hbm>>
      %dma_start3A_374 = arith.constant 0 : i32
      %dma_start3A_375 = tpu.memref_slice %arg7[%dma_start3A, %dma_start3A_374] : memref<8x80xf32, #tpu.memory_space<vmem>> -> memref<1x80xf32, #tpu.memory_space<vmem>>
      %dma_start3A_376 = tpu.memref_squeeze %dma_start3A_375 : memref<1x80xf32, #tpu.memory_space<vmem>> -> memref<80xf32, #tpu.memory_space<vmem>>
      tpu.enqueue_dma source(%dma_start3A_376 : memref<80xf32, #tpu.memory_space<vmem>>) target(%dma_start3A_373 : memref<80xf32, #tpu.memory_space<hbm>>) target_semaphore(%arg8 : memref<!tpu.dma_semaphore, #tpu.memory_space<semaphore_mem>>)
    } else {
    }
    %add3A_255 = arith.constant 32 : i32
    %add3A_256 = arith.addi %arg1, %add3A_255 : i32
    %lt3A_257 = arith.constant 125 : i32
    %lt3A_258 = arith.cmpi slt, %add3A_256, %lt3A_257 : i32
    %convert_element_type3A_259 = arith.extui %lt3A_258 : i1 to i32
    %cond3A_260 = arith.constant 0 : i32
    %cond3A_261 = arith.cmpi ne, %convert_element_type3A_259, %cond3A_260 : i32
    scf.if %cond3A_261 {
      %mul3A_353 = arith.constant 80 : i32
      %mul3A_354 = arith.muli %add3A_256, %mul3A_353 : i32
      %dma_wait3A_355 = arith.constant 2 : i32
      %dma_wait3A_356 = arith.constant 0 : i32
      %dma_wait3A_357 = tpu.memref_slice %arg7[%dma_wait3A_355, %dma_wait3A_356] : memref<8x80xf32, #tpu.memory_space<vmem>> -> memref<1x80xf32, #tpu.memory_space<vmem>>
      %dma_wait3A_358 = tpu.memref_squeeze %dma_wait3A_357 : memref<1x80xf32, #tpu.memory_space<vmem>> -> memref<80xf32, #tpu.memory_space<vmem>>
      %dma_wait3A_359 = tpu.memref_slice %arg4[%mul3A_354] : memref<10000xf32, #tpu.memory_space<vmem_shared>> -> memref<80xf32, #tpu.memory_space<vmem_shared>>
      %dma_wait3A_360 = arith.constant 0 : i32
      %dma_wait3A_361 = tpu.memref_slice %arg7[%dma_wait3A_355, %dma_wait3A_360] : memref<8x80xf32, #tpu.memory_space<vmem>> -> memref<1x80xf32, #tpu.memory_space<vmem>>
      %dma_wait3A_362 = tpu.memref_squeeze %dma_wait3A_361 : memref<1x80xf32, #tpu.memory_space<vmem>> -> memref<80xf32, #tpu.memory_space<vmem>>
      %dma_wait3A_363 = tpu.memref_slice %arg4[%mul3A_354] : memref<10000xf32, #tpu.memory_space<vmem_shared>> -> memref<80xf32, #tpu.memory_space<vmem_shared>>
      tpu.wait_dma2 semaphore(%arg8 : memref<!tpu.dma_semaphore, #tpu.memory_space<semaphore_mem>>) src(%dma_wait3A_363 : memref<80xf32, #tpu.memory_space<vmem_shared>>) dst(%dma_wait3A_362 : memref<80xf32, #tpu.memory_space<vmem>>)
      %mul3A_364 = arith.constant 10000 : i32
      %mul3A_365 = arith.muli %arg0, %mul3A_364 : i32
      %mul3A_366 = arith.constant 80 : i32
      %mul3A_367 = arith.muli %add3A_256, %mul3A_366 : i32
      %add3A_368 = arith.addi %mul3A_365, %mul3A_367 : i32
      %dma_start3A = arith.constant 2 : i32
      %dma_start3A_369 = arith.constant 0 : i32
      %dma_start3A_370 = tpu.memref_slice %arg7[%dma_start3A, %dma_start3A_369] : memref<8x80xf32, #tpu.memory_space<vmem>> -> memref<1x80xf32, #tpu.memory_space<vmem>>
      %dma_start3A_371 = tpu.memref_squeeze %dma_start3A_370 : memref<1x80xf32, #tpu.memory_space<vmem>> -> memref<80xf32, #tpu.memory_space<vmem>>
      %dma_start3A_372 = tpu.memref_slice %arg3[%add3A_368] : memref<20000xf32, #tpu.memory_space<hbm>> -> memref<80xf32, #tpu.memory_space<hbm>>
      %dma_start3A_373 = tpu.memref_slice %arg3[%add3A_368] : memref<20000xf32, #tpu.memory_space<hbm>> -> memref<80xf32, #tpu.memory_space<hbm>>
      %dma_start3A_374 = arith.constant 0 : i32
      %dma_start3A_375 = tpu.memref_slice %arg7[%dma_start3A, %dma_start3A_374] : memref<8x80xf32, #tpu.memory_space<vmem>> -> memref<1x80xf32, #tpu.memory_space<vmem>>
      %dma_start3A_376 = tpu.memref_squeeze %dma_start3A_375 : memref<1x80xf32, #tpu.memory_space<vmem>> -> memref<80xf32, #tpu.memory_space<vmem>>
      tpu.enqueue_dma source(%dma_start3A_376 : memref<80xf32, #tpu.memory_space<vmem>>) target(%dma_start3A_373 : memref<80xf32, #tpu.memory_space<hbm>>) target_semaphore(%arg8 : memref<!tpu.dma_semaphore, #tpu.memory_space<semaphore_mem>>)
    } else {
    }
    %add3A_262 = arith.constant 48 : i32
    %add3A_263 = arith.addi %arg1, %add3A_262 : i32
    %lt3A_264 = arith.constant 125 : i32
    %lt3A_265 = arith.cmpi slt, %add3A_263, %lt3A_264 : i32
    %convert_element_type3A_266 = arith.extui %lt3A_265 : i1 to i32
    %cond3A_267 = arith.constant 0 : i32
    %cond3A_268 = arith.cmpi ne, %convert_element_type3A_266, %cond3A_267 : i32
    scf.if %cond3A_268 {
      %mul3A_353 = arith.constant 80 : i32
      %mul3A_354 = arith.muli %add3A_263, %mul3A_353 : i32
      %dma_wait3A_355 = arith.constant 3 : i32
      %dma_wait3A_356 = arith.constant 0 : i32
      %dma_wait3A_357 = tpu.memref_slice %arg7[%dma_wait3A_355, %dma_wait3A_356] : memref<8x80xf32, #tpu.memory_space<vmem>> -> memref<1x80xf32, #tpu.memory_space<vmem>>
      %dma_wait3A_358 = tpu.memref_squeeze %dma_wait3A_357 : memref<1x80xf32, #tpu.memory_space<vmem>> -> memref<80xf32, #tpu.memory_space<vmem>>
      %dma_wait3A_359 = tpu.memref_slice %arg4[%mul3A_354] : memref<10000xf32, #tpu.memory_space<vmem_shared>> -> memref<80xf32, #tpu.memory_space<vmem_shared>>
      %dma_wait3A_360 = arith.constant 0 : i32
      %dma_wait3A_361 = tpu.memref_slice %arg7[%dma_wait3A_355, %dma_wait3A_360] : memref<8x80xf32, #tpu.memory_space<vmem>> -> memref<1x80xf32, #tpu.memory_space<vmem>>
      %dma_wait3A_362 = tpu.memref_squeeze %dma_wait3A_361 : memref<1x80xf32, #tpu.memory_space<vmem>> -> memref<80xf32, #tpu.memory_space<vmem>>
      %dma_wait3A_363 = tpu.memref_slice %arg4[%mul3A_354] : memref<10000xf32, #tpu.memory_space<vmem_shared>> -> memref<80xf32, #tpu.memory_space<vmem_shared>>
      tpu.wait_dma2 semaphore(%arg8 : memref<!tpu.dma_semaphore, #tpu.memory_space<semaphore_mem>>) src(%dma_wait3A_363 : memref<80xf32, #tpu.memory_space<vmem_shared>>) dst(%dma_wait3A_362 : memref<80xf32, #tpu.memory_space<vmem>>)
      %mul3A_364 = arith.constant 10000 : i32
      %mul3A_365 = arith.muli %arg0, %mul3A_364 : i32
      %mul3A_366 = arith.constant 80 : i32
      %mul3A_367 = arith.muli %add3A_263, %mul3A_366 : i32
      %add3A_368 = arith.addi %mul3A_365, %mul3A_367 : i32
      %dma_start3A = arith.constant 3 : i32
      %dma_start3A_369 = arith.constant 0 : i32
      %dma_start3A_370 = tpu.memref_slice %arg7[%dma_start3A, %dma_start3A_369] : memref<8x80xf32, #tpu.memory_space<vmem>> -> memref<1x80xf32, #tpu.memory_space<vmem>>
      %dma_start3A_371 = tpu.memref_squeeze %dma_start3A_370 : memref<1x80xf32, #tpu.memory_space<vmem>> -> memref<80xf32, #tpu.memory_space<vmem>>
      %dma_start3A_372 = tpu.memref_slice %arg3[%add3A_368] : memref<20000xf32, #tpu.memory_space<hbm>> -> memref<80xf32, #tpu.memory_space<hbm>>
      %dma_start3A_373 = tpu.memref_slice %arg3[%add3A_368] : memref<20000xf32, #tpu.memory_space<hbm>> -> memref<80xf32, #tpu.memory_space<hbm>>
      %dma_start3A_374 = arith.constant 0 : i32
      %dma_start3A_375 = tpu.memref_slice %arg7[%dma_start3A, %dma_start3A_374] : memref<8x80xf32, #tpu.memory_space<vmem>> -> memref<1x80xf32, #tpu.memory_space<vmem>>
      %dma_start3A_376 = tpu.memref_squeeze %dma_start3A_375 : memref<1x80xf32, #tpu.memory_space<vmem>> -> memref<80xf32, #tpu.memory_space<vmem>>
      tpu.enqueue_dma source(%dma_start3A_376 : memref<80xf32, #tpu.memory_space<vmem>>) target(%dma_start3A_373 : memref<80xf32, #tpu.memory_space<hbm>>) target_semaphore(%arg8 : memref<!tpu.dma_semaphore, #tpu.memory_space<semaphore_mem>>)
    } else {
    }
    %add3A_269 = arith.constant 64 : i32
    %add3A_270 = arith.addi %arg1, %add3A_269 : i32
    %lt3A_271 = arith.constant 125 : i32
    %lt3A_272 = arith.cmpi slt, %add3A_270, %lt3A_271 : i32
    %convert_element_type3A_273 = arith.extui %lt3A_272 : i1 to i32
    %cond3A_274 = arith.constant 0 : i32
    %cond3A_275 = arith.cmpi ne, %convert_element_type3A_273, %cond3A_274 : i32
    scf.if %cond3A_275 {
      %mul3A_353 = arith.constant 80 : i32
      %mul3A_354 = arith.muli %add3A_270, %mul3A_353 : i32
      %dma_wait3A_355 = arith.constant 4 : i32
      %dma_wait3A_356 = arith.constant 0 : i32
      %dma_wait3A_357 = tpu.memref_slice %arg7[%dma_wait3A_355, %dma_wait3A_356] : memref<8x80xf32, #tpu.memory_space<vmem>> -> memref<1x80xf32, #tpu.memory_space<vmem>>
      %dma_wait3A_358 = tpu.memref_squeeze %dma_wait3A_357 : memref<1x80xf32, #tpu.memory_space<vmem>> -> memref<80xf32, #tpu.memory_space<vmem>>
      %dma_wait3A_359 = tpu.memref_slice %arg4[%mul3A_354] : memref<10000xf32, #tpu.memory_space<vmem_shared>> -> memref<80xf32, #tpu.memory_space<vmem_shared>>
      %dma_wait3A_360 = arith.constant 0 : i32
      %dma_wait3A_361 = tpu.memref_slice %arg7[%dma_wait3A_355, %dma_wait3A_360] : memref<8x80xf32, #tpu.memory_space<vmem>> -> memref<1x80xf32, #tpu.memory_space<vmem>>
      %dma_wait3A_362 = tpu.memref_squeeze %dma_wait3A_361 : memref<1x80xf32, #tpu.memory_space<vmem>> -> memref<80xf32, #tpu.memory_space<vmem>>
      %dma_wait3A_363 = tpu.memref_slice %arg4[%mul3A_354] : memref<10000xf32, #tpu.memory_space<vmem_shared>> -> memref<80xf32, #tpu.memory_space<vmem_shared>>
      tpu.wait_dma2 semaphore(%arg8 : memref<!tpu.dma_semaphore, #tpu.memory_space<semaphore_mem>>) src(%dma_wait3A_363 : memref<80xf32, #tpu.memory_space<vmem_shared>>) dst(%dma_wait3A_362 : memref<80xf32, #tpu.memory_space<vmem>>)
      %mul3A_364 = arith.constant 10000 : i32
      %mul3A_365 = arith.muli %arg0, %mul3A_364 : i32
      %mul3A_366 = arith.constant 80 : i32
      %mul3A_367 = arith.muli %add3A_270, %mul3A_366 : i32
      %add3A_368 = arith.addi %mul3A_365, %mul3A_367 : i32
      %dma_start3A = arith.constant 4 : i32
      %dma_start3A_369 = arith.constant 0 : i32
      %dma_start3A_370 = tpu.memref_slice %arg7[%dma_start3A, %dma_start3A_369] : memref<8x80xf32, #tpu.memory_space<vmem>> -> memref<1x80xf32, #tpu.memory_space<vmem>>
      %dma_start3A_371 = tpu.memref_squeeze %dma_start3A_370 : memref<1x80xf32, #tpu.memory_space<vmem>> -> memref<80xf32, #tpu.memory_space<vmem>>
      %dma_start3A_372 = tpu.memref_slice %arg3[%add3A_368] : memref<20000xf32, #tpu.memory_space<hbm>> -> memref<80xf32, #tpu.memory_space<hbm>>
      %dma_start3A_373 = tpu.memref_slice %arg3[%add3A_368] : memref<20000xf32, #tpu.memory_space<hbm>> -> memref<80xf32, #tpu.memory_space<hbm>>
      %dma_start3A_374 = arith.constant 0 : i32
      %dma_start3A_375 = tpu.memref_slice %arg7[%dma_start3A, %dma_start3A_374] : memref<8x80xf32, #tpu.memory_space<vmem>> -> memref<1x80xf32, #tpu.memory_space<vmem>>
      %dma_start3A_376 = tpu.memref_squeeze %dma_start3A_375 : memref<1x80xf32, #tpu.memory_space<vmem>> -> memref<80xf32, #tpu.memory_space<vmem>>
      tpu.enqueue_dma source(%dma_start3A_376 : memref<80xf32, #tpu.memory_space<vmem>>) target(%dma_start3A_373 : memref<80xf32, #tpu.memory_space<hbm>>) target_semaphore(%arg8 : memref<!tpu.dma_semaphore, #tpu.memory_space<semaphore_mem>>)
    } else {
    }
    %add3A_276 = arith.constant 80 : i32
    %add3A_277 = arith.addi %arg1, %add3A_276 : i32
    %lt3A_278 = arith.constant 125 : i32
    %lt3A_279 = arith.cmpi slt, %add3A_277, %lt3A_278 : i32
    %convert_element_type3A_280 = arith.extui %lt3A_279 : i1 to i32
    %cond3A_281 = arith.constant 0 : i32
    %cond3A_282 = arith.cmpi ne, %convert_element_type3A_280, %cond3A_281 : i32
    scf.if %cond3A_282 {
      %mul3A_353 = arith.constant 80 : i32
      %mul3A_354 = arith.muli %add3A_277, %mul3A_353 : i32
      %dma_wait3A_355 = arith.constant 5 : i32
      %dma_wait3A_356 = arith.constant 0 : i32
      %dma_wait3A_357 = tpu.memref_slice %arg7[%dma_wait3A_355, %dma_wait3A_356] : memref<8x80xf32, #tpu.memory_space<vmem>> -> memref<1x80xf32, #tpu.memory_space<vmem>>
      %dma_wait3A_358 = tpu.memref_squeeze %dma_wait3A_357 : memref<1x80xf32, #tpu.memory_space<vmem>> -> memref<80xf32, #tpu.memory_space<vmem>>
      %dma_wait3A_359 = tpu.memref_slice %arg4[%mul3A_354] : memref<10000xf32, #tpu.memory_space<vmem_shared>> -> memref<80xf32, #tpu.memory_space<vmem_shared>>
      %dma_wait3A_360 = arith.constant 0 : i32
      %dma_wait3A_361 = tpu.memref_slice %arg7[%dma_wait3A_355, %dma_wait3A_360] : memref<8x80xf32, #tpu.memory_space<vmem>> -> memref<1x80xf32, #tpu.memory_space<vmem>>
      %dma_wait3A_362 = tpu.memref_squeeze %dma_wait3A_361 : memref<1x80xf32, #tpu.memory_space<vmem>> -> memref<80xf32, #tpu.memory_space<vmem>>
      %dma_wait3A_363 = tpu.memref_slice %arg4[%mul3A_354] : memref<10000xf32, #tpu.memory_space<vmem_shared>> -> memref<80xf32, #tpu.memory_space<vmem_shared>>
      tpu.wait_dma2 semaphore(%arg8 : memref<!tpu.dma_semaphore, #tpu.memory_space<semaphore_mem>>) src(%dma_wait3A_363 : memref<80xf32, #tpu.memory_space<vmem_shared>>) dst(%dma_wait3A_362 : memref<80xf32, #tpu.memory_space<vmem>>)
      %mul3A_364 = arith.constant 10000 : i32
      %mul3A_365 = arith.muli %arg0, %mul3A_364 : i32
      %mul3A_366 = arith.constant 80 : i32
      %mul3A_367 = arith.muli %add3A_277, %mul3A_366 : i32
      %add3A_368 = arith.addi %mul3A_365, %mul3A_367 : i32
      %dma_start3A = arith.constant 5 : i32
      %dma_start3A_369 = arith.constant 0 : i32
      %dma_start3A_370 = tpu.memref_slice %arg7[%dma_start3A, %dma_start3A_369] : memref<8x80xf32, #tpu.memory_space<vmem>> -> memref<1x80xf32, #tpu.memory_space<vmem>>
      %dma_start3A_371 = tpu.memref_squeeze %dma_start3A_370 : memref<1x80xf32, #tpu.memory_space<vmem>> -> memref<80xf32, #tpu.memory_space<vmem>>
      %dma_start3A_372 = tpu.memref_slice %arg3[%add3A_368] : memref<20000xf32, #tpu.memory_space<hbm>> -> memref<80xf32, #tpu.memory_space<hbm>>
      %dma_start3A_373 = tpu.memref_slice %arg3[%add3A_368] : memref<20000xf32, #tpu.memory_space<hbm>> -> memref<80xf32, #tpu.memory_space<hbm>>
      %dma_start3A_374 = arith.constant 0 : i32
      %dma_start3A_375 = tpu.memref_slice %arg7[%dma_start3A, %dma_start3A_374] : memref<8x80xf32, #tpu.memory_space<vmem>> -> memref<1x80xf32, #tpu.memory_space<vmem>>
      %dma_start3A_376 = tpu.memref_squeeze %dma_start3A_375 : memref<1x80xf32, #tpu.memory_space<vmem>> -> memref<80xf32, #tpu.memory_space<vmem>>
      tpu.enqueue_dma source(%dma_start3A_376 : memref<80xf32, #tpu.memory_space<vmem>>) target(%dma_start3A_373 : memref<80xf32, #tpu.memory_space<hbm>>) target_semaphore(%arg8 : memref<!tpu.dma_semaphore, #tpu.memory_space<semaphore_mem>>)
    } else {
    }
    %add3A_283 = arith.constant 96 : i32
    %add3A_284 = arith.addi %arg1, %add3A_283 : i32
    %lt3A_285 = arith.constant 125 : i32
    %lt3A_286 = arith.cmpi slt, %add3A_284, %lt3A_285 : i32
    %convert_element_type3A_287 = arith.extui %lt3A_286 : i1 to i32
    %cond3A_288 = arith.constant 0 : i32
    %cond3A_289 = arith.cmpi ne, %convert_element_type3A_287, %cond3A_288 : i32
    scf.if %cond3A_289 {
      %mul3A_353 = arith.constant 80 : i32
      %mul3A_354 = arith.muli %add3A_284, %mul3A_353 : i32
      %dma_wait3A_355 = arith.constant 6 : i32
      %dma_wait3A_356 = arith.constant 0 : i32
      %dma_wait3A_357 = tpu.memref_slice %arg7[%dma_wait3A_355, %dma_wait3A_356] : memref<8x80xf32, #tpu.memory_space<vmem>> -> memref<1x80xf32, #tpu.memory_space<vmem>>
      %dma_wait3A_358 = tpu.memref_squeeze %dma_wait3A_357 : memref<1x80xf32, #tpu.memory_space<vmem>> -> memref<80xf32, #tpu.memory_space<vmem>>
      %dma_wait3A_359 = tpu.memref_slice %arg4[%mul3A_354] : memref<10000xf32, #tpu.memory_space<vmem_shared>> -> memref<80xf32, #tpu.memory_space<vmem_shared>>
      %dma_wait3A_360 = arith.constant 0 : i32
      %dma_wait3A_361 = tpu.memref_slice %arg7[%dma_wait3A_355, %dma_wait3A_360] : memref<8x80xf32, #tpu.memory_space<vmem>> -> memref<1x80xf32, #tpu.memory_space<vmem>>
      %dma_wait3A_362 = tpu.memref_squeeze %dma_wait3A_361 : memref<1x80xf32, #tpu.memory_space<vmem>> -> memref<80xf32, #tpu.memory_space<vmem>>
      %dma_wait3A_363 = tpu.memref_slice %arg4[%mul3A_354] : memref<10000xf32, #tpu.memory_space<vmem_shared>> -> memref<80xf32, #tpu.memory_space<vmem_shared>>
      tpu.wait_dma2 semaphore(%arg8 : memref<!tpu.dma_semaphore, #tpu.memory_space<semaphore_mem>>) src(%dma_wait3A_363 : memref<80xf32, #tpu.memory_space<vmem_shared>>) dst(%dma_wait3A_362 : memref<80xf32, #tpu.memory_space<vmem>>)
      %mul3A_364 = arith.constant 10000 : i32
      %mul3A_365 = arith.muli %arg0, %mul3A_364 : i32
      %mul3A_366 = arith.constant 80 : i32
      %mul3A_367 = arith.muli %add3A_284, %mul3A_366 : i32
      %add3A_368 = arith.addi %mul3A_365, %mul3A_367 : i32
      %dma_start3A = arith.constant 6 : i32
      %dma_start3A_369 = arith.constant 0 : i32
      %dma_start3A_370 = tpu.memref_slice %arg7[%dma_start3A, %dma_start3A_369] : memref<8x80xf32, #tpu.memory_space<vmem>> -> memref<1x80xf32, #tpu.memory_space<vmem>>
      %dma_start3A_371 = tpu.memref_squeeze %dma_start3A_370 : memref<1x80xf32, #tpu.memory_space<vmem>> -> memref<80xf32, #tpu.memory_space<vmem>>
      %dma_start3A_372 = tpu.memref_slice %arg3[%add3A_368] : memref<20000xf32, #tpu.memory_space<hbm>> -> memref<80xf32, #tpu.memory_space<hbm>>
      %dma_start3A_373 = tpu.memref_slice %arg3[%add3A_368] : memref<20000xf32, #tpu.memory_space<hbm>> -> memref<80xf32, #tpu.memory_space<hbm>>
      %dma_start3A_374 = arith.constant 0 : i32
      %dma_start3A_375 = tpu.memref_slice %arg7[%dma_start3A, %dma_start3A_374] : memref<8x80xf32, #tpu.memory_space<vmem>> -> memref<1x80xf32, #tpu.memory_space<vmem>>
      %dma_start3A_376 = tpu.memref_squeeze %dma_start3A_375 : memref<1x80xf32, #tpu.memory_space<vmem>> -> memref<80xf32, #tpu.memory_space<vmem>>
      tpu.enqueue_dma source(%dma_start3A_376 : memref<80xf32, #tpu.memory_space<vmem>>) target(%dma_start3A_373 : memref<80xf32, #tpu.memory_space<hbm>>) target_semaphore(%arg8 : memref<!tpu.dma_semaphore, #tpu.memory_space<semaphore_mem>>)
    } else {
    }
    %add3A_290 = arith.constant 112 : i32
    %add3A_291 = arith.addi %arg1, %add3A_290 : i32
    %lt3A_292 = arith.constant 125 : i32
    %lt3A_293 = arith.cmpi slt, %add3A_291, %lt3A_292 : i32
    %convert_element_type3A_294 = arith.extui %lt3A_293 : i1 to i32
    %cond3A_295 = arith.constant 0 : i32
    %cond3A_296 = arith.cmpi ne, %convert_element_type3A_294, %cond3A_295 : i32
    scf.if %cond3A_296 {
      %mul3A_353 = arith.constant 80 : i32
      %mul3A_354 = arith.muli %add3A_291, %mul3A_353 : i32
      %dma_wait3A_355 = arith.constant 7 : i32
      %dma_wait3A_356 = arith.constant 0 : i32
      %dma_wait3A_357 = tpu.memref_slice %arg7[%dma_wait3A_355, %dma_wait3A_356] : memref<8x80xf32, #tpu.memory_space<vmem>> -> memref<1x80xf32, #tpu.memory_space<vmem>>
      %dma_wait3A_358 = tpu.memref_squeeze %dma_wait3A_357 : memref<1x80xf32, #tpu.memory_space<vmem>> -> memref<80xf32, #tpu.memory_space<vmem>>
      %dma_wait3A_359 = tpu.memref_slice %arg4[%mul3A_354] : memref<10000xf32, #tpu.memory_space<vmem_shared>> -> memref<80xf32, #tpu.memory_space<vmem_shared>>
      %dma_wait3A_360 = arith.constant 0 : i32
      %dma_wait3A_361 = tpu.memref_slice %arg7[%dma_wait3A_355, %dma_wait3A_360] : memref<8x80xf32, #tpu.memory_space<vmem>> -> memref<1x80xf32, #tpu.memory_space<vmem>>
      %dma_wait3A_362 = tpu.memref_squeeze %dma_wait3A_361 : memref<1x80xf32, #tpu.memory_space<vmem>> -> memref<80xf32, #tpu.memory_space<vmem>>
      %dma_wait3A_363 = tpu.memref_slice %arg4[%mul3A_354] : memref<10000xf32, #tpu.memory_space<vmem_shared>> -> memref<80xf32, #tpu.memory_space<vmem_shared>>
      tpu.wait_dma2 semaphore(%arg8 : memref<!tpu.dma_semaphore, #tpu.memory_space<semaphore_mem>>) src(%dma_wait3A_363 : memref<80xf32, #tpu.memory_space<vmem_shared>>) dst(%dma_wait3A_362 : memref<80xf32, #tpu.memory_space<vmem>>)
      %mul3A_364 = arith.constant 10000 : i32
      %mul3A_365 = arith.muli %arg0, %mul3A_364 : i32
      %mul3A_366 = arith.constant 80 : i32
      %mul3A_367 = arith.muli %add3A_291, %mul3A_366 : i32
      %add3A_368 = arith.addi %mul3A_365, %mul3A_367 : i32
      %dma_start3A = arith.constant 7 : i32
      %dma_start3A_369 = arith.constant 0 : i32
      %dma_start3A_370 = tpu.memref_slice %arg7[%dma_start3A, %dma_start3A_369] : memref<8x80xf32, #tpu.memory_space<vmem>> -> memref<1x80xf32, #tpu.memory_space<vmem>>
      %dma_start3A_371 = tpu.memref_squeeze %dma_start3A_370 : memref<1x80xf32, #tpu.memory_space<vmem>> -> memref<80xf32, #tpu.memory_space<vmem>>
      %dma_start3A_372 = tpu.memref_slice %arg3[%add3A_368] : memref<20000xf32, #tpu.memory_space<hbm>> -> memref<80xf32, #tpu.memory_space<hbm>>
      %dma_start3A_373 = tpu.memref_slice %arg3[%add3A_368] : memref<20000xf32, #tpu.memory_space<hbm>> -> memref<80xf32, #tpu.memory_space<hbm>>
      %dma_start3A_374 = arith.constant 0 : i32
      %dma_start3A_375 = tpu.memref_slice %arg7[%dma_start3A, %dma_start3A_374] : memref<8x80xf32, #tpu.memory_space<vmem>> -> memref<1x80xf32, #tpu.memory_space<vmem>>
      %dma_start3A_376 = tpu.memref_squeeze %dma_start3A_375 : memref<1x80xf32, #tpu.memory_space<vmem>> -> memref<80xf32, #tpu.memory_space<vmem>>
      tpu.enqueue_dma source(%dma_start3A_376 : memref<80xf32, #tpu.memory_space<vmem>>) target(%dma_start3A_373 : memref<80xf32, #tpu.memory_space<hbm>>) target_semaphore(%arg8 : memref<!tpu.dma_semaphore, #tpu.memory_space<semaphore_mem>>)
    } else {
    }
    %add3A_297 = arith.constant 0 : i32
    %add3A_298 = arith.addi %arg1, %add3A_297 : i32
    %lt3A_299 = arith.constant 125 : i32
    %lt3A_300 = arith.cmpi slt, %add3A_298, %lt3A_299 : i32
    %convert_element_type3A_301 = arith.extui %lt3A_300 : i1 to i32
    %cond3A_302 = arith.constant 0 : i32
    %cond3A_303 = arith.cmpi ne, %convert_element_type3A_301, %cond3A_302 : i32
    scf.if %cond3A_303 {
      %mul3A_353 = arith.constant 10000 : i32
      %mul3A_354 = arith.muli %arg0, %mul3A_353 : i32
      %mul3A_355 = arith.constant 80 : i32
      %mul3A_356 = arith.muli %add3A_298, %mul3A_355 : i32
      %add3A_357 = arith.addi %mul3A_354, %mul3A_356 : i32
      %dma_wait3A_358 = arith.constant 0 : i32
      %dma_wait3A_359 = arith.constant 0 : i32
      %dma_wait3A_360 = tpu.memref_slice %arg7[%dma_wait3A_358, %dma_wait3A_359] : memref<8x80xf32, #tpu.memory_space<vmem>> -> memref<1x80xf32, #tpu.memory_space<vmem>>
      %dma_wait3A_361 = tpu.memref_squeeze %dma_wait3A_360 : memref<1x80xf32, #tpu.memory_space<vmem>> -> memref<80xf32, #tpu.memory_space<vmem>>
      %dma_wait3A_362 = tpu.memref_slice %arg3[%add3A_357] : memref<20000xf32, #tpu.memory_space<hbm>> -> memref<80xf32, #tpu.memory_space<hbm>>
      %dma_wait3A_363 = tpu.memref_slice %arg3[%add3A_357] : memref<20000xf32, #tpu.memory_space<hbm>> -> memref<80xf32, #tpu.memory_space<hbm>>
      %dma_wait3A_364 = arith.constant 0 : i32
      %dma_wait3A_365 = tpu.memref_slice %arg7[%dma_wait3A_358, %dma_wait3A_364] : memref<8x80xf32, #tpu.memory_space<vmem>> -> memref<1x80xf32, #tpu.memory_space<vmem>>
      %dma_wait3A_366 = tpu.memref_squeeze %dma_wait3A_365 : memref<1x80xf32, #tpu.memory_space<vmem>> -> memref<80xf32, #tpu.memory_space<vmem>>
      tpu.wait_dma2 semaphore(%arg8 : memref<!tpu.dma_semaphore, #tpu.memory_space<semaphore_mem>>) src(%dma_wait3A_366 : memref<80xf32, #tpu.memory_space<vmem>>) dst(%dma_wait3A_363 : memref<80xf32, #tpu.memory_space<hbm>>)
    } else {
    }
    %add3A_304 = arith.constant 16 : i32
    %add3A_305 = arith.addi %arg1, %add3A_304 : i32
    %lt3A_306 = arith.constant 125 : i32
    %lt3A_307 = arith.cmpi slt, %add3A_305, %lt3A_306 : i32
    %convert_element_type3A_308 = arith.extui %lt3A_307 : i1 to i32
    %cond3A_309 = arith.constant 0 : i32
    %cond3A_310 = arith.cmpi ne, %convert_element_type3A_308, %cond3A_309 : i32
    scf.if %cond3A_310 {
      %mul3A_353 = arith.constant 10000 : i32
      %mul3A_354 = arith.muli %arg0, %mul3A_353 : i32
      %mul3A_355 = arith.constant 80 : i32
      %mul3A_356 = arith.muli %add3A_305, %mul3A_355 : i32
      %add3A_357 = arith.addi %mul3A_354, %mul3A_356 : i32
      %dma_wait3A_358 = arith.constant 1 : i32
      %dma_wait3A_359 = arith.constant 0 : i32
      %dma_wait3A_360 = tpu.memref_slice %arg7[%dma_wait3A_358, %dma_wait3A_359] : memref<8x80xf32, #tpu.memory_space<vmem>> -> memref<1x80xf32, #tpu.memory_space<vmem>>
      %dma_wait3A_361 = tpu.memref_squeeze %dma_wait3A_360 : memref<1x80xf32, #tpu.memory_space<vmem>> -> memref<80xf32, #tpu.memory_space<vmem>>
      %dma_wait3A_362 = tpu.memref_slice %arg3[%add3A_357] : memref<20000xf32, #tpu.memory_space<hbm>> -> memref<80xf32, #tpu.memory_space<hbm>>
      %dma_wait3A_363 = tpu.memref_slice %arg3[%add3A_357] : memref<20000xf32, #tpu.memory_space<hbm>> -> memref<80xf32, #tpu.memory_space<hbm>>
      %dma_wait3A_364 = arith.constant 0 : i32
      %dma_wait3A_365 = tpu.memref_slice %arg7[%dma_wait3A_358, %dma_wait3A_364] : memref<8x80xf32, #tpu.memory_space<vmem>> -> memref<1x80xf32, #tpu.memory_space<vmem>>
      %dma_wait3A_366 = tpu.memref_squeeze %dma_wait3A_365 : memref<1x80xf32, #tpu.memory_space<vmem>> -> memref<80xf32, #tpu.memory_space<vmem>>
      tpu.wait_dma2 semaphore(%arg8 : memref<!tpu.dma_semaphore, #tpu.memory_space<semaphore_mem>>) src(%dma_wait3A_366 : memref<80xf32, #tpu.memory_space<vmem>>) dst(%dma_wait3A_363 : memref<80xf32, #tpu.memory_space<hbm>>)
    } else {
    }
    %add3A_311 = arith.constant 32 : i32
    %add3A_312 = arith.addi %arg1, %add3A_311 : i32
    %lt3A_313 = arith.constant 125 : i32
    %lt3A_314 = arith.cmpi slt, %add3A_312, %lt3A_313 : i32
    %convert_element_type3A_315 = arith.extui %lt3A_314 : i1 to i32
    %cond3A_316 = arith.constant 0 : i32
    %cond3A_317 = arith.cmpi ne, %convert_element_type3A_315, %cond3A_316 : i32
    scf.if %cond3A_317 {
      %mul3A_353 = arith.constant 10000 : i32
      %mul3A_354 = arith.muli %arg0, %mul3A_353 : i32
      %mul3A_355 = arith.constant 80 : i32
      %mul3A_356 = arith.muli %add3A_312, %mul3A_355 : i32
      %add3A_357 = arith.addi %mul3A_354, %mul3A_356 : i32
      %dma_wait3A_358 = arith.constant 2 : i32
      %dma_wait3A_359 = arith.constant 0 : i32
      %dma_wait3A_360 = tpu.memref_slice %arg7[%dma_wait3A_358, %dma_wait3A_359] : memref<8x80xf32, #tpu.memory_space<vmem>> -> memref<1x80xf32, #tpu.memory_space<vmem>>
      %dma_wait3A_361 = tpu.memref_squeeze %dma_wait3A_360 : memref<1x80xf32, #tpu.memory_space<vmem>> -> memref<80xf32, #tpu.memory_space<vmem>>
      %dma_wait3A_362 = tpu.memref_slice %arg3[%add3A_357] : memref<20000xf32, #tpu.memory_space<hbm>> -> memref<80xf32, #tpu.memory_space<hbm>>
      %dma_wait3A_363 = tpu.memref_slice %arg3[%add3A_357] : memref<20000xf32, #tpu.memory_space<hbm>> -> memref<80xf32, #tpu.memory_space<hbm>>
      %dma_wait3A_364 = arith.constant 0 : i32
      %dma_wait3A_365 = tpu.memref_slice %arg7[%dma_wait3A_358, %dma_wait3A_364] : memref<8x80xf32, #tpu.memory_space<vmem>> -> memref<1x80xf32, #tpu.memory_space<vmem>>
      %dma_wait3A_366 = tpu.memref_squeeze %dma_wait3A_365 : memref<1x80xf32, #tpu.memory_space<vmem>> -> memref<80xf32, #tpu.memory_space<vmem>>
      tpu.wait_dma2 semaphore(%arg8 : memref<!tpu.dma_semaphore, #tpu.memory_space<semaphore_mem>>) src(%dma_wait3A_366 : memref<80xf32, #tpu.memory_space<vmem>>) dst(%dma_wait3A_363 : memref<80xf32, #tpu.memory_space<hbm>>)
    } else {
    }
    %add3A_318 = arith.constant 48 : i32
    %add3A_319 = arith.addi %arg1, %add3A_318 : i32
    %lt3A_320 = arith.constant 125 : i32
    %lt3A_321 = arith.cmpi slt, %add3A_319, %lt3A_320 : i32
    %convert_element_type3A_322 = arith.extui %lt3A_321 : i1 to i32
    %cond3A_323 = arith.constant 0 : i32
    %cond3A_324 = arith.cmpi ne, %convert_element_type3A_322, %cond3A_323 : i32
    scf.if %cond3A_324 {
      %mul3A_353 = arith.constant 10000 : i32
      %mul3A_354 = arith.muli %arg0, %mul3A_353 : i32
      %mul3A_355 = arith.constant 80 : i32
      %mul3A_356 = arith.muli %add3A_319, %mul3A_355 : i32
      %add3A_357 = arith.addi %mul3A_354, %mul3A_356 : i32
      %dma_wait3A_358 = arith.constant 3 : i32
      %dma_wait3A_359 = arith.constant 0 : i32
      %dma_wait3A_360 = tpu.memref_slice %arg7[%dma_wait3A_358, %dma_wait3A_359] : memref<8x80xf32, #tpu.memory_space<vmem>> -> memref<1x80xf32, #tpu.memory_space<vmem>>
      %dma_wait3A_361 = tpu.memref_squeeze %dma_wait3A_360 : memref<1x80xf32, #tpu.memory_space<vmem>> -> memref<80xf32, #tpu.memory_space<vmem>>
      %dma_wait3A_362 = tpu.memref_slice %arg3[%add3A_357] : memref<20000xf32, #tpu.memory_space<hbm>> -> memref<80xf32, #tpu.memory_space<hbm>>
      %dma_wait3A_363 = tpu.memref_slice %arg3[%add3A_357] : memref<20000xf32, #tpu.memory_space<hbm>> -> memref<80xf32, #tpu.memory_space<hbm>>
      %dma_wait3A_364 = arith.constant 0 : i32
      %dma_wait3A_365 = tpu.memref_slice %arg7[%dma_wait3A_358, %dma_wait3A_364] : memref<8x80xf32, #tpu.memory_space<vmem>> -> memref<1x80xf32, #tpu.memory_space<vmem>>
      %dma_wait3A_366 = tpu.memref_squeeze %dma_wait3A_365 : memref<1x80xf32, #tpu.memory_space<vmem>> -> memref<80xf32, #tpu.memory_space<vmem>>
      tpu.wait_dma2 semaphore(%arg8 : memref<!tpu.dma_semaphore, #tpu.memory_space<semaphore_mem>>) src(%dma_wait3A_366 : memref<80xf32, #tpu.memory_space<vmem>>) dst(%dma_wait3A_363 : memref<80xf32, #tpu.memory_space<hbm>>)
    } else {
    }
    %add3A_325 = arith.constant 64 : i32
    %add3A_326 = arith.addi %arg1, %add3A_325 : i32
    %lt3A_327 = arith.constant 125 : i32
    %lt3A_328 = arith.cmpi slt, %add3A_326, %lt3A_327 : i32
    %convert_element_type3A_329 = arith.extui %lt3A_328 : i1 to i32
    %cond3A_330 = arith.constant 0 : i32
    %cond3A_331 = arith.cmpi ne, %convert_element_type3A_329, %cond3A_330 : i32
    scf.if %cond3A_331 {
      %mul3A_353 = arith.constant 10000 : i32
      %mul3A_354 = arith.muli %arg0, %mul3A_353 : i32
      %mul3A_355 = arith.constant 80 : i32
      %mul3A_356 = arith.muli %add3A_326, %mul3A_355 : i32
      %add3A_357 = arith.addi %mul3A_354, %mul3A_356 : i32
      %dma_wait3A_358 = arith.constant 4 : i32
      %dma_wait3A_359 = arith.constant 0 : i32
      %dma_wait3A_360 = tpu.memref_slice %arg7[%dma_wait3A_358, %dma_wait3A_359] : memref<8x80xf32, #tpu.memory_space<vmem>> -> memref<1x80xf32, #tpu.memory_space<vmem>>
      %dma_wait3A_361 = tpu.memref_squeeze %dma_wait3A_360 : memref<1x80xf32, #tpu.memory_space<vmem>> -> memref<80xf32, #tpu.memory_space<vmem>>
      %dma_wait3A_362 = tpu.memref_slice %arg3[%add3A_357] : memref<20000xf32, #tpu.memory_space<hbm>> -> memref<80xf32, #tpu.memory_space<hbm>>
      %dma_wait3A_363 = tpu.memref_slice %arg3[%add3A_357] : memref<20000xf32, #tpu.memory_space<hbm>> -> memref<80xf32, #tpu.memory_space<hbm>>
      %dma_wait3A_364 = arith.constant 0 : i32
      %dma_wait3A_365 = tpu.memref_slice %arg7[%dma_wait3A_358, %dma_wait3A_364] : memref<8x80xf32, #tpu.memory_space<vmem>> -> memref<1x80xf32, #tpu.memory_space<vmem>>
      %dma_wait3A_366 = tpu.memref_squeeze %dma_wait3A_365 : memref<1x80xf32, #tpu.memory_space<vmem>> -> memref<80xf32, #tpu.memory_space<vmem>>
      tpu.wait_dma2 semaphore(%arg8 : memref<!tpu.dma_semaphore, #tpu.memory_space<semaphore_mem>>) src(%dma_wait3A_366 : memref<80xf32, #tpu.memory_space<vmem>>) dst(%dma_wait3A_363 : memref<80xf32, #tpu.memory_space<hbm>>)
    } else {
    }
    %add3A_332 = arith.constant 80 : i32
    %add3A_333 = arith.addi %arg1, %add3A_332 : i32
    %lt3A_334 = arith.constant 125 : i32
    %lt3A_335 = arith.cmpi slt, %add3A_333, %lt3A_334 : i32
    %convert_element_type3A_336 = arith.extui %lt3A_335 : i1 to i32
    %cond3A_337 = arith.constant 0 : i32
    %cond3A_338 = arith.cmpi ne, %convert_element_type3A_336, %cond3A_337 : i32
    scf.if %cond3A_338 {
      %mul3A_353 = arith.constant 10000 : i32
      %mul3A_354 = arith.muli %arg0, %mul3A_353 : i32
      %mul3A_355 = arith.constant 80 : i32
      %mul3A_356 = arith.muli %add3A_333, %mul3A_355 : i32
      %add3A_357 = arith.addi %mul3A_354, %mul3A_356 : i32
      %dma_wait3A_358 = arith.constant 5 : i32
      %dma_wait3A_359 = arith.constant 0 : i32
      %dma_wait3A_360 = tpu.memref_slice %arg7[%dma_wait3A_358, %dma_wait3A_359] : memref<8x80xf32, #tpu.memory_space<vmem>> -> memref<1x80xf32, #tpu.memory_space<vmem>>
      %dma_wait3A_361 = tpu.memref_squeeze %dma_wait3A_360 : memref<1x80xf32, #tpu.memory_space<vmem>> -> memref<80xf32, #tpu.memory_space<vmem>>
      %dma_wait3A_362 = tpu.memref_slice %arg3[%add3A_357] : memref<20000xf32, #tpu.memory_space<hbm>> -> memref<80xf32, #tpu.memory_space<hbm>>
      %dma_wait3A_363 = tpu.memref_slice %arg3[%add3A_357] : memref<20000xf32, #tpu.memory_space<hbm>> -> memref<80xf32, #tpu.memory_space<hbm>>
      %dma_wait3A_364 = arith.constant 0 : i32
      %dma_wait3A_365 = tpu.memref_slice %arg7[%dma_wait3A_358, %dma_wait3A_364] : memref<8x80xf32, #tpu.memory_space<vmem>> -> memref<1x80xf32, #tpu.memory_space<vmem>>
      %dma_wait3A_366 = tpu.memref_squeeze %dma_wait3A_365 : memref<1x80xf32, #tpu.memory_space<vmem>> -> memref<80xf32, #tpu.memory_space<vmem>>
      tpu.wait_dma2 semaphore(%arg8 : memref<!tpu.dma_semaphore, #tpu.memory_space<semaphore_mem>>) src(%dma_wait3A_366 : memref<80xf32, #tpu.memory_space<vmem>>) dst(%dma_wait3A_363 : memref<80xf32, #tpu.memory_space<hbm>>)
    } else {
    }
    %add3A_339 = arith.constant 96 : i32
    %add3A_340 = arith.addi %arg1, %add3A_339 : i32
    %lt3A_341 = arith.constant 125 : i32
    %lt3A_342 = arith.cmpi slt, %add3A_340, %lt3A_341 : i32
    %convert_element_type3A_343 = arith.extui %lt3A_342 : i1 to i32
    %cond3A_344 = arith.constant 0 : i32
    %cond3A_345 = arith.cmpi ne, %convert_element_type3A_343, %cond3A_344 : i32
    scf.if %cond3A_345 {
      %mul3A_353 = arith.constant 10000 : i32
      %mul3A_354 = arith.muli %arg0, %mul3A_353 : i32
      %mul3A_355 = arith.constant 80 : i32
      %mul3A_356 = arith.muli %add3A_340, %mul3A_355 : i32
      %add3A_357 = arith.addi %mul3A_354, %mul3A_356 : i32
      %dma_wait3A_358 = arith.constant 6 : i32
      %dma_wait3A_359 = arith.constant 0 : i32
      %dma_wait3A_360 = tpu.memref_slice %arg7[%dma_wait3A_358, %dma_wait3A_359] : memref<8x80xf32, #tpu.memory_space<vmem>> -> memref<1x80xf32, #tpu.memory_space<vmem>>
      %dma_wait3A_361 = tpu.memref_squeeze %dma_wait3A_360 : memref<1x80xf32, #tpu.memory_space<vmem>> -> memref<80xf32, #tpu.memory_space<vmem>>
      %dma_wait3A_362 = tpu.memref_slice %arg3[%add3A_357] : memref<20000xf32, #tpu.memory_space<hbm>> -> memref<80xf32, #tpu.memory_space<hbm>>
      %dma_wait3A_363 = tpu.memref_slice %arg3[%add3A_357] : memref<20000xf32, #tpu.memory_space<hbm>> -> memref<80xf32, #tpu.memory_space<hbm>>
      %dma_wait3A_364 = arith.constant 0 : i32
      %dma_wait3A_365 = tpu.memref_slice %arg7[%dma_wait3A_358, %dma_wait3A_364] : memref<8x80xf32, #tpu.memory_space<vmem>> -> memref<1x80xf32, #tpu.memory_space<vmem>>
      %dma_wait3A_366 = tpu.memref_squeeze %dma_wait3A_365 : memref<1x80xf32, #tpu.memory_space<vmem>> -> memref<80xf32, #tpu.memory_space<vmem>>
      tpu.wait_dma2 semaphore(%arg8 : memref<!tpu.dma_semaphore, #tpu.memory_space<semaphore_mem>>) src(%dma_wait3A_366 : memref<80xf32, #tpu.memory_space<vmem>>) dst(%dma_wait3A_363 : memref<80xf32, #tpu.memory_space<hbm>>)
    } else {
    }
    %add3A_346 = arith.constant 112 : i32
    %add3A_347 = arith.addi %arg1, %add3A_346 : i32
    %lt3A_348 = arith.constant 125 : i32
    %lt3A_349 = arith.cmpi slt, %add3A_347, %lt3A_348 : i32
    %convert_element_type3A_350 = arith.extui %lt3A_349 : i1 to i32
    %cond3A_351 = arith.constant 0 : i32
    %cond3A_352 = arith.cmpi ne, %convert_element_type3A_350, %cond3A_351 : i32
    scf.if %cond3A_352 {
      %mul3A_353 = arith.constant 10000 : i32
      %mul3A_354 = arith.muli %arg0, %mul3A_353 : i32
      %mul3A_355 = arith.constant 80 : i32
      %mul3A_356 = arith.muli %add3A_347, %mul3A_355 : i32
      %add3A_357 = arith.addi %mul3A_354, %mul3A_356 : i32
      %dma_wait3A_358 = arith.constant 7 : i32
      %dma_wait3A_359 = arith.constant 0 : i32
      %dma_wait3A_360 = tpu.memref_slice %arg7[%dma_wait3A_358, %dma_wait3A_359] : memref<8x80xf32, #tpu.memory_space<vmem>> -> memref<1x80xf32, #tpu.memory_space<vmem>>
      %dma_wait3A_361 = tpu.memref_squeeze %dma_wait3A_360 : memref<1x80xf32, #tpu.memory_space<vmem>> -> memref<80xf32, #tpu.memory_space<vmem>>
      %dma_wait3A_362 = tpu.memref_slice %arg3[%add3A_357] : memref<20000xf32, #tpu.memory_space<hbm>> -> memref<80xf32, #tpu.memory_space<hbm>>
      %dma_wait3A_363 = tpu.memref_slice %arg3[%add3A_357] : memref<20000xf32, #tpu.memory_space<hbm>> -> memref<80xf32, #tpu.memory_space<hbm>>
      %dma_wait3A_364 = arith.constant 0 : i32
      %dma_wait3A_365 = tpu.memref_slice %arg7[%dma_wait3A_358, %dma_wait3A_364] : memref<8x80xf32, #tpu.memory_space<vmem>> -> memref<1x80xf32, #tpu.memory_space<vmem>>
      %dma_wait3A_366 = tpu.memref_squeeze %dma_wait3A_365 : memref<1x80xf32, #tpu.memory_space<vmem>> -> memref<80xf32, #tpu.memory_space<vmem>>
      tpu.wait_dma2 semaphore(%arg8 : memref<!tpu.dma_semaphore, #tpu.memory_space<semaphore_mem>>) src(%dma_wait3A_366 : memref<80xf32, #tpu.memory_space<vmem>>) dst(%dma_wait3A_363 : memref<80xf32, #tpu.memory_space<hbm>>)
    } else {
    }
    return
  }
}

module attributes {stable_mosaic.version = 14 : i64} {
  func.func @_tc0_body(%arg0: i32, %arg1: memref<2000x128xf32, #tpu.memory_space<vmem>>, %arg2: memref<128x128xf32, #tpu.memory_space<vmem>>, %arg3: memref<2000x2xf32, #tpu.memory_space<vmem>>, %arg4: memref<2000x128xf32, #tpu.memory_space<vmem>>) attributes {dimension_semantics = [#tpu.dimension_semantics<arbitrary>], iteration_bounds = array<i64: 5>, scalar_prefetch = 0 : i64, scratch_operands = 0 : i64, tpu.core_type = #tpu.core_type<tc>, window_params = [{transform_indices = @transform_0, window_bounds = array<i64: 2000, 128>}, {pipeline_mode = #tpu.pipeline_mode<synchronous>, transform_indices = @transform_1, window_bounds = array<i64: 128, 128>}, {transform_indices = @transform_2, window_bounds = array<i64: 2000, 2>}, {transform_indices = @transform_3, window_bounds = array<i64: 2000, 128>}]} {
    %get3A = arith.constant 0 : index
    %get3A_0 = arith.constant 0 : index
    %get3A_1 = vector.load %arg3[%get3A, %get3A_0] : memref<2000x2xf32, #tpu.memory_space<vmem>>, vector<2000x2xf32>
    %slice3A = vector.extract_strided_slice %get3A_1 {offsets = [0, 0], sizes = [2000, 1], strides = [1, 1]} : vector<2000x2xf32> to vector<2000x1xf32>
    %slice3A_2 = vector.extract_strided_slice %get3A_1 {offsets = [0, 1], sizes = [2000, 1], strides = [1, 1]} : vector<2000x2xf32> to vector<2000x1xf32>
    %add3A = arith.addf %slice3A, %slice3A_2 : vector<2000x1xf32>
    %sub3A = arith.constant 1.000000e+00 : f32
    %sub3A_3 = vector.broadcast %sub3A : f32 to vector<2000x1xf32>
    %sub3A_4 = arith.subf %add3A, %sub3A_3 : vector<2000x1xf32>
    %rsqrt3A = math.rsqrt %sub3A_4 : vector<2000x1xf32>
    %get3A_5 = arith.constant 0 : index
    %get3A_6 = arith.constant 0 : index
    %get3A_7 = vector.load %arg1[%get3A_5, %get3A_6] : memref<2000x128xf32, #tpu.memory_space<vmem>>, vector<2000x128xf32>
    %get3A_8 = arith.constant 0 : index
    %get3A_9 = arith.constant 0 : index
    %get3A_10 = vector.load %arg2[%get3A_8, %get3A_9] : memref<128x128xf32, #tpu.memory_space<vmem>>, vector<128x128xf32>
    %dot_general3A = arith.constant dense<0.000000e+00> : vector<2000x128xf32>
    %dot_general3A_11 = tpu.matmul %get3A_7, %get3A_10, %dot_general3A {dimension_numbers = #tpu.dot_dimension_numbers<[1], [0], [0], [1], [0, 0, 1, 1], [], []>, transpose_lhs_hint = false} : vector<2000x128xf32>, vector<128x128xf32>, vector<2000x128xf32> -> vector<2000x128xf32>
    %mul3A = vector.broadcast %rsqrt3A : vector<2000x1xf32> to vector<2000x128xf32>
    %mul3A_12 = arith.mulf %dot_general3A_11, %mul3A : vector<2000x128xf32>
    %swap3A = arith.constant 0 : index
    %swap3A_13 = arith.constant 0 : index
    %swap3A_14 = vector.load %arg4[%swap3A, %swap3A_13] : memref<2000x128xf32, #tpu.memory_space<vmem>>, vector<2000x128xf32>
    tpu.vector_store %arg4[%swap3A, %swap3A_13], %mul3A_12 {strides = array<i32>} : memref<2000x128xf32, #tpu.memory_space<vmem>>, vector<2000x128xf32>,
    return
  }
  func.func @transform_0(%arg0: i32) -> (i32, i32) {
    %c0_i32 = arith.constant 0 : i32
    %c0_i32_0 = arith.constant 0 : i32
    return %arg0, %c0_i32 : i32, i32
  }
  func.func @transform_1(%arg0: i32) -> (i32, i32) {
    %c0_i32 = arith.constant 0 : i32
    %c0_i32_0 = arith.constant 0 : i32
    %c0_i32_1 = arith.constant 0 : i32
    return %c0_i32, %c0_i32_0 : i32, i32
  }
  func.func @transform_2(%arg0: i32) -> (i32, i32) {
    %c0_i32 = arith.constant 0 : i32
    %c0_i32_0 = arith.constant 0 : i32
    return %arg0, %c0_i32 : i32, i32
  }
  func.func @transform_3(%arg0: i32) -> (i32, i32) {
    %c0_i32 = arith.constant 0 : i32
    %c0_i32_0 = arith.constant 0 : i32
    return %arg0, %c0_i32 : i32, i32
  }
}

module attributes {stable_mosaic.version = 14 : i64} {
  func.func @_tcA_body(%arg0: i32, %arg1: memref<2x2000x128xf32, #tpu.memory_space<vmem>>, %arg2: memref<2000x128xf32, #tpu.memory_space<vmem>>, %arg3: memref<2000x2xf32, #tpu.memory_space<vmem>>, %arg4: memref<128x128xf32, #tpu.memory_space<vmem>>, %arg5: memref<1x128xf32, #tpu.memory_space<vmem>>, %arg6: memref<1x128xf32, #tpu.memory_space<vmem>>, %arg7: memref<2000x128xf32, #tpu.memory_space<vmem>>, %arg8: memref<2000x128xf32, #tpu.memory_space<vmem>>) attributes {dimension_semantics = [#tpu.dimension_semantics<arbitrary>], iteration_bounds = array<i64: 5>, scalar_prefetch = 0 : i64, scratch_operands = 0 : i64, tpu.core_type = #tpu.core_type<tc>, window_params = [{transform_indices = @transform_0, window_bounds = array<i64: 2, 2000, 128>}, {transform_indices = @transform_1, window_bounds = array<i64: 2000, 128>}, {transform_indices = @transform_2, window_bounds = array<i64: 2000, 2>}, {pipeline_mode = #tpu.pipeline_mode<synchronous>, transform_indices = @transform_3, window_bounds = array<i64: 128, 128>}, {pipeline_mode = #tpu.pipeline_mode<synchronous>, transform_indices = @transform_4, window_bounds = array<i64: 1, 128>}, {pipeline_mode = #tpu.pipeline_mode<synchronous>, transform_indices = @transform_5, window_bounds = array<i64: 1, 128>}, {transform_indices = @transform_6, window_bounds = array<i64: 2000, 128>}, {transform_indices = @transform_7, window_bounds = array<i64: 2000, 128>}]} {
    %get3A = arith.constant 0 : index
    %get3A_0 = arith.constant 0 : index
    %get3A_1 = vector.load %arg3[%get3A, %get3A_0] : memref<2000x2xf32, #tpu.memory_space<vmem>>, vector<2000x2xf32>
    %slice3A = vector.extract_strided_slice %get3A_1 {offsets = [0, 0], sizes = [2000, 1], strides = [1, 1]} : vector<2000x2xf32> to vector<2000x1xf32>
    %slice3A_2 = vector.extract_strided_slice %get3A_1 {offsets = [0, 1], sizes = [2000, 1], strides = [1, 1]} : vector<2000x2xf32> to vector<2000x1xf32>
    %add3A = arith.addf %slice3A, %slice3A_2 : vector<2000x1xf32>
    %sub3A = arith.constant 1.000000e+00 : f32
    %sub3A_3 = vector.broadcast %sub3A : f32 to vector<2000x1xf32>
    %sub3A_4 = arith.subf %add3A, %sub3A_3 : vector<2000x1xf32>
    %rsqrt3A = math.rsqrt %sub3A_4 : vector<2000x1xf32>
    %get3A_5 = arith.constant 0 : index
    %get3A_6 = arith.constant 0 : index
    %get3A_7 = arith.constant 0 : index
    %get3A_8 = vector.load %arg1[%get3A_5, %get3A_6, %get3A_7] : memref<2x2000x128xf32, #tpu.memory_space<vmem>>, vector<1x2000x128xf32>
    %get3A_9 = vector.shape_cast %get3A_8 : vector<1x2000x128xf32> to vector<2000x128xf32>
    %get3A_10 = arith.constant 1 : index
    %get3A_11 = arith.constant 0 : index
    %get3A_12 = arith.constant 0 : index
    %get3A_13 = vector.load %arg1[%get3A_10, %get3A_11, %get3A_12] : memref<2x2000x128xf32, #tpu.memory_space<vmem>>, vector<1x2000x128xf32>
    %get3A_14 = vector.shape_cast %get3A_13 : vector<1x2000x128xf32> to vector<2000x128xf32>
    %add3A_15 = arith.addf %get3A_9, %get3A_14 : vector<2000x128xf32>
    %get3A_16 = arith.constant 0 : index
    %get3A_17 = arith.constant 0 : index
    %get3A_18 = vector.load %arg2[%get3A_16, %get3A_17] : memref<2000x128xf32, #tpu.memory_space<vmem>>, vector<2000x128xf32>
    %sub3A_19 = arith.subf %add3A_15, %get3A_18 : vector<2000x128xf32>
    %mul3A = vector.broadcast %rsqrt3A : vector<2000x1xf32> to vector<2000x128xf32>
    %mul3A_20 = arith.mulf %sub3A_19, %mul3A : vector<2000x128xf32>
    %get3A_21 = arith.constant 0 : index
    %get3A_22 = arith.constant 0 : index
    %get3A_23 = vector.load %arg5[%get3A_21, %get3A_22] : memref<1x128xf32, #tpu.memory_space<vmem>>, vector<1x128xf32>
    %mul3A_24 = vector.broadcast %get3A_23 : vector<1x128xf32> to vector<2000x128xf32>
    %mul3A_25 = arith.mulf %mul3A_20, %mul3A_24 : vector<2000x128xf32>
    %get3A_26 = arith.constant 0 : index
    %get3A_27 = arith.constant 0 : index
    %get3A_28 = vector.load %arg6[%get3A_26, %get3A_27] : memref<1x128xf32, #tpu.memory_space<vmem>>, vector<1x128xf32>
    %add3A_29 = vector.broadcast %get3A_28 : vector<1x128xf32> to vector<2000x128xf32>
    %add3A_30 = arith.addf %mul3A_25, %add3A_29 : vector<2000x128xf32>
    %max3A = arith.constant 0.000000e+00 : f32
    %max3A_31 = vector.broadcast %max3A : f32 to vector<2000x128xf32>
    %max3A_32 = arith.maximumf %add3A_30, %max3A_31 : vector<2000x128xf32>
    %swap3A = arith.constant 0 : index
    %swap3A_33 = arith.constant 0 : index
    %swap3A_34 = vector.load %arg7[%swap3A, %swap3A_33] : memref<2000x128xf32, #tpu.memory_space<vmem>>, vector<2000x128xf32>
    tpu.vector_store %arg7[%swap3A, %swap3A_33], %max3A_32 {strides = array<i32>} : memref<2000x128xf32, #tpu.memory_space<vmem>>, vector<2000x128xf32>,
    %get3A_35 = arith.constant 0 : index
    %get3A_36 = arith.constant 0 : index
    %get3A_37 = vector.load %arg4[%get3A_35, %get3A_36] : memref<128x128xf32, #tpu.memory_space<vmem>>, vector<128x128xf32>
    %dot_general3A = arith.constant dense<0.000000e+00> : vector<2000x128xf32>
    %dot_general3A_38 = tpu.matmul %max3A_32, %get3A_37, %dot_general3A {dimension_numbers = #tpu.dot_dimension_numbers<[1], [0], [0], [1], [0, 0, 1, 1], [], []>, transpose_lhs_hint = false} : vector<2000x128xf32>, vector<128x128xf32>, vector<2000x128xf32> -> vector<2000x128xf32>
    %mul3A_39 = vector.broadcast %rsqrt3A : vector<2000x1xf32> to vector<2000x128xf32>
    %mul3A_40 = arith.mulf %dot_general3A_38, %mul3A_39 : vector<2000x128xf32>
    %swap3A_41 = arith.constant 0 : index
    %swap3A_42 = arith.constant 0 : index
    %swap3A_43 = vector.load %arg8[%swap3A_41, %swap3A_42] : memref<2000x128xf32, #tpu.memory_space<vmem>>, vector<2000x128xf32>
    tpu.vector_store %arg8[%swap3A_41, %swap3A_42], %mul3A_40 {strides = array<i32>} : memref<2000x128xf32, #tpu.memory_space<vmem>>, vector<2000x128xf32>,
    return
  }
  func.func @transform_0(%arg0: i32) -> (i32, i32, i32) {
    %c0_i32 = arith.constant 0 : i32
    %c0_i32_0 = arith.constant 0 : i32
    %c0_i32_1 = arith.constant 0 : i32
    return %c0_i32, %arg0, %c0_i32_0 : i32, i32, i32
  }
  func.func @transform_1(%arg0: i32) -> (i32, i32) {
    %c0_i32 = arith.constant 0 : i32
    %c0_i32_0 = arith.constant 0 : i32
    return %arg0, %c0_i32 : i32, i32
  }
  func.func @transform_2(%arg0: i32) -> (i32, i32) {
    %c0_i32 = arith.constant 0 : i32
    %c0_i32_0 = arith.constant 0 : i32
    return %arg0, %c0_i32 : i32, i32
  }
  func.func @transform_3(%arg0: i32) -> (i32, i32) {
    %c0_i32 = arith.constant 0 : i32
    %c0_i32_0 = arith.constant 0 : i32
    %c0_i32_1 = arith.constant 0 : i32
    return %c0_i32, %c0_i32_0 : i32, i32
  }
  func.func @transform_4(%arg0: i32) -> (i32, i32) {
    %c0_i32 = arith.constant 0 : i32
    %c0_i32_0 = arith.constant 0 : i32
    %c0_i32_1 = arith.constant 0 : i32
    return %c0_i32, %c0_i32_0 : i32, i32
  }
  func.func @transform_5(%arg0: i32) -> (i32, i32) {
    %c0_i32 = arith.constant 0 : i32
    %c0_i32_0 = arith.constant 0 : i32
    %c0_i32_1 = arith.constant 0 : i32
    return %c0_i32, %c0_i32_0 : i32, i32
  }
  func.func @transform_6(%arg0: i32) -> (i32, i32) {
    %c0_i32 = arith.constant 0 : i32
    %c0_i32_0 = arith.constant 0 : i32
    return %arg0, %c0_i32 : i32, i32
  }
  func.func @transform_7(%arg0: i32) -> (i32, i32) {
    %c0_i32 = arith.constant 0 : i32
    %c0_i32_0 = arith.constant 0 : i32
    return %arg0, %c0_i32 : i32, i32
  }
}

module attributes {stable_mosaic.version = 14 : i64} {
  func.func @_tcB_body(%arg0: i32, %arg1: memref<2x2000x128xf32, #tpu.memory_space<vmem>>, %arg2: memref<2000x128xf32, #tpu.memory_space<vmem>>, %arg3: memref<2000x2xf32, #tpu.memory_space<vmem>>, %arg4: memref<128x128xf32, #tpu.memory_space<vmem>>, %arg5: memref<1x128xf32, #tpu.memory_space<vmem>>, %arg6: memref<1x128xf32, #tpu.memory_space<vmem>>, %arg7: memref<2000x128xf32, #tpu.memory_space<vmem>>, %arg8: memref<2000x128xf32, #tpu.memory_space<vmem>>) attributes {dimension_semantics = [#tpu.dimension_semantics<arbitrary>], iteration_bounds = array<i64: 5>, scalar_prefetch = 0 : i64, scratch_operands = 0 : i64, tpu.core_type = #tpu.core_type<tc>, window_params = [{transform_indices = @transform_0, window_bounds = array<i64: 2, 2000, 128>}, {transform_indices = @transform_1, window_bounds = array<i64: 2000, 128>}, {transform_indices = @transform_2, window_bounds = array<i64: 2000, 2>}, {pipeline_mode = #tpu.pipeline_mode<synchronous>, transform_indices = @transform_3, window_bounds = array<i64: 128, 128>}, {pipeline_mode = #tpu.pipeline_mode<synchronous>, transform_indices = @transform_4, window_bounds = array<i64: 1, 128>}, {pipeline_mode = #tpu.pipeline_mode<synchronous>, transform_indices = @transform_5, window_bounds = array<i64: 1, 128>}, {transform_indices = @transform_6, window_bounds = array<i64: 2000, 128>}, {transform_indices = @transform_7, window_bounds = array<i64: 2000, 128>}]} {
    %get3A = arith.constant 0 : index
    %get3A_0 = arith.constant 0 : index
    %get3A_1 = vector.load %arg3[%get3A, %get3A_0] : memref<2000x2xf32, #tpu.memory_space<vmem>>, vector<2000x2xf32>
    %slice3A = vector.extract_strided_slice %get3A_1 {offsets = [0, 0], sizes = [2000, 1], strides = [1, 1]} : vector<2000x2xf32> to vector<2000x1xf32>
    %slice3A_2 = vector.extract_strided_slice %get3A_1 {offsets = [0, 1], sizes = [2000, 1], strides = [1, 1]} : vector<2000x2xf32> to vector<2000x1xf32>
    %add3A = arith.addf %slice3A, %slice3A_2 : vector<2000x1xf32>
    %sub3A = arith.constant 1.000000e+00 : f32
    %sub3A_3 = vector.broadcast %sub3A : f32 to vector<2000x1xf32>
    %sub3A_4 = arith.subf %add3A, %sub3A_3 : vector<2000x1xf32>
    %rsqrt3A = math.rsqrt %sub3A_4 : vector<2000x1xf32>
    %get3A_5 = arith.constant 0 : index
    %get3A_6 = arith.constant 0 : index
    %get3A_7 = arith.constant 0 : index
    %get3A_8 = vector.load %arg1[%get3A_5, %get3A_6, %get3A_7] : memref<2x2000x128xf32, #tpu.memory_space<vmem>>, vector<1x2000x128xf32>
    %get3A_9 = vector.shape_cast %get3A_8 : vector<1x2000x128xf32> to vector<2000x128xf32>
    %get3A_10 = arith.constant 1 : index
    %get3A_11 = arith.constant 0 : index
    %get3A_12 = arith.constant 0 : index
    %get3A_13 = vector.load %arg1[%get3A_10, %get3A_11, %get3A_12] : memref<2x2000x128xf32, #tpu.memory_space<vmem>>, vector<1x2000x128xf32>
    %get3A_14 = vector.shape_cast %get3A_13 : vector<1x2000x128xf32> to vector<2000x128xf32>
    %add3A_15 = arith.addf %get3A_9, %get3A_14 : vector<2000x128xf32>
    %get3A_16 = arith.constant 0 : index
    %get3A_17 = arith.constant 0 : index
    %get3A_18 = vector.load %arg2[%get3A_16, %get3A_17] : memref<2000x128xf32, #tpu.memory_space<vmem>>, vector<2000x128xf32>
    %sub3A_19 = arith.subf %add3A_15, %get3A_18 : vector<2000x128xf32>
    %mul3A = vector.broadcast %rsqrt3A : vector<2000x1xf32> to vector<2000x128xf32>
    %mul3A_20 = arith.mulf %sub3A_19, %mul3A : vector<2000x128xf32>
    %get3A_21 = arith.constant 0 : index
    %get3A_22 = arith.constant 0 : index
    %get3A_23 = vector.load %arg5[%get3A_21, %get3A_22] : memref<1x128xf32, #tpu.memory_space<vmem>>, vector<1x128xf32>
    %mul3A_24 = vector.broadcast %get3A_23 : vector<1x128xf32> to vector<2000x128xf32>
    %mul3A_25 = arith.mulf %mul3A_20, %mul3A_24 : vector<2000x128xf32>
    %get3A_26 = arith.constant 0 : index
    %get3A_27 = arith.constant 0 : index
    %get3A_28 = vector.load %arg6[%get3A_26, %get3A_27] : memref<1x128xf32, #tpu.memory_space<vmem>>, vector<1x128xf32>
    %add3A_29 = vector.broadcast %get3A_28 : vector<1x128xf32> to vector<2000x128xf32>
    %add3A_30 = arith.addf %mul3A_25, %add3A_29 : vector<2000x128xf32>
    %max3A = arith.constant 0.000000e+00 : f32
    %max3A_31 = vector.broadcast %max3A : f32 to vector<2000x128xf32>
    %max3A_32 = arith.maximumf %add3A_30, %max3A_31 : vector<2000x128xf32>
    %get3A_33 = arith.constant 0 : index
    %get3A_34 = arith.constant 0 : index
    %get3A_35 = vector.load %arg7[%get3A_33, %get3A_34] : memref<2000x128xf32, #tpu.memory_space<vmem>>, vector<2000x128xf32>
    %add3A_36 = arith.addf %max3A_32, %get3A_35 : vector<2000x128xf32>
    %get3A_37 = arith.constant 0 : index
    %get3A_38 = arith.constant 0 : index
    %get3A_39 = vector.load %arg4[%get3A_37, %get3A_38] : memref<128x128xf32, #tpu.memory_space<vmem>>, vector<128x128xf32>
    %dot_general3A = arith.constant dense<0.000000e+00> : vector<2000x128xf32>
    %dot_general3A_40 = tpu.matmul %add3A_36, %get3A_39, %dot_general3A {dimension_numbers = #tpu.dot_dimension_numbers<[1], [0], [0], [1], [0, 0, 1, 1], [], []>, transpose_lhs_hint = false} : vector<2000x128xf32>, vector<128x128xf32>, vector<2000x128xf32> -> vector<2000x128xf32>
    %mul3A_41 = vector.broadcast %rsqrt3A : vector<2000x1xf32> to vector<2000x128xf32>
    %mul3A_42 = arith.mulf %dot_general3A_40, %mul3A_41 : vector<2000x128xf32>
    %swap3A = arith.constant 0 : index
    %swap3A_43 = arith.constant 0 : index
    %swap3A_44 = vector.load %arg8[%swap3A, %swap3A_43] : memref<2000x128xf32, #tpu.memory_space<vmem>>, vector<2000x128xf32>
    tpu.vector_store %arg8[%swap3A, %swap3A_43], %mul3A_42 {strides = array<i32>} : memref<2000x128xf32, #tpu.memory_space<vmem>>, vector<2000x128xf32>,
    return
  }
  func.func @transform_0(%arg0: i32) -> (i32, i32, i32) {
    %c0_i32 = arith.constant 0 : i32
    %c0_i32_0 = arith.constant 0 : i32
    %c0_i32_1 = arith.constant 0 : i32
    return %c0_i32, %arg0, %c0_i32_0 : i32, i32, i32
  }
  func.func @transform_1(%arg0: i32) -> (i32, i32) {
    %c0_i32 = arith.constant 0 : i32
    %c0_i32_0 = arith.constant 0 : i32
    return %arg0, %c0_i32 : i32, i32
  }
  func.func @transform_2(%arg0: i32) -> (i32, i32) {
    %c0_i32 = arith.constant 0 : i32
    %c0_i32_0 = arith.constant 0 : i32
    return %arg0, %c0_i32 : i32, i32
  }
  func.func @transform_3(%arg0: i32) -> (i32, i32) {
    %c0_i32 = arith.constant 0 : i32
    %c0_i32_0 = arith.constant 0 : i32
    %c0_i32_1 = arith.constant 0 : i32
    return %c0_i32, %c0_i32_0 : i32, i32
  }
  func.func @transform_4(%arg0: i32) -> (i32, i32) {
    %c0_i32 = arith.constant 0 : i32
    %c0_i32_0 = arith.constant 0 : i32
    %c0_i32_1 = arith.constant 0 : i32
    return %c0_i32, %c0_i32_0 : i32, i32
  }
  func.func @transform_5(%arg0: i32) -> (i32, i32) {
    %c0_i32 = arith.constant 0 : i32
    %c0_i32_0 = arith.constant 0 : i32
    %c0_i32_1 = arith.constant 0 : i32
    return %c0_i32, %c0_i32_0 : i32, i32
  }
  func.func @transform_6(%arg0: i32) -> (i32, i32) {
    %c0_i32 = arith.constant 0 : i32
    %c0_i32_0 = arith.constant 0 : i32
    return %arg0, %c0_i32 : i32, i32
  }
  func.func @transform_7(%arg0: i32) -> (i32, i32) {
    %c0_i32 = arith.constant 0 : i32
    %c0_i32_0 = arith.constant 0 : i32
    return %arg0, %c0_i32 : i32, i32
  }
}

module attributes {stable_mosaic.version = 14 : i64} {
  func.func @_tcF_body(%arg0: i32, %arg1: memref<2x2000x128xf32, #tpu.memory_space<vmem>>, %arg2: memref<2000x128xf32, #tpu.memory_space<vmem>>, %arg3: memref<2000x2xf32, #tpu.memory_space<vmem>>, %arg4: memref<1x128xf32, #tpu.memory_space<vmem>>, %arg5: memref<2000x128xf32, #tpu.memory_space<vmem>>) attributes {dimension_semantics = [#tpu.dimension_semantics<arbitrary>], iteration_bounds = array<i64: 5>, scalar_prefetch = 0 : i64, scratch_operands = 0 : i64, tpu.core_type = #tpu.core_type<tc>, window_params = [{transform_indices = @transform_0, window_bounds = array<i64: 2, 2000, 128>}, {transform_indices = @transform_1, window_bounds = array<i64: 2000, 128>}, {transform_indices = @transform_2, window_bounds = array<i64: 2000, 2>}, {pipeline_mode = #tpu.pipeline_mode<synchronous>, transform_indices = @transform_3, window_bounds = array<i64: 1, 128>}, {transform_indices = @transform_4, window_bounds = array<i64: 2000, 128>}]} {
    %get3A = arith.constant 0 : index
    %get3A_0 = arith.constant 0 : index
    %get3A_1 = vector.load %arg3[%get3A, %get3A_0] : memref<2000x2xf32, #tpu.memory_space<vmem>>, vector<2000x2xf32>
    %slice3A = vector.extract_strided_slice %get3A_1 {offsets = [0, 0], sizes = [2000, 1], strides = [1, 1]} : vector<2000x2xf32> to vector<2000x1xf32>
    %slice3A_2 = vector.extract_strided_slice %get3A_1 {offsets = [0, 1], sizes = [2000, 1], strides = [1, 1]} : vector<2000x2xf32> to vector<2000x1xf32>
    %add3A = arith.addf %slice3A, %slice3A_2 : vector<2000x1xf32>
    %sub3A = arith.constant 1.000000e+00 : f32
    %sub3A_3 = vector.broadcast %sub3A : f32 to vector<2000x1xf32>
    %sub3A_4 = arith.subf %add3A, %sub3A_3 : vector<2000x1xf32>
    %rsqrt3A = math.rsqrt %sub3A_4 : vector<2000x1xf32>
    %get3A_5 = arith.constant 0 : index
    %get3A_6 = arith.constant 0 : index
    %get3A_7 = arith.constant 0 : index
    %get3A_8 = vector.load %arg1[%get3A_5, %get3A_6, %get3A_7] : memref<2x2000x128xf32, #tpu.memory_space<vmem>>, vector<1x2000x128xf32>
    %get3A_9 = vector.shape_cast %get3A_8 : vector<1x2000x128xf32> to vector<2000x128xf32>
    %get3A_10 = arith.constant 1 : index
    %get3A_11 = arith.constant 0 : index
    %get3A_12 = arith.constant 0 : index
    %get3A_13 = vector.load %arg1[%get3A_10, %get3A_11, %get3A_12] : memref<2x2000x128xf32, #tpu.memory_space<vmem>>, vector<1x2000x128xf32>
    %get3A_14 = vector.shape_cast %get3A_13 : vector<1x2000x128xf32> to vector<2000x128xf32>
    %add3A_15 = arith.addf %get3A_9, %get3A_14 : vector<2000x128xf32>
    %get3A_16 = arith.constant 0 : index
    %get3A_17 = arith.constant 0 : index
    %get3A_18 = vector.load %arg2[%get3A_16, %get3A_17] : memref<2000x128xf32, #tpu.memory_space<vmem>>, vector<2000x128xf32>
    %sub3A_19 = arith.subf %add3A_15, %get3A_18 : vector<2000x128xf32>
    %mul3A = vector.broadcast %rsqrt3A : vector<2000x1xf32> to vector<2000x128xf32>
    %mul3A_20 = arith.mulf %sub3A_19, %mul3A : vector<2000x128xf32>
    %get3A_21 = arith.constant 0 : index
    %get3A_22 = arith.constant 0 : index
    %get3A_23 = vector.load %arg4[%get3A_21, %get3A_22] : memref<1x128xf32, #tpu.memory_space<vmem>>, vector<1x128xf32>
    %add3A_24 = vector.broadcast %get3A_23 : vector<1x128xf32> to vector<2000x128xf32>
    %add3A_25 = arith.addf %mul3A_20, %add3A_24 : vector<2000x128xf32>
    %swap3A = arith.constant 0 : index
    %swap3A_26 = arith.constant 0 : index
    %swap3A_27 = vector.load %arg5[%swap3A, %swap3A_26] : memref<2000x128xf32, #tpu.memory_space<vmem>>, vector<2000x128xf32>
    tpu.vector_store %arg5[%swap3A, %swap3A_26], %add3A_25 {strides = array<i32>} : memref<2000x128xf32, #tpu.memory_space<vmem>>, vector<2000x128xf32>,
    return
  }
  func.func @transform_0(%arg0: i32) -> (i32, i32, i32) {
    %c0_i32 = arith.constant 0 : i32
    %c0_i32_0 = arith.constant 0 : i32
    %c0_i32_1 = arith.constant 0 : i32
    return %c0_i32, %arg0, %c0_i32_0 : i32, i32, i32
  }
  func.func @transform_1(%arg0: i32) -> (i32, i32) {
    %c0_i32 = arith.constant 0 : i32
    %c0_i32_0 = arith.constant 0 : i32
    return %arg0, %c0_i32 : i32, i32
  }
  func.func @transform_2(%arg0: i32) -> (i32, i32) {
    %c0_i32 = arith.constant 0 : i32
    %c0_i32_0 = arith.constant 0 : i32
    return %arg0, %c0_i32 : i32, i32
  }
  func.func @transform_3(%arg0: i32) -> (i32, i32) {
    %c0_i32 = arith.constant 0 : i32
    %c0_i32_0 = arith.constant 0 : i32
    %c0_i32_1 = arith.constant 0 : i32
    return %c0_i32, %c0_i32_0 : i32, i32
  }
  func.func @transform_4(%arg0: i32) -> (i32, i32) {
    %c0_i32 = arith.constant 0 : i32
    %c0_i32_0 = arith.constant 0 : i32
    return %arg0, %c0_i32 : i32, i32
  }
}

</mosaic_0001>

<sc_bundles>
// kernel: sc_gcn_aggregate.11.cloned.1.call-start
scs
__scs_entry_jumppad:
0x0: {  	(pc) =	sbr.rel $0x88, $3  }
0x1: {  	(tag) =	ssettag $0x0;
	lr =	simm.s32 $0x1  }
0x2: {  	[smem:$0x3F91] =	sst lr;
	_ =	strace $0xD0000000  }
0x3: {  	_ = 	snop  }
0x4: {  	_ = 	snop  }
0x5: {  	_ = 	snop  }
0x6: {  	_ = 	snop  }
0x7: {  	_ = 	snop  }
__scs_overlays_trampoline_lowered:
0x8: {  	[smem:$0x3FA0] =	sst s0  }
0x9: {  	[smem:$0x3FA1] =	sst s1  }
0xa: {  	[smem:$0x3FA2] =	sst s2  }
0xb: {  	[smem:$0x3FA3] =	sst s3  }
0xc: {  	[smem:$0x3FA4] =	sst s4  }
0xd: {  	[smem:$0x3FA5] =	sst s5  }
0xe: {  	[smem:$0x3FA6] =	sst s6  }
0xf: {  	[smem:$0x3FA7] =	sst s7  }
0x10: {  	[smem:$0x3FA8] =	sst s8  }
0x11: {  	[smem:$0x3FA9] =	sst s9;
	s0 =	simm.s32 @!p0 $0x0  }
0x12: {  	s1 =	sld [smem:$0x3F8F];
	s0 =	simm.s32 @p0 $0x1  }
0x13: {  	[smem:$0x3FAA] =	sst s0;
	s0 =	simm.s32 @!p1 $0x0  }
0x14: {  	s2 =	sld [smem:$0x3F8E];
	s0 =	simm.s32 @p1 $0x1  }
0x15: {  	[smem:$0x3FAB] =	sst s0;
	s0 =	simm.s32 @!p2 $0x0  }
0x16: {  	s3 =	sld [smem:$0x3FDB];
	s0 =	simm.s32 @p2 $0x1  }
0x17: {  	s4 =	simm.s32 $0x1BF5;
	[smem:$0x3FAD] =	sst s0  }
0x18: {  	s0 =	sld [smem:$0x3F90];
	_ =	swait.ge [sflag:s4], $0x0  }
0x19: {  	s7 =	sld [smem:$0x3F91]  }
0x1a: {  	s8 =	sadd.s32 $0xFFFFE003, lr  }
0x1b: {  	s9 =	sadd.s32 $0xFFFFFEF7, lr;
	s5 =	simm.s32 $0xFFFFFFFF;
	p2 =	slt.u32 s8, $0xFFFFF086  }
0x1c: {  	p1 =	slt.u32 s9, $0xF7A;
	s5 =	simm.s32 @!p2 $0x0  }
0x1d: {  	s5 =	simm.s32 @p1 $0x1;
	p0 =	seq.s32 s7, s2  }
0x1e: {  	s7 =	smul.u32 @!p0 $0xF7A, s2;
	p2 =	seq.s32 @!p0 s5, $0x0  }
0x1f: {  	s9 =	smul.u32 $0xF7A, s1;
	s8 =	simm.s32 @!p0 $0x1BF5;
	p2 =	por !p2, p0  }
0x20: {  	[sflag:s8] =	ssyncset.s32 @!p0 $0xFFFFF086;
	s6 =	sadd.s32 @!p0 s3, s7;
	s7 =	simm.s32 @!p0 $0x108  }
0x21: {  	s3 =	sadd.s32 s3, s9;
	s6 =	sadd.s32 @!p0 $0x88, s6;
	s7 =	simm.s32 @p2 $0x1082  }
0x22: {  	[simem:s7], [sflag:s8] =	dma.local @!p0 [hbm:s6], $0xF7A  }
0x23: {  	s9 =	sor.u32 $0xD0000000, s2;
	s6 =	simm.s32 $0x108;
	_ =	swait.ge @!p0 [sflag:s8], $0x0  }
0x24: {  	s3 =	sadd.s32 $0x88, s3;
	s6 =	simm.s32 @!p1 $0x1082;
	[sflag:s4] =	ssyncset.s32 $0xFFFFF086  }
0x25: {  	[simem:s6], [sflag:s4] =	dma.local [hbm:s3], $0xF7A  }
0x26: {  	[smem:$0x3F91] =	sst s1;
	(tag) =	ssettag s2;
	_ =	strace s9  }
0x27: {  	s1 =	sld [smem:$0x3FA1]  }
0x28: {  	s2 =	sld [smem:$0x3FA2]  }
0x29: {  	s4 =	sld [smem:$0x3FA4]  }
0x2a: {  	p0 =	seq.s32 s5, $0x0;
	s5 =	sld [smem:$0x3FA5]  }
0x2b: {  	s6 =	sld [smem:$0x3FA6]  }
0x2c: {  	s7 =	sld [smem:$0x3FA7]  }
0x2d: {  	s3 =	simm.s32 $0x108;
	s8 =	sld [smem:$0x3FA8]  }
0x2e: {  	s3 =	simm.s32 @!p0 $0x1082;
	s9 =	sld [smem:$0x3FA9]  }
0x2f: {  	lr =	sadd.s32 s0, s3;
	s0 =	sld [smem:$0x3FA0]  }
0x30: {  	s3 =	sld [smem:$0x3FA3]  }
0x31: {  	[smem:$0x3FAC] =	sst s10  }
0x32: {  	s10 =	sld [smem:$0x3FAA];
	_ =	sdelay $0x3  }
0x33: {  	p0 =	seq.s32 s10, $0x1;
	s10 =	sld [smem:$0x3FAC];
	_ =	sdelay $0x3  }
0x34: {  	[smem:$0x3FAC] =	sst s10  }
0x35: {  	s10 =	sld [smem:$0x3FAB];
	_ =	sdelay $0x3  }
0x36: {  	p1 =	seq.s32 s10, $0x1;
	s10 =	sld [smem:$0x3FAC];
	_ =	sdelay $0x3  }
0x37: {  	[smem:$0x3FAC] =	sst s10  }
0x38: {  	s10 =	sld [smem:$0x3FAD]  }
0x39: {  	_ = 	snop;
	(pc) =	sbr.ind lr, $3  }
0x3a: {  	_ = 	snop  }
0x3b: {  	_ = 	snop  }
0x3c: {  	p2 =	seq.s32 s10, $0x1;
	s10 =	sld [smem:$0x3FAC]  }
0x3d: {  	_ =	shalt  }
0x3e: {  	_ =	shalt  }
0x3f: {  	_ =	shalt  }
0x40: {  	_ =	shalt  }
0x41: {  	_ =	shalt  }
0x42: {  	_ =	shalt  }
0x43: {  	_ =	shalt  }
0x44: {  	_ =	shalt  }
0x45: {  	_ =	shalt  }
0x46: {  	_ =	shalt  }
0x47: {  	_ =	shalt  }
0x48: {  	_ =	shalt  }
0x49: {  	_ =	shalt  }
0x4a: {  	_ =	shalt  }
0x4b: {  	_ =	shalt  }
0x4c: {  	_ =	shalt  }
0x4d: {  	_ =	shalt  }
0x4e: {  	_ =	shalt  }
0x4f: {  	_ =	shalt  }
0x50: {  	_ =	shalt  }
0x51: {  	_ =	shalt  }
0x52: {  	_ =	shalt  }
0x53: {  	_ =	shalt  }
0x54: {  	_ =	shalt  }
0x55: {  	_ =	shalt  }
0x56: {  	_ =	shalt  }
0x57: {  	_ =	shalt  }
0x58: {  	_ =	shalt  }
0x59: {  	_ =	shalt  }
0x5a: {  	_ =	shalt  }
0x5b: {  	_ =	shalt  }
0x5c: {  	_ =	shalt  }
0x5d: {  	_ =	shalt  }
0x5e: {  	_ =	shalt  }
0x5f: {  	_ =	shalt  }
0x60: {  	_ =	shalt  }
0x61: {  	_ =	shalt  }
0x62: {  	_ =	shalt  }
0x63: {  	_ =	shalt  }
0x64: {  	_ =	shalt  }
0x65: {  	_ =	shalt  }
0x66: {  	_ =	shalt  }
0x67: {  	_ =	shalt  }
0x68: {  	_ =	shalt  }
0x69: {  	_ =	shalt  }
0x6a: {  	_ =	shalt  }
0x6b: {  	_ =	shalt  }
0x6c: {  	_ =	shalt  }
0x6d: {  	_ =	shalt  }
0x6e: {  	_ =	shalt  }
0x6f: {  	_ =	shalt  }
0x70: {  	_ =	shalt  }
0x71: {  	_ =	shalt  }
0x72: {  	_ =	shalt  }
0x73: {  	_ =	shalt  }
0x74: {  	_ =	shalt  }
0x75: {  	_ =	shalt  }
0x76: {  	_ =	shalt  }
0x77: {  	_ =	shalt  }
0x78: {  	_ =	shalt  }
0x79: {  	_ =	shalt  }
0x7a: {  	_ =	shalt  }
0x7b: {  	_ =	shalt  }
0x7c: {  	_ =	shalt  }
0x7d: {  	_ =	shalt  }
0x7e: {  	_ =	shalt  }
0x7f: {  	_ =	shalt  }
0x80: {  	_ =	shalt  }
0x81: {  	_ =	shalt  }
0x82: {  	_ =	shalt  }
0x83: {  	_ =	shalt  }
0x84: {  	_ =	shalt  }
0x85: {  	_ =	shalt  }
0x86: {  	_ =	shalt  }
0x87: {  	_ =	shalt  }
.Lfunc_end0:
.L_simem_size_0:
called_computation.3_lowered:
.L_overlay_start_0:
0x88: {  	s2 =	sld [smem:$0x3FD9]  }
0x89: {  	s3 =	sld [smem:$0x3FFE];
	_ =	sdelay $0x1  }
0x8a: {  	s1 =	srdreg.scid  }
0x8b: {  	s0 =	sand.u32 $0x1, s1  }
0x8c: {  	s17 =	sshll.u32 s0, $0xA;
	s2 =	sadd.s32 s3, s2  }
0x8d: {  	s2 =	sadd.s32 s2, s17  }
0x8e: {  	[smem:$0x3FB8] =	sst s2  }
0x8f: {  	_ = 	snop  }
0x90: {  	s2 =	sld [smem:$0x3FD0];
	(tm) =	ssettm $0x1  }
0x91: {  	s18 =	sld [smem:$0x3FFB];
	_ =	sdelay $0x3  }
0x92: {  	_ =	strace s18  }
0x93: {  	s3 =	sld [smem:$0x3FFC];
	_ =	sdelay $0x3  }
0x94: {  	_ =	strace s3  }
0x95: {  	s3 =	sld [smem:$0x3FFD];
	_ =	sdelay $0x3  }
0x96: {  	_ =	strace s3  }
0x97: {  	_ =	strace $0x8FFFFFFF  }
0x98: {  	s19 =	sld [smem:$0x3FDB];
	_ =	sdelay $0x1  }
0x99: {  	s4 =	simm.s32 $_scs_section_size  }
0x9a: {  	s5 =	simm.s32 $_size__tile_overlayer_lowered;
	s6 =	simm.s32 $_tile_overlayer_lowered  }
0x9b: {  	s22 =	simm.s32 $0x1BFF;
	s21 =	sshll.u32 s6, $0x1;
	s3 =	sadd.s32 s4, s19  }
0x9c: {  	s7 =	simm.s32 $0x0;
	s20 =	sshll.u32 s5, $0x1;
	s5 =	sadd.s32 s21, s3  }
0x9d: {  	[timem:s7], [sflag:s22] =	dma.local [hbm:s5], s20  }
0x9e: {  	_ =	swait.ge [sflag:s22], s20  }
0x9f: {  	s4 =	ssub.s32 $0x0, s20;
	[sflag:s22] =	ssyncset.done $0x0  }
0xa0: {  	[sflag:s22] =	ssyncadd.s32 s4;
	_ =	sdelay $0x1  }
0xa1: {  	s23 =	simm.s32 $0x1B8B  }
0xa2: {  	_ =	swait.ge [sflag:s23], $0x1  }
0xa3: {  	[sflag:s23] =	ssyncset.done $0x0  }
0xa4: {  	s25 =	simm.s32 $0x1B8E;
	s24 =	sld [smem:$0x3FFE];
	[sflag:s23] =	ssyncadd.s32 $0xFFFFFFFF  }
0xa5: {  	s26 =	simm.s32 $execute0_lowered;
	[smem:$0x3FD2] =	sst s25  }
0xa6: {  	s5 =	sshll.u32 s26, $0x1;
	_ =	strace $0x8000004F;
	[dreg:$0x1] =	wrdreg $0xFFFFFFFF  }
0xa7: {  	s28 =	simm.s32 $_size_execute0_lowered;
	s3 =	sadd.s32 s3, s5;
	[dreg:$0x0] =	wrdreg $0x0  }
0xa8: {  	s5 =	sshll.u32 s28, $0x1;
	[dreg:$0x2] =	wrdreg s3  }
0xa9: {  	[dreg:$0x3] =	wrdreg s5  }
0xaa: {  	[dreg:$0x4] =	wrdreg $0xC0  }
0xab: {  	_ =	task [dreg:s7], $0x5FFFF  }
0xac: {  	[dreg:$0x1] =	wrdreg $0xFFFFFFFF  }
0xad: {  	[dreg:$0x0] =	wrdreg $0x60  }
0xae: {  	[dreg:$0x2] =	wrdreg s2  }
0xaf: {  	[dreg:$0x3] =	wrdreg s24  }
0xb0: {  	[dreg:$0x4] =	wrdreg $0x0  }
0xb1: {  	[dreg:$0x5] =	wrdreg $0x9  }
0xb2: {  	_ =	task.clear_ibuf [dreg:s7], $0x6FFFF;
	_ =	strace $0x9000004F  }
0xb3: {  	s29 =	simm.s32 $0x9;
	_ =	strace $0x80000051  }
0xb4: {  	_ =	swait.ge [sflag:s29], $0x1  }
0xb5: {  	[sflag:s29] =	ssyncadd.s32 $0xFFFFFFFF  }
0xb6: {  	_ =	strace $0x90000051  }
0xb7: {  	_ =	sfence  }
0xb8: {  	s30 =	sld [smem:$0x0];
	_ =	sdelay $0x2  }
0xb9: {  	s31 =	sshll.u32 s1, $0xD;
	s1 =	sshrl.u32 s1, $0x2  }
0xba: {  	s3 =	sand.u32 $0x4000, s31;
	s1 =	sadd.s32 s1, s30  }
0xbb: {  	s0 =	sor.u32 s3, s0;
	s1 =	sshll.u32 s1, $0x11  }
0xbc: {  	s0 =	sor.u32 s1, s0  }
0xbd: {  	s0 =	sadd.s32 $0x8F2B, s0  }
0xbe: {  	[sflag:s0] =	ssyncadd.remote.s32 $0x1  }
0xbf: {  	_ =	sfence.sel $0xFFFF  }
0xc0: {  	[dreg:$0x0] =	wrdreg $0xFFFFFFFF;
	(pc) =	sbr.abs _section_cstart, $3  }
0xc1: {  	[dreg:$0x1] =	wrdreg $0xFFFFFFFF  }
0xc2: {  	_ =	task.clear_ibuf [dreg:s7], $0x2FFFF;
	_ =	strace $0x9FFFFFFF  }
0xc3: {  	(tm) =	ssettm $0x7FFFFFFF  }
tec
execute0_lowered:
.L_overlay_start_1:
0x0: {  	(tag) =	ssettag $0x1  }
0x1: {  	s23 =	stileid.u32  }
0x2: {  	s5 =	smul.u32 $0xA000, s23  }
0x3: {  	s0 =	srdreg.scid;
	s6 =	sor.u32 $0x10, s23;
	s10 =	smul.u32 $0x2800, s23  }
0x4: {  	s4 =	rddreg [dreg:$0x1];
	s7 =	smul.u32 $0xA000, s6  }
0x5: {  	s3 =	rddreg [dreg:$0x2];
	s0 =	sand.u32 $0x1, s0;
	s8 =	smul.u32 $0x500, s6  }
0x6: {  	s9 =	simm.s32 $0x0;
	s1 =	sshll.u32 s23, $0x1;
	s26 =	smul.u32 $0x138800, s0  }
0x7: {  	[smem:$0x7FF] =	sst s9;
	s11 =	sor.u32 $0x20, s23;
	s6 =	smul.u32 $0x2800, s6  }
0x8: {  	s12 =	sor.u32 $0x30, s23;
	s15 =	sor.u32 $0x40, s23;
	s13 =	smul.u32 $0x2800, s11  }
0x9: {  	s18 =	sor.u32 $0x60, s23;
	s19 =	sor.u32 $0x70, s23;
	s16 =	smul.u32 $0x2800, s12  }
0xa: {  	p0 =	sgt.u32 s23, $0xC;
	s2 =	sor.u32 s0, s1;
	s17 =	smul.u32 $0x2800, s15  }
0xb: {  	s1 =	rddreg [dreg:$0x0];
	s0 =	ssub.s32 $0x2, s0;
	s21 =	smul.u32 $0x2800, s18  }
0xc: {  	_ =	strace $0x80000050;
	s22 =	smul.u32 $0x2800, s19;
	s14 =	sshrl.u32 s0, $0x1  }
0xd: {  	s2 =	smul.u32 $0x4E2, s2;
	s0 =	ssub.s32 s0, s14;
	s14 =	sor.u32 $0x50, s23  }
0xe: {  	s10 =	sadd.s32 s10, s26;
	s6 =	sadd.s32 s26, s6;
	s13 =	sadd.s32 s26, s13  }
0xf: {  	s16 =	sadd.s32 s26, s16;
	s9 =	sadd.s32 s26, s22;
	s22 =	smul.u32 $0xA000, s11  }
0x10: {  	s17 =	sadd.s32 s26, s17;
	s21 =	sadd.s32 s26, s21;
	s11 =	smul.u32 $0x500, s11  }
0x11: {  	s2 =	sadd.s32 s2, s4;
	s4 =	sadd.s32 $0x17C00, s4;
	s20 =	smul.u32 $0x2800, s14  }
0x12: {  	s10 =	sshrl.u32 s10, $0x3;
	s6 =	sshrl.u32 s6, $0x3;
	s28 =	sshrl.u32 s13, $0x3  }
0x13: {  	s29 =	sshrl.u32 s16, $0x3;
	s16 =	sshrl.u32 s17, $0x3;
	s10 =	sadd.s32 s4, s10  }
0x14: {  	s24 =	sshrl.u32 s9, $0x3;
	s6 =	sadd.s32 s4, s6;
	[dreg:$0x4] =	wrdreg s10  }
0x15: {  	s9 =	smul.u32 $0xA000, s15;
	s13 =	sadd.s32 s4, s29;
	[dreg:$0x5] =	wrdreg s6  }
0x16: {  	s25 =	sadd.s32 $0x4000, s2;
	s2 =	sadd.s32 $0xDE00, s2;
	[dreg:$0x7] =	wrdreg s13  }
0x17: {  	s29 =	smul.u32 $0xA000, s12;
	s20 =	sadd.s32 s26, s20;
	[dreg:$0xc] =	wrdreg s25  }
0x18: {  	s6 =	sadd.s32 s4, s28;
	s26 =	smul.u32 $0x500, s23;
	[dreg:$0xd] =	wrdreg s2  }
0x19: {  	s28 =	sshrl.u32 s5, $0x2;
	s10 =	sadd.s32 s1, s8;
	s13 =	smul.u32 $0x500, s15  }
0x1a: {  	s25 =	smul.u32 $0xA000, s19;
	s5 =	simm.s32 $0x16000;
	s8 =	simm.s32 $0x1AF80  }
0x1b: {  	[dreg:$0x6] =	wrdreg s6;
	s6 =	sadd.s32 s4, s16;
	s17 =	sshrl.u32 s20, $0x3  }
0x1c: {  	s20 =	sshrl.u32 s21, $0x3;
	s2 =	sadd.s32 s28, s3;
	s16 =	smul.u32 $0xA000, s14  }
0x1d: {  	[dreg:$0x11] =	wrdreg s10;
	s15 =	sshrl.u32 s29, $0x2;
	s28 =	smul.u32 $0x500, s19  }
0x1e: {  	s10 =	simm.s32 $0x1;
	[dreg:$0x8] =	wrdreg s6;
	s6 =	sadd.s32 s4, s17  }
0x1f: {  	s21 =	sadd.s32 s4, s20;
	s4 =	sadd.s32 s4, s24;
	[dreg:$0xe] =	wrdreg s2  }
0x20: {  	s17 =	sadd.s32 s1, s11;
	s20 =	smul.u32 $0x500, s14;
	[dreg:$0x9] =	wrdreg s6  }
0x21: {  	s24 =	smul.u32 $0x500, s18;
	s11 =	simm.s32 $0x1D780;
	[dreg:$0xa] =	wrdreg s21  }
0x22: {  	s14 =	simm.s32 $0x3;
	[dreg:$0xb] =	wrdreg s4;
	s6 =	sshrl.u32 s7, $0x2  }
0x23: {  	s7 =	smul.u32 $0x500, s12;
	s4 =	sadd.s32 s1, s26;
	s12 =	sshrl.u32 s22, $0x2  }
0x24: {  	[dreg:$0x13] =	wrdreg s17;
	s21 =	smul.u32 $0xA000, s18;
	s22 =	sshrl.u32 s16, $0x2  }
0x25: {  	s31 =	sadd.s32 s1, s28;
	[dreg:$0xf] =	wrdreg s4;
	s2 =	sadd.s32 s6, s3  }
0x26: {  	s16 =	simm.s32 $0x6;
	s4 =	sadd.s32 s12, s3;
	[dreg:$0x10] =	wrdreg s2  }
0x27: {  	s17 =	simm.s32 $0x0;
	s29 =	sadd.s32 s1, s24;
	[dreg:$0x12] =	wrdreg s4  }
0x28: {  	s12 =	simm.s32 $0x2;
	s4 =	sadd.s32 s15, s3;
	[dreg:$0x1b] =	wrdreg s29  }
0x29: {  	s6 =	sadd.s32 s1, s7;
	s2 =	sshrl.u32 s9, $0x2;
	[dreg:$0x14] =	wrdreg s4  }
0x2a: {  	s7 =	sadd.s32 s1, s13;
	s26 =	sshrl.u32 s21, $0x2;
	[dreg:$0x15] =	wrdreg s6  }
0x2b: {  	s9 =	simm.s32 $0x7;
	s2 =	sadd.s32 s2, s3;
	[dreg:$0x17] =	wrdreg s7  }
0x2c: {  	s13 =	simm.s32 $0x4;
	s4 =	sadd.s32 s1, s20;
	[dreg:$0x16] =	wrdreg s2  }
0x2d: {  	s15 =	simm.s32 $0x5;
	s2 =	sadd.s32 s22, s3;
	[dreg:$0x19] =	wrdreg s4  }
0x2e: {  	s6 =	simm.s32 $0x50;
	s4 =	sadd.s32 s26, s3;
	[dreg:$0x18] =	wrdreg s2  }
0x2f: {  	s7 =	simm.s32 $0x18780;
	[dreg:$0x1a] =	wrdreg s4;
	s2 =	sshrl.u32 s25, $0x2  }
0x30: {  	s4 =	simm.s32 $0x8;
	s30 =	sadd.s32 s2, s3;
	s2 =	smax.u32 s0, $0x1  }
.LBB2_1:
0x31: {  	s0 =	simm.s32 $0x0;
	s18 =	rddreg [dreg:$0xc];
	s19 =	simm.s32 $0x13880  }
0x32: {  	[tilespmem:s19], [sflag:$0x8] =	stream.linear.gather [hbm4b:s18+s0], $0x2710, $0x38;
	[tilespmem:$0x1FF80] =	vst v63  }
0x33: {  	_ =	swait.ge [sflag:s4], $0x2710  }
0x34: {  	[sflag:s4] =	ssyncset.done $0x0  }
0x35: {  	s24 =	rddreg [dreg:$0xd];
	[sflag:s4] =	ssyncadd.s32 $0xFFFFD8F0  }
0x36: {  	[tilespmem:s5], [sflag:$0x8] =	stream.linear.gather [hbm4b:s24+s0], $0x2710, $0x38;
	[tilespmem:$0x1FF80] =	vst v63  }
0x37: {  	_ =	swait.ge [sflag:s4], $0x2710  }
0x38: {  	[sflag:s4] =	ssyncset.done $0x0  }
0x39: {  	s26 =	stileid.u32;
	[sflag:s4] =	ssyncadd.s32 $0xFFFFD8F0  }
0x3a: {  	[tilespmem:s7], [sflag:$0x1] =	stream.indirect.gather [hbm4b:s1+s6], $0x80, s19, s6, $0xb8;
	[tilespmem:$0x1FF80] =	vst v63  }
0x3b: {  	s25 =	simm.s32 $0x138D0;
	s0 =	sshll.u32 s26, $0x6;
	s19 =	rddreg [dreg:$0xe]  }
0x3c: {  	s18 =	sor.u32 $0x1C07, s0;
	s20 =	rddreg [dreg:$0xf];
	s19 =	sshrl.u32 s19, $0x3  }
0x3d: {  	[tilespmem:s8], [sflag:$0x2] =	stream.indirect.gather [hbm4b:s1+s6], $0x80, s25, s6, $0xb8;
	[tilespmem:$0x1FF80] =	vst v63  }
0x3e: {  	[spmem:s19], [sflag:s18] =	dma.local [hbm:s20], $0x500  }
0x3f: {  	s0 =	rddreg [dreg:$0x10]  }
0x40: {  	s21 =	rddreg [dreg:$0x11];
	s20 =	sshrl.u32 s0, $0x3  }
0x41: {  	[spmem:s20], [sflag:s18] =	dma.local [hbm:s21], $0x500  }
0x42: {  	s0 =	rddreg [dreg:$0x12]  }
0x43: {  	s22 =	rddreg [dreg:$0x13];
	s21 =	sshrl.u32 s0, $0x3  }
0x44: {  	[spmem:s21], [sflag:s18] =	dma.local [hbm:s22], $0x500  }
0x45: {  	s0 =	rddreg [dreg:$0x14]  }
0x46: {  	s23 =	rddreg [dreg:$0x15];
	s22 =	sshrl.u32 s0, $0x3  }
0x47: {  	[spmem:s22], [sflag:s18] =	dma.local [hbm:s23], $0x500  }
0x48: {  	s0 =	rddreg [dreg:$0x16]  }
0x49: {  	s24 =	rddreg [dreg:$0x17];
	s23 =	sshrl.u32 s0, $0x3  }
0x4a: {  	[spmem:s23], [sflag:s18] =	dma.local [hbm:s24], $0x500  }
0x4b: {  	s0 =	rddreg [dreg:$0x18]  }
0x4c: {  	s25 =	rddreg [dreg:$0x19];
	s24 =	sshrl.u32 s0, $0x3  }
0x4d: {  	[spmem:s24], [sflag:s18] =	dma.local [hbm:s25], $0x500  }
0x4e: {  	s0 =	rddreg [dreg:$0x1a]  }
0x4f: {  	s26 =	rddreg [dreg:$0x1b];
	s25 =	sshrl.u32 s0, $0x3  }
0x50: {  	[spmem:s25], [sflag:s18] =	dma.local [hbm:s26], $0x500  }
0x51: {  	s26 =	sshrl.u32 @!p0 s30, $0x3  }
0x52: {  	[spmem:s26], [sflag:s18] =	dma.local @!p0 [hbm:s31], $0x500  }
0x53: {  	_ =	swait.ge [sflag:s9], $0x500  }
0x54: {  	[sflag:s9] =	ssyncset.done $0x0  }
0x55: {  	[sflag:s9] =	ssyncadd.s32 $0xFFFFFB00  }
0x56: {  	_ =	swait.ge [sflag:s9], $0x500  }
0x57: {  	[sflag:s9] =	ssyncset.done $0x0  }
0x58: {  	[sflag:s9] =	ssyncadd.s32 $0xFFFFFB00  }
0x59: {  	_ =	swait.ge [sflag:s9], $0x500  }
0x5a: {  	[sflag:s9] =	ssyncset.done $0x0  }
0x5b: {  	[sflag:s9] =	ssyncadd.s32 $0xFFFFFB00  }
0x5c: {  	_ =	swait.ge [sflag:s9], $0x500  }
0x5d: {  	[sflag:s9] =	ssyncset.done $0x0  }
0x5e: {  	[sflag:s9] =	ssyncadd.s32 $0xFFFFFB00  }
0x5f: {  	_ =	swait.ge [sflag:s9], $0x500  }
0x60: {  	[sflag:s9] =	ssyncset.done $0x0  }
0x61: {  	[sflag:s9] =	ssyncadd.s32 $0xFFFFFB00  }
0x62: {  	_ =	swait.ge [sflag:s9], $0x500  }
0x63: {  	[sflag:s9] =	ssyncset.done $0x0  }
0x64: {  	[sflag:s9] =	ssyncadd.s32 $0xFFFFFB00  }
0x65: {  	_ =	swait.ge [sflag:s9], $0x500  }
0x66: {  	[sflag:s9] =	ssyncset.done $0x0  }
0x67: {  	s28 =	simm.s32 @!p0 $0x7;
	[sflag:s9] =	ssyncadd.s32 $0xFFFFFB00  }
0x68: {  	_ =	swait.ge @!p0 [sflag:s28], $0x500  }
0x69: {  	[sflag:s28] =	ssyncset.done @!p0 $0x0  }
0x6a: {  	[sflag:s28] =	ssyncadd.s32 @!p0 $0xFFFFFB00  }
0x6b: {  	[bflag:$0x0] =	sbarrier.arrive $0xFFFF  }
0x6c: {  	_ =	swait.ge [sflag:s10], $0x2800  }
0x6d: {  	[sflag:s10] =	ssyncset.done $0x0  }
0x6e: {  	[sflag:s10] =	ssyncadd.s32 $0xFFFFD800  }
0x6f: {  	[spmem:s3] =	stream.indirect.scatter.add.f32 [tilespmem:s7], [sflag:$0x4], $0x80, s5, s6, $0xb8;
	[tilespmem:$0x1FF80] =	vst v63  }
0x70: {  	s0 =	simm.s32 $0x13920  }
0x71: {  	[tilespmem:s11], [sflag:$0x3] =	stream.indirect.gather [hbm4b:s1+s6], $0x80, s0, s6, $0xb8;
	[tilespmem:$0x1FF80] =	vst v63  }
0x72: {  	_ =	swait.ge [sflag:s12], $0x2800  }
0x73: {  	[sflag:s12] =	ssyncset.done $0x0  }
0x74: {  	s0 =	simm.s32 $0x16050;
	[sflag:s12] =	ssyncadd.s32 $0xFFFFD800  }
0x75: {  	[spmem:s3] =	stream.indirect.scatter.add.f32 [tilespmem:s8], [sflag:$0x5], $0x80, s0, s6, $0xb8;
	[tilespmem:$0x1FF80] =	vst v63  }
0x76: {  	_ =	swait.ge [sflag:s13], $0x2800  }
0x77: {  	[sflag:s13] =	ssyncset.done $0x0  }
0x78: {  	s0 =	simm.s32 $0x13970;
	[sflag:s13] =	ssyncadd.s32 $0xFFFFD800  }
0x79: {  	[tilespmem:s7], [sflag:$0x1] =	stream.indirect.gather [hbm4b:s1+s6], $0x80, s0, s6, $0xb8;
	[tilespmem:$0x1FF80] =	vst v63  }
0x7a: {  	_ =	swait.ge [sflag:s14], $0x2800  }
0x7b: {  	[sflag:s14] =	ssyncset.done $0x0  }
0x7c: {  	s28 =	simm.s32 $0x160A0;
	[sflag:s14] =	ssyncadd.s32 $0xFFFFD800  }
0x7d: {  	[spmem:s3] =	stream.indirect.scatter.add.f32 [tilespmem:s11], [sflag:$0x6], $0x80, s28, s6, $0xb8;
	[tilespmem:$0x1FF80] =	vst v63  }
0x7e: {  	_ =	swait.ge [sflag:s15], $0x2800  }
0x7f: {  	[sflag:s15] =	ssyncset.done $0x0  }
0x80: {  	s28 =	simm.s32 $0x139C0;
	[sflag:s15] =	ssyncadd.s32 $0xFFFFD800  }
0x81: {  	[tilespmem:s8], [sflag:$0x2] =	stream.indirect.gather [hbm4b:s1+s6], $0x80, s28, s6, $0xb8;
	[tilespmem:$0x1FF80] =	vst v63  }
0x82: {  	_ =	swait.ge [sflag:s10], $0x2800  }
0x83: {  	[sflag:s10] =	ssyncset.done $0x0  }
0x84: {  	s28 =	simm.s32 $0x160F0;
	[sflag:s10] =	ssyncadd.s32 $0xFFFFD800  }
0x85: {  	[spmem:s3] =	stream.indirect.scatter.add.f32 [tilespmem:s7], [sflag:$0x4], $0x80, s28, s6, $0xb8;
	[tilespmem:$0x1FF80] =	vst v63  }
0x86: {  	_ =	swait.ge [sflag:s16], $0x2800  }
0x87: {  	[sflag:s16] =	ssyncset.done $0x0  }
0x88: {  	s28 =	simm.s32 $0x13A10;
	[sflag:s16] =	ssyncadd.s32 $0xFFFFD800  }
0x89: {  	[tilespmem:s11], [sflag:$0x3] =	stream.indirect.gather [hbm4b:s1+s6], $0x80, s28, s6, $0xb8;
	[tilespmem:$0x1FF80] =	vst v63  }
0x8a: {  	_ =	swait.ge [sflag:s12], $0x2800  }
0x8b: {  	[sflag:s12] =	ssyncset.done $0x0  }
0x8c: {  	s28 =	simm.s32 $0x16140;
	[sflag:s12] =	ssyncadd.s32 $0xFFFFD800  }
0x8d: {  	[spmem:s3] =	stream.indirect.scatter.add.f32 [tilespmem:s8], [sflag:$0x5], $0x80, s28, s6, $0xb8;
	[tilespmem:$0x1FF80] =	vst v63  }
0x8e: {  	_ =	swait.ge [sflag:s13], $0x2800  }
0x8f: {  	[sflag:s13] =	ssyncset.done $0x0  }
0x90: {  	s29 =	simm.s32 $0x13A60;
	s28 =	simm.s32 $0x3C0;
	[sflag:s13] =	ssyncadd.s32 $0xFFFFD800  }
.LBB2_2:
0x91: {  	[tilespmem:s7], [sflag:$0x1] =	stream.indirect.gather [hbm4b:s1+s6], $0x80, s29, s6, $0xb8;
	[tilespmem:$0x1FF80] =	vst v63  }
0x92: {  	s29 =	smov.u32 s28  }
0x93: {  	p1 =	sne.s32 s28, $0x9240;
	s28 =	sadd.s32 $0x3C0, s28;
	_ =	swait.ge [sflag:s14], $0x2800  }
0x94: {  	s29 =	sshra.s32 s29, $0x2;
	[sflag:s14] =	ssyncset.done $0x0  }
0x95: {  	s0 =	sadd.s32 $0x160A0, s29;
	[sflag:s14] =	ssyncadd.s32 $0xFFFFD800  }
0x96: {  	[spmem:s3] =	stream.indirect.scatter.add.f32 [tilespmem:s11], [sflag:$0x6], $0x80, s0, s6, $0xb8;
	[tilespmem:$0x1FF80] =	vst v63  }
0x97: {  	_ =	swait.ge [sflag:s15], $0x2800  }
0x98: {  	[sflag:s15] =	ssyncset.done $0x0  }
0x99: {  	s0 =	sadd.s32 $0x139C0, s29;
	[sflag:s15] =	ssyncadd.s32 $0xFFFFD800  }
0x9a: {  	[tilespmem:s8], [sflag:$0x2] =	stream.indirect.gather [hbm4b:s1+s6], $0x80, s0, s6, $0xb8;
	[tilespmem:$0x1FF80] =	vst v63  }
0x9b: {  	_ =	swait.ge [sflag:s10], $0x2800  }
0x9c: {  	[sflag:s10] =	ssyncset.done $0x0  }
0x9d: {  	s0 =	sadd.s32 $0x160F0, s29;
	[sflag:s10] =	ssyncadd.s32 $0xFFFFD800  }
0x9e: {  	[spmem:s3] =	stream.indirect.scatter.add.f32 [tilespmem:s7], [sflag:$0x4], $0x80, s0, s6, $0xb8;
	[tilespmem:$0x1FF80] =	vst v63  }
0x9f: {  	_ =	swait.ge [sflag:s16], $0x2800  }
0xa0: {  	[sflag:s16] =	ssyncset.done $0x0  }
0xa1: {  	s0 =	sadd.s32 $0x13A10, s29;
	[sflag:s16] =	ssyncadd.s32 $0xFFFFD800  }
0xa2: {  	[tilespmem:s11], [sflag:$0x3] =	stream.indirect.gather [hbm4b:s1+s6], $0x80, s0, s6, $0xb8;
	[tilespmem:$0x1FF80] =	vst v63  }
0xa3: {  	_ =	swait.ge [sflag:s12], $0x2800  }
0xa4: {  	[sflag:s12] =	ssyncset.done $0x0  }
.Ltmp0:
0xa5: {  	s0 =	sadd.s32 $0x16140, s29;
	[sflag:s12] =	ssyncadd.s32 $0xFFFFD800;
	(pc) =	sbr.rel @p1 .LBB2_2-.Ltmp0, $4  }
0xa6: {  	[spmem:s3] =	stream.indirect.scatter.add.f32 [tilespmem:s8], [sflag:$0x5], $0x80, s0, s6, $0xb8;
	[tilespmem:$0x1FF80] =	vst v63  }
0xa7: {  	_ =	swait.ge [sflag:s13], $0x2800  }
0xa8: {  	[sflag:s13] =	ssyncset.done $0x0  }
0xa9: {  	s29 =	sadd.s32 $0x13A60, s29;
	[sflag:s13] =	ssyncadd.s32 $0xFFFFD800  }
0xaa: {  	[tilespmem:s7], [sflag:$0x1] =	stream.indirect.gather [hbm4b:s1+s6], $0x80, s29, s6, $0xb8;
	[tilespmem:$0x1FF80] =	vst v63  }
0xab: {  	_ =	swait.ge [sflag:s14], $0x2800  }
0xac: {  	[sflag:s14] =	ssyncset.done $0x0  }
0xad: {  	s0 =	simm.s32 $0x18620;
	[sflag:s14] =	ssyncadd.s32 $0xFFFFD800  }
0xae: {  	[spmem:s3] =	stream.indirect.scatter.add.f32 [tilespmem:s11], [sflag:$0x6], $0x80, s0, s6, $0xb8;
	[tilespmem:$0x1FF80] =	vst v63  }
0xaf: {  	_ =	swait.ge [sflag:s15], $0x2800  }
0xb0: {  	[sflag:s15] =	ssyncset.done $0x0  }
0xb1: {  	s28 =	simm.s32 $0x15F40;
	[sflag:s15] =	ssyncadd.s32 $0xFFFFD800  }
0xb2: {  	[tilespmem:s8], [sflag:$0x2] =	stream.indirect.gather [hbm4b:s1+s6], $0x80, s28, s6, $0xb8;
	[tilespmem:$0x1FF80] =	vst v63  }
0xb3: {  	_ =	swait.ge [sflag:s10], $0x2800  }
0xb4: {  	[sflag:s10] =	ssyncset.done $0x0  }
0xb5: {  	s29 =	simm.s32 $0x18670;
	[sflag:s10] =	ssyncadd.s32 $0xFFFFD800  }
0xb6: {  	[spmem:s3] =	stream.indirect.scatter.add.f32 [tilespmem:s7], [sflag:$0x4], $0x80, s29, s6, $0xb8;
	[tilespmem:$0x1FF80] =	vst v63  }
0xb7: {  	_ =	swait.ge [sflag:s16], $0x2800  }
0xb8: {  	[sflag:s16] =	ssyncset.done $0x0  }
0xb9: {  	[sflag:s16] =	ssyncadd.s32 $0xFFFFD800  }
0xba: {  	_ =	swait.ge [sflag:s12], $0x2800  }
0xbb: {  	[sflag:s12] =	ssyncset.done $0x0  }
0xbc: {  	s28 =	simm.s32 $0x186C0;
	[sflag:s12] =	ssyncadd.s32 $0xFFFFD800  }
0xbd: {  	[spmem:s3] =	stream.indirect.scatter.add.f32 [tilespmem:s8], [sflag:$0x5], $0x80, s28, s6, $0xb8;
	[tilespmem:$0x1FF80] =	vst v63  }
0xbe: {  	_ =	swait.ge [sflag:s13], $0x2800  }
0xbf: {  	[sflag:s13] =	ssyncset.done $0x0  }
0xc0: {  	[sflag:s13] =	ssyncadd.s32 $0xFFFFD800  }
0xc1: {  	_ =	swait.ge [sflag:s15], $0x2800  }
0xc2: {  	[sflag:s15] =	ssyncset.done $0x0  }
0xc3: {  	[sflag:s15] =	ssyncadd.s32 $0xFFFFD800  }
0xc4: {  	[bflag:$0x0] =	sbarrier.arrive $0xFFFF  }
0xc5: {  	s29 =	rddreg [dreg:$0x4]  }
0xc6: {  	[hbm:s29], [sflag:s18] =	dma.local [spmem:s19], $0x500  }
0xc7: {  	s0 =	rddreg [dreg:$0x5]  }
0xc8: {  	[hbm:s0], [sflag:s18] =	dma.local [spmem:s20], $0x500  }
0xc9: {  	s0 =	rddreg [dreg:$0x6]  }
0xca: {  	[hbm:s0], [sflag:s18] =	dma.local [spmem:s21], $0x500  }
0xcb: {  	s0 =	rddreg [dreg:$0x7]  }
0xcc: {  	[hbm:s0], [sflag:s18] =	dma.local [spmem:s22], $0x500  }
0xcd: {  	s0 =	rddreg [dreg:$0x8]  }
0xce: {  	[hbm:s0], [sflag:s18] =	dma.local [spmem:s23], $0x500  }
0xcf: {  	s0 =	rddreg [dreg:$0x9]  }
0xd0: {  	[hbm:s0], [sflag:s18] =	dma.local [spmem:s24], $0x500  }
0xd1: {  	s0 =	rddreg [dreg:$0xa]  }
0xd2: {  	[hbm:s0], [sflag:s18] =	dma.local [spmem:s25], $0x500  }
0xd3: {  	s0 =	rddreg [dreg:$0xb]  }
0xd4: {  	[hbm:s0], [sflag:s18] =	dma.local @!p0 [spmem:s26], $0x500  }
0xd5: {  	_ =	swait.ge [sflag:s9], $0x500  }
0xd6: {  	[sflag:s9] =	ssyncset.done $0x0  }
0xd7: {  	[sflag:s9] =	ssyncadd.s32 $0xFFFFFB00  }
0xd8: {  	_ =	swait.ge [sflag:s9], $0x500  }
0xd9: {  	[sflag:s9] =	ssyncset.done $0x0  }
0xda: {  	[sflag:s9] =	ssyncadd.s32 $0xFFFFFB00  }
0xdb: {  	_ =	swait.ge [sflag:s9], $0x500  }
0xdc: {  	[sflag:s9] =	ssyncset.done $0x0  }
0xdd: {  	[sflag:s9] =	ssyncadd.s32 $0xFFFFFB00  }
0xde: {  	_ =	swait.ge [sflag:s9], $0x500  }
0xdf: {  	[sflag:s9] =	ssyncset.done $0x0  }
0xe0: {  	[sflag:s9] =	ssyncadd.s32 $0xFFFFFB00  }
0xe1: {  	_ =	swait.ge [sflag:s9], $0x500  }
0xe2: {  	[sflag:s9] =	ssyncset.done $0x0  }
0xe3: {  	[sflag:s9] =	ssyncadd.s32 $0xFFFFFB00  }
0xe4: {  	_ =	swait.ge [sflag:s9], $0x500  }
0xe5: {  	[sflag:s9] =	ssyncset.done $0x0  }
0xe6: {  	s17 =	sadd.s32 $0x1, s17;
	[sflag:s9] =	ssyncadd.s32 $0xFFFFFB00  }
0xe7: {  	p1 =	sne.s32 s17, s2;
	_ =	swait.ge [sflag:s9], $0x500  }
.Ltmp1:
0xe8: {  	[sflag:s9] =	ssyncset.done $0x0;
	(pc) =	sbr.rel @p1 .LBB2_1-.Ltmp1, $4  }
0xe9: {  	s0 =	simm.s32 @!p0 $0x7;
	[sflag:s9] =	ssyncadd.s32 $0xFFFFFB00  }
0xea: {  	_ =	swait.ge @!p0 [sflag:s0], $0x500  }
0xeb: {  	[sflag:s0] =	ssyncset.done @!p0 $0x0  }
0xec: {  	[sflag:s0] =	ssyncadd.s32 @!p0 $0xFFFFFB00  }
0xed: {  	_ =	sfence.sel $0x180000  }
0xee: {  	[bflag:$0x0] =	sbarrier.arrive $0xFFFF  }
0xef: {  	_ =	strace $0x90000050  }
0xf0: {  	s0 =	stileid.u32;
	[bflag:$0x2] =	sbarrier.arrive $0xFFFF  }
0xf1: {  	p0 =	sne.s32 s0, $0x0;
	s0 =	rddreg [dreg:$0x3]  }
0xf2: {  	s0 =	sadd.s32 @!p0 $0x100000, s0  }
0xf3: {  	[sflag:s0] =	ssyncadd.tile.s32 @!p0 $0x1;
	_ =	shalt  }
.Lfunc_end2:
_tile_overlayer_lowered:
.L_overlay_start_2:
0xf4: {  	(tag) =	ssettag $0x2  }
0xf5: {  	s0 =	rddreg [dreg:$0x0];
	s2 =	stileid.u32  }
0xf6: {  	s1 =	rddreg [dreg:$0x1];
	p0 =	sne.s32 s2, $0x0  }
0xf7: {  	s3 =	rddreg [dreg:$0x2];
	[bflag:$0x3] =	sbarrier.arrive $0xFFFF;
	s2 =	simm.s32 @!p0 $0x1C08  }
0xf8: {  	[timem:s3], [sflag:s2] =	dma.local @!p0 [hbm:s0], s1  }
0xf9: {  	s0 =	simm.s32 @!p0 $0x8  }
0xfa: {  	_ =	swait.ge @!p0 [sflag:s0], s1  }
0xfb: {  	s1 =	ssub.s32 @!p0 $0x0, s1;
	[sflag:s0] =	ssyncset.done @!p0 $0x0  }
0xfc: {  	[sflag:s0] =	ssyncadd.s32 @!p0 s1  }
0xfd: {  	[bflag:$0x3] =	sbarrier.arrive $0xFFFF  }
0xfe: {  	_ =	shalt  }

// kernel: sc_gcn_aggregate.5.cloned.1.call-start
scs
__scs_entry_jumppad:
0x0: {  	(pc) =	sbr.rel $0x88, $3  }
0x1: {  	(tag) =	ssettag $0x0;
	lr =	simm.s32 $0x1  }
0x2: {  	[smem:$0x3F91] =	sst lr;
	_ =	strace $0xD0000000  }
0x3: {  	_ = 	snop  }
0x4: {  	_ = 	snop  }
0x5: {  	_ = 	snop  }
0x6: {  	_ = 	snop  }
0x7: {  	_ = 	snop  }
__scs_overlays_trampoline_lowered:
0x8: {  	[smem:$0x3FA0] =	sst s0  }
0x9: {  	[smem:$0x3FA1] =	sst s1  }
0xa: {  	[smem:$0x3FA2] =	sst s2  }
0xb: {  	[smem:$0x3FA3] =	sst s3  }
0xc: {  	[smem:$0x3FA4] =	sst s4  }
0xd: {  	[smem:$0x3FA5] =	sst s5  }
0xe: {  	[smem:$0x3FA6] =	sst s6  }
0xf: {  	[smem:$0x3FA7] =	sst s7  }
0x10: {  	[smem:$0x3FA8] =	sst s8  }
0x11: {  	[smem:$0x3FA9] =	sst s9;
	s0 =	simm.s32 @!p0 $0x0  }
0x12: {  	s1 =	sld [smem:$0x3F8F];
	s0 =	simm.s32 @p0 $0x1  }
0x13: {  	[smem:$0x3FAA] =	sst s0;
	s0 =	simm.s32 @!p1 $0x0  }
0x14: {  	s2 =	sld [smem:$0x3F8E];
	s0 =	simm.s32 @p1 $0x1  }
0x15: {  	[smem:$0x3FAB] =	sst s0;
	s0 =	simm.s32 @!p2 $0x0  }
0x16: {  	s3 =	sld [smem:$0x3FDB];
	s0 =	simm.s32 @p2 $0x1  }
0x17: {  	s4 =	simm.s32 $0x1BF5;
	[smem:$0x3FAD] =	sst s0  }
0x18: {  	s0 =	sld [smem:$0x3F90];
	_ =	swait.ge [sflag:s4], $0x0  }
0x19: {  	s7 =	sld [smem:$0x3F91]  }
0x1a: {  	s8 =	sadd.s32 $0xFFFFE003, lr  }
0x1b: {  	s9 =	sadd.s32 $0xFFFFFEF7, lr;
	s5 =	simm.s32 $0xFFFFFFFF;
	p2 =	slt.u32 s8, $0xFFFFF086  }
0x1c: {  	p1 =	slt.u32 s9, $0xF7A;
	s5 =	simm.s32 @!p2 $0x0  }
0x1d: {  	s5 =	simm.s32 @p1 $0x1;
	p0 =	seq.s32 s7, s2  }
0x1e: {  	s7 =	smul.u32 @!p0 $0xF7A, s2;
	p2 =	seq.s32 @!p0 s5, $0x0  }
0x1f: {  	s9 =	smul.u32 $0xF7A, s1;
	s8 =	simm.s32 @!p0 $0x1BF5;
	p2 =	por !p2, p0  }
0x20: {  	[sflag:s8] =	ssyncset.s32 @!p0 $0xFFFFF086;
	s6 =	sadd.s32 @!p0 s3, s7;
	s7 =	simm.s32 @!p0 $0x108  }
0x21: {  	s3 =	sadd.s32 s3, s9;
	s6 =	sadd.s32 @!p0 $0x88, s6;
	s7 =	simm.s32 @p2 $0x1082  }
0x22: {  	[simem:s7], [sflag:s8] =	dma.local @!p0 [hbm:s6], $0xF7A  }
0x23: {  	s9 =	sor.u32 $0xD0000000, s2;
	s6 =	simm.s32 $0x108;
	_ =	swait.ge @!p0 [sflag:s8], $0x0  }
0x24: {  	s3 =	sadd.s32 $0x88, s3;
	s6 =	simm.s32 @!p1 $0x1082;
	[sflag:s4] =	ssyncset.s32 $0xFFFFF086  }
0x25: {  	[simem:s6], [sflag:s4] =	dma.local [hbm:s3], $0xF7A  }
0x26: {  	[smem:$0x3F91] =	sst s1;
	(tag) =	ssettag s2;
	_ =	strace s9  }
0x27: {  	s1 =	sld [smem:$0x3FA1]  }
0x28: {  	s2 =	sld [smem:$0x3FA2]  }
0x29: {  	s4 =	sld [smem:$0x3FA4]  }
0x2a: {  	p0 =	seq.s32 s5, $0x0;
	s5 =	sld [smem:$0x3FA5]  }
0x2b: {  	s6 =	sld [smem:$0x3FA6]  }
0x2c: {  	s7 =	sld [smem:$0x3FA7]  }
0x2d: {  	s3 =	simm.s32 $0x108;
	s8 =	sld [smem:$0x3FA8]  }
0x2e: {  	s3 =	simm.s32 @!p0 $0x1082;
	s9 =	sld [smem:$0x3FA9]  }
0x2f: {  	lr =	sadd.s32 s0, s3;
	s0 =	sld [smem:$0x3FA0]  }
0x30: {  	s3 =	sld [smem:$0x3FA3]  }
0x31: {  	[smem:$0x3FAC] =	sst s10  }
0x32: {  	s10 =	sld [smem:$0x3FAA];
	_ =	sdelay $0x3  }
0x33: {  	p0 =	seq.s32 s10, $0x1;
	s10 =	sld [smem:$0x3FAC];
	_ =	sdelay $0x3  }
0x34: {  	[smem:$0x3FAC] =	sst s10  }
0x35: {  	s10 =	sld [smem:$0x3FAB];
	_ =	sdelay $0x3  }
0x36: {  	p1 =	seq.s32 s10, $0x1;
	s10 =	sld [smem:$0x3FAC];
	_ =	sdelay $0x3  }
0x37: {  	[smem:$0x3FAC] =	sst s10  }
0x38: {  	s10 =	sld [smem:$0x3FAD]  }
0x39: {  	_ = 	snop;
	(pc) =	sbr.ind lr, $3  }
0x3a: {  	_ = 	snop  }
0x3b: {  	_ = 	snop  }
0x3c: {  	p2 =	seq.s32 s10, $0x1;
	s10 =	sld [smem:$0x3FAC]  }
0x3d: {  	_ =	shalt  }
0x3e: {  	_ =	shalt  }
0x3f: {  	_ =	shalt  }
0x40: {  	_ =	shalt  }
0x41: {  	_ =	shalt  }
0x42: {  	_ =	shalt  }
0x43: {  	_ =	shalt  }
0x44: {  	_ =	shalt  }
0x45: {  	_ =	shalt  }
0x46: {  	_ =	shalt  }
0x47: {  	_ =	shalt  }
0x48: {  	_ =	shalt  }
0x49: {  	_ =	shalt  }
0x4a: {  	_ =	shalt  }
0x4b: {  	_ =	shalt  }
0x4c: {  	_ =	shalt  }
0x4d: {  	_ =	shalt  }
0x4e: {  	_ =	shalt  }
0x4f: {  	_ =	shalt  }
0x50: {  	_ =	shalt  }
0x51: {  	_ =	shalt  }
0x52: {  	_ =	shalt  }
0x53: {  	_ =	shalt  }
0x54: {  	_ =	shalt  }
0x55: {  	_ =	shalt  }
0x56: {  	_ =	shalt  }
0x57: {  	_ =	shalt  }
0x58: {  	_ =	shalt  }
0x59: {  	_ =	shalt  }
0x5a: {  	_ =	shalt  }
0x5b: {  	_ =	shalt  }
0x5c: {  	_ =	shalt  }
0x5d: {  	_ =	shalt  }
0x5e: {  	_ =	shalt  }
0x5f: {  	_ =	shalt  }
0x60: {  	_ =	shalt  }
0x61: {  	_ =	shalt  }
0x62: {  	_ =	shalt  }
0x63: {  	_ =	shalt  }
0x64: {  	_ =	shalt  }
0x65: {  	_ =	shalt  }
0x66: {  	_ =	shalt  }
0x67: {  	_ =	shalt  }
0x68: {  	_ =	shalt  }
0x69: {  	_ =	shalt  }
0x6a: {  	_ =	shalt  }
0x6b: {  	_ =	shalt  }
0x6c: {  	_ =	shalt  }
0x6d: {  	_ =	shalt  }
0x6e: {  	_ =	shalt  }
0x6f: {  	_ =	shalt  }
0x70: {  	_ =	shalt  }
0x71: {  	_ =	shalt  }
0x72: {  	_ =	shalt  }
0x73: {  	_ =	shalt  }
0x74: {  	_ =	shalt  }
0x75: {  	_ =	shalt  }
0x76: {  	_ =	shalt  }
0x77: {  	_ =	shalt  }
0x78: {  	_ =	shalt  }
0x79: {  	_ =	shalt  }
0x7a: {  	_ =	shalt  }
0x7b: {  	_ =	shalt  }
0x7c: {  	_ =	shalt  }
0x7d: {  	_ =	shalt  }
0x7e: {  	_ =	shalt  }
0x7f: {  	_ =	shalt  }
0x80: {  	_ =	shalt  }
0x81: {  	_ =	shalt  }
0x82: {  	_ =	shalt  }
0x83: {  	_ =	shalt  }
0x84: {  	_ =	shalt  }
0x85: {  	_ =	shalt  }
0x86: {  	_ =	shalt  }
0x87: {  	_ =	shalt  }
.Lfunc_end0:
.L_simem_size_0:
called_computation.1_lowered:
.L_overlay_start_0:
0x88: {  	s2 =	sld [smem:$0x3FD9]  }
0x89: {  	s3 =	sld [smem:$0x3FFE];
	_ =	sdelay $0x1  }
0x8a: {  	s1 =	srdreg.scid  }
0x8b: {  	s0 =	sand.u32 $0x1, s1  }
0x8c: {  	s17 =	sshll.u32 s0, $0xA;
	s2 =	sadd.s32 s3, s2  }
0x8d: {  	s2 =	sadd.s32 s2, s17  }
0x8e: {  	[smem:$0x3FB8] =	sst s2  }
0x8f: {  	_ = 	snop  }
0x90: {  	s2 =	sld [smem:$0x3FD0];
	(tm) =	ssettm $0x1  }
0x91: {  	s18 =	sld [smem:$0x3FFB];
	_ =	sdelay $0x3  }
0x92: {  	_ =	strace s18  }
0x93: {  	s3 =	sld [smem:$0x3FFC];
	_ =	sdelay $0x3  }
0x94: {  	_ =	strace s3  }
0x95: {  	s3 =	sld [smem:$0x3FFD];
	_ =	sdelay $0x3  }
0x96: {  	_ =	strace s3  }
0x97: {  	_ =	strace $0x8FFFFFFF  }
0x98: {  	s19 =	sld [smem:$0x3FDB];
	_ =	sdelay $0x1  }
0x99: {  	s4 =	simm.s32 $_scs_section_size  }
0x9a: {  	s5 =	simm.s32 $_size__tile_overlayer_lowered;
	s6 =	simm.s32 $_tile_overlayer_lowered  }
0x9b: {  	s22 =	simm.s32 $0x1BFF;
	s21 =	sshll.u32 s6, $0x1;
	s3 =	sadd.s32 s4, s19  }
0x9c: {  	s7 =	simm.s32 $0x0;
	s20 =	sshll.u32 s5, $0x1;
	s5 =	sadd.s32 s21, s3  }
0x9d: {  	[timem:s7], [sflag:s22] =	dma.local [hbm:s5], s20  }
0x9e: {  	_ =	swait.ge [sflag:s22], s20  }
0x9f: {  	s4 =	ssub.s32 $0x0, s20;
	[sflag:s22] =	ssyncset.done $0x0  }
0xa0: {  	[sflag:s22] =	ssyncadd.s32 s4;
	_ =	sdelay $0x1  }
0xa1: {  	s23 =	simm.s32 $0x1B8B  }
0xa2: {  	_ =	swait.ge [sflag:s23], $0x1  }
0xa3: {  	[sflag:s23] =	ssyncset.done $0x0  }
0xa4: {  	s25 =	simm.s32 $0x1B8E;
	s24 =	sld [smem:$0x3FFE];
	[sflag:s23] =	ssyncadd.s32 $0xFFFFFFFF  }
0xa5: {  	s26 =	simm.s32 $execute0_lowered;
	[smem:$0x3FD2] =	sst s25  }
0xa6: {  	s5 =	sshll.u32 s26, $0x1;
	_ =	strace $0x80000049;
	[dreg:$0x1] =	wrdreg $0xFFFFFFFF  }
0xa7: {  	s28 =	simm.s32 $_size_execute0_lowered;
	s3 =	sadd.s32 s3, s5;
	[dreg:$0x0] =	wrdreg $0x0  }
0xa8: {  	s5 =	sshll.u32 s28, $0x1;
	[dreg:$0x2] =	wrdreg s3  }
0xa9: {  	[dreg:$0x3] =	wrdreg s5  }
0xaa: {  	[dreg:$0x4] =	wrdreg $0xC0  }
0xab: {  	_ =	task [dreg:s7], $0x5FFFF  }
0xac: {  	[dreg:$0x1] =	wrdreg $0xFFFFFFFF  }
0xad: {  	[dreg:$0x0] =	wrdreg $0x60  }
0xae: {  	[dreg:$0x2] =	wrdreg s2  }
0xaf: {  	[dreg:$0x3] =	wrdreg s24  }
0xb0: {  	[dreg:$0x4] =	wrdreg $0x0  }
0xb1: {  	[dreg:$0x5] =	wrdreg $0x9  }
0xb2: {  	_ =	task.clear_ibuf [dreg:s7], $0x6FFFF;
	_ =	strace $0x90000049  }
0xb3: {  	s29 =	simm.s32 $0x9;
	_ =	strace $0x8000004B  }
0xb4: {  	_ =	swait.ge [sflag:s29], $0x1  }
0xb5: {  	[sflag:s29] =	ssyncadd.s32 $0xFFFFFFFF  }
0xb6: {  	_ =	strace $0x9000004B  }
0xb7: {  	_ =	sfence  }
0xb8: {  	s30 =	sld [smem:$0x0];
	_ =	sdelay $0x2  }
0xb9: {  	s31 =	sshll.u32 s1, $0xD;
	s1 =	sshrl.u32 s1, $0x2  }
0xba: {  	s3 =	sand.u32 $0x4000, s31;
	s1 =	sadd.s32 s1, s30  }
0xbb: {  	s0 =	sor.u32 s3, s0;
	s1 =	sshll.u32 s1, $0x11  }
0xbc: {  	s0 =	sor.u32 s1, s0  }
0xbd: {  	s0 =	sadd.s32 $0x8F2B, s0  }
0xbe: {  	[sflag:s0] =	ssyncadd.remote.s32 $0x1  }
0xbf: {  	_ =	sfence.sel $0xFFFF  }
0xc0: {  	[dreg:$0x0] =	wrdreg $0xFFFFFFFF;
	(pc) =	sbr.abs _section_cstart, $3  }
0xc1: {  	[dreg:$0x1] =	wrdreg $0xFFFFFFFF  }
0xc2: {  	_ =	task.clear_ibuf [dreg:s7], $0x2FFFF;
	_ =	strace $0x9FFFFFFF  }
0xc3: {  	(tm) =	ssettm $0x7FFFFFFF  }
tec
execute0_lowered:
.L_overlay_start_1:
0x0: {  	(tag) =	ssettag $0x1  }
0x1: {  	s23 =	stileid.u32  }
0x2: {  	s5 =	smul.u32 $0xA000, s23  }
0x3: {  	s0 =	srdreg.scid;
	s6 =	sor.u32 $0x10, s23;
	s10 =	smul.u32 $0x2800, s23  }
0x4: {  	s4 =	rddreg [dreg:$0x1];
	s7 =	smul.u32 $0xA000, s6  }
0x5: {  	s3 =	rddreg [dreg:$0x2];
	s0 =	sand.u32 $0x1, s0;
	s8 =	smul.u32 $0x500, s6  }
0x6: {  	s9 =	simm.s32 $0x0;
	s1 =	sshll.u32 s23, $0x1;
	s26 =	smul.u32 $0x138800, s0  }
0x7: {  	[smem:$0x7FF] =	sst s9;
	s11 =	sor.u32 $0x20, s23;
	s6 =	smul.u32 $0x2800, s6  }
0x8: {  	s12 =	sor.u32 $0x30, s23;
	s15 =	sor.u32 $0x40, s23;
	s13 =	smul.u32 $0x2800, s11  }
0x9: {  	s18 =	sor.u32 $0x60, s23;
	s19 =	sor.u32 $0x70, s23;
	s16 =	smul.u32 $0x2800, s12  }
0xa: {  	p0 =	sgt.u32 s23, $0xC;
	s2 =	sor.u32 s0, s1;
	s17 =	smul.u32 $0x2800, s15  }
0xb: {  	s1 =	rddreg [dreg:$0x0];
	s0 =	ssub.s32 $0x2, s0;
	s21 =	smul.u32 $0x2800, s18  }
0xc: {  	_ =	strace $0x8000004A;
	s22 =	smul.u32 $0x2800, s19;
	s14 =	sshrl.u32 s0, $0x1  }
0xd: {  	s2 =	smul.u32 $0x4E2, s2;
	s0 =	ssub.s32 s0, s14;
	s14 =	sor.u32 $0x50, s23  }
0xe: {  	s10 =	sadd.s32 s10, s26;
	s6 =	sadd.s32 s26, s6;
	s13 =	sadd.s32 s26, s13  }
0xf: {  	s16 =	sadd.s32 s26, s16;
	s9 =	sadd.s32 s26, s22;
	s22 =	smul.u32 $0xA000, s11  }
0x10: {  	s17 =	sadd.s32 s26, s17;
	s21 =	sadd.s32 s26, s21;
	s11 =	smul.u32 $0x500, s11  }
0x11: {  	s2 =	sadd.s32 s2, s4;
	s4 =	sadd.s32 $0x17C00, s4;
	s20 =	smul.u32 $0x2800, s14  }
0x12: {  	s10 =	sshrl.u32 s10, $0x3;
	s6 =	sshrl.u32 s6, $0x3;
	s28 =	sshrl.u32 s13, $0x3  }
0x13: {  	s29 =	sshrl.u32 s16, $0x3;
	s16 =	sshrl.u32 s17, $0x3;
	s10 =	sadd.s32 s4, s10  }
0x14: {  	s24 =	sshrl.u32 s9, $0x3;
	s6 =	sadd.s32 s4, s6;
	[dreg:$0x4] =	wrdreg s10  }
0x15: {  	s9 =	smul.u32 $0xA000, s15;
	s13 =	sadd.s32 s4, s29;
	[dreg:$0x5] =	wrdreg s6  }
0x16: {  	s25 =	sadd.s32 $0x4000, s2;
	s2 =	sadd.s32 $0xDE00, s2;
	[dreg:$0x7] =	wrdreg s13  }
0x17: {  	s29 =	smul.u32 $0xA000, s12;
	s20 =	sadd.s32 s26, s20;
	[dreg:$0xc] =	wrdreg s25  }
0x18: {  	s6 =	sadd.s32 s4, s28;
	s26 =	smul.u32 $0x500, s23;
	[dreg:$0xd] =	wrdreg s2  }
0x19: {  	s28 =	sshrl.u32 s5, $0x2;
	s10 =	sadd.s32 s1, s8;
	s13 =	smul.u32 $0x500, s15  }
0x1a: {  	s25 =	smul.u32 $0xA000, s19;
	s5 =	simm.s32 $0x16000;
	s8 =	simm.s32 $0x1AF80  }
0x1b: {  	[dreg:$0x6] =	wrdreg s6;
	s6 =	sadd.s32 s4, s16;
	s17 =	sshrl.u32 s20, $0x3  }
0x1c: {  	s20 =	sshrl.u32 s21, $0x3;
	s2 =	sadd.s32 s28, s3;
	s16 =	smul.u32 $0xA000, s14  }
0x1d: {  	[dreg:$0x11] =	wrdreg s10;
	s15 =	sshrl.u32 s29, $0x2;
	s28 =	smul.u32 $0x500, s19  }
0x1e: {  	s10 =	simm.s32 $0x1;
	[dreg:$0x8] =	wrdreg s6;
	s6 =	sadd.s32 s4, s17  }
0x1f: {  	s21 =	sadd.s32 s4, s20;
	s4 =	sadd.s32 s4, s24;
	[dreg:$0xe] =	wrdreg s2  }
0x20: {  	s17 =	sadd.s32 s1, s11;
	s20 =	smul.u32 $0x500, s14;
	[dreg:$0x9] =	wrdreg s6  }
0x21: {  	s24 =	smul.u32 $0x500, s18;
	s11 =	simm.s32 $0x1D780;
	[dreg:$0xa] =	wrdreg s21  }
0x22: {  	s14 =	simm.s32 $0x3;
	[dreg:$0xb] =	wrdreg s4;
	s6 =	sshrl.u32 s7, $0x2  }
0x23: {  	s7 =	smul.u32 $0x500, s12;
	s4 =	sadd.s32 s1, s26;
	s12 =	sshrl.u32 s22, $0x2  }
0x24: {  	[dreg:$0x13] =	wrdreg s17;
	s21 =	smul.u32 $0xA000, s18;
	s22 =	sshrl.u32 s16, $0x2  }
0x25: {  	s31 =	sadd.s32 s1, s28;
	[dreg:$0xf] =	wrdreg s4;
	s2 =	sadd.s32 s6, s3  }
0x26: {  	s16 =	simm.s32 $0x6;
	s4 =	sadd.s32 s12, s3;
	[dreg:$0x10] =	wrdreg s2  }
0x27: {  	s17 =	simm.s32 $0x0;
	s29 =	sadd.s32 s1, s24;
	[dreg:$0x12] =	wrdreg s4  }
0x28: {  	s12 =	simm.s32 $0x2;
	s4 =	sadd.s32 s15, s3;
	[dreg:$0x1b] =	wrdreg s29  }
0x29: {  	s6 =	sadd.s32 s1, s7;
	s2 =	sshrl.u32 s9, $0x2;
	[dreg:$0x14] =	wrdreg s4  }
0x2a: {  	s7 =	sadd.s32 s1, s13;
	s26 =	sshrl.u32 s21, $0x2;
	[dreg:$0x15] =	wrdreg s6  }
0x2b: {  	s9 =	simm.s32 $0x7;
	s2 =	sadd.s32 s2, s3;
	[dreg:$0x17] =	wrdreg s7  }
0x2c: {  	s13 =	simm.s32 $0x4;
	s4 =	sadd.s32 s1, s20;
	[dreg:$0x16] =	wrdreg s2  }
0x2d: {  	s15 =	simm.s32 $0x5;
	s2 =	sadd.s32 s22, s3;
	[dreg:$0x19] =	wrdreg s4  }
0x2e: {  	s6 =	simm.s32 $0x50;
	s4 =	sadd.s32 s26, s3;
	[dreg:$0x18] =	wrdreg s2  }
0x2f: {  	s7 =	simm.s32 $0x18780;
	[dreg:$0x1a] =	wrdreg s4;
	s2 =	sshrl.u32 s25, $0x2  }
0x30: {  	s4 =	simm.s32 $0x8;
	s30 =	sadd.s32 s2, s3;
	s2 =	smax.u32 s0, $0x1  }
.LBB2_1:
0x31: {  	s0 =	simm.s32 $0x0;
	s18 =	rddreg [dreg:$0xc];
	s19 =	simm.s32 $0x13880  }
0x32: {  	[tilespmem:s19], [sflag:$0x8] =	stream.linear.gather [hbm4b:s18+s0], $0x2710, $0x38;
	[tilespmem:$0x1FF80] =	vst v63  }
0x33: {  	_ =	swait.ge [sflag:s4], $0x2710  }
0x34: {  	[sflag:s4] =	ssyncset.done $0x0  }
0x35: {  	s24 =	rddreg [dreg:$0xd];
	[sflag:s4] =	ssyncadd.s32 $0xFFFFD8F0  }
0x36: {  	[tilespmem:s5], [sflag:$0x8] =	stream.linear.gather [hbm4b:s24+s0], $0x2710, $0x38;
	[tilespmem:$0x1FF80] =	vst v63  }
0x37: {  	_ =	swait.ge [sflag:s4], $0x2710  }
0x38: {  	[sflag:s4] =	ssyncset.done $0x0  }
0x39: {  	s26 =	stileid.u32;
	[sflag:s4] =	ssyncadd.s32 $0xFFFFD8F0  }
0x3a: {  	[tilespmem:s7], [sflag:$0x1] =	stream.indirect.gather [hbm4b:s1+s6], $0x80, s19, s6, $0xb8;
	[tilespmem:$0x1FF80] =	vst v63  }
0x3b: {  	s25 =	simm.s32 $0x138D0;
	s0 =	sshll.u32 s26, $0x6;
	s19 =	rddreg [dreg:$0xe]  }
0x3c: {  	s18 =	sor.u32 $0x1C07, s0;
	s20 =	rddreg [dreg:$0xf];
	s19 =	sshrl.u32 s19, $0x3  }
0x3d: {  	[tilespmem:s8], [sflag:$0x2] =	stream.indirect.gather [hbm4b:s1+s6], $0x80, s25, s6, $0xb8;
	[tilespmem:$0x1FF80] =	vst v63  }
0x3e: {  	[spmem:s19], [sflag:s18] =	dma.local [hbm:s20], $0x500  }
0x3f: {  	s0 =	rddreg [dreg:$0x10]  }
0x40: {  	s21 =	rddreg [dreg:$0x11];
	s20 =	sshrl.u32 s0, $0x3  }
0x41: {  	[spmem:s20], [sflag:s18] =	dma.local [hbm:s21], $0x500  }
0x42: {  	s0 =	rddreg [dreg:$0x12]  }
0x43: {  	s22 =	rddreg [dreg:$0x13];
	s21 =	sshrl.u32 s0, $0x3  }
0x44: {  	[spmem:s21], [sflag:s18] =	dma.local [hbm:s22], $0x500  }
0x45: {  	s0 =	rddreg [dreg:$0x14]  }
0x46: {  	s23 =	rddreg [dreg:$0x15];
	s22 =	sshrl.u32 s0, $0x3  }
0x47: {  	[spmem:s22], [sflag:s18] =	dma.local [hbm:s23], $0x500  }
0x48: {  	s0 =	rddreg [dreg:$0x16]  }
0x49: {  	s24 =	rddreg [dreg:$0x17];
	s23 =	sshrl.u32 s0, $0x3  }
0x4a: {  	[spmem:s23], [sflag:s18] =	dma.local [hbm:s24], $0x500  }
0x4b: {  	s0 =	rddreg [dreg:$0x18]  }
0x4c: {  	s25 =	rddreg [dreg:$0x19];
	s24 =	sshrl.u32 s0, $0x3  }
0x4d: {  	[spmem:s24], [sflag:s18] =	dma.local [hbm:s25], $0x500  }
0x4e: {  	s0 =	rddreg [dreg:$0x1a]  }
0x4f: {  	s26 =	rddreg [dreg:$0x1b];
	s25 =	sshrl.u32 s0, $0x3  }
0x50: {  	[spmem:s25], [sflag:s18] =	dma.local [hbm:s26], $0x500  }
0x51: {  	s26 =	sshrl.u32 @!p0 s30, $0x3  }
0x52: {  	[spmem:s26], [sflag:s18] =	dma.local @!p0 [hbm:s31], $0x500  }
0x53: {  	_ =	swait.ge [sflag:s9], $0x500  }
0x54: {  	[sflag:s9] =	ssyncset.done $0x0  }
0x55: {  	[sflag:s9] =	ssyncadd.s32 $0xFFFFFB00  }
0x56: {  	_ =	swait.ge [sflag:s9], $0x500  }
0x57: {  	[sflag:s9] =	ssyncset.done $0x0  }
0x58: {  	[sflag:s9] =	ssyncadd.s32 $0xFFFFFB00  }
0x59: {  	_ =	swait.ge [sflag:s9], $0x500  }
0x5a: {  	[sflag:s9] =	ssyncset.done $0x0  }
0x5b: {  	[sflag:s9] =	ssyncadd.s32 $0xFFFFFB00  }
0x5c: {  	_ =	swait.ge [sflag:s9], $0x500  }
0x5d: {  	[sflag:s9] =	ssyncset.done $0x0  }
0x5e: {  	[sflag:s9] =	ssyncadd.s32 $0xFFFFFB00  }
0x5f: {  	_ =	swait.ge [sflag:s9], $0x500  }
0x60: {  	[sflag:s9] =	ssyncset.done $0x0  }
0x61: {  	[sflag:s9] =	ssyncadd.s32 $0xFFFFFB00  }
0x62: {  	_ =	swait.ge [sflag:s9], $0x500  }
0x63: {  	[sflag:s9] =	ssyncset.done $0x0  }
0x64: {  	[sflag:s9] =	ssyncadd.s32 $0xFFFFFB00  }
0x65: {  	_ =	swait.ge [sflag:s9], $0x500  }
0x66: {  	[sflag:s9] =	ssyncset.done $0x0  }
0x67: {  	s28 =	simm.s32 @!p0 $0x7;
	[sflag:s9] =	ssyncadd.s32 $0xFFFFFB00  }
0x68: {  	_ =	swait.ge @!p0 [sflag:s28], $0x500  }
0x69: {  	[sflag:s28] =	ssyncset.done @!p0 $0x0  }
0x6a: {  	[sflag:s28] =	ssyncadd.s32 @!p0 $0xFFFFFB00  }
0x6b: {  	[bflag:$0x0] =	sbarrier.arrive $0xFFFF  }
0x6c: {  	_ =	swait.ge [sflag:s10], $0x2800  }
0x6d: {  	[sflag:s10] =	ssyncset.done $0x0  }
0x6e: {  	[sflag:s10] =	ssyncadd.s32 $0xFFFFD800  }
0x6f: {  	[spmem:s3] =	stream.indirect.scatter.add.f32 [tilespmem:s7], [sflag:$0x4], $0x80, s5, s6, $0xb8;
	[tilespmem:$0x1FF80] =	vst v63  }
0x70: {  	s0 =	simm.s32 $0x13920  }
0x71: {  	[tilespmem:s11], [sflag:$0x3] =	stream.indirect.gather [hbm4b:s1+s6], $0x80, s0, s6, $0xb8;
	[tilespmem:$0x1FF80] =	vst v63  }
0x72: {  	_ =	swait.ge [sflag:s12], $0x2800  }
0x73: {  	[sflag:s12] =	ssyncset.done $0x0  }
0x74: {  	s0 =	simm.s32 $0x16050;
	[sflag:s12] =	ssyncadd.s32 $0xFFFFD800  }
0x75: {  	[spmem:s3] =	stream.indirect.scatter.add.f32 [tilespmem:s8], [sflag:$0x5], $0x80, s0, s6, $0xb8;
	[tilespmem:$0x1FF80] =	vst v63  }
0x76: {  	_ =	swait.ge [sflag:s13], $0x2800  }
0x77: {  	[sflag:s13] =	ssyncset.done $0x0  }
0x78: {  	s0 =	simm.s32 $0x13970;
	[sflag:s13] =	ssyncadd.s32 $0xFFFFD800  }
0x79: {  	[tilespmem:s7], [sflag:$0x1] =	stream.indirect.gather [hbm4b:s1+s6], $0x80, s0, s6, $0xb8;
	[tilespmem:$0x1FF80] =	vst v63  }
0x7a: {  	_ =	swait.ge [sflag:s14], $0x2800  }
0x7b: {  	[sflag:s14] =	ssyncset.done $0x0  }
0x7c: {  	s28 =	simm.s32 $0x160A0;
	[sflag:s14] =	ssyncadd.s32 $0xFFFFD800  }
0x7d: {  	[spmem:s3] =	stream.indirect.scatter.add.f32 [tilespmem:s11], [sflag:$0x6], $0x80, s28, s6, $0xb8;
	[tilespmem:$0x1FF80] =	vst v63  }
0x7e: {  	_ =	swait.ge [sflag:s15], $0x2800  }
0x7f: {  	[sflag:s15] =	ssyncset.done $0x0  }
0x80: {  	s28 =	simm.s32 $0x139C0;
	[sflag:s15] =	ssyncadd.s32 $0xFFFFD800  }
0x81: {  	[tilespmem:s8], [sflag:$0x2] =	stream.indirect.gather [hbm4b:s1+s6], $0x80, s28, s6, $0xb8;
	[tilespmem:$0x1FF80] =	vst v63  }
0x82: {  	_ =	swait.ge [sflag:s10], $0x2800  }
0x83: {  	[sflag:s10] =	ssyncset.done $0x0  }
0x84: {  	s28 =	simm.s32 $0x160F0;
	[sflag:s10] =	ssyncadd.s32 $0xFFFFD800  }
0x85: {  	[spmem:s3] =	stream.indirect.scatter.add.f32 [tilespmem:s7], [sflag:$0x4], $0x80, s28, s6, $0xb8;
	[tilespmem:$0x1FF80] =	vst v63  }
0x86: {  	_ =	swait.ge [sflag:s16], $0x2800  }
0x87: {  	[sflag:s16] =	ssyncset.done $0x0  }
0x88: {  	s28 =	simm.s32 $0x13A10;
	[sflag:s16] =	ssyncadd.s32 $0xFFFFD800  }
0x89: {  	[tilespmem:s11], [sflag:$0x3] =	stream.indirect.gather [hbm4b:s1+s6], $0x80, s28, s6, $0xb8;
	[tilespmem:$0x1FF80] =	vst v63  }
0x8a: {  	_ =	swait.ge [sflag:s12], $0x2800  }
0x8b: {  	[sflag:s12] =	ssyncset.done $0x0  }
0x8c: {  	s28 =	simm.s32 $0x16140;
	[sflag:s12] =	ssyncadd.s32 $0xFFFFD800  }
0x8d: {  	[spmem:s3] =	stream.indirect.scatter.add.f32 [tilespmem:s8], [sflag:$0x5], $0x80, s28, s6, $0xb8;
	[tilespmem:$0x1FF80] =	vst v63  }
0x8e: {  	_ =	swait.ge [sflag:s13], $0x2800  }
0x8f: {  	[sflag:s13] =	ssyncset.done $0x0  }
0x90: {  	s29 =	simm.s32 $0x13A60;
	s28 =	simm.s32 $0x3C0;
	[sflag:s13] =	ssyncadd.s32 $0xFFFFD800  }
.LBB2_2:
0x91: {  	[tilespmem:s7], [sflag:$0x1] =	stream.indirect.gather [hbm4b:s1+s6], $0x80, s29, s6, $0xb8;
	[tilespmem:$0x1FF80] =	vst v63  }
0x92: {  	s29 =	smov.u32 s28  }
0x93: {  	p1 =	sne.s32 s28, $0x9240;
	s28 =	sadd.s32 $0x3C0, s28;
	_ =	swait.ge [sflag:s14], $0x2800  }
0x94: {  	s29 =	sshra.s32 s29, $0x2;
	[sflag:s14] =	ssyncset.done $0x0  }
0x95: {  	s0 =	sadd.s32 $0x160A0, s29;
	[sflag:s14] =	ssyncadd.s32 $0xFFFFD800  }
0x96: {  	[spmem:s3] =	stream.indirect.scatter.add.f32 [tilespmem:s11], [sflag:$0x6], $0x80, s0, s6, $0xb8;
	[tilespmem:$0x1FF80] =	vst v63  }
0x97: {  	_ =	swait.ge [sflag:s15], $0x2800  }
0x98: {  	[sflag:s15] =	ssyncset.done $0x0  }
0x99: {  	s0 =	sadd.s32 $0x139C0, s29;
	[sflag:s15] =	ssyncadd.s32 $0xFFFFD800  }
0x9a: {  	[tilespmem:s8], [sflag:$0x2] =	stream.indirect.gather [hbm4b:s1+s6], $0x80, s0, s6, $0xb8;
	[tilespmem:$0x1FF80] =	vst v63  }
0x9b: {  	_ =	swait.ge [sflag:s10], $0x2800  }
0x9c: {  	[sflag:s10] =	ssyncset.done $0x0  }
0x9d: {  	s0 =	sadd.s32 $0x160F0, s29;
	[sflag:s10] =	ssyncadd.s32 $0xFFFFD800  }
0x9e: {  	[spmem:s3] =	stream.indirect.scatter.add.f32 [tilespmem:s7], [sflag:$0x4], $0x80, s0, s6, $0xb8;
	[tilespmem:$0x1FF80] =	vst v63  }
0x9f: {  	_ =	swait.ge [sflag:s16], $0x2800  }
0xa0: {  	[sflag:s16] =	ssyncset.done $0x0  }
0xa1: {  	s0 =	sadd.s32 $0x13A10, s29;
	[sflag:s16] =	ssyncadd.s32 $0xFFFFD800  }
0xa2: {  	[tilespmem:s11], [sflag:$0x3] =	stream.indirect.gather [hbm4b:s1+s6], $0x80, s0, s6, $0xb8;
	[tilespmem:$0x1FF80] =	vst v63  }
0xa3: {  	_ =	swait.ge [sflag:s12], $0x2800  }
0xa4: {  	[sflag:s12] =	ssyncset.done $0x0  }
.Ltmp0:
0xa5: {  	s0 =	sadd.s32 $0x16140, s29;
	[sflag:s12] =	ssyncadd.s32 $0xFFFFD800;
	(pc) =	sbr.rel @p1 .LBB2_2-.Ltmp0, $4  }
0xa6: {  	[spmem:s3] =	stream.indirect.scatter.add.f32 [tilespmem:s8], [sflag:$0x5], $0x80, s0, s6, $0xb8;
	[tilespmem:$0x1FF80] =	vst v63  }
0xa7: {  	_ =	swait.ge [sflag:s13], $0x2800  }
0xa8: {  	[sflag:s13] =	ssyncset.done $0x0  }
0xa9: {  	s29 =	sadd.s32 $0x13A60, s29;
	[sflag:s13] =	ssyncadd.s32 $0xFFFFD800  }
0xaa: {  	[tilespmem:s7], [sflag:$0x1] =	stream.indirect.gather [hbm4b:s1+s6], $0x80, s29, s6, $0xb8;
	[tilespmem:$0x1FF80] =	vst v63  }
0xab: {  	_ =	swait.ge [sflag:s14], $0x2800  }
0xac: {  	[sflag:s14] =	ssyncset.done $0x0  }
0xad: {  	s0 =	simm.s32 $0x18620;
	[sflag:s14] =	ssyncadd.s32 $0xFFFFD800  }
0xae: {  	[spmem:s3] =	stream.indirect.scatter.add.f32 [tilespmem:s11], [sflag:$0x6], $0x80, s0, s6, $0xb8;
	[tilespmem:$0x1FF80] =	vst v63  }
0xaf: {  	_ =	swait.ge [sflag:s15], $0x2800  }
0xb0: {  	[sflag:s15] =	ssyncset.done $0x0  }
0xb1: {  	s28 =	simm.s32 $0x15F40;
	[sflag:s15] =	ssyncadd.s32 $0xFFFFD800  }
0xb2: {  	[tilespmem:s8], [sflag:$0x2] =	stream.indirect.gather [hbm4b:s1+s6], $0x80, s28, s6, $0xb8;
	[tilespmem:$0x1FF80] =	vst v63  }
0xb3: {  	_ =	swait.ge [sflag:s10], $0x2800  }
0xb4: {  	[sflag:s10] =	ssyncset.done $0x0  }
0xb5: {  	s29 =	simm.s32 $0x18670;
	[sflag:s10] =	ssyncadd.s32 $0xFFFFD800  }
0xb6: {  	[spmem:s3] =	stream.indirect.scatter.add.f32 [tilespmem:s7], [sflag:$0x4], $0x80, s29, s6, $0xb8;
	[tilespmem:$0x1FF80] =	vst v63  }
0xb7: {  	_ =	swait.ge [sflag:s16], $0x2800  }
0xb8: {  	[sflag:s16] =	ssyncset.done $0x0  }
0xb9: {  	[sflag:s16] =	ssyncadd.s32 $0xFFFFD800  }
0xba: {  	_ =	swait.ge [sflag:s12], $0x2800  }
0xbb: {  	[sflag:s12] =	ssyncset.done $0x0  }
0xbc: {  	s28 =	simm.s32 $0x186C0;
	[sflag:s12] =	ssyncadd.s32 $0xFFFFD800  }
0xbd: {  	[spmem:s3] =	stream.indirect.scatter.add.f32 [tilespmem:s8], [sflag:$0x5], $0x80, s28, s6, $0xb8;
	[tilespmem:$0x1FF80] =	vst v63  }
0xbe: {  	_ =	swait.ge [sflag:s13], $0x2800  }
0xbf: {  	[sflag:s13] =	ssyncset.done $0x0  }
0xc0: {  	[sflag:s13] =	ssyncadd.s32 $0xFFFFD800  }
0xc1: {  	_ =	swait.ge [sflag:s15], $0x2800  }
0xc2: {  	[sflag:s15] =	ssyncset.done $0x0  }
0xc3: {  	[sflag:s15] =	ssyncadd.s32 $0xFFFFD800  }
0xc4: {  	[bflag:$0x0] =	sbarrier.arrive $0xFFFF  }
0xc5: {  	s29 =	rddreg [dreg:$0x4]  }
0xc6: {  	[hbm:s29], [sflag:s18] =	dma.local [spmem:s19], $0x500  }
0xc7: {  	s0 =	rddreg [dreg:$0x5]  }
0xc8: {  	[hbm:s0], [sflag:s18] =	dma.local [spmem:s20], $0x500  }
0xc9: {  	s0 =	rddreg [dreg:$0x6]  }
0xca: {  	[hbm:s0], [sflag:s18] =	dma.local [spmem:s21], $0x500  }
0xcb: {  	s0 =	rddreg [dreg:$0x7]  }
0xcc: {  	[hbm:s0], [sflag:s18] =	dma.local [spmem:s22], $0x500  }
0xcd: {  	s0 =	rddreg [dreg:$0x8]  }
0xce: {  	[hbm:s0], [sflag:s18] =	dma.local [spmem:s23], $0x500  }
0xcf: {  	s0 =	rddreg [dreg:$0x9]  }
0xd0: {  	[hbm:s0], [sflag:s18] =	dma.local [spmem:s24], $0x500  }
0xd1: {  	s0 =	rddreg [dreg:$0xa]  }
0xd2: {  	[hbm:s0], [sflag:s18] =	dma.local [spmem:s25], $0x500  }
0xd3: {  	s0 =	rddreg [dreg:$0xb]  }
0xd4: {  	[hbm:s0], [sflag:s18] =	dma.local @!p0 [spmem:s26], $0x500  }
0xd5: {  	_ =	swait.ge [sflag:s9], $0x500  }
0xd6: {  	[sflag:s9] =	ssyncset.done $0x0  }
0xd7: {  	[sflag:s9] =	ssyncadd.s32 $0xFFFFFB00  }
0xd8: {  	_ =	swait.ge [sflag:s9], $0x500  }
0xd9: {  	[sflag:s9] =	ssyncset.done $0x0  }
0xda: {  	[sflag:s9] =	ssyncadd.s32 $0xFFFFFB00  }
0xdb: {  	_ =	swait.ge [sflag:s9], $0x500  }
0xdc: {  	[sflag:s9] =	ssyncset.done $0x0  }
0xdd: {  	[sflag:s9] =	ssyncadd.s32 $0xFFFFFB00  }
0xde: {  	_ =	swait.ge [sflag:s9], $0x500  }
0xdf: {  	[sflag:s9] =	ssyncset.done $0x0  }
0xe0: {  	[sflag:s9] =	ssyncadd.s32 $0xFFFFFB00  }
0xe1: {  	_ =	swait.ge [sflag:s9], $0x500  }
0xe2: {  	[sflag:s9] =	ssyncset.done $0x0  }
0xe3: {  	[sflag:s9] =	ssyncadd.s32 $0xFFFFFB00  }
0xe4: {  	_ =	swait.ge [sflag:s9], $0x500  }
0xe5: {  	[sflag:s9] =	ssyncset.done $0x0  }
0xe6: {  	s17 =	sadd.s32 $0x1, s17;
	[sflag:s9] =	ssyncadd.s32 $0xFFFFFB00  }
0xe7: {  	p1 =	sne.s32 s17, s2;
	_ =	swait.ge [sflag:s9], $0x500  }
.Ltmp1:
0xe8: {  	[sflag:s9] =	ssyncset.done $0x0;
	(pc) =	sbr.rel @p1 .LBB2_1-.Ltmp1, $4  }
0xe9: {  	s0 =	simm.s32 @!p0 $0x7;
	[sflag:s9] =	ssyncadd.s32 $0xFFFFFB00  }
0xea: {  	_ =	swait.ge @!p0 [sflag:s0], $0x500  }
0xeb: {  	[sflag:s0] =	ssyncset.done @!p0 $0x0  }
0xec: {  	[sflag:s0] =	ssyncadd.s32 @!p0 $0xFFFFFB00  }
0xed: {  	_ =	sfence.sel $0x180000  }
0xee: {  	[bflag:$0x0] =	sbarrier.arrive $0xFFFF  }
0xef: {  	_ =	strace $0x9000004A  }
0xf0: {  	s0 =	stileid.u32;
	[bflag:$0x2] =	sbarrier.arrive $0xFFFF  }
0xf1: {  	p0 =	sne.s32 s0, $0x0;
	s0 =	rddreg [dreg:$0x3]  }
0xf2: {  	s0 =	sadd.s32 @!p0 $0x100000, s0  }
0xf3: {  	[sflag:s0] =	ssyncadd.tile.s32 @!p0 $0x1;
	_ =	shalt  }
.Lfunc_end2:
_tile_overlayer_lowered:
.L_overlay_start_2:
0xf4: {  	(tag) =	ssettag $0x2  }
0xf5: {  	s0 =	rddreg [dreg:$0x0];
	s2 =	stileid.u32  }
0xf6: {  	s1 =	rddreg [dreg:$0x1];
	p0 =	sne.s32 s2, $0x0  }
0xf7: {  	s3 =	rddreg [dreg:$0x2];
	[bflag:$0x3] =	sbarrier.arrive $0xFFFF;
	s2 =	simm.s32 @!p0 $0x1C08  }
0xf8: {  	[timem:s3], [sflag:s2] =	dma.local @!p0 [hbm:s0], s1  }
0xf9: {  	s0 =	simm.s32 @!p0 $0x8  }
0xfa: {  	_ =	swait.ge @!p0 [sflag:s0], s1  }
0xfb: {  	s1 =	ssub.s32 @!p0 $0x0, s1;
	[sflag:s0] =	ssyncset.done @!p0 $0x0  }
0xfc: {  	[sflag:s0] =	ssyncadd.s32 @!p0 s1  }
0xfd: {  	[bflag:$0x3] =	sbarrier.arrive $0xFFFF  }
0xfe: {  	_ =	shalt  }

// kernel: sc_gcn_aggregate.8.cloned.1.call-start
scs
__scs_entry_jumppad:
0x0: {  	(pc) =	sbr.rel $0x88, $3  }
0x1: {  	(tag) =	ssettag $0x0;
	lr =	simm.s32 $0x1  }
0x2: {  	[smem:$0x3F91] =	sst lr;
	_ =	strace $0xD0000000  }
0x3: {  	_ = 	snop  }
0x4: {  	_ = 	snop  }
0x5: {  	_ = 	snop  }
0x6: {  	_ = 	snop  }
0x7: {  	_ = 	snop  }
__scs_overlays_trampoline_lowered:
0x8: {  	[smem:$0x3FA0] =	sst s0  }
0x9: {  	[smem:$0x3FA1] =	sst s1  }
0xa: {  	[smem:$0x3FA2] =	sst s2  }
0xb: {  	[smem:$0x3FA3] =	sst s3  }
0xc: {  	[smem:$0x3FA4] =	sst s4  }
0xd: {  	[smem:$0x3FA5] =	sst s5  }
0xe: {  	[smem:$0x3FA6] =	sst s6  }
0xf: {  	[smem:$0x3FA7] =	sst s7  }
0x10: {  	[smem:$0x3FA8] =	sst s8  }
0x11: {  	[smem:$0x3FA9] =	sst s9;
	s0 =	simm.s32 @!p0 $0x0  }
0x12: {  	s1 =	sld [smem:$0x3F8F];
	s0 =	simm.s32 @p0 $0x1  }
0x13: {  	[smem:$0x3FAA] =	sst s0;
	s0 =	simm.s32 @!p1 $0x0  }
0x14: {  	s2 =	sld [smem:$0x3F8E];
	s0 =	simm.s32 @p1 $0x1  }
0x15: {  	[smem:$0x3FAB] =	sst s0;
	s0 =	simm.s32 @!p2 $0x0  }
0x16: {  	s3 =	sld [smem:$0x3FDB];
	s0 =	simm.s32 @p2 $0x1  }
0x17: {  	s4 =	simm.s32 $0x1BF5;
	[smem:$0x3FAD] =	sst s0  }
0x18: {  	s0 =	sld [smem:$0x3F90];
	_ =	swait.ge [sflag:s4], $0x0  }
0x19: {  	s7 =	sld [smem:$0x3F91]  }
0x1a: {  	s8 =	sadd.s32 $0xFFFFE003, lr  }
0x1b: {  	s9 =	sadd.s32 $0xFFFFFEF7, lr;
	s5 =	simm.s32 $0xFFFFFFFF;
	p2 =	slt.u32 s8, $0xFFFFF086  }
0x1c: {  	p1 =	slt.u32 s9, $0xF7A;
	s5 =	simm.s32 @!p2 $0x0  }
0x1d: {  	s5 =	simm.s32 @p1 $0x1;
	p0 =	seq.s32 s7, s2  }
0x1e: {  	s7 =	smul.u32 @!p0 $0xF7A, s2;
	p2 =	seq.s32 @!p0 s5, $0x0  }
0x1f: {  	s9 =	smul.u32 $0xF7A, s1;
	s8 =	simm.s32 @!p0 $0x1BF5;
	p2 =	por !p2, p0  }
0x20: {  	[sflag:s8] =	ssyncset.s32 @!p0 $0xFFFFF086;
	s6 =	sadd.s32 @!p0 s3, s7;
	s7 =	simm.s32 @!p0 $0x108  }
0x21: {  	s3 =	sadd.s32 s3, s9;
	s6 =	sadd.s32 @!p0 $0x88, s6;
	s7 =	simm.s32 @p2 $0x1082  }
0x22: {  	[simem:s7], [sflag:s8] =	dma.local @!p0 [hbm:s6], $0xF7A  }
0x23: {  	s9 =	sor.u32 $0xD0000000, s2;
	s6 =	simm.s32 $0x108;
	_ =	swait.ge @!p0 [sflag:s8], $0x0  }
0x24: {  	s3 =	sadd.s32 $0x88, s3;
	s6 =	simm.s32 @!p1 $0x1082;
	[sflag:s4] =	ssyncset.s32 $0xFFFFF086  }
0x25: {  	[simem:s6], [sflag:s4] =	dma.local [hbm:s3], $0xF7A  }
0x26: {  	[smem:$0x3F91] =	sst s1;
	(tag) =	ssettag s2;
	_ =	strace s9  }
0x27: {  	s1 =	sld [smem:$0x3FA1]  }
0x28: {  	s2 =	sld [smem:$0x3FA2]  }
0x29: {  	s4 =	sld [smem:$0x3FA4]  }
0x2a: {  	p0 =	seq.s32 s5, $0x0;
	s5 =	sld [smem:$0x3FA5]  }
0x2b: {  	s6 =	sld [smem:$0x3FA6]  }
0x2c: {  	s7 =	sld [smem:$0x3FA7]  }
0x2d: {  	s3 =	simm.s32 $0x108;
	s8 =	sld [smem:$0x3FA8]  }
0x2e: {  	s3 =	simm.s32 @!p0 $0x1082;
	s9 =	sld [smem:$0x3FA9]  }
0x2f: {  	lr =	sadd.s32 s0, s3;
	s0 =	sld [smem:$0x3FA0]  }
0x30: {  	s3 =	sld [smem:$0x3FA3]  }
0x31: {  	[smem:$0x3FAC] =	sst s10  }
0x32: {  	s10 =	sld [smem:$0x3FAA];
	_ =	sdelay $0x3  }
0x33: {  	p0 =	seq.s32 s10, $0x1;
	s10 =	sld [smem:$0x3FAC];
	_ =	sdelay $0x3  }
0x34: {  	[smem:$0x3FAC] =	sst s10  }
0x35: {  	s10 =	sld [smem:$0x3FAB];
	_ =	sdelay $0x3  }
0x36: {  	p1 =	seq.s32 s10, $0x1;
	s10 =	sld [smem:$0x3FAC];
	_ =	sdelay $0x3  }
0x37: {  	[smem:$0x3FAC] =	sst s10  }
0x38: {  	s10 =	sld [smem:$0x3FAD]  }
0x39: {  	_ = 	snop;
	(pc) =	sbr.ind lr, $3  }
0x3a: {  	_ = 	snop  }
0x3b: {  	_ = 	snop  }
0x3c: {  	p2 =	seq.s32 s10, $0x1;
	s10 =	sld [smem:$0x3FAC]  }
0x3d: {  	_ =	shalt  }
0x3e: {  	_ =	shalt  }
0x3f: {  	_ =	shalt  }
0x40: {  	_ =	shalt  }
0x41: {  	_ =	shalt  }
0x42: {  	_ =	shalt  }
0x43: {  	_ =	shalt  }
0x44: {  	_ =	shalt  }
0x45: {  	_ =	shalt  }
0x46: {  	_ =	shalt  }
0x47: {  	_ =	shalt  }
0x48: {  	_ =	shalt  }
0x49: {  	_ =	shalt  }
0x4a: {  	_ =	shalt  }
0x4b: {  	_ =	shalt  }
0x4c: {  	_ =	shalt  }
0x4d: {  	_ =	shalt  }
0x4e: {  	_ =	shalt  }
0x4f: {  	_ =	shalt  }
0x50: {  	_ =	shalt  }
0x51: {  	_ =	shalt  }
0x52: {  	_ =	shalt  }
0x53: {  	_ =	shalt  }
0x54: {  	_ =	shalt  }
0x55: {  	_ =	shalt  }
0x56: {  	_ =	shalt  }
0x57: {  	_ =	shalt  }
0x58: {  	_ =	shalt  }
0x59: {  	_ =	shalt  }
0x5a: {  	_ =	shalt  }
0x5b: {  	_ =	shalt  }
0x5c: {  	_ =	shalt  }
0x5d: {  	_ =	shalt  }
0x5e: {  	_ =	shalt  }
0x5f: {  	_ =	shalt  }
0x60: {  	_ =	shalt  }
0x61: {  	_ =	shalt  }
0x62: {  	_ =	shalt  }
0x63: {  	_ =	shalt  }
0x64: {  	_ =	shalt  }
0x65: {  	_ =	shalt  }
0x66: {  	_ =	shalt  }
0x67: {  	_ =	shalt  }
0x68: {  	_ =	shalt  }
0x69: {  	_ =	shalt  }
0x6a: {  	_ =	shalt  }
0x6b: {  	_ =	shalt  }
0x6c: {  	_ =	shalt  }
0x6d: {  	_ =	shalt  }
0x6e: {  	_ =	shalt  }
0x6f: {  	_ =	shalt  }
0x70: {  	_ =	shalt  }
0x71: {  	_ =	shalt  }
0x72: {  	_ =	shalt  }
0x73: {  	_ =	shalt  }
0x74: {  	_ =	shalt  }
0x75: {  	_ =	shalt  }
0x76: {  	_ =	shalt  }
0x77: {  	_ =	shalt  }
0x78: {  	_ =	shalt  }
0x79: {  	_ =	shalt  }
0x7a: {  	_ =	shalt  }
0x7b: {  	_ =	shalt  }
0x7c: {  	_ =	shalt  }
0x7d: {  	_ =	shalt  }
0x7e: {  	_ =	shalt  }
0x7f: {  	_ =	shalt  }
0x80: {  	_ =	shalt  }
0x81: {  	_ =	shalt  }
0x82: {  	_ =	shalt  }
0x83: {  	_ =	shalt  }
0x84: {  	_ =	shalt  }
0x85: {  	_ =	shalt  }
0x86: {  	_ =	shalt  }
0x87: {  	_ =	shalt  }
.Lfunc_end0:
.L_simem_size_0:
called_computation.2_lowered:
.L_overlay_start_0:
0x88: {  	s2 =	sld [smem:$0x3FD9]  }
0x89: {  	s3 =	sld [smem:$0x3FFE];
	_ =	sdelay $0x1  }
0x8a: {  	s1 =	srdreg.scid  }
0x8b: {  	s0 =	sand.u32 $0x1, s1  }
0x8c: {  	s17 =	sshll.u32 s0, $0xA;
	s2 =	sadd.s32 s3, s2  }
0x8d: {  	s2 =	sadd.s32 s2, s17  }
0x8e: {  	[smem:$0x3FB8] =	sst s2  }
0x8f: {  	_ = 	snop  }
0x90: {  	s2 =	sld [smem:$0x3FD0];
	(tm) =	ssettm $0x1  }
0x91: {  	s18 =	sld [smem:$0x3FFB];
	_ =	sdelay $0x3  }
0x92: {  	_ =	strace s18  }
0x93: {  	s3 =	sld [smem:$0x3FFC];
	_ =	sdelay $0x3  }
0x94: {  	_ =	strace s3  }
0x95: {  	s3 =	sld [smem:$0x3FFD];
	_ =	sdelay $0x3  }
0x96: {  	_ =	strace s3  }
0x97: {  	_ =	strace $0x8FFFFFFF  }
0x98: {  	s19 =	sld [smem:$0x3FDB];
	_ =	sdelay $0x1  }
0x99: {  	s4 =	simm.s32 $_scs_section_size  }
0x9a: {  	s5 =	simm.s32 $_size__tile_overlayer_lowered;
	s6 =	simm.s32 $_tile_overlayer_lowered  }
0x9b: {  	s22 =	simm.s32 $0x1BFF;
	s21 =	sshll.u32 s6, $0x1;
	s3 =	sadd.s32 s4, s19  }
0x9c: {  	s7 =	simm.s32 $0x0;
	s20 =	sshll.u32 s5, $0x1;
	s5 =	sadd.s32 s21, s3  }
0x9d: {  	[timem:s7], [sflag:s22] =	dma.local [hbm:s5], s20  }
0x9e: {  	_ =	swait.ge [sflag:s22], s20  }
0x9f: {  	s4 =	ssub.s32 $0x0, s20;
	[sflag:s22] =	ssyncset.done $0x0  }
0xa0: {  	[sflag:s22] =	ssyncadd.s32 s4;
	_ =	sdelay $0x1  }
0xa1: {  	s23 =	simm.s32 $0x1B8B  }
0xa2: {  	_ =	swait.ge [sflag:s23], $0x1  }
0xa3: {  	[sflag:s23] =	ssyncset.done $0x0  }
0xa4: {  	s25 =	simm.s32 $0x1B8E;
	s24 =	sld [smem:$0x3FFE];
	[sflag:s23] =	ssyncadd.s32 $0xFFFFFFFF  }
0xa5: {  	s26 =	simm.s32 $execute0_lowered;
	[smem:$0x3FD2] =	sst s25  }
0xa6: {  	s5 =	sshll.u32 s26, $0x1;
	_ =	strace $0x8000004C;
	[dreg:$0x1] =	wrdreg $0xFFFFFFFF  }
0xa7: {  	s28 =	simm.s32 $_size_execute0_lowered;
	s3 =	sadd.s32 s3, s5;
	[dreg:$0x0] =	wrdreg $0x0  }
0xa8: {  	s5 =	sshll.u32 s28, $0x1;
	[dreg:$0x2] =	wrdreg s3  }
0xa9: {  	[dreg:$0x3] =	wrdreg s5  }
0xaa: {  	[dreg:$0x4] =	wrdreg $0xC0  }
0xab: {  	_ =	task [dreg:s7], $0x5FFFF  }
0xac: {  	[dreg:$0x1] =	wrdreg $0xFFFFFFFF  }
0xad: {  	[dreg:$0x0] =	wrdreg $0x60  }
0xae: {  	[dreg:$0x2] =	wrdreg s2  }
0xaf: {  	[dreg:$0x3] =	wrdreg s24  }
0xb0: {  	[dreg:$0x4] =	wrdreg $0x0  }
0xb1: {  	[dreg:$0x5] =	wrdreg $0x9  }
0xb2: {  	_ =	task.clear_ibuf [dreg:s7], $0x6FFFF;
	_ =	strace $0x9000004C  }
0xb3: {  	s29 =	simm.s32 $0x9;
	_ =	strace $0x8000004E  }
0xb4: {  	_ =	swait.ge [sflag:s29], $0x1  }
0xb5: {  	[sflag:s29] =	ssyncadd.s32 $0xFFFFFFFF  }
0xb6: {  	_ =	strace $0x9000004E  }
0xb7: {  	_ =	sfence  }
0xb8: {  	s30 =	sld [smem:$0x0];
	_ =	sdelay $0x2  }
0xb9: {  	s31 =	sshll.u32 s1, $0xD;
	s1 =	sshrl.u32 s1, $0x2  }
0xba: {  	s3 =	sand.u32 $0x4000, s31;
	s1 =	sadd.s32 s1, s30  }
0xbb: {  	s0 =	sor.u32 s3, s0;
	s1 =	sshll.u32 s1, $0x11  }
0xbc: {  	s0 =	sor.u32 s1, s0  }
0xbd: {  	s0 =	sadd.s32 $0x8F2B, s0  }
0xbe: {  	[sflag:s0] =	ssyncadd.remote.s32 $0x1  }
0xbf: {  	_ =	sfence.sel $0xFFFF  }
0xc0: {  	[dreg:$0x0] =	wrdreg $0xFFFFFFFF;
	(pc) =	sbr.abs _section_cstart, $3  }
0xc1: {  	[dreg:$0x1] =	wrdreg $0xFFFFFFFF  }
0xc2: {  	_ =	task.clear_ibuf [dreg:s7], $0x2FFFF;
	_ =	strace $0x9FFFFFFF  }
0xc3: {  	(tm) =	ssettm $0x7FFFFFFF  }
tec
execute0_lowered:
.L_overlay_start_1:
0x0: {  	(tag) =	ssettag $0x1  }
0x1: {  	s23 =	stileid.u32  }
0x2: {  	s5 =	smul.u32 $0xA000, s23  }
0x3: {  	s0 =	srdreg.scid;
	s6 =	sor.u32 $0x10, s23;
	s10 =	smul.u32 $0x2800, s23  }
0x4: {  	s4 =	rddreg [dreg:$0x1];
	s7 =	smul.u32 $0xA000, s6  }
0x5: {  	s3 =	rddreg [dreg:$0x2];
	s0 =	sand.u32 $0x1, s0;
	s8 =	smul.u32 $0x500, s6  }
0x6: {  	s9 =	simm.s32 $0x0;
	s1 =	sshll.u32 s23, $0x1;
	s26 =	smul.u32 $0x138800, s0  }
0x7: {  	[smem:$0x7FF] =	sst s9;
	s11 =	sor.u32 $0x20, s23;
	s6 =	smul.u32 $0x2800, s6  }
0x8: {  	s12 =	sor.u32 $0x30, s23;
	s15 =	sor.u32 $0x40, s23;
	s13 =	smul.u32 $0x2800, s11  }
0x9: {  	s18 =	sor.u32 $0x60, s23;
	s19 =	sor.u32 $0x70, s23;
	s16 =	smul.u32 $0x2800, s12  }
0xa: {  	p0 =	sgt.u32 s23, $0xC;
	s2 =	sor.u32 s0, s1;
	s17 =	smul.u32 $0x2800, s15  }
0xb: {  	s1 =	rddreg [dreg:$0x0];
	s0 =	ssub.s32 $0x2, s0;
	s21 =	smul.u32 $0x2800, s18  }
0xc: {  	_ =	strace $0x8000004D;
	s22 =	smul.u32 $0x2800, s19;
	s14 =	sshrl.u32 s0, $0x1  }
0xd: {  	s2 =	smul.u32 $0x4E2, s2;
	s0 =	ssub.s32 s0, s14;
	s14 =	sor.u32 $0x50, s23  }
0xe: {  	s10 =	sadd.s32 s10, s26;
	s6 =	sadd.s32 s26, s6;
	s13 =	sadd.s32 s26, s13  }
0xf: {  	s16 =	sadd.s32 s26, s16;
	s9 =	sadd.s32 s26, s22;
	s22 =	smul.u32 $0xA000, s11  }
0x10: {  	s17 =	sadd.s32 s26, s17;
	s21 =	sadd.s32 s26, s21;
	s11 =	smul.u32 $0x500, s11  }
0x11: {  	s2 =	sadd.s32 s2, s4;
	s4 =	sadd.s32 $0x17C00, s4;
	s20 =	smul.u32 $0x2800, s14  }
0x12: {  	s10 =	sshrl.u32 s10, $0x3;
	s6 =	sshrl.u32 s6, $0x3;
	s28 =	sshrl.u32 s13, $0x3  }
0x13: {  	s29 =	sshrl.u32 s16, $0x3;
	s16 =	sshrl.u32 s17, $0x3;
	s10 =	sadd.s32 s4, s10  }
0x14: {  	s24 =	sshrl.u32 s9, $0x3;
	s6 =	sadd.s32 s4, s6;
	[dreg:$0x4] =	wrdreg s10  }
0x15: {  	s9 =	smul.u32 $0xA000, s15;
	s13 =	sadd.s32 s4, s29;
	[dreg:$0x5] =	wrdreg s6  }
0x16: {  	s25 =	sadd.s32 $0x4000, s2;
	s2 =	sadd.s32 $0xDE00, s2;
	[dreg:$0x7] =	wrdreg s13  }
0x17: {  	s29 =	smul.u32 $0xA000, s12;
	s20 =	sadd.s32 s26, s20;
	[dreg:$0xc] =	wrdreg s25  }
0x18: {  	s6 =	sadd.s32 s4, s28;
	s26 =	smul.u32 $0x500, s23;
	[dreg:$0xd] =	wrdreg s2  }
0x19: {  	s28 =	sshrl.u32 s5, $0x2;
	s10 =	sadd.s32 s1, s8;
	s13 =	smul.u32 $0x500, s15  }
0x1a: {  	s25 =	smul.u32 $0xA000, s19;
	s5 =	simm.s32 $0x16000;
	s8 =	simm.s32 $0x1AF80  }
0x1b: {  	[dreg:$0x6] =	wrdreg s6;
	s6 =	sadd.s32 s4, s16;
	s17 =	sshrl.u32 s20, $0x3  }
0x1c: {  	s20 =	sshrl.u32 s21, $0x3;
	s2 =	sadd.s32 s28, s3;
	s16 =	smul.u32 $0xA000, s14  }
0x1d: {  	[dreg:$0x11] =	wrdreg s10;
	s15 =	sshrl.u32 s29, $0x2;
	s28 =	smul.u32 $0x500, s19  }
0x1e: {  	s10 =	simm.s32 $0x1;
	[dreg:$0x8] =	wrdreg s6;
	s6 =	sadd.s32 s4, s17  }
0x1f: {  	s21 =	sadd.s32 s4, s20;
	s4 =	sadd.s32 s4, s24;
	[dreg:$0xe] =	wrdreg s2  }
0x20: {  	s17 =	sadd.s32 s1, s11;
	s20 =	smul.u32 $0x500, s14;
	[dreg:$0x9] =	wrdreg s6  }
0x21: {  	s24 =	smul.u32 $0x500, s18;
	s11 =	simm.s32 $0x1D780;
	[dreg:$0xa] =	wrdreg s21  }
0x22: {  	s14 =	simm.s32 $0x3;
	[dreg:$0xb] =	wrdreg s4;
	s6 =	sshrl.u32 s7, $0x2  }
0x23: {  	s7 =	smul.u32 $0x500, s12;
	s4 =	sadd.s32 s1, s26;
	s12 =	sshrl.u32 s22, $0x2  }
0x24: {  	[dreg:$0x13] =	wrdreg s17;
	s21 =	smul.u32 $0xA000, s18;
	s22 =	sshrl.u32 s16, $0x2  }
0x25: {  	s31 =	sadd.s32 s1, s28;
	[dreg:$0xf] =	wrdreg s4;
	s2 =	sadd.s32 s6, s3  }
0x26: {  	s16 =	simm.s32 $0x6;
	s4 =	sadd.s32 s12, s3;
	[dreg:$0x10] =	wrdreg s2  }
0x27: {  	s17 =	simm.s32 $0x0;
	s29 =	sadd.s32 s1, s24;
	[dreg:$0x12] =	wrdreg s4  }
0x28: {  	s12 =	simm.s32 $0x2;
	s4 =	sadd.s32 s15, s3;
	[dreg:$0x1b] =	wrdreg s29  }
0x29: {  	s6 =	sadd.s32 s1, s7;
	s2 =	sshrl.u32 s9, $0x2;
	[dreg:$0x14] =	wrdreg s4  }
0x2a: {  	s7 =	sadd.s32 s1, s13;
	s26 =	sshrl.u32 s21, $0x2;
	[dreg:$0x15] =	wrdreg s6  }
0x2b: {  	s9 =	simm.s32 $0x7;
	s2 =	sadd.s32 s2, s3;
	[dreg:$0x17] =	wrdreg s7  }
0x2c: {  	s13 =	simm.s32 $0x4;
	s4 =	sadd.s32 s1, s20;
	[dreg:$0x16] =	wrdreg s2  }
0x2d: {  	s15 =	simm.s32 $0x5;
	s2 =	sadd.s32 s22, s3;
	[dreg:$0x19] =	wrdreg s4  }
0x2e: {  	s6 =	simm.s32 $0x50;
	s4 =	sadd.s32 s26, s3;
	[dreg:$0x18] =	wrdreg s2  }
0x2f: {  	s7 =	simm.s32 $0x18780;
	[dreg:$0x1a] =	wrdreg s4;
	s2 =	sshrl.u32 s25, $0x2  }
0x30: {  	s4 =	simm.s32 $0x8;
	s30 =	sadd.s32 s2, s3;
	s2 =	smax.u32 s0, $0x1  }
.LBB2_1:
0x31: {  	s0 =	simm.s32 $0x0;
	s18 =	rddreg [dreg:$0xc];
	s19 =	simm.s32 $0x13880  }
0x32: {  	[tilespmem:s19], [sflag:$0x8] =	stream.linear.gather [hbm4b:s18+s0], $0x2710, $0x38;
	[tilespmem:$0x1FF80] =	vst v63  }
0x33: {  	_ =	swait.ge [sflag:s4], $0x2710  }
0x34: {  	[sflag:s4] =	ssyncset.done $0x0  }
0x35: {  	s24 =	rddreg [dreg:$0xd];
	[sflag:s4] =	ssyncadd.s32 $0xFFFFD8F0  }
0x36: {  	[tilespmem:s5], [sflag:$0x8] =	stream.linear.gather [hbm4b:s24+s0], $0x2710, $0x38;
	[tilespmem:$0x1FF80] =	vst v63  }
0x37: {  	_ =	swait.ge [sflag:s4], $0x2710  }
0x38: {  	[sflag:s4] =	ssyncset.done $0x0  }
0x39: {  	s26 =	stileid.u32;
	[sflag:s4] =	ssyncadd.s32 $0xFFFFD8F0  }
0x3a: {  	[tilespmem:s7], [sflag:$0x1] =	stream.indirect.gather [hbm4b:s1+s6], $0x80, s19, s6, $0xb8;
	[tilespmem:$0x1FF80] =	vst v63  }
0x3b: {  	s25 =	simm.s32 $0x138D0;
	s0 =	sshll.u32 s26, $0x6;
	s19 =	rddreg [dreg:$0xe]  }
0x3c: {  	s18 =	sor.u32 $0x1C07, s0;
	s20 =	rddreg [dreg:$0xf];
	s19 =	sshrl.u32 s19, $0x3  }
0x3d: {  	[tilespmem:s8], [sflag:$0x2] =	stream.indirect.gather [hbm4b:s1+s6], $0x80, s25, s6, $0xb8;
	[tilespmem:$0x1FF80] =	vst v63  }
0x3e: {  	[spmem:s19], [sflag:s18] =	dma.local [hbm:s20], $0x500  }
0x3f: {  	s0 =	rddreg [dreg:$0x10]  }
0x40: {  	s21 =	rddreg [dreg:$0x11];
	s20 =	sshrl.u32 s0, $0x3  }
0x41: {  	[spmem:s20], [sflag:s18] =	dma.local [hbm:s21], $0x500  }
0x42: {  	s0 =	rddreg [dreg:$0x12]  }
0x43: {  	s22 =	rddreg [dreg:$0x13];
	s21 =	sshrl.u32 s0, $0x3  }
0x44: {  	[spmem:s21], [sflag:s18] =	dma.local [hbm:s22], $0x500  }
0x45: {  	s0 =	rddreg [dreg:$0x14]  }
0x46: {  	s23 =	rddreg [dreg:$0x15];
	s22 =	sshrl.u32 s0, $0x3  }
0x47: {  	[spmem:s22], [sflag:s18] =	dma.local [hbm:s23], $0x500  }
0x48: {  	s0 =	rddreg [dreg:$0x16]  }
0x49: {  	s24 =	rddreg [dreg:$0x17];
	s23 =	sshrl.u32 s0, $0x3  }
0x4a: {  	[spmem:s23], [sflag:s18] =	dma.local [hbm:s24], $0x500  }
0x4b: {  	s0 =	rddreg [dreg:$0x18]  }
0x4c: {  	s25 =	rddreg [dreg:$0x19];
	s24 =	sshrl.u32 s0, $0x3  }
0x4d: {  	[spmem:s24], [sflag:s18] =	dma.local [hbm:s25], $0x500  }
0x4e: {  	s0 =	rddreg [dreg:$0x1a]  }
0x4f: {  	s26 =	rddreg [dreg:$0x1b];
	s25 =	sshrl.u32 s0, $0x3  }
0x50: {  	[spmem:s25], [sflag:s18] =	dma.local [hbm:s26], $0x500  }
0x51: {  	s26 =	sshrl.u32 @!p0 s30, $0x3  }
0x52: {  	[spmem:s26], [sflag:s18] =	dma.local @!p0 [hbm:s31], $0x500  }
0x53: {  	_ =	swait.ge [sflag:s9], $0x500  }
0x54: {  	[sflag:s9] =	ssyncset.done $0x0  }
0x55: {  	[sflag:s9] =	ssyncadd.s32 $0xFFFFFB00  }
0x56: {  	_ =	swait.ge [sflag:s9], $0x500  }
0x57: {  	[sflag:s9] =	ssyncset.done $0x0  }
0x58: {  	[sflag:s9] =	ssyncadd.s32 $0xFFFFFB00  }
0x59: {  	_ =	swait.ge [sflag:s9], $0x500  }
0x5a: {  	[sflag:s9] =	ssyncset.done $0x0  }
0x5b: {  	[sflag:s9] =	ssyncadd.s32 $0xFFFFFB00  }
0x5c: {  	_ =	swait.ge [sflag:s9], $0x500  }
0x5d: {  	[sflag:s9] =	ssyncset.done $0x0  }
0x5e: {  	[sflag:s9] =	ssyncadd.s32 $0xFFFFFB00  }
0x5f: {  	_ =	swait.ge [sflag:s9], $0x500  }
0x60: {  	[sflag:s9] =	ssyncset.done $0x0  }
0x61: {  	[sflag:s9] =	ssyncadd.s32 $0xFFFFFB00  }
0x62: {  	_ =	swait.ge [sflag:s9], $0x500  }
0x63: {  	[sflag:s9] =	ssyncset.done $0x0  }
0x64: {  	[sflag:s9] =	ssyncadd.s32 $0xFFFFFB00  }
0x65: {  	_ =	swait.ge [sflag:s9], $0x500  }
0x66: {  	[sflag:s9] =	ssyncset.done $0x0  }
0x67: {  	s28 =	simm.s32 @!p0 $0x7;
	[sflag:s9] =	ssyncadd.s32 $0xFFFFFB00  }
0x68: {  	_ =	swait.ge @!p0 [sflag:s28], $0x500  }
0x69: {  	[sflag:s28] =	ssyncset.done @!p0 $0x0  }
0x6a: {  	[sflag:s28] =	ssyncadd.s32 @!p0 $0xFFFFFB00  }
0x6b: {  	[bflag:$0x0] =	sbarrier.arrive $0xFFFF  }
0x6c: {  	_ =	swait.ge [sflag:s10], $0x2800  }
0x6d: {  	[sflag:s10] =	ssyncset.done $0x0  }
0x6e: {  	[sflag:s10] =	ssyncadd.s32 $0xFFFFD800  }
0x6f: {  	[spmem:s3] =	stream.indirect.scatter.add.f32 [tilespmem:s7], [sflag:$0x4], $0x80, s5, s6, $0xb8;
	[tilespmem:$0x1FF80] =	vst v63  }
0x70: {  	s0 =	simm.s32 $0x13920  }
0x71: {  	[tilespmem:s11], [sflag:$0x3] =	stream.indirect.gather [hbm4b:s1+s6], $0x80, s0, s6, $0xb8;
	[tilespmem:$0x1FF80] =	vst v63  }
0x72: {  	_ =	swait.ge [sflag:s12], $0x2800  }
0x73: {  	[sflag:s12] =	ssyncset.done $0x0  }
0x74: {  	s0 =	simm.s32 $0x16050;
	[sflag:s12] =	ssyncadd.s32 $0xFFFFD800  }
0x75: {  	[spmem:s3] =	stream.indirect.scatter.add.f32 [tilespmem:s8], [sflag:$0x5], $0x80, s0, s6, $0xb8;
	[tilespmem:$0x1FF80] =	vst v63  }
0x76: {  	_ =	swait.ge [sflag:s13], $0x2800  }
0x77: {  	[sflag:s13] =	ssyncset.done $0x0  }
0x78: {  	s0 =	simm.s32 $0x13970;
	[sflag:s13] =	ssyncadd.s32 $0xFFFFD800  }
0x79: {  	[tilespmem:s7], [sflag:$0x1] =	stream.indirect.gather [hbm4b:s1+s6], $0x80, s0, s6, $0xb8;
	[tilespmem:$0x1FF80] =	vst v63  }
0x7a: {  	_ =	swait.ge [sflag:s14], $0x2800  }
0x7b: {  	[sflag:s14] =	ssyncset.done $0x0  }
0x7c: {  	s28 =	simm.s32 $0x160A0;
	[sflag:s14] =	ssyncadd.s32 $0xFFFFD800  }
0x7d: {  	[spmem:s3] =	stream.indirect.scatter.add.f32 [tilespmem:s11], [sflag:$0x6], $0x80, s28, s6, $0xb8;
	[tilespmem:$0x1FF80] =	vst v63  }
0x7e: {  	_ =	swait.ge [sflag:s15], $0x2800  }
0x7f: {  	[sflag:s15] =	ssyncset.done $0x0  }
0x80: {  	s28 =	simm.s32 $0x139C0;
	[sflag:s15] =	ssyncadd.s32 $0xFFFFD800  }
0x81: {  	[tilespmem:s8], [sflag:$0x2] =	stream.indirect.gather [hbm4b:s1+s6], $0x80, s28, s6, $0xb8;
	[tilespmem:$0x1FF80] =	vst v63  }
0x82: {  	_ =	swait.ge [sflag:s10], $0x2800  }
0x83: {  	[sflag:s10] =	ssyncset.done $0x0  }
0x84: {  	s28 =	simm.s32 $0x160F0;
	[sflag:s10] =	ssyncadd.s32 $0xFFFFD800  }
0x85: {  	[spmem:s3] =	stream.indirect.scatter.add.f32 [tilespmem:s7], [sflag:$0x4], $0x80, s28, s6, $0xb8;
	[tilespmem:$0x1FF80] =	vst v63  }
0x86: {  	_ =	swait.ge [sflag:s16], $0x2800  }
0x87: {  	[sflag:s16] =	ssyncset.done $0x0  }
0x88: {  	s28 =	simm.s32 $0x13A10;
	[sflag:s16] =	ssyncadd.s32 $0xFFFFD800  }
0x89: {  	[tilespmem:s11], [sflag:$0x3] =	stream.indirect.gather [hbm4b:s1+s6], $0x80, s28, s6, $0xb8;
	[tilespmem:$0x1FF80] =	vst v63  }
0x8a: {  	_ =	swait.ge [sflag:s12], $0x2800  }
0x8b: {  	[sflag:s12] =	ssyncset.done $0x0  }
0x8c: {  	s28 =	simm.s32 $0x16140;
	[sflag:s12] =	ssyncadd.s32 $0xFFFFD800  }
0x8d: {  	[spmem:s3] =	stream.indirect.scatter.add.f32 [tilespmem:s8], [sflag:$0x5], $0x80, s28, s6, $0xb8;
	[tilespmem:$0x1FF80] =	vst v63  }
0x8e: {  	_ =	swait.ge [sflag:s13], $0x2800  }
0x8f: {  	[sflag:s13] =	ssyncset.done $0x0  }
0x90: {  	s29 =	simm.s32 $0x13A60;
	s28 =	simm.s32 $0x3C0;
	[sflag:s13] =	ssyncadd.s32 $0xFFFFD800  }
.LBB2_2:
0x91: {  	[tilespmem:s7], [sflag:$0x1] =	stream.indirect.gather [hbm4b:s1+s6], $0x80, s29, s6, $0xb8;
	[tilespmem:$0x1FF80] =	vst v63  }
0x92: {  	s29 =	smov.u32 s28  }
0x93: {  	p1 =	sne.s32 s28, $0x9240;
	s28 =	sadd.s32 $0x3C0, s28;
	_ =	swait.ge [sflag:s14], $0x2800  }
0x94: {  	s29 =	sshra.s32 s29, $0x2;
	[sflag:s14] =	ssyncset.done $0x0  }
0x95: {  	s0 =	sadd.s32 $0x160A0, s29;
	[sflag:s14] =	ssyncadd.s32 $0xFFFFD800  }
0x96: {  	[spmem:s3] =	stream.indirect.scatter.add.f32 [tilespmem:s11], [sflag:$0x6], $0x80, s0, s6, $0xb8;
	[tilespmem:$0x1FF80] =	vst v63  }
0x97: {  	_ =	swait.ge [sflag:s15], $0x2800  }
0x98: {  	[sflag:s15] =	ssyncset.done $0x0  }
0x99: {  	s0 =	sadd.s32 $0x139C0, s29;
	[sflag:s15] =	ssyncadd.s32 $0xFFFFD800  }
0x9a: {  	[tilespmem:s8], [sflag:$0x2] =	stream.indirect.gather [hbm4b:s1+s6], $0x80, s0, s6, $0xb8;
	[tilespmem:$0x1FF80] =	vst v63  }
0x9b: {  	_ =	swait.ge [sflag:s10], $0x2800  }
0x9c: {  	[sflag:s10] =	ssyncset.done $0x0  }
0x9d: {  	s0 =	sadd.s32 $0x160F0, s29;
	[sflag:s10] =	ssyncadd.s32 $0xFFFFD800  }
0x9e: {  	[spmem:s3] =	stream.indirect.scatter.add.f32 [tilespmem:s7], [sflag:$0x4], $0x80, s0, s6, $0xb8;
	[tilespmem:$0x1FF80] =	vst v63  }
0x9f: {  	_ =	swait.ge [sflag:s16], $0x2800  }
0xa0: {  	[sflag:s16] =	ssyncset.done $0x0  }
0xa1: {  	s0 =	sadd.s32 $0x13A10, s29;
	[sflag:s16] =	ssyncadd.s32 $0xFFFFD800  }
0xa2: {  	[tilespmem:s11], [sflag:$0x3] =	stream.indirect.gather [hbm4b:s1+s6], $0x80, s0, s6, $0xb8;
	[tilespmem:$0x1FF80] =	vst v63  }
0xa3: {  	_ =	swait.ge [sflag:s12], $0x2800  }
0xa4: {  	[sflag:s12] =	ssyncset.done $0x0  }
.Ltmp0:
0xa5: {  	s0 =	sadd.s32 $0x16140, s29;
	[sflag:s12] =	ssyncadd.s32 $0xFFFFD800;
	(pc) =	sbr.rel @p1 .LBB2_2-.Ltmp0, $4  }
0xa6: {  	[spmem:s3] =	stream.indirect.scatter.add.f32 [tilespmem:s8], [sflag:$0x5], $0x80, s0, s6, $0xb8;
	[tilespmem:$0x1FF80] =	vst v63  }
0xa7: {  	_ =	swait.ge [sflag:s13], $0x2800  }
0xa8: {  	[sflag:s13] =	ssyncset.done $0x0  }
0xa9: {  	s29 =	sadd.s32 $0x13A60, s29;
	[sflag:s13] =	ssyncadd.s32 $0xFFFFD800  }
0xaa: {  	[tilespmem:s7], [sflag:$0x1] =	stream.indirect.gather [hbm4b:s1+s6], $0x80, s29, s6, $0xb8;
	[tilespmem:$0x1FF80] =	vst v63  }
0xab: {  	_ =	swait.ge [sflag:s14], $0x2800  }
0xac: {  	[sflag:s14] =	ssyncset.done $0x0  }
0xad: {  	s0 =	simm.s32 $0x18620;
	[sflag:s14] =	ssyncadd.s32 $0xFFFFD800  }
0xae: {  	[spmem:s3] =	stream.indirect.scatter.add.f32 [tilespmem:s11], [sflag:$0x6], $0x80, s0, s6, $0xb8;
	[tilespmem:$0x1FF80] =	vst v63  }
0xaf: {  	_ =	swait.ge [sflag:s15], $0x2800  }
0xb0: {  	[sflag:s15] =	ssyncset.done $0x0  }
0xb1: {  	s28 =	simm.s32 $0x15F40;
	[sflag:s15] =	ssyncadd.s32 $0xFFFFD800  }
0xb2: {  	[tilespmem:s8], [sflag:$0x2] =	stream.indirect.gather [hbm4b:s1+s6], $0x80, s28, s6, $0xb8;
	[tilespmem:$0x1FF80] =	vst v63  }
0xb3: {  	_ =	swait.ge [sflag:s10], $0x2800  }
0xb4: {  	[sflag:s10] =	ssyncset.done $0x0  }
0xb5: {  	s29 =	simm.s32 $0x18670;
	[sflag:s10] =	ssyncadd.s32 $0xFFFFD800  }
0xb6: {  	[spmem:s3] =	stream.indirect.scatter.add.f32 [tilespmem:s7], [sflag:$0x4], $0x80, s29, s6, $0xb8;
	[tilespmem:$0x1FF80] =	vst v63  }
0xb7: {  	_ =	swait.ge [sflag:s16], $0x2800  }
0xb8: {  	[sflag:s16] =	ssyncset.done $0x0  }
0xb9: {  	[sflag:s16] =	ssyncadd.s32 $0xFFFFD800  }
0xba: {  	_ =	swait.ge [sflag:s12], $0x2800  }
0xbb: {  	[sflag:s12] =	ssyncset.done $0x0  }
0xbc: {  	s28 =	simm.s32 $0x186C0;
	[sflag:s12] =	ssyncadd.s32 $0xFFFFD800  }
0xbd: {  	[spmem:s3] =	stream.indirect.scatter.add.f32 [tilespmem:s8], [sflag:$0x5], $0x80, s28, s6, $0xb8;
	[tilespmem:$0x1FF80] =	vst v63  }
0xbe: {  	_ =	swait.ge [sflag:s13], $0x2800  }
0xbf: {  	[sflag:s13] =	ssyncset.done $0x0  }
0xc0: {  	[sflag:s13] =	ssyncadd.s32 $0xFFFFD800  }
0xc1: {  	_ =	swait.ge [sflag:s15], $0x2800  }
0xc2: {  	[sflag:s15] =	ssyncset.done $0x0  }
0xc3: {  	[sflag:s15] =	ssyncadd.s32 $0xFFFFD800  }
0xc4: {  	[bflag:$0x0] =	sbarrier.arrive $0xFFFF  }
0xc5: {  	s29 =	rddreg [dreg:$0x4]  }
0xc6: {  	[hbm:s29], [sflag:s18] =	dma.local [spmem:s19], $0x500  }
0xc7: {  	s0 =	rddreg [dreg:$0x5]  }
0xc8: {  	[hbm:s0], [sflag:s18] =	dma.local [spmem:s20], $0x500  }
0xc9: {  	s0 =	rddreg [dreg:$0x6]  }
0xca: {  	[hbm:s0], [sflag:s18] =	dma.local [spmem:s21], $0x500  }
0xcb: {  	s0 =	rddreg [dreg:$0x7]  }
0xcc: {  	[hbm:s0], [sflag:s18] =	dma.local [spmem:s22], $0x500  }
0xcd: {  	s0 =	rddreg [dreg:$0x8]  }
0xce: {  	[hbm:s0], [sflag:s18] =	dma.local [spmem:s23], $0x500  }
0xcf: {  	s0 =	rddreg [dreg:$0x9]  }
0xd0: {  	[hbm:s0], [sflag:s18] =	dma.local [spmem:s24], $0x500  }
0xd1: {  	s0 =	rddreg [dreg:$0xa]  }
0xd2: {  	[hbm:s0], [sflag:s18] =	dma.local [spmem:s25], $0x500  }
0xd3: {  	s0 =	rddreg [dreg:$0xb]  }
0xd4: {  	[hbm:s0], [sflag:s18] =	dma.local @!p0 [spmem:s26], $0x500  }
0xd5: {  	_ =	swait.ge [sflag:s9], $0x500  }
0xd6: {  	[sflag:s9] =	ssyncset.done $0x0  }
0xd7: {  	[sflag:s9] =	ssyncadd.s32 $0xFFFFFB00  }
0xd8: {  	_ =	swait.ge [sflag:s9], $0x500  }
0xd9: {  	[sflag:s9] =	ssyncset.done $0x0  }
0xda: {  	[sflag:s9] =	ssyncadd.s32 $0xFFFFFB00  }
0xdb: {  	_ =	swait.ge [sflag:s9], $0x500  }
0xdc: {  	[sflag:s9] =	ssyncset.done $0x0  }
0xdd: {  	[sflag:s9] =	ssyncadd.s32 $0xFFFFFB00  }
0xde: {  	_ =	swait.ge [sflag:s9], $0x500  }
0xdf: {  	[sflag:s9] =	ssyncset.done $0x0  }
0xe0: {  	[sflag:s9] =	ssyncadd.s32 $0xFFFFFB00  }
0xe1: {  	_ =	swait.ge [sflag:s9], $0x500  }
0xe2: {  	[sflag:s9] =	ssyncset.done $0x0  }
0xe3: {  	[sflag:s9] =	ssyncadd.s32 $0xFFFFFB00  }
0xe4: {  	_ =	swait.ge [sflag:s9], $0x500  }
0xe5: {  	[sflag:s9] =	ssyncset.done $0x0  }
0xe6: {  	s17 =	sadd.s32 $0x1, s17;
	[sflag:s9] =	ssyncadd.s32 $0xFFFFFB00  }
0xe7: {  	p1 =	sne.s32 s17, s2;
	_ =	swait.ge [sflag:s9], $0x500  }
.Ltmp1:
0xe8: {  	[sflag:s9] =	ssyncset.done $0x0;
	(pc) =	sbr.rel @p1 .LBB2_1-.Ltmp1, $4  }
0xe9: {  	s0 =	simm.s32 @!p0 $0x7;
	[sflag:s9] =	ssyncadd.s32 $0xFFFFFB00  }
0xea: {  	_ =	swait.ge @!p0 [sflag:s0], $0x500  }
0xeb: {  	[sflag:s0] =	ssyncset.done @!p0 $0x0  }
0xec: {  	[sflag:s0] =	ssyncadd.s32 @!p0 $0xFFFFFB00  }
0xed: {  	_ =	sfence.sel $0x180000  }
0xee: {  	[bflag:$0x0] =	sbarrier.arrive $0xFFFF  }
0xef: {  	_ =	strace $0x9000004D  }
0xf0: {  	s0 =	stileid.u32;
	[bflag:$0x2] =	sbarrier.arrive $0xFFFF  }
0xf1: {  	p0 =	sne.s32 s0, $0x0;
	s0 =	rddreg [dreg:$0x3]  }
0xf2: {  	s0 =	sadd.s32 @!p0 $0x100000, s0  }
0xf3: {  	[sflag:s0] =	ssyncadd.tile.s32 @!p0 $0x1;
	_ =	shalt  }
.Lfunc_end2:
_tile_overlayer_lowered:
.L_overlay_start_2:
0xf4: {  	(tag) =	ssettag $0x2  }
0xf5: {  	s0 =	rddreg [dreg:$0x0];
	s2 =	stileid.u32  }
0xf6: {  	s1 =	rddreg [dreg:$0x1];
	p0 =	sne.s32 s2, $0x0  }
0xf7: {  	s3 =	rddreg [dreg:$0x2];
	[bflag:$0x3] =	sbarrier.arrive $0xFFFF;
	s2 =	simm.s32 @!p0 $0x1C08  }
0xf8: {  	[timem:s3], [sflag:s2] =	dma.local @!p0 [hbm:s0], s1  }
0xf9: {  	s0 =	simm.s32 @!p0 $0x8  }
0xfa: {  	_ =	swait.ge @!p0 [sflag:s0], s1  }
0xfb: {  	s1 =	ssub.s32 @!p0 $0x0, s1;
	[sflag:s0] =	ssyncset.done @!p0 $0x0  }
0xfc: {  	[sflag:s0] =	ssyncadd.s32 @!p0 s1  }
0xfd: {  	[bflag:$0x3] =	sbarrier.arrive $0xFFFF  }
0xfe: {  	_ =	shalt  }

// kernel: sc_gcn_degree.3.cloned.1.call-start
scs
__scs_entry_jumppad:
0x0: {  	(pc) =	sbr.rel $0x88, $3  }
0x1: {  	(tag) =	ssettag $0x0;
	lr =	simm.s32 $0x1  }
0x2: {  	[smem:$0x3F91] =	sst lr;
	_ =	strace $0xD0000000  }
0x3: {  	_ = 	snop  }
0x4: {  	_ = 	snop  }
0x5: {  	_ = 	snop  }
0x6: {  	_ = 	snop  }
0x7: {  	_ = 	snop  }
__scs_overlays_trampoline_lowered:
0x8: {  	[smem:$0x3FA0] =	sst s0  }
0x9: {  	[smem:$0x3FA1] =	sst s1  }
0xa: {  	[smem:$0x3FA2] =	sst s2  }
0xb: {  	[smem:$0x3FA3] =	sst s3  }
0xc: {  	[smem:$0x3FA4] =	sst s4  }
0xd: {  	[smem:$0x3FA5] =	sst s5  }
0xe: {  	[smem:$0x3FA6] =	sst s6  }
0xf: {  	[smem:$0x3FA7] =	sst s7  }
0x10: {  	[smem:$0x3FA8] =	sst s8  }
0x11: {  	[smem:$0x3FA9] =	sst s9;
	s0 =	simm.s32 @!p0 $0x0  }
0x12: {  	s1 =	sld [smem:$0x3F8F];
	s0 =	simm.s32 @p0 $0x1  }
0x13: {  	[smem:$0x3FAA] =	sst s0;
	s0 =	simm.s32 @!p1 $0x0  }
0x14: {  	s2 =	sld [smem:$0x3F8E];
	s0 =	simm.s32 @p1 $0x1  }
0x15: {  	[smem:$0x3FAB] =	sst s0;
	s0 =	simm.s32 @!p2 $0x0  }
0x16: {  	s3 =	sld [smem:$0x3FDB];
	s0 =	simm.s32 @p2 $0x1  }
0x17: {  	s4 =	simm.s32 $0x1BF5;
	[smem:$0x3FAD] =	sst s0  }
0x18: {  	s0 =	sld [smem:$0x3F90];
	_ =	swait.ge [sflag:s4], $0x0  }
0x19: {  	s7 =	sld [smem:$0x3F91]  }
0x1a: {  	s8 =	sadd.s32 $0xFFFFE003, lr  }
0x1b: {  	s9 =	sadd.s32 $0xFFFFFEF7, lr;
	s5 =	simm.s32 $0xFFFFFFFF;
	p2 =	slt.u32 s8, $0xFFFFF086  }
0x1c: {  	p1 =	slt.u32 s9, $0xF7A;
	s5 =	simm.s32 @!p2 $0x0  }
0x1d: {  	s5 =	simm.s32 @p1 $0x1;
	p0 =	seq.s32 s7, s2  }
0x1e: {  	s7 =	smul.u32 @!p0 $0xF7A, s2;
	p2 =	seq.s32 @!p0 s5, $0x0  }
0x1f: {  	s9 =	smul.u32 $0xF7A, s1;
	s8 =	simm.s32 @!p0 $0x1BF5;
	p2 =	por !p2, p0  }
0x20: {  	[sflag:s8] =	ssyncset.s32 @!p0 $0xFFFFF086;
	s6 =	sadd.s32 @!p0 s3, s7;
	s7 =	simm.s32 @!p0 $0x108  }
0x21: {  	s3 =	sadd.s32 s3, s9;
	s6 =	sadd.s32 @!p0 $0x88, s6;
	s7 =	simm.s32 @p2 $0x1082  }
0x22: {  	[simem:s7], [sflag:s8] =	dma.local @!p0 [hbm:s6], $0xF7A  }
0x23: {  	s9 =	sor.u32 $0xD0000000, s2;
	s6 =	simm.s32 $0x108;
	_ =	swait.ge @!p0 [sflag:s8], $0x0  }
0x24: {  	s3 =	sadd.s32 $0x88, s3;
	s6 =	simm.s32 @!p1 $0x1082;
	[sflag:s4] =	ssyncset.s32 $0xFFFFF086  }
0x25: {  	[simem:s6], [sflag:s4] =	dma.local [hbm:s3], $0xF7A  }
0x26: {  	[smem:$0x3F91] =	sst s1;
	(tag) =	ssettag s2;
	_ =	strace s9  }
0x27: {  	s1 =	sld [smem:$0x3FA1]  }
0x28: {  	s2 =	sld [smem:$0x3FA2]  }
0x29: {  	s4 =	sld [smem:$0x3FA4]  }
0x2a: {  	p0 =	seq.s32 s5, $0x0;
	s5 =	sld [smem:$0x3FA5]  }
0x2b: {  	s6 =	sld [smem:$0x3FA6]  }
0x2c: {  	s7 =	sld [smem:$0x3FA7]  }
0x2d: {  	s3 =	simm.s32 $0x108;
	s8 =	sld [smem:$0x3FA8]  }
0x2e: {  	s3 =	simm.s32 @!p0 $0x1082;
	s9 =	sld [smem:$0x3FA9]  }
0x2f: {  	lr =	sadd.s32 s0, s3;
	s0 =	sld [smem:$0x3FA0]  }
0x30: {  	s3 =	sld [smem:$0x3FA3]  }
0x31: {  	[smem:$0x3FAC] =	sst s10  }
0x32: {  	s10 =	sld [smem:$0x3FAA];
	_ =	sdelay $0x3  }
0x33: {  	p0 =	seq.s32 s10, $0x1;
	s10 =	sld [smem:$0x3FAC];
	_ =	sdelay $0x3  }
0x34: {  	[smem:$0x3FAC] =	sst s10  }
0x35: {  	s10 =	sld [smem:$0x3FAB];
	_ =	sdelay $0x3  }
0x36: {  	p1 =	seq.s32 s10, $0x1;
	s10 =	sld [smem:$0x3FAC];
	_ =	sdelay $0x3  }
0x37: {  	[smem:$0x3FAC] =	sst s10  }
0x38: {  	s10 =	sld [smem:$0x3FAD]  }
0x39: {  	_ = 	snop;
	(pc) =	sbr.ind lr, $3  }
0x3a: {  	_ = 	snop  }
0x3b: {  	_ = 	snop  }
0x3c: {  	p2 =	seq.s32 s10, $0x1;
	s10 =	sld [smem:$0x3FAC]  }
0x3d: {  	_ =	shalt  }
0x3e: {  	_ =	shalt  }
0x3f: {  	_ =	shalt  }
0x40: {  	_ =	shalt  }
0x41: {  	_ =	shalt  }
0x42: {  	_ =	shalt  }
0x43: {  	_ =	shalt  }
0x44: {  	_ =	shalt  }
0x45: {  	_ =	shalt  }
0x46: {  	_ =	shalt  }
0x47: {  	_ =	shalt  }
0x48: {  	_ =	shalt  }
0x49: {  	_ =	shalt  }
0x4a: {  	_ =	shalt  }
0x4b: {  	_ =	shalt  }
0x4c: {  	_ =	shalt  }
0x4d: {  	_ =	shalt  }
0x4e: {  	_ =	shalt  }
0x4f: {  	_ =	shalt  }
0x50: {  	_ =	shalt  }
0x51: {  	_ =	shalt  }
0x52: {  	_ =	shalt  }
0x53: {  	_ =	shalt  }
0x54: {  	_ =	shalt  }
0x55: {  	_ =	shalt  }
0x56: {  	_ =	shalt  }
0x57: {  	_ =	shalt  }
0x58: {  	_ =	shalt  }
0x59: {  	_ =	shalt  }
0x5a: {  	_ =	shalt  }
0x5b: {  	_ =	shalt  }
0x5c: {  	_ =	shalt  }
0x5d: {  	_ =	shalt  }
0x5e: {  	_ =	shalt  }
0x5f: {  	_ =	shalt  }
0x60: {  	_ =	shalt  }
0x61: {  	_ =	shalt  }
0x62: {  	_ =	shalt  }
0x63: {  	_ =	shalt  }
0x64: {  	_ =	shalt  }
0x65: {  	_ =	shalt  }
0x66: {  	_ =	shalt  }
0x67: {  	_ =	shalt  }
0x68: {  	_ =	shalt  }
0x69: {  	_ =	shalt  }
0x6a: {  	_ =	shalt  }
0x6b: {  	_ =	shalt  }
0x6c: {  	_ =	shalt  }
0x6d: {  	_ =	shalt  }
0x6e: {  	_ =	shalt  }
0x6f: {  	_ =	shalt  }
0x70: {  	_ =	shalt  }
0x71: {  	_ =	shalt  }
0x72: {  	_ =	shalt  }
0x73: {  	_ =	shalt  }
0x74: {  	_ =	shalt  }
0x75: {  	_ =	shalt  }
0x76: {  	_ =	shalt  }
0x77: {  	_ =	shalt  }
0x78: {  	_ =	shalt  }
0x79: {  	_ =	shalt  }
0x7a: {  	_ =	shalt  }
0x7b: {  	_ =	shalt  }
0x7c: {  	_ =	shalt  }
0x7d: {  	_ =	shalt  }
0x7e: {  	_ =	shalt  }
0x7f: {  	_ =	shalt  }
0x80: {  	_ =	shalt  }
0x81: {  	_ =	shalt  }
0x82: {  	_ =	shalt  }
0x83: {  	_ =	shalt  }
0x84: {  	_ =	shalt  }
0x85: {  	_ =	shalt  }
0x86: {  	_ =	shalt  }
0x87: {  	_ =	shalt  }
.Lfunc_end0:
.L_simem_size_0:
called_computation_lowered:
.L_overlay_start_0:
0x88: {  	s2 =	sld [smem:$0x3FD9]  }
0x89: {  	s3 =	sld [smem:$0x3FFE];
	_ =	sdelay $0x1  }
0x8a: {  	s1 =	srdreg.scid  }
0x8b: {  	s0 =	sand.u32 $0x1, s1  }
0x8c: {  	s17 =	sshll.u32 s0, $0xA;
	s2 =	sadd.s32 s3, s2  }
0x8d: {  	s2 =	sadd.s32 s2, s17  }
0x8e: {  	[smem:$0x3FB8] =	sst s2  }
0x8f: {  	_ = 	snop  }
0x90: {  	s2 =	sld [smem:$0x3FD0];
	(tm) =	ssettm $0x1  }
0x91: {  	s18 =	sld [smem:$0x3FFB];
	_ =	sdelay $0x3  }
0x92: {  	_ =	strace s18  }
0x93: {  	s3 =	sld [smem:$0x3FFC];
	_ =	sdelay $0x3  }
0x94: {  	_ =	strace s3  }
0x95: {  	s3 =	sld [smem:$0x3FFD];
	_ =	sdelay $0x3  }
0x96: {  	_ =	strace s3  }
0x97: {  	_ =	strace $0x8FFFFFFF  }
0x98: {  	s19 =	sld [smem:$0x3FDB];
	_ =	sdelay $0x1  }
0x99: {  	s4 =	simm.s32 $_scs_section_size  }
0x9a: {  	s5 =	simm.s32 $_size__tile_overlayer_lowered;
	s6 =	simm.s32 $_tile_overlayer_lowered  }
0x9b: {  	s22 =	simm.s32 $0x1BFF;
	s21 =	sshll.u32 s6, $0x1;
	s3 =	sadd.s32 s4, s19  }
0x9c: {  	s7 =	simm.s32 $0x0;
	s20 =	sshll.u32 s5, $0x1;
	s5 =	sadd.s32 s21, s3  }
0x9d: {  	[timem:s7], [sflag:s22] =	dma.local [hbm:s5], s20  }
0x9e: {  	_ =	swait.ge [sflag:s22], s20  }
0x9f: {  	s4 =	ssub.s32 $0x0, s20;
	[sflag:s22] =	ssyncset.done $0x0  }
0xa0: {  	[sflag:s22] =	ssyncadd.s32 s4;
	_ =	sdelay $0x1  }
0xa1: {  	s23 =	simm.s32 $0x1B8B  }
0xa2: {  	_ =	swait.ge [sflag:s23], $0x1  }
0xa3: {  	[sflag:s23] =	ssyncset.done $0x0  }
0xa4: {  	s25 =	simm.s32 $0x1B8E;
	s24 =	sld [smem:$0x3FFE];
	[sflag:s23] =	ssyncadd.s32 $0xFFFFFFFF  }
0xa5: {  	s26 =	simm.s32 $execute0_lowered;
	[smem:$0x3FD2] =	sst s25  }
0xa6: {  	s5 =	sshll.u32 s26, $0x1;
	_ =	strace $0x80000046;
	[dreg:$0x1] =	wrdreg $0xFFFFFFFF  }
0xa7: {  	s28 =	simm.s32 $_size_execute0_lowered;
	s3 =	sadd.s32 s3, s5;
	[dreg:$0x0] =	wrdreg $0x0  }
0xa8: {  	s5 =	sshll.u32 s28, $0x1;
	[dreg:$0x2] =	wrdreg s3  }
0xa9: {  	[dreg:$0x3] =	wrdreg s5  }
0xaa: {  	[dreg:$0x4] =	wrdreg $0xC0  }
0xab: {  	_ =	task [dreg:s7], $0x5FFFF  }
0xac: {  	[dreg:$0x1] =	wrdreg $0xFFFFFFFF  }
0xad: {  	[dreg:$0x0] =	wrdreg $0x60  }
0xae: {  	[dreg:$0x2] =	wrdreg s24  }
0xaf: {  	[dreg:$0x3] =	wrdreg s2  }
0xb0: {  	[dreg:$0x4] =	wrdreg $0x0  }
0xb1: {  	[dreg:$0x5] =	wrdreg $0x9  }
0xb2: {  	_ =	task.clear_ibuf [dreg:s7], $0x6FFFF;
	_ =	strace $0x90000046  }
0xb3: {  	s29 =	simm.s32 $0x9;
	_ =	strace $0x80000048  }
0xb4: {  	_ =	swait.ge [sflag:s29], $0x1  }
0xb5: {  	[sflag:s29] =	ssyncadd.s32 $0xFFFFFFFF  }
0xb6: {  	_ =	strace $0x90000048  }
0xb7: {  	_ =	sfence  }
0xb8: {  	s30 =	sld [smem:$0x0];
	_ =	sdelay $0x2  }
0xb9: {  	s31 =	sshll.u32 s1, $0xD;
	s1 =	sshrl.u32 s1, $0x2  }
0xba: {  	s3 =	sand.u32 $0x4000, s31;
	s1 =	sadd.s32 s1, s30  }
0xbb: {  	s0 =	sor.u32 s3, s0;
	s1 =	sshll.u32 s1, $0x11  }
0xbc: {  	s0 =	sor.u32 s1, s0  }
0xbd: {  	s0 =	sadd.s32 $0x8F2B, s0  }
0xbe: {  	[sflag:s0] =	ssyncadd.remote.s32 $0x1  }
0xbf: {  	_ =	sfence.sel $0xFFFF  }
0xc0: {  	[dreg:$0x0] =	wrdreg $0xFFFFFFFF;
	(pc) =	sbr.abs _section_cstart, $3  }
0xc1: {  	[dreg:$0x1] =	wrdreg $0xFFFFFFFF  }
0xc2: {  	_ =	task.clear_ibuf [dreg:s7], $0x2FFFF;
	_ =	strace $0x9FFFFFFF  }
0xc3: {  	(tm) =	ssettm $0x7FFFFFFF  }
tec
execute0_lowered:
.L_overlay_start_1:
0x0: {  	(tag) =	ssettag $0x1  }
0x1: {  	s22 =	stileid.u32  }
0x2: {  	s26 =	smul.u32 $0x140, s22;
	s12 =	sor.u32 $0x10, s22  }
0x3: {  	s13 =	sor.u32 $0x20, s22;
	s7 =	smul.u32 $0x140, s12  }
0x4: {  	s14 =	sor.u32 $0x30, s22;
	s8 =	smul.u32 $0x140, s13  }
0x5: {  	s15 =	sor.u32 $0x40, s22;
	s9 =	smul.u32 $0x140, s14  }
0x6: {  	s16 =	sor.u32 $0x50, s22;
	s10 =	smul.u32 $0x140, s15  }
0x7: {  	s17 =	sor.u32 $0x60, s22;
	s11 =	smul.u32 $0x140, s16  }
0x8: {  	s2 =	srdreg.scid;
	s19 =	sor.u32 $0x70, s22;
	s18 =	smul.u32 $0x140, s17  }
0x9: {  	s4 =	sand.u32 $0x1, s2;
	s3 =	sshll.u32 s22, $0x1;
	s20 =	smul.u32 $0x140, s19  }
0xa: {  	s5 =	sor.u32 s4, s3;
	s6 =	ssub.s32 $0x2, s4;
	s4 =	smul.u32 $0x2710, s4  }
0xb: {  	s1 =	rddreg [dreg:$0x0];
	s13 =	smul.u32 $0x50, s13  }
0xc: {  	s0 =	rddreg [dreg:$0x1];
	s14 =	smul.u32 $0x50, s14  }
0xd: {  	s28 =	simm.s32 $0x4;
	s29 =	simm.s32 $0x5;
	s15 =	smul.u32 $0x50, s15  }
0xe: {  	s30 =	simm.s32 $0x6;
	s31 =	simm.s32 $0x2A78;
	s16 =	smul.u32 $0x50, s16  }
0xf: {  	s2 =	rddreg [dreg:$0x2];
	s3 =	simm.s32 $0x0;
	s17 =	smul.u32 $0x50, s17  }
0x10: {  	p0 =	sgt.u32 s22, $0xC;
	s19 =	smul.u32 $0x50, s19;
	[smem:$0x7FF] =	sst s3  }
0x11: {  	s5 =	smul.u32 $0x4E2, s5;
	s25 =	sshrl.u32 s6, $0x1;
	_ =	strace $0x80000047  }
0x12: {  	s7 =	sshrl.u32 s7, $0x2;
	s8 =	sshrl.u32 s8, $0x2;
	s9 =	sshrl.u32 s9, $0x2  }
0x13: {  	s21 =	sshrl.u32 s10, $0x2;
	s23 =	sshrl.u32 s11, $0x2;
	s24 =	sshrl.u32 s18, $0x2  }
0x14: {  	s20 =	sshrl.u32 s20, $0x2;
	s13 =	sadd.s32 s4, s13;
	s14 =	sadd.s32 s4, s14  }
0x15: {  	s15 =	sadd.s32 s4, s15;
	s5 =	sadd.s32 s5, s1;
	s1 =	ssub.s32 s6, s25  }
0x16: {  	s6 =	sshrl.u32 s26, $0x2;
	s25 =	smul.u32 $0x50, s22;
	s10 =	sadd.s32 s23, s2  }
0x17: {  	s11 =	sadd.s32 s24, s2;
	s13 =	sshrl.u32 s13, $0x3;
	s14 =	sshrl.u32 s14, $0x3  }
0x18: {  	s15 =	sshrl.u32 s15, $0x3;
	s23 =	sadd.s32 s4, s16;
	s24 =	sadd.s32 s4, s17  }
0x19: {  	s16 =	simm.s32 $0x2CF8;
	s17 =	simm.s32 $0x2D78;
	s5 =	sadd.s32 $0xDE00, s5  }
0x1a: {  	s13 =	sadd.s32 s0, s13;
	[dreg:$0x4] =	wrdreg s5;
	s5 =	sadd.s32 s6, s2  }
0x1b: {  	s6 =	sadd.s32 s7, s2;
	s7 =	sadd.s32 s8, s2;
	s8 =	sadd.s32 s9, s2  }
0x1c: {  	s9 =	sadd.s32 s21, s2;
	s18 =	sadd.s32 s25, s4;
	s21 =	smul.u32 $0x50, s12  }
0x1d: {  	s12 =	sadd.s32 s20, s2;
	[dreg:$0x7] =	wrdreg s13;
	s20 =	sadd.s32 s0, s14  }
0x1e: {  	s13 =	sshrl.u32 s23, $0x3;
	s14 =	sshrl.u32 s24, $0x3;
	s23 =	simm.s32 $0x7  }
0x1f: {  	s24 =	simm.s32 $0x29F8;
	s18 =	sshrl.u32 s18, $0x3;
	[dreg:$0x8] =	wrdreg s20  }
0x20: {  	s13 =	sadd.s32 s0, s13;
	s25 =	sadd.s32 s0, s14;
	s14 =	simm.s32 $0x2BF8  }
0x21: {  	s18 =	sadd.s32 s0, s18;
	s26 =	sadd.s32 s4, s21;
	[dreg:$0xa] =	wrdreg s13  }
0x22: {  	s21 =	sadd.s32 s0, s15;
	s4 =	sadd.s32 s4, s19;
	[dreg:$0xb] =	wrdreg s25  }
0x23: {  	s25 =	simm.s32 $0x1;
	s13 =	simm.s32 $0x2B78;
	[dreg:$0x5] =	wrdreg s18  }
0x24: {  	s15 =	simm.s32 $0x2C78;
	s18 =	sshrl.u32 s26, $0x3;
	[dreg:$0x9] =	wrdreg s21  }
0x25: {  	s4 =	sshrl.u32 s4, $0x3;
	s26 =	smax.u32 s1, $0x1;
	s1 =	simm.s32 $0x2  }
0x26: {  	s18 =	sadd.s32 s0, s18;
	s0 =	sadd.s32 s0, s4;
	[dreg:$0xd] =	wrdreg s26  }
0x27: {  	s26 =	simm.s32 $0x50;
	s4 =	simm.s32 $0x2AF8;
	[dreg:$0x6] =	wrdreg s18  }
0x28: {  	v0 =	vimm.f32 $1.000000000e+00;
	[dreg:$0xc] =	wrdreg s0;
	s0 =	simm.s32 $0x3;
	s18 =	simm.s32 $0x0  }
.LBB2_1:
0x29: {  	[tilespmem:$0x29F8] =	vst v0  }
0x2a: {  	[tilespmem:$0x2A08] =	vst v0  }
0x2b: {  	[tilespmem:$0x2A18] =	vst v0  }
0x2c: {  	[tilespmem:$0x2A28] =	vst v0  }
0x2d: {  	[tilespmem:$0x2A38] =	vst v0;
	s19 =	rddreg [dreg:$0x4];
	s20 =	simm.s32 $0x278  }
0x2e: {  	[tilespmem:s20], [sflag:$0x7] =	stream.linear.gather [hbm4b:s19+s3], $0x2710, $0x38;
	[tilespmem:$0x2E78] =	vst v63  }
0x2f: {  	_ =	swait.ge [sflag:s23], $0x2710  }
0x30: {  	[sflag:s23] =	ssyncset.done $0x0  }
0x31: {  	[sflag:s23] =	ssyncadd.s32 $0xFFFFD8F0  }
0x32: {  	[spmem:s5] =	stream.linear.scatter [tilespmem:s24], [sflag:$0x1], $0x50, $0x38;
	[tilespmem:$0x2E78] =	vst v63  }
0x33: {  	_ = 	snop  }
0x34: {  	[spmem:s6] =	stream.linear.scatter [tilespmem:s24], [sflag:$0x1], $0x50, $0x38;
	[tilespmem:$0x2E78] =	vst v63  }
0x35: {  	_ = 	snop  }
0x36: {  	[spmem:s7] =	stream.linear.scatter [tilespmem:s24], [sflag:$0x1], $0x50, $0x38;
	[tilespmem:$0x2E78] =	vst v63  }
0x37: {  	_ = 	snop  }
0x38: {  	[spmem:s8] =	stream.linear.scatter [tilespmem:s24], [sflag:$0x1], $0x50, $0x38;
	[tilespmem:$0x2E78] =	vst v63  }
0x39: {  	_ = 	snop  }
0x3a: {  	[spmem:s9] =	stream.linear.scatter [tilespmem:s24], [sflag:$0x1], $0x50, $0x38;
	[tilespmem:$0x2E78] =	vst v63  }
0x3b: {  	_ = 	snop  }
0x3c: {  	[spmem:s10] =	stream.linear.scatter [tilespmem:s24], [sflag:$0x1], $0x50, $0x38;
	[tilespmem:$0x2E78] =	vst v63  }
0x3d: {  	_ = 	snop  }
0x3e: {  	[spmem:s11] =	stream.linear.scatter [tilespmem:s24], [sflag:$0x1], $0x50, $0x38;
	[tilespmem:$0x2E78] =	vst v63  }
0x3f: {  	s19 =	simm.s32 @!p0 $0x29F8  }
0x40: {  	[spmem:s12] =	stream.linear.scatter @!p0 [tilespmem:s19], [sflag:$0x1], $0x50, $0x38;
	[tilespmem:$0x2E78] =	vst v63  }
0x41: {  	_ =	swait.ge [sflag:s25], $0x50  }
0x42: {  	[sflag:s25] =	ssyncset.done $0x0  }
0x43: {  	[sflag:s25] =	ssyncadd.s32 $0xFFFFFFB0  }
0x44: {  	_ =	swait.ge [sflag:s25], $0x50  }
0x45: {  	[sflag:s25] =	ssyncset.done $0x0  }
0x46: {  	[sflag:s25] =	ssyncadd.s32 $0xFFFFFFB0  }
0x47: {  	_ =	swait.ge [sflag:s25], $0x50  }
0x48: {  	[sflag:s25] =	ssyncset.done $0x0  }
0x49: {  	[sflag:s25] =	ssyncadd.s32 $0xFFFFFFB0  }
0x4a: {  	_ =	swait.ge [sflag:s25], $0x50  }
0x4b: {  	[sflag:s25] =	ssyncset.done $0x0  }
0x4c: {  	[sflag:s25] =	ssyncadd.s32 $0xFFFFFFB0  }
0x4d: {  	_ =	swait.ge [sflag:s25], $0x50  }
0x4e: {  	[sflag:s25] =	ssyncset.done $0x0  }
0x4f: {  	[sflag:s25] =	ssyncadd.s32 $0xFFFFFFB0  }
0x50: {  	_ =	swait.ge [sflag:s25], $0x50  }
0x51: {  	[sflag:s25] =	ssyncset.done $0x0  }
0x52: {  	[sflag:s25] =	ssyncadd.s32 $0xFFFFFFB0  }
0x53: {  	_ =	swait.ge [sflag:s25], $0x50  }
0x54: {  	[sflag:s25] =	ssyncset.done $0x0  }
0x55: {  	s19 =	simm.s32 @!p0 $0x1;
	[sflag:s25] =	ssyncadd.s32 $0xFFFFFFB0  }
0x56: {  	_ =	swait.ge @!p0 [sflag:s19], $0x50  }
0x57: {  	[sflag:s19] =	ssyncset.done @!p0 $0x0  }
0x58: {  	[sflag:s19] =	ssyncadd.s32 @!p0 $0xFFFFFFB0  }
0x59: {  	[bflag:$0x0] =	sbarrier.arrive $0xFFFF  }
0x5a: {  	[spmem:s2] =	stream.indirect.scatter.add.f32 [tilespmem:s24], [sflag:$0x2], $0x1, s20, s26, $0xb8;
	[tilespmem:$0x2E78] =	vst v63  }
0x5b: {  	s21 =	simm.s32 $0x2C8  }
0x5c: {  	[spmem:s2] =	stream.indirect.scatter.add.f32 [tilespmem:s24], [sflag:$0x3], $0x1, s21, s26, $0xb8;
	[tilespmem:$0x2E78] =	vst v63  }
0x5d: {  	s22 =	simm.s32 $0x318  }
0x5e: {  	[spmem:s2] =	stream.indirect.scatter.add.f32 [tilespmem:s24], [sflag:$0x4], $0x1, s22, s26, $0xb8;
	[tilespmem:$0x2E78] =	vst v63  }
0x5f: {  	s20 =	simm.s32 $0x368  }
0x60: {  	[spmem:s2] =	stream.indirect.scatter.add.f32 [tilespmem:s24], [sflag:$0x5], $0x1, s20, s26, $0xb8;
	[tilespmem:$0x2E78] =	vst v63  }
0x61: {  	s21 =	simm.s32 $0x3B8  }
0x62: {  	[spmem:s2] =	stream.indirect.scatter.add.f32 [tilespmem:s24], [sflag:$0x6], $0x1, s21, s26, $0xb8;
	[tilespmem:$0x2E78] =	vst v63  }
0x63: {  	_ =	swait.ge [sflag:s1], $0x50  }
0x64: {  	[sflag:s1] =	ssyncset.done $0x0  }
0x65: {  	s22 =	simm.s32 $0x408;
	[sflag:s1] =	ssyncadd.s32 $0xFFFFFFB0  }
0x66: {  	[spmem:s2] =	stream.indirect.scatter.add.f32 [tilespmem:s24], [sflag:$0x2], $0x1, s22, s26, $0xb8;
	[tilespmem:$0x2E78] =	vst v63  }
0x67: {  	_ =	swait.ge [sflag:s0], $0x50  }
0x68: {  	[sflag:s0] =	ssyncset.done $0x0  }
0x69: {  	s20 =	simm.s32 $0x458;
	[sflag:s0] =	ssyncadd.s32 $0xFFFFFFB0  }
0x6a: {  	[spmem:s2] =	stream.indirect.scatter.add.f32 [tilespmem:s24], [sflag:$0x3], $0x1, s20, s26, $0xb8;
	[tilespmem:$0x2E78] =	vst v63  }
0x6b: {  	_ =	swait.ge [sflag:s28], $0x50  }
0x6c: {  	[sflag:s28] =	ssyncset.done $0x0  }
0x6d: {  	s21 =	simm.s32 $0x4A8;
	[sflag:s28] =	ssyncadd.s32 $0xFFFFFFB0  }
0x6e: {  	[spmem:s2] =	stream.indirect.scatter.add.f32 [tilespmem:s24], [sflag:$0x4], $0x1, s21, s26, $0xb8;
	[tilespmem:$0x2E78] =	vst v63  }
0x6f: {  	_ =	swait.ge [sflag:s29], $0x50  }
0x70: {  	[sflag:s29] =	ssyncset.done $0x0  }
0x71: {  	s22 =	simm.s32 $0x4F8;
	[sflag:s29] =	ssyncadd.s32 $0xFFFFFFB0  }
0x72: {  	[spmem:s2] =	stream.indirect.scatter.add.f32 [tilespmem:s24], [sflag:$0x5], $0x1, s22, s26, $0xb8;
	[tilespmem:$0x2E78] =	vst v63  }
0x73: {  	_ =	swait.ge [sflag:s30], $0x50  }
0x74: {  	[sflag:s30] =	ssyncset.done $0x0  }
0x75: {  	s19 =	simm.s32 $0x548;
	s22 =	simm.s32 $0xFFFF7040;
	[sflag:s30] =	ssyncadd.s32 $0xFFFFFFB0  }
.LBB2_2:
0x76: {  	[spmem:s2] =	stream.indirect.scatter.add.f32 [tilespmem:s24], [sflag:$0x6], $0x1, s19, s26, $0xb8;
	[tilespmem:$0x2E78] =	vst v63  }
0x77: {  	s19 =	smov.u32 s22  }
0x78: {  	p1 =	sne.s32 s22, $0xFFFFF9C0;
	s22 =	sadd.s32 $0x640, s22;
	_ =	swait.ge [sflag:s1], $0x50  }
0x79: {  	s19 =	sshra.s32 s19, $0x2;
	[sflag:s1] =	ssyncset.done $0x0  }
0x7a: {  	s20 =	sadd.s32 $0x2988, s19;
	[sflag:s1] =	ssyncadd.s32 $0xFFFFFFB0  }
0x7b: {  	[spmem:s2] =	stream.indirect.scatter.add.f32 [tilespmem:s24], [sflag:$0x2], $0x1, s20, s26, $0xb8;
	[tilespmem:$0x2E78] =	vst v63  }
0x7c: {  	_ =	swait.ge [sflag:s0], $0x50  }
0x7d: {  	[sflag:s0] =	ssyncset.done $0x0  }
0x7e: {  	s20 =	sadd.s32 $0x29D8, s19;
	[sflag:s0] =	ssyncadd.s32 $0xFFFFFFB0  }
0x7f: {  	[spmem:s2] =	stream.indirect.scatter.add.f32 [tilespmem:s24], [sflag:$0x3], $0x1, s20, s26, $0xb8;
	[tilespmem:$0x2E78] =	vst v63  }
0x80: {  	_ =	swait.ge [sflag:s28], $0x50  }
0x81: {  	[sflag:s28] =	ssyncset.done $0x0  }
0x82: {  	s20 =	sadd.s32 $0x2A28, s19;
	[sflag:s28] =	ssyncadd.s32 $0xFFFFFFB0  }
0x83: {  	[spmem:s2] =	stream.indirect.scatter.add.f32 [tilespmem:s24], [sflag:$0x4], $0x1, s20, s26, $0xb8;
	[tilespmem:$0x2E78] =	vst v63  }
0x84: {  	_ =	swait.ge [sflag:s29], $0x50  }
0x85: {  	[sflag:s29] =	ssyncset.done $0x0  }
.Ltmp0:
0x86: {  	s20 =	sadd.s32 $0x2A78, s19;
	[sflag:s29] =	ssyncadd.s32 $0xFFFFFFB0;
	(pc) =	sbr.rel @p1 .LBB2_2-.Ltmp0, $4  }
0x87: {  	[spmem:s2] =	stream.indirect.scatter.add.f32 [tilespmem:s24], [sflag:$0x5], $0x1, s20, s26, $0xb8;
	[tilespmem:$0x2E78] =	vst v63  }
0x88: {  	_ =	swait.ge [sflag:s30], $0x50  }
0x89: {  	[sflag:s30] =	ssyncset.done $0x0  }
0x8a: {  	s19 =	sadd.s32 $0x2AC8, s19;
	[sflag:s30] =	ssyncadd.s32 $0xFFFFFFB0  }
0x8b: {  	[spmem:s2] =	stream.indirect.scatter.add.f32 [tilespmem:s24], [sflag:$0x6], $0x1, s19, s26, $0xb8;
	[tilespmem:$0x2E78] =	vst v63  }
0x8c: {  	_ =	swait.ge [sflag:s1], $0x50  }
0x8d: {  	[sflag:s1] =	ssyncset.done $0x0  }
0x8e: {  	[sflag:s1] =	ssyncadd.s32 $0xFFFFFFB0  }
0x8f: {  	_ =	swait.ge [sflag:s0], $0x50  }
0x90: {  	[sflag:s0] =	ssyncset.done $0x0  }
0x91: {  	[sflag:s0] =	ssyncadd.s32 $0xFFFFFFB0  }
0x92: {  	_ =	swait.ge [sflag:s28], $0x50  }
0x93: {  	[sflag:s28] =	ssyncset.done $0x0  }
0x94: {  	[sflag:s28] =	ssyncadd.s32 $0xFFFFFFB0  }
0x95: {  	_ =	swait.ge [sflag:s29], $0x50  }
0x96: {  	[sflag:s29] =	ssyncset.done $0x0  }
0x97: {  	[sflag:s29] =	ssyncadd.s32 $0xFFFFFFB0  }
0x98: {  	_ =	swait.ge [sflag:s30], $0x50  }
0x99: {  	[sflag:s30] =	ssyncset.done $0x0  }
0x9a: {  	[sflag:s30] =	ssyncadd.s32 $0xFFFFFFB0  }
0x9b: {  	[bflag:$0x0] =	sbarrier.arrive $0xFFFF  }
0x9c: {  	[tilespmem:s31], [sflag:$0x1] =	stream.linear.gather [spmem:s5], $0x50, $0x38;
	[tilespmem:$0x2E78] =	vst v63  }
0x9d: {  	_ = 	snop  }
0x9e: {  	[tilespmem:s4], [sflag:$0x1] =	stream.linear.gather [spmem:s6], $0x50, $0x38;
	[tilespmem:$0x2E78] =	vst v63  }
0x9f: {  	_ = 	snop  }
0xa0: {  	[tilespmem:s13], [sflag:$0x1] =	stream.linear.gather [spmem:s7], $0x50, $0x38;
	[tilespmem:$0x2E78] =	vst v63  }
0xa1: {  	_ = 	snop  }
0xa2: {  	[tilespmem:s14], [sflag:$0x1] =	stream.linear.gather [spmem:s8], $0x50, $0x38;
	[tilespmem:$0x2E78] =	vst v63  }
0xa3: {  	_ = 	snop  }
0xa4: {  	[tilespmem:s15], [sflag:$0x1] =	stream.linear.gather [spmem:s9], $0x50, $0x38;
	[tilespmem:$0x2E78] =	vst v63  }
0xa5: {  	_ = 	snop  }
0xa6: {  	[tilespmem:s16], [sflag:$0x1] =	stream.linear.gather [spmem:s10], $0x50, $0x38;
	[tilespmem:$0x2E78] =	vst v63  }
0xa7: {  	_ = 	snop  }
0xa8: {  	[tilespmem:s17], [sflag:$0x1] =	stream.linear.gather [spmem:s11], $0x50, $0x38;
	[tilespmem:$0x2E78] =	vst v63  }
0xa9: {  	s19 =	simm.s32 @!p0 $0x2DF8  }
0xaa: {  	[tilespmem:s19], [sflag:$0x1] =	stream.linear.gather @!p0 [spmem:s12], $0x50, $0x38;
	[tilespmem:$0x2E78] =	vst v63  }
0xab: {  	_ =	swait.ge [sflag:s25], $0x50  }
0xac: {  	[sflag:s25] =	ssyncset.done $0x0  }
0xad: {  	s20 =	rddreg [dreg:$0x5];
	[sflag:s25] =	ssyncadd.s32 $0xFFFFFFB0  }
0xae: {  	[hbm4b:s20+s3] =	stream.linear.scatter [tilespmem:s31], [sflag:$0x1], $0x50, $0x38;
	[tilespmem:$0x2E78] =	vst v63  }
0xaf: {  	_ =	swait.ge [sflag:s25], $0x50  }
0xb0: {  	[sflag:s25] =	ssyncset.done $0x0  }
0xb1: {  	s22 =	rddreg [dreg:$0x6];
	[sflag:s25] =	ssyncadd.s32 $0xFFFFFFB0  }
0xb2: {  	[hbm4b:s22+s3] =	stream.linear.scatter [tilespmem:s4], [sflag:$0x1], $0x50, $0x38;
	[tilespmem:$0x2E78] =	vst v63  }
0xb3: {  	_ =	swait.ge [sflag:s25], $0x50  }
0xb4: {  	[sflag:s25] =	ssyncset.done $0x0  }
0xb5: {  	s21 =	rddreg [dreg:$0x7];
	[sflag:s25] =	ssyncadd.s32 $0xFFFFFFB0  }
0xb6: {  	[hbm4b:s21+s3] =	stream.linear.scatter [tilespmem:s13], [sflag:$0x1], $0x50, $0x38;
	[tilespmem:$0x2E78] =	vst v63  }
0xb7: {  	_ =	swait.ge [sflag:s25], $0x50  }
0xb8: {  	[sflag:s25] =	ssyncset.done $0x0  }
0xb9: {  	s22 =	rddreg [dreg:$0x8];
	[sflag:s25] =	ssyncadd.s32 $0xFFFFFFB0  }
0xba: {  	[hbm4b:s22+s3] =	stream.linear.scatter [tilespmem:s14], [sflag:$0x1], $0x50, $0x38;
	[tilespmem:$0x2E78] =	vst v63  }
0xbb: {  	_ =	swait.ge [sflag:s25], $0x50  }
0xbc: {  	[sflag:s25] =	ssyncset.done $0x0  }
0xbd: {  	s21 =	rddreg [dreg:$0x9];
	[sflag:s25] =	ssyncadd.s32 $0xFFFFFFB0  }
0xbe: {  	[hbm4b:s21+s3] =	stream.linear.scatter [tilespmem:s15], [sflag:$0x1], $0x50, $0x38;
	[tilespmem:$0x2E78] =	vst v63  }
0xbf: {  	_ =	swait.ge [sflag:s25], $0x50  }
0xc0: {  	[sflag:s25] =	ssyncset.done $0x0  }
0xc1: {  	s22 =	rddreg [dreg:$0xa];
	[sflag:s25] =	ssyncadd.s32 $0xFFFFFFB0  }
0xc2: {  	[hbm4b:s22+s3] =	stream.linear.scatter [tilespmem:s16], [sflag:$0x1], $0x50, $0x38;
	[tilespmem:$0x2E78] =	vst v63  }
0xc3: {  	_ =	swait.ge [sflag:s25], $0x50  }
0xc4: {  	[sflag:s25] =	ssyncset.done $0x0  }
0xc5: {  	s20 =	simm.s32 @!p0 $0x1;
	s21 =	rddreg [dreg:$0xb];
	[sflag:s25] =	ssyncadd.s32 $0xFFFFFFB0  }
0xc6: {  	[hbm4b:s21+s3] =	stream.linear.scatter [tilespmem:s17], [sflag:$0x1], $0x50, $0x38;
	[tilespmem:$0x2E78] =	vst v63  }
0xc7: {  	_ =	swait.ge @!p0 [sflag:s20], $0x50  }
0xc8: {  	[sflag:s20] =	ssyncset.done @!p0 $0x0  }
0xc9: {  	s22 =	simm.s32 @!p0 $0x0;
	s21 =	rddreg [dreg:$0xc];
	[sflag:s20] =	ssyncadd.s32 @!p0 $0xFFFFFFB0  }
0xca: {  	[hbm4b:s21+s22] =	stream.linear.scatter @!p0 [tilespmem:s19], [sflag:$0x1], $0x50, $0x38;
	[tilespmem:$0x2E78] =	vst v63  }
0xcb: {  	_ =	swait.ge [sflag:s25], $0x50  }
0xcc: {  	[sflag:s25] =	ssyncset.done $0x0  }
0xcd: {  	[sflag:s25] =	ssyncadd.s32 $0xFFFFFFB0  }
0xce: {  	_ =	swait.ge [sflag:s25], $0x50  }
0xcf: {  	[sflag:s25] =	ssyncset.done $0x0  }
0xd0: {  	[sflag:s25] =	ssyncadd.s32 $0xFFFFFFB0  }
0xd1: {  	_ =	swait.ge [sflag:s25], $0x50  }
0xd2: {  	[sflag:s25] =	ssyncset.done $0x0  }
0xd3: {  	[sflag:s25] =	ssyncadd.s32 $0xFFFFFFB0  }
0xd4: {  	_ =	swait.ge [sflag:s25], $0x50  }
0xd5: {  	[sflag:s25] =	ssyncset.done $0x0  }
0xd6: {  	[sflag:s25] =	ssyncadd.s32 $0xFFFFFFB0  }
0xd7: {  	_ =	swait.ge [sflag:s25], $0x50  }
0xd8: {  	[sflag:s25] =	ssyncset.done $0x0  }
0xd9: {  	[sflag:s25] =	ssyncadd.s32 $0xFFFFFFB0  }
0xda: {  	_ =	swait.ge [sflag:s25], $0x50  }
0xdb: {  	[sflag:s25] =	ssyncset.done $0x0  }
0xdc: {  	[sflag:s25] =	ssyncadd.s32 $0xFFFFFFB0  }
0xdd: {  	_ =	swait.ge [sflag:s25], $0x50  }
0xde: {  	[sflag:s25] =	ssyncset.done $0x0  }
0xdf: {  	[sflag:s25] =	ssyncadd.s32 $0xFFFFFFB0  }
0xe0: {  	_ =	swait.ge @!p0 [sflag:s20], $0x50  }
0xe1: {  	s18 =	sadd.s32 $0x1, s18;
	s22 =	rddreg [dreg:$0xd]  }
0xe2: {  	p1 =	sne.s32 s18, s22  }
.Ltmp1:
0xe3: {  	_ = 	snop;
	(pc) =	sbr.rel @p1 .LBB2_1-.Ltmp1, $3  }
0xe4: {  	_ =	sdelay $0x1  }
0xe5: {  	[sflag:s20] =	ssyncset.done @!p0 $0x0  }
0xe6: {  	[sflag:s20] =	ssyncadd.s32 @!p0 $0xFFFFFFB0  }
0xe7: {  	_ =	sfence.sel $0x180000  }
0xe8: {  	[bflag:$0x0] =	sbarrier.arrive $0xFFFF  }
0xe9: {  	_ =	strace $0x90000047  }
0xea: {  	s0 =	stileid.u32;
	[bflag:$0x2] =	sbarrier.arrive $0xFFFF  }
0xeb: {  	p0 =	sne.s32 s0, $0x0;
	s0 =	rddreg [dreg:$0x3]  }
0xec: {  	s0 =	sadd.s32 @!p0 $0x100000, s0  }
0xed: {  	[sflag:s0] =	ssyncadd.tile.s32 @!p0 $0x1;
	_ =	shalt  }
.Lfunc_end2:
_tile_overlayer_lowered:
.L_overlay_start_2:
0xee: {  	(tag) =	ssettag $0x2  }
0xef: {  	s0 =	rddreg [dreg:$0x0];
	s2 =	stileid.u32  }
0xf0: {  	s1 =	rddreg [dreg:$0x1];
	p0 =	sne.s32 s2, $0x0  }
0xf1: {  	s3 =	rddreg [dreg:$0x2];
	[bflag:$0x3] =	sbarrier.arrive $0xFFFF;
	s2 =	simm.s32 @!p0 $0x1C07  }
0xf2: {  	[timem:s3], [sflag:s2] =	dma.local @!p0 [hbm:s0], s1  }
0xf3: {  	s0 =	simm.s32 @!p0 $0x7  }
0xf4: {  	_ =	swait.ge @!p0 [sflag:s0], s1  }
0xf5: {  	s1 =	ssub.s32 @!p0 $0x0, s1;
	[sflag:s0] =	ssyncset.done @!p0 $0x0  }
0xf6: {  	[sflag:s0] =	ssyncadd.s32 @!p0 s1  }
0xf7: {  	[bflag:$0x3] =	sbarrier.arrive $0xFFFF  }
0xf8: {  	_ =	shalt  }

</sc_bundles>
